<compile_context>
chip_gen: v7x
topology: tpu7x:2x2x1
jax: 0.10.2.dev20260603
libtpu: 0.0.44.dev20260713+nightly
codegen_flags: <defaults>
</compile_context>

<pallas_src>
import functools

import jax
import jax.numpy as jnp
from jax import lax
from jax.experimental import pallas as pl
from jax.experimental.pallas import tpu as pltpu
from jax.experimental.pallas import tpu_sc as plsc

_SC_CORES = 2
_SC_SUBCORES = 16
_SC_WORKERS = _SC_CORES * _SC_SUBCORES


def _gate(x_flat, Wg, bg, *, tb, interpret=False):
    n, d = x_flat.shape
    e = Wg.shape[1]
    gb = n // tb

    def body(x_ref, wg_ref, bg_ref, eid_ref, score_ref, rank_ref, counts_ref,
             tril_ref):
        i = pl.program_id(0)
        s = jnp.dot(x_ref[...], wg_ref[...], preferred_element_type=jnp.float32)
        s = s + bg_ref[...]
        m = jnp.max(s, axis=1, keepdims=True)
        lane = lax.broadcasted_iota(jnp.int32, (tb, e), 1)
        eid = jnp.min(jnp.where(s >= m, lane, e), axis=1)
        oneh = (lane == eid[:, None]).astype(jnp.float32)

        @pl.when(i == 0)
        def _():
            counts_ref[...] = jnp.zeros_like(counts_ref)
            r_i = lax.broadcasted_iota(jnp.int32, (tb, tb), 0)
            c_i = lax.broadcasted_iota(jnp.int32, (tb, tb), 1)
            tril_ref[...] = (c_i < r_i).astype(jnp.float32)

        excl = jnp.dot(tril_ref[...], oneh, preferred_element_type=jnp.float32)

        rank = jnp.sum(oneh * (excl + counts_ref[...]), axis=1)
        counts_ref[...] = counts_ref[...] + jnp.sum(oneh, axis=0, keepdims=True)
        eid_ref[0, :, :] = eid[None, :]
        score_ref[0, :, :] = m[:, 0][None, :]
        rank_ref[0, :, :] = rank.astype(jnp.int32)[None, :]

    eid, score, rank, counts = pl.pallas_call(
        body,
        grid=(gb,),
        in_specs=[
            pl.BlockSpec((tb, d), lambda i: (i, 0)),
            pl.BlockSpec((d, e), lambda i: (0, 0)),
            pl.BlockSpec((1, e), lambda i: (0, 0)),
        ],
        out_specs=[
            pl.BlockSpec((1, 1, tb), lambda i: (i, 0, 0)),
            pl.BlockSpec((1, 1, tb), lambda i: (i, 0, 0)),
            pl.BlockSpec((1, 1, tb), lambda i: (i, 0, 0)),
            pl.BlockSpec((1, e), lambda i: (0, 0)),
        ],
        out_shape=[
            jax.ShapeDtypeStruct((gb, 1, tb), jnp.int32),
            jax.ShapeDtypeStruct((gb, 1, tb), jnp.float32),
            jax.ShapeDtypeStruct((gb, 1, tb), jnp.int32),
            jax.ShapeDtypeStruct((1, e), jnp.float32),
        ],
        scratch_shapes=[pltpu.VMEM((tb, tb), jnp.float32)],
        interpret=interpret,
    )(x_flat, Wg, bg.reshape(1, e))
    return eid, score, rank, counts


def _metadata(eid, score, rank, counts, *, bt, max_tiles, tb, sw,
              interpret=False):
    e = counts.shape[1]
    gb = eid.shape[0]
    n = gb * tb
    mt = max_tiles

    def body(counts_ref, eid_ref, rank_ref, score_ref, pos_ref, s16_ref,
             te_ref, tv_ref, tm_ref):
        i = pl.program_id(0)
        cnt = counts_ref[...]
        tiles_e = jnp.floor((cnt + (bt - 1)) * (1.0 / bt))
        r_i = lax.broadcasted_iota(jnp.int32, (e, e), 0)
        c_i = lax.broadcasted_iota(jnp.int32, (e, e), 1)
        ut = (r_i <= c_i).astype(jnp.float32)
        tile_cum = jnp.dot(tiles_e, ut,
                           preferred_element_type=jnp.float32)
        row_start = (tile_cum - tiles_e) * bt
        total = tile_cum[:, e - 1:e]

        eid_b = eid_ref[0, 0, :]
        lane = lax.broadcasted_iota(jnp.int32, (tb, e), 1)
        oneh = (lane == eid_b[:, None]).astype(jnp.float32)
        posf = jnp.sum(oneh * row_start, axis=1)
        pos_ref[0, :, :] = (posf.astype(jnp.int32) + rank_ref[0, :, :])
        s16_ref[...] = jnp.broadcast_to(score_ref[0, 0, :][:, None], (tb, sw))

        @pl.when(i == 0)
        def _():
            tj = lax.broadcasted_iota(jnp.int32, (mt, 1), 0).astype(
                jnp.float32)
            cmp = (jnp.broadcast_to(tile_cum, (mt, e)) <= tj)
            e_all = jnp.sum(cmp.astype(jnp.float32), axis=1,
                            keepdims=True)
            valid = tj < total
            last = jnp.maximum(total - 1.0, 0.0)
            te_ref[...] = jnp.where(valid, e_all, last).astype(jnp.int32)[:, 0][None, :]
            tv_ref[...] = valid.astype(jnp.int32)[:, 0][None, :]
            tm_ref[...] = jnp.where(valid, tj, last).astype(jnp.int32)[:, 0][None, :]

    pos, s16, te, tv, tm = pl.pallas_call(
        body,
        grid=(gb,),
        in_specs=[
            pl.BlockSpec((1, e), lambda i: (0, 0)),
            pl.BlockSpec((1, 1, tb), lambda i: (i, 0, 0)),
            pl.BlockSpec((1, 1, tb), lambda i: (i, 0, 0)),
            pl.BlockSpec((1, 1, tb), lambda i: (i, 0, 0)),
        ],
        out_specs=[
            pl.BlockSpec((1, 1, tb), lambda i: (i, 0, 0)),
            pl.BlockSpec((tb, sw), lambda i: (i, 0)),
            pl.BlockSpec((1, mt), lambda i: (0, 0)),
            pl.BlockSpec((1, mt), lambda i: (0, 0)),
            pl.BlockSpec((1, mt), lambda i: (0, 0)),
        ],
        out_shape=[
            jax.ShapeDtypeStruct((gb, 1, tb), jnp.int32),
            jax.ShapeDtypeStruct((n, sw), jnp.float32),
            jax.ShapeDtypeStruct((1, mt), jnp.int32),
            jax.ShapeDtypeStruct((1, mt), jnp.int32),
            jax.ShapeDtypeStruct((1, mt), jnp.int32),
        ],
        interpret=interpret,
    )(counts.reshape(1, e), eid, rank, score)
    return (pos.reshape(n), s16, te.reshape(mt), tv.reshape(mt),
            tm.reshape(mt))


def _sc_gather(table, idx, *, chunk=32):
    r, d = table.shape
    n = idx.shape[0]
    per = n // _SC_WORKERS
    c = min(chunk, per)
    steps = per // c
    mesh = plsc.VectorSubcoreMesh(core_axis_name="c", subcore_axis_name="s")

    @functools.partial(
        pl.kernel,
        mesh=mesh,
        out_type=jax.ShapeDtypeStruct((n, d), jnp.float32),
        scratch_types=[
            pltpu.VMEM((c,), jnp.int32),
            pltpu.VMEM((c,), jnp.int32),
            pltpu.VMEM((c, d), jnp.float32),
            pltpu.VMEM((c, d), jnp.float32),
            pltpu.SemaphoreType.DMA,
            pltpu.SemaphoreType.DMA,
            pltpu.SemaphoreType.DMA,
            pltpu.SemaphoreType.DMA,
        ],
    )
    def gather_k(table_hbm, idx_hbm, out_hbm, idx0, idx1, rows0, rows1,
                 gs0, gs1, ss0, ss1):
        wid = lax.axis_index("s") * _SC_CORES + lax.axis_index("c")
        base = wid * per
        idx_v = [idx0, idx1]
        rows_v = [rows0, rows1]
        gsem = [gs0, gs1]
        ssem = [ss0, ss1]
        gh = [None] * steps
        sh = [None] * steps
        for k in range(steps):
            b = k & 1
            if k >= 2:
                sh[k - 2].wait()
            pltpu.sync_copy(idx_hbm.at[pl.ds(base + k * c, c)], idx_v[b])
            gh[k] = pltpu.async_copy(table_hbm.at[idx_v[b]], rows_v[b],
                                     gsem[b])
            if k >= 1:
                gh[k - 1].wait()
                sh[k - 1] = pltpu.async_copy(
                    rows_v[1 - b], out_hbm.at[pl.ds(base + (k - 1) * c, c)],
                    ssem[1 - b])
        lb = (steps - 1) & 1
        gh[steps - 1].wait()
        sh[steps - 1] = pltpu.async_copy(
            rows_v[lb], out_hbm.at[pl.ds(base + (steps - 1) * c, c)],
            ssem[lb])
        if steps >= 2:
            sh[steps - 2].wait()
        sh[steps - 1].wait()

    return gather_k(table, idx)


def _sc_scatter_rows(x, s16, pos, n_pad, *, chunk=32):
    n, d = x.shape
    sw = s16.shape[1]
    per = n // _SC_WORKERS
    c = min(chunk, per)
    steps = per // c
    mesh = plsc.VectorSubcoreMesh(core_axis_name="c", subcore_axis_name="s")

    @functools.partial(
        pl.kernel,
        mesh=mesh,
        out_type=[
            jax.ShapeDtypeStruct((n_pad, d), x.dtype),
            jax.ShapeDtypeStruct((n_pad, sw), jnp.float32),
        ],
        scratch_types=[
            pltpu.VMEM((c,), jnp.int32),
            pltpu.VMEM((c,), jnp.int32),
            pltpu.VMEM((c, d), x.dtype),
            pltpu.VMEM((c, d), x.dtype),
            pltpu.VMEM((c, sw), jnp.float32),
            pltpu.VMEM((c, sw), jnp.float32),
            pltpu.SemaphoreType.DMA,
            pltpu.SemaphoreType.DMA,
            pltpu.SemaphoreType.DMA,
            pltpu.SemaphoreType.DMA,
        ],
    )
    def scatter_k(x_hbm, s_hbm, pos_hbm, xs_hbm, ss_hbm, idx0, idx1, rows0,
                  rows1, s0, s1, xs0, xs1, sc0, sc1):
        wid = lax.axis_index("s") * _SC_CORES + lax.axis_index("c")
        base = wid * per
        idx_v = [idx0, idx1]
        rows_v = [rows0, rows1]
        s_v = [s0, s1]
        xsem = [xs0, xs1]
        ssem = [sc0, sc1]
        xh = [None] * steps
        sh = [None] * steps
        for k in range(steps):
            b = k & 1
            if k >= 2:
                xh[k - 2].wait()
                sh[k - 2].wait()
            off = base + k * c
            pltpu.sync_copy(pos_hbm.at[pl.ds(off, c)], idx_v[b])
            pltpu.sync_copy(x_hbm.at[pl.ds(off, c)], rows_v[b])
            pltpu.sync_copy(s_hbm.at[pl.ds(off, c)], s_v[b])
            xh[k] = pltpu.async_copy(rows_v[b], xs_hbm.at[idx_v[b]], xsem[b])
            sh[k] = pltpu.async_copy(s_v[b], ss_hbm.at[idx_v[b]], ssem[b])
        for k in range(max(steps - 2, 0), steps):
            xh[k].wait()
            sh[k].wait()

    return scatter_k(x, s16, pos)


def _experts(xs, W1, b1, W2, b2, score_col, tile_eid, tile_valid, tile_map,
             *, bt, interpret=False):
    e, d, h = W1.shape
    n_pad = xs.shape[0]
    max_tiles = n_pad // bt

    def body(te_ref, tv_ref, tm_ref, xs_ref, w1_ref, b1_ref, w2_ref, b2_ref,
             sc_ref, ys_ref):
        i = pl.program_id(0)

        @pl.when(tv_ref[i] == 1)
        def _():
            hact = jnp.dot(xs_ref[...], w1_ref[0],
                           preferred_element_type=jnp.float32) + b1_ref[0]
            hact = jnp.maximum(hact, 0.0)
            y = jnp.dot(hact, w2_ref[0],
                        preferred_element_type=jnp.float32) + b2_ref[0]
            ys_ref[...] = y * sc_ref[...][:, :1]

    grid_spec = pltpu.PrefetchScalarGridSpec(
        num_scalar_prefetch=3,
        grid=(max_tiles,),
        in_specs=[
            pl.BlockSpec((bt, d), lambda i, te, tv, tm: (tm[i], 0)),
            pl.BlockSpec((1, d, h), lambda i, te, tv, tm: (te[i], 0, 0)),
            pl.BlockSpec((1, 1, h), lambda i, te, tv, tm: (te[i], 0, 0)),
            pl.BlockSpec((1, h, d), lambda i, te, tv, tm: (te[i], 0, 0)),
            pl.BlockSpec((1, 1, d), lambda i, te, tv, tm: (te[i], 0, 0)),
            pl.BlockSpec((bt, 128), lambda i, te, tv, tm: (tm[i], 0)),
        ],
        out_specs=pl.BlockSpec((bt, d), lambda i, te, tv, tm: (tm[i], 0)),
    )
    return pl.pallas_call(
        body,
        grid_spec=grid_spec,
        out_shape=jax.ShapeDtypeStruct((n_pad, d), jnp.float32),
        interpret=interpret,
    )(tile_eid, tile_valid, tile_map, xs, W1, b1.reshape(e, 1, h), W2,
      b2.reshape(e, 1, d), score_col)


def kernel(x, W1, b1, W2, b2, Wg, bg):
    bsz, t, d = x.shape
    e, _, h = W1.shape
    n = bsz * t
    bt = 256
    max_tiles = n // bt + e
    x_flat = x.reshape(n, d)

    eid, score, rank, counts = _gate(x_flat, Wg, bg, tb=1024)
    pos, s16, tile_eid, tile_valid, tile_map = _metadata(
        eid, score, rank, counts, bt=bt, max_tiles=max_tiles, tb=1024, sw=128)
    xs, ss = _sc_scatter_rows(x_flat, s16, pos, max_tiles * bt)
    ys = _experts(xs, W1, b1, W2, b2, ss, tile_eid, tile_valid, tile_map,
                  bt=bt)
    out = _sc_gather(ys, pos)
    return out.reshape(bsz, t, d)

# --- scband reference (transcript-rebuilt; emitter-appended) ---
"""Pipeline reference for scband-sparse-mo-efeed-forward-8280696947078 (READ-ONLY COPY).

The authoritative reference and input builder live on the scoring server;
editing this copy changes nothing except your own understanding.
"""

import jax, jax.numpy as jnp
import numpy as np

D_MODEL = 1024
EXPERT_DIM = 256
NUM_EXPERTS = 64
K = 1
B, T = 2, 8192


def setup_inputs(seed: int = 0) -> dict:
    key = jax.random.key(seed)
    kx, kw1, kb1, kw2, kb2, kwg, kbg = jax.random.split(key, 7)
    s1 = 1.0 / np.sqrt(D_MODEL)
    s2 = 1.0 / np.sqrt(EXPERT_DIM)
    x = jax.random.normal(kx, (B, T, D_MODEL), dtype=jnp.float32)
    W1 = jax.random.uniform(kw1, (NUM_EXPERTS, D_MODEL, EXPERT_DIM), minval=-s1, maxval=s1, dtype=jnp.float32)
    b1 = jax.random.uniform(kb1, (NUM_EXPERTS, EXPERT_DIM), minval=-s1, maxval=s1, dtype=jnp.float32)
    W2 = jax.random.uniform(kw2, (NUM_EXPERTS, EXPERT_DIM, D_MODEL), minval=-s2, maxval=s2, dtype=jnp.float32)
    b2 = jax.random.uniform(kb2, (NUM_EXPERTS, D_MODEL), minval=-s2, maxval=s2, dtype=jnp.float32)
    Wg = jax.random.uniform(kwg, (D_MODEL, NUM_EXPERTS), minval=-s1, maxval=s1, dtype=jnp.float32)
    bg = jax.random.uniform(kbg, (NUM_EXPERTS,), minval=-s1, maxval=s1, dtype=jnp.float32)
    return {"x": x, "W1": W1, "b1": b1, "W2": W2, "b2": b2, "Wg": Wg, "bg": bg}


def reference(x, W1, b1, W2, b2, Wg, bg):
    Bn, Tn, Dn = x.shape
    x_flat = x.reshape(Bn * Tn, Dn)
    gate_scores = x_flat @ Wg + bg
    topk_scores, topk_indices = jax.lax.top_k(gate_scores, K)
    output = jnp.zeros_like(x_flat)
    for i in range(K):
        expert_ids = topk_indices[:, i]
        for e in range(NUM_EXPERTS):
            mask = expert_ids == e
            h = jax.nn.relu(x_flat @ W1[e] + b1[e])
            res = h @ W2[e] + b2[e]
            score = topk_scores[:, i][:, None]
            output = output + jnp.where(mask[:, None], score * res, 0.0)
    return output.reshape(Bn, Tn, Dn)

if __name__ == "__main__":
    import jax
    _d = setup_inputs()
    print(jax.jit(kernel)(*tuple(_d.values())))

</pallas_src>

<mosaic_0001>
#map = affine_map<(d0, d1) -> (0, 0)>
#map1 = affine_map<(d0, d1) -> (0)>
module attributes {stable_mosaic.version = 14 : i64} {
  func.func @scatter_k(%arg0: i32, %arg1: i32, %arg2: memref<16384x1024xf32, #tpu.memory_space<hbm>>, %arg3: memref<16384x128xf32, #tpu.memory_space<hbm>>, %arg4: memref<16384xi32, #tpu.memory_space<hbm>>, %arg5: memref<32768x1024xf32, #tpu.memory_space<hbm>>, %arg6: memref<32768x128xf32, #tpu.memory_space<hbm>>, %arg7: memref<32xi32, #tpu.memory_space<vmem>>, %arg8: memref<32xi32, #tpu.memory_space<vmem>>, %arg9: memref<32x1024xf32, #tpu.memory_space<vmem>>, %arg10: memref<32x1024xf32, #tpu.memory_space<vmem>>, %arg11: memref<32x128xf32, #tpu.memory_space<vmem>>, %arg12: memref<32x128xf32, #tpu.memory_space<vmem>>, %arg13: memref<!tpu.dma_semaphore, #tpu.memory_space<semaphore_mem>>, %arg14: memref<!tpu.dma_semaphore, #tpu.memory_space<semaphore_mem>>, %arg15: memref<!tpu.dma_semaphore, #tpu.memory_space<semaphore_mem>>, %arg16: memref<!tpu.dma_semaphore, #tpu.memory_space<semaphore_mem>>) attributes {dimension_semantics = [#tpu.dimension_semantics<core_parallel>, #tpu.dimension_semantics<subcore_parallel>], iteration_bounds = array<i64: 2, 16>, scalar_prefetch = 0 : i64, scratch_operands = 10 : i64, tpu.core_type = #tpu.core_type<sc_vector_subcore>, window_params = [{transform_indices = #map}, {transform_indices = #map}, {transform_indices = #map1}, {transform_indices = #map}, {transform_indices = #map}]} {
    %mul3A = arith.constant 2 : i32
    %mul3A_0 = arith.muli %arg1, %mul3A : i32
    %add3A = arith.addi %mul3A_0, %arg0 : i32
    %mul3A_1 = arith.constant 512 : i32
    %mul3A_2 = arith.muli %add3A, %mul3A_1 : i32
    %add3A_3 = arith.constant 0 : i32
    %add3A_4 = arith.addi %mul3A_2, %add3A_3 : i32
    "tpu.region"() ({
      %run_scoped3A = tpu.sem_alloc : memref<!tpu.dma_semaphore, #tpu.memory_space<semaphore_mem>>
      %dma_start3A_225 = tpu.memref_slice %arg4[%add3A_4] : memref<16384xi32, #tpu.memory_space<hbm>> -> memref<32xi32, #tpu.memory_space<hbm>>
      %dma_start3A_226 = tpu.memref_slice %arg4[%add3A_4] : memref<16384xi32, #tpu.memory_space<hbm>> -> memref<32xi32, #tpu.memory_space<hbm>>
      tpu.enqueue_dma source(%dma_start3A_226 : memref<32xi32, #tpu.memory_space<hbm>>) target(%arg7 : memref<32xi32, #tpu.memory_space<vmem>>) target_semaphore(%run_scoped3A : memref<!tpu.dma_semaphore, #tpu.memory_space<semaphore_mem>>)
      %dma_wait3A_227 = tpu.memref_slice %arg4[%add3A_4] : memref<16384xi32, #tpu.memory_space<hbm>> -> memref<32xi32, #tpu.memory_space<hbm>>
      %dma_wait3A_228 = tpu.memref_slice %arg4[%add3A_4] : memref<16384xi32, #tpu.memory_space<hbm>> -> memref<32xi32, #tpu.memory_space<hbm>>
      tpu.wait_dma2 semaphore(%run_scoped3A : memref<!tpu.dma_semaphore, #tpu.memory_space<semaphore_mem>>) src(%dma_wait3A_228 : memref<32xi32, #tpu.memory_space<hbm>>) dst(%arg7 : memref<32xi32, #tpu.memory_space<vmem>>)
      tpu.yield
    }) : () -> ()
    "tpu.region"() ({
      %run_scoped3A = tpu.sem_alloc : memref<!tpu.dma_semaphore, #tpu.memory_space<semaphore_mem>>
      %dma_start3A_225 = arith.constant 0 : i32
      %dma_start3A_226 = tpu.memref_slice %arg2[%add3A_4, %dma_start3A_225] : memref<16384x1024xf32, #tpu.memory_space<hbm>> -> memref<32x1024xf32, #tpu.memory_space<hbm>>
      %dma_start3A_227 = arith.constant 0 : i32
      %dma_start3A_228 = tpu.memref_slice %arg2[%add3A_4, %dma_start3A_227] : memref<16384x1024xf32, #tpu.memory_space<hbm>> -> memref<32x1024xf32, #tpu.memory_space<hbm>>
      tpu.enqueue_dma source(%dma_start3A_228 : memref<32x1024xf32, #tpu.memory_space<hbm>>) target(%arg9 : memref<32x1024xf32, #tpu.memory_space<vmem>>) target_semaphore(%run_scoped3A : memref<!tpu.dma_semaphore, #tpu.memory_space<semaphore_mem>>)
      %dma_wait3A_229 = arith.constant 0 : i32
      %dma_wait3A_230 = tpu.memref_slice %arg2[%add3A_4, %dma_wait3A_229] : memref<16384x1024xf32, #tpu.memory_space<hbm>> -> memref<32x1024xf32, #tpu.memory_space<hbm>>
      %dma_wait3A_231 = arith.constant 0 : i32
      %dma_wait3A_232 = tpu.memref_slice %arg2[%add3A_4, %dma_wait3A_231] : memref<16384x1024xf32, #tpu.memory_space<hbm>> -> memref<32x1024xf32, #tpu.memory_space<hbm>>
      tpu.wait_dma2 semaphore(%run_scoped3A : memref<!tpu.dma_semaphore, #tpu.memory_space<semaphore_mem>>) src(%dma_wait3A_232 : memref<32x1024xf32, #tpu.memory_space<hbm>>) dst(%arg9 : memref<32x1024xf32, #tpu.memory_space<vmem>>)
      tpu.yield
    }) : () -> ()
    "tpu.region"() ({
      %run_scoped3A = tpu.sem_alloc : memref<!tpu.dma_semaphore, #tpu.memory_space<semaphore_mem>>
      %dma_start3A_225 = arith.constant 0 : i32
      %dma_start3A_226 = tpu.memref_slice %arg3[%add3A_4, %dma_start3A_225] : memref<16384x128xf32, #tpu.memory_space<hbm>> -> memref<32x128xf32, #tpu.memory_space<hbm>>
      %dma_start3A_227 = arith.constant 0 : i32
      %dma_start3A_228 = tpu.memref_slice %arg3[%add3A_4, %dma_start3A_227] : memref<16384x128xf32, #tpu.memory_space<hbm>> -> memref<32x128xf32, #tpu.memory_space<hbm>>
      tpu.enqueue_dma source(%dma_start3A_228 : memref<32x128xf32, #tpu.memory_space<hbm>>) target(%arg11 : memref<32x128xf32, #tpu.memory_space<vmem>>) target_semaphore(%run_scoped3A : memref<!tpu.dma_semaphore, #tpu.memory_space<semaphore_mem>>)
      %dma_wait3A_229 = arith.constant 0 : i32
      %dma_wait3A_230 = tpu.memref_slice %arg3[%add3A_4, %dma_wait3A_229] : memref<16384x128xf32, #tpu.memory_space<hbm>> -> memref<32x128xf32, #tpu.memory_space<hbm>>
      %dma_wait3A_231 = arith.constant 0 : i32
      %dma_wait3A_232 = tpu.memref_slice %arg3[%add3A_4, %dma_wait3A_231] : memref<16384x128xf32, #tpu.memory_space<hbm>> -> memref<32x128xf32, #tpu.memory_space<hbm>>
      tpu.wait_dma2 semaphore(%run_scoped3A : memref<!tpu.dma_semaphore, #tpu.memory_space<semaphore_mem>>) src(%dma_wait3A_232 : memref<32x128xf32, #tpu.memory_space<hbm>>) dst(%arg11 : memref<32x128xf32, #tpu.memory_space<vmem>>)
      tpu.yield
    }) : () -> ()
    %dma_start3A = arith.constant 0 : i32
    %dma_start3A_5 = arith.constant 0 : i32
    %dma_start3A_6 = tpu.memref_slice %arg5[%dma_start3A, %dma_start3A_5] : memref<32768x1024xf32, #tpu.memory_space<hbm>> -> memref<32768x1024xf32, #tpu.memory_space<hbm>>
    tpu.enqueue_indirect_dma source(%arg9 : memref<32x1024xf32, #tpu.memory_space<vmem>>) target(%dma_start3A_6 : memref<32768x1024xf32, #tpu.memory_space<hbm>>) offsets(%arg7 : memref<32xi32, #tpu.memory_space<vmem>>) semaphore(%arg13 : memref<!tpu.dma_semaphore, #tpu.memory_space<semaphore_mem>>)
    %dma_start3A_7 = arith.constant 0 : i32
    %dma_start3A_8 = arith.constant 0 : i32
    %dma_start3A_9 = tpu.memref_slice %arg6[%dma_start3A_7, %dma_start3A_8] : memref<32768x128xf32, #tpu.memory_space<hbm>> -> memref<32768x128xf32, #tpu.memory_space<hbm>>
    tpu.enqueue_indirect_dma source(%arg11 : memref<32x128xf32, #tpu.memory_space<vmem>>) target(%dma_start3A_9 : memref<32768x128xf32, #tpu.memory_space<hbm>>) offsets(%arg7 : memref<32xi32, #tpu.memory_space<vmem>>) semaphore(%arg15 : memref<!tpu.dma_semaphore, #tpu.memory_space<semaphore_mem>>)
    %add3A_10 = arith.constant 32 : i32
    %add3A_11 = arith.addi %mul3A_2, %add3A_10 : i32
    "tpu.region"() ({
      %run_scoped3A = tpu.sem_alloc : memref<!tpu.dma_semaphore, #tpu.memory_space<semaphore_mem>>
      %dma_start3A_225 = tpu.memref_slice %arg4[%add3A_11] : memref<16384xi32, #tpu.memory_space<hbm>> -> memref<32xi32, #tpu.memory_space<hbm>>
      %dma_start3A_226 = tpu.memref_slice %arg4[%add3A_11] : memref<16384xi32, #tpu.memory_space<hbm>> -> memref<32xi32, #tpu.memory_space<hbm>>
      tpu.enqueue_dma source(%dma_start3A_226 : memref<32xi32, #tpu.memory_space<hbm>>) target(%arg8 : memref<32xi32, #tpu.memory_space<vmem>>) target_semaphore(%run_scoped3A : memref<!tpu.dma_semaphore, #tpu.memory_space<semaphore_mem>>)
      %dma_wait3A_227 = tpu.memref_slice %arg4[%add3A_11] : memref<16384xi32, #tpu.memory_space<hbm>> -> memref<32xi32, #tpu.memory_space<hbm>>
      %dma_wait3A_228 = tpu.memref_slice %arg4[%add3A_11] : memref<16384xi32, #tpu.memory_space<hbm>> -> memref<32xi32, #tpu.memory_space<hbm>>
      tpu.wait_dma2 semaphore(%run_scoped3A : memref<!tpu.dma_semaphore, #tpu.memory_space<semaphore_mem>>) src(%dma_wait3A_228 : memref<32xi32, #tpu.memory_space<hbm>>) dst(%arg8 : memref<32xi32, #tpu.memory_space<vmem>>)
      tpu.yield
    }) : () -> ()
    "tpu.region"() ({
      %run_scoped3A = tpu.sem_alloc : memref<!tpu.dma_semaphore, #tpu.memory_space<semaphore_mem>>
      %dma_start3A_225 = arith.constant 0 : i32
      %dma_start3A_226 = tpu.memref_slice %arg2[%add3A_11, %dma_start3A_225] : memref<16384x1024xf32, #tpu.memory_space<hbm>> -> memref<32x1024xf32, #tpu.memory_space<hbm>>
      %dma_start3A_227 = arith.constant 0 : i32
      %dma_start3A_228 = tpu.memref_slice %arg2[%add3A_11, %dma_start3A_227] : memref<16384x1024xf32, #tpu.memory_space<hbm>> -> memref<32x1024xf32, #tpu.memory_space<hbm>>
      tpu.enqueue_dma source(%dma_start3A_228 : memref<32x1024xf32, #tpu.memory_space<hbm>>) target(%arg10 : memref<32x1024xf32, #tpu.memory_space<vmem>>) target_semaphore(%run_scoped3A : memref<!tpu.dma_semaphore, #tpu.memory_space<semaphore_mem>>)
      %dma_wait3A_229 = arith.constant 0 : i32
      %dma_wait3A_230 = tpu.memref_slice %arg2[%add3A_11, %dma_wait3A_229] : memref<16384x1024xf32, #tpu.memory_space<hbm>> -> memref<32x1024xf32, #tpu.memory_space<hbm>>
      %dma_wait3A_231 = arith.constant 0 : i32
      %dma_wait3A_232 = tpu.memref_slice %arg2[%add3A_11, %dma_wait3A_231] : memref<16384x1024xf32, #tpu.memory_space<hbm>> -> memref<32x1024xf32, #tpu.memory_space<hbm>>
      tpu.wait_dma2 semaphore(%run_scoped3A : memref<!tpu.dma_semaphore, #tpu.memory_space<semaphore_mem>>) src(%dma_wait3A_232 : memref<32x1024xf32, #tpu.memory_space<hbm>>) dst(%arg10 : memref<32x1024xf32, #tpu.memory_space<vmem>>)
      tpu.yield
    }) : () -> ()
    "tpu.region"() ({
      %run_scoped3A = tpu.sem_alloc : memref<!tpu.dma_semaphore, #tpu.memory_space<semaphore_mem>>
      %dma_start3A_225 = arith.constant 0 : i32
      %dma_start3A_226 = tpu.memref_slice %arg3[%add3A_11, %dma_start3A_225] : memref<16384x128xf32, #tpu.memory_space<hbm>> -> memref<32x128xf32, #tpu.memory_space<hbm>>
      %dma_start3A_227 = arith.constant 0 : i32
      %dma_start3A_228 = tpu.memref_slice %arg3[%add3A_11, %dma_start3A_227] : memref<16384x128xf32, #tpu.memory_space<hbm>> -> memref<32x128xf32, #tpu.memory_space<hbm>>
      tpu.enqueue_dma source(%dma_start3A_228 : memref<32x128xf32, #tpu.memory_space<hbm>>) target(%arg12 : memref<32x128xf32, #tpu.memory_space<vmem>>) target_semaphore(%run_scoped3A : memref<!tpu.dma_semaphore, #tpu.memory_space<semaphore_mem>>)
      %dma_wait3A_229 = arith.constant 0 : i32
      %dma_wait3A_230 = tpu.memref_slice %arg3[%add3A_11, %dma_wait3A_229] : memref<16384x128xf32, #tpu.memory_space<hbm>> -> memref<32x128xf32, #tpu.memory_space<hbm>>
      %dma_wait3A_231 = arith.constant 0 : i32
      %dma_wait3A_232 = tpu.memref_slice %arg3[%add3A_11, %dma_wait3A_231] : memref<16384x128xf32, #tpu.memory_space<hbm>> -> memref<32x128xf32, #tpu.memory_space<hbm>>
      tpu.wait_dma2 semaphore(%run_scoped3A : memref<!tpu.dma_semaphore, #tpu.memory_space<semaphore_mem>>) src(%dma_wait3A_232 : memref<32x128xf32, #tpu.memory_space<hbm>>) dst(%arg12 : memref<32x128xf32, #tpu.memory_space<vmem>>)
      tpu.yield
    }) : () -> ()
    %dma_start3A_12 = arith.constant 0 : i32
    %dma_start3A_13 = arith.constant 0 : i32
    %dma_start3A_14 = tpu.memref_slice %arg5[%dma_start3A_12, %dma_start3A_13] : memref<32768x1024xf32, #tpu.memory_space<hbm>> -> memref<32768x1024xf32, #tpu.memory_space<hbm>>
    tpu.enqueue_indirect_dma source(%arg10 : memref<32x1024xf32, #tpu.memory_space<vmem>>) target(%dma_start3A_14 : memref<32768x1024xf32, #tpu.memory_space<hbm>>) offsets(%arg8 : memref<32xi32, #tpu.memory_space<vmem>>) semaphore(%arg14 : memref<!tpu.dma_semaphore, #tpu.memory_space<semaphore_mem>>)
    %dma_start3A_15 = arith.constant 0 : i32
    %dma_start3A_16 = arith.constant 0 : i32
    %dma_start3A_17 = tpu.memref_slice %arg6[%dma_start3A_15, %dma_start3A_16] : memref<32768x128xf32, #tpu.memory_space<hbm>> -> memref<32768x128xf32, #tpu.memory_space<hbm>>
    tpu.enqueue_indirect_dma source(%arg12 : memref<32x128xf32, #tpu.memory_space<vmem>>) target(%dma_start3A_17 : memref<32768x128xf32, #tpu.memory_space<hbm>>) offsets(%arg8 : memref<32xi32, #tpu.memory_space<vmem>>) semaphore(%arg16 : memref<!tpu.dma_semaphore, #tpu.memory_space<semaphore_mem>>)
    %dma_wait3A = arith.constant 0 : i32
    %dma_wait3A_18 = arith.constant 0 : i32
    %dma_wait3A_19 = tpu.memref_slice %arg5[%dma_wait3A, %dma_wait3A_18] : memref<32768x1024xf32, #tpu.memory_space<hbm>> -> memref<32768x1024xf32, #tpu.memory_space<hbm>>
    tpu.wait_indirect_dma semaphore(%arg13 : memref<!tpu.dma_semaphore, #tpu.memory_space<semaphore_mem>>) src(%arg9 : memref<32x1024xf32, #tpu.memory_space<vmem>>) dst(%dma_wait3A_19 : memref<32768x1024xf32, #tpu.memory_space<hbm>>)
    %dma_wait3A_20 = arith.constant 0 : i32
    %dma_wait3A_21 = arith.constant 0 : i32
    %dma_wait3A_22 = tpu.memref_slice %arg6[%dma_wait3A_20, %dma_wait3A_21] : memref<32768x128xf32, #tpu.memory_space<hbm>> -> memref<32768x128xf32, #tpu.memory_space<hbm>>
    tpu.wait_indirect_dma semaphore(%arg15 : memref<!tpu.dma_semaphore, #tpu.memory_space<semaphore_mem>>) src(%arg11 : memref<32x128xf32, #tpu.memory_space<vmem>>) dst(%dma_wait3A_22 : memref<32768x128xf32, #tpu.memory_space<hbm>>)
    %add3A_23 = arith.constant 64 : i32
    %add3A_24 = arith.addi %mul3A_2, %add3A_23 : i32
    "tpu.region"() ({
      %run_scoped3A = tpu.sem_alloc : memref<!tpu.dma_semaphore, #tpu.memory_space<semaphore_mem>>
      %dma_start3A_225 = tpu.memref_slice %arg4[%add3A_24] : memref<16384xi32, #tpu.memory_space<hbm>> -> memref<32xi32, #tpu.memory_space<hbm>>
      %dma_start3A_226 = tpu.memref_slice %arg4[%add3A_24] : memref<16384xi32, #tpu.memory_space<hbm>> -> memref<32xi32, #tpu.memory_space<hbm>>
      tpu.enqueue_dma source(%dma_start3A_226 : memref<32xi32, #tpu.memory_space<hbm>>) target(%arg7 : memref<32xi32, #tpu.memory_space<vmem>>) target_semaphore(%run_scoped3A : memref<!tpu.dma_semaphore, #tpu.memory_space<semaphore_mem>>)
      %dma_wait3A_227 = tpu.memref_slice %arg4[%add3A_24] : memref<16384xi32, #tpu.memory_space<hbm>> -> memref<32xi32, #tpu.memory_space<hbm>>
      %dma_wait3A_228 = tpu.memref_slice %arg4[%add3A_24] : memref<16384xi32, #tpu.memory_space<hbm>> -> memref<32xi32, #tpu.memory_space<hbm>>
      tpu.wait_dma2 semaphore(%run_scoped3A : memref<!tpu.dma_semaphore, #tpu.memory_space<semaphore_mem>>) src(%dma_wait3A_228 : memref<32xi32, #tpu.memory_space<hbm>>) dst(%arg7 : memref<32xi32, #tpu.memory_space<vmem>>)
      tpu.yield
    }) : () -> ()
    "tpu.region"() ({
      %run_scoped3A = tpu.sem_alloc : memref<!tpu.dma_semaphore, #tpu.memory_space<semaphore_mem>>
      %dma_start3A_225 = arith.constant 0 : i32
      %dma_start3A_226 = tpu.memref_slice %arg2[%add3A_24, %dma_start3A_225] : memref<16384x1024xf32, #tpu.memory_space<hbm>> -> memref<32x1024xf32, #tpu.memory_space<hbm>>
      %dma_start3A_227 = arith.constant 0 : i32
      %dma_start3A_228 = tpu.memref_slice %arg2[%add3A_24, %dma_start3A_227] : memref<16384x1024xf32, #tpu.memory_space<hbm>> -> memref<32x1024xf32, #tpu.memory_space<hbm>>
      tpu.enqueue_dma source(%dma_start3A_228 : memref<32x1024xf32, #tpu.memory_space<hbm>>) target(%arg9 : memref<32x1024xf32, #tpu.memory_space<vmem>>) target_semaphore(%run_scoped3A : memref<!tpu.dma_semaphore, #tpu.memory_space<semaphore_mem>>)
      %dma_wait3A_229 = arith.constant 0 : i32
      %dma_wait3A_230 = tpu.memref_slice %arg2[%add3A_24, %dma_wait3A_229] : memref<16384x1024xf32, #tpu.memory_space<hbm>> -> memref<32x1024xf32, #tpu.memory_space<hbm>>
      %dma_wait3A_231 = arith.constant 0 : i32
      %dma_wait3A_232 = tpu.memref_slice %arg2[%add3A_24, %dma_wait3A_231] : memref<16384x1024xf32, #tpu.memory_space<hbm>> -> memref<32x1024xf32, #tpu.memory_space<hbm>>
      tpu.wait_dma2 semaphore(%run_scoped3A : memref<!tpu.dma_semaphore, #tpu.memory_space<semaphore_mem>>) src(%dma_wait3A_232 : memref<32x1024xf32, #tpu.memory_space<hbm>>) dst(%arg9 : memref<32x1024xf32, #tpu.memory_space<vmem>>)
      tpu.yield
    }) : () -> ()
    "tpu.region"() ({
      %run_scoped3A = tpu.sem_alloc : memref<!tpu.dma_semaphore, #tpu.memory_space<semaphore_mem>>
      %dma_start3A_225 = arith.constant 0 : i32
      %dma_start3A_226 = tpu.memref_slice %arg3[%add3A_24, %dma_start3A_225] : memref<16384x128xf32, #tpu.memory_space<hbm>> -> memref<32x128xf32, #tpu.memory_space<hbm>>
      %dma_start3A_227 = arith.constant 0 : i32
      %dma_start3A_228 = tpu.memref_slice %arg3[%add3A_24, %dma_start3A_227] : memref<16384x128xf32, #tpu.memory_space<hbm>> -> memref<32x128xf32, #tpu.memory_space<hbm>>
      tpu.enqueue_dma source(%dma_start3A_228 : memref<32x128xf32, #tpu.memory_space<hbm>>) target(%arg11 : memref<32x128xf32, #tpu.memory_space<vmem>>) target_semaphore(%run_scoped3A : memref<!tpu.dma_semaphore, #tpu.memory_space<semaphore_mem>>)
      %dma_wait3A_229 = arith.constant 0 : i32
      %dma_wait3A_230 = tpu.memref_slice %arg3[%add3A_24, %dma_wait3A_229] : memref<16384x128xf32, #tpu.memory_space<hbm>> -> memref<32x128xf32, #tpu.memory_space<hbm>>
      %dma_wait3A_231 = arith.constant 0 : i32
      %dma_wait3A_232 = tpu.memref_slice %arg3[%add3A_24, %dma_wait3A_231] : memref<16384x128xf32, #tpu.memory_space<hbm>> -> memref<32x128xf32, #tpu.memory_space<hbm>>
      tpu.wait_dma2 semaphore(%run_scoped3A : memref<!tpu.dma_semaphore, #tpu.memory_space<semaphore_mem>>) src(%dma_wait3A_232 : memref<32x128xf32, #tpu.memory_space<hbm>>) dst(%arg11 : memref<32x128xf32, #tpu.memory_space<vmem>>)
      tpu.yield
    }) : () -> ()
    %dma_start3A_25 = arith.constant 0 : i32
    %dma_start3A_26 = arith.constant 0 : i32
    %dma_start3A_27 = tpu.memref_slice %arg5[%dma_start3A_25, %dma_start3A_26] : memref<32768x1024xf32, #tpu.memory_space<hbm>> -> memref<32768x1024xf32, #tpu.memory_space<hbm>>
    tpu.enqueue_indirect_dma source(%arg9 : memref<32x1024xf32, #tpu.memory_space<vmem>>) target(%dma_start3A_27 : memref<32768x1024xf32, #tpu.memory_space<hbm>>) offsets(%arg7 : memref<32xi32, #tpu.memory_space<vmem>>) semaphore(%arg13 : memref<!tpu.dma_semaphore, #tpu.memory_space<semaphore_mem>>)
    %dma_start3A_28 = arith.constant 0 : i32
    %dma_start3A_29 = arith.constant 0 : i32
    %dma_start3A_30 = tpu.memref_slice %arg6[%dma_start3A_28, %dma_start3A_29] : memref<32768x128xf32, #tpu.memory_space<hbm>> -> memref<32768x128xf32, #tpu.memory_space<hbm>>
    tpu.enqueue_indirect_dma source(%arg11 : memref<32x128xf32, #tpu.memory_space<vmem>>) target(%dma_start3A_30 : memref<32768x128xf32, #tpu.memory_space<hbm>>) offsets(%arg7 : memref<32xi32, #tpu.memory_space<vmem>>) semaphore(%arg15 : memref<!tpu.dma_semaphore, #tpu.memory_space<semaphore_mem>>)
    %dma_wait3A_31 = arith.constant 0 : i32
    %dma_wait3A_32 = arith.constant 0 : i32
    %dma_wait3A_33 = tpu.memref_slice %arg5[%dma_wait3A_31, %dma_wait3A_32] : memref<32768x1024xf32, #tpu.memory_space<hbm>> -> memref<32768x1024xf32, #tpu.memory_space<hbm>>
    tpu.wait_indirect_dma semaphore(%arg14 : memref<!tpu.dma_semaphore, #tpu.memory_space<semaphore_mem>>) src(%arg10 : memref<32x1024xf32, #tpu.memory_space<vmem>>) dst(%dma_wait3A_33 : memref<32768x1024xf32, #tpu.memory_space<hbm>>)
    %dma_wait3A_34 = arith.constant 0 : i32
    %dma_wait3A_35 = arith.constant 0 : i32
    %dma_wait3A_36 = tpu.memref_slice %arg6[%dma_wait3A_34, %dma_wait3A_35] : memref<32768x128xf32, #tpu.memory_space<hbm>> -> memref<32768x128xf32, #tpu.memory_space<hbm>>
    tpu.wait_indirect_dma semaphore(%arg16 : memref<!tpu.dma_semaphore, #tpu.memory_space<semaphore_mem>>) src(%arg12 : memref<32x128xf32, #tpu.memory_space<vmem>>) dst(%dma_wait3A_36 : memref<32768x128xf32, #tpu.memory_space<hbm>>)
    %add3A_37 = arith.constant 96 : i32
    %add3A_38 = arith.addi %mul3A_2, %add3A_37 : i32
    "tpu.region"() ({
      %run_scoped3A = tpu.sem_alloc : memref<!tpu.dma_semaphore, #tpu.memory_space<semaphore_mem>>
      %dma_start3A_225 = tpu.memref_slice %arg4[%add3A_38] : memref<16384xi32, #tpu.memory_space<hbm>> -> memref<32xi32, #tpu.memory_space<hbm>>
      %dma_start3A_226 = tpu.memref_slice %arg4[%add3A_38] : memref<16384xi32, #tpu.memory_space<hbm>> -> memref<32xi32, #tpu.memory_space<hbm>>
      tpu.enqueue_dma source(%dma_start3A_226 : memref<32xi32, #tpu.memory_space<hbm>>) target(%arg8 : memref<32xi32, #tpu.memory_space<vmem>>) target_semaphore(%run_scoped3A : memref<!tpu.dma_semaphore, #tpu.memory_space<semaphore_mem>>)
      %dma_wait3A_227 = tpu.memref_slice %arg4[%add3A_38] : memref<16384xi32, #tpu.memory_space<hbm>> -> memref<32xi32, #tpu.memory_space<hbm>>
      %dma_wait3A_228 = tpu.memref_slice %arg4[%add3A_38] : memref<16384xi32, #tpu.memory_space<hbm>> -> memref<32xi32, #tpu.memory_space<hbm>>
      tpu.wait_dma2 semaphore(%run_scoped3A : memref<!tpu.dma_semaphore, #tpu.memory_space<semaphore_mem>>) src(%dma_wait3A_228 : memref<32xi32, #tpu.memory_space<hbm>>) dst(%arg8 : memref<32xi32, #tpu.memory_space<vmem>>)
      tpu.yield
    }) : () -> ()
    "tpu.region"() ({
      %run_scoped3A = tpu.sem_alloc : memref<!tpu.dma_semaphore, #tpu.memory_space<semaphore_mem>>
      %dma_start3A_225 = arith.constant 0 : i32
      %dma_start3A_226 = tpu.memref_slice %arg2[%add3A_38, %dma_start3A_225] : memref<16384x1024xf32, #tpu.memory_space<hbm>> -> memref<32x1024xf32, #tpu.memory_space<hbm>>
      %dma_start3A_227 = arith.constant 0 : i32
      %dma_start3A_228 = tpu.memref_slice %arg2[%add3A_38, %dma_start3A_227] : memref<16384x1024xf32, #tpu.memory_space<hbm>> -> memref<32x1024xf32, #tpu.memory_space<hbm>>
      tpu.enqueue_dma source(%dma_start3A_228 : memref<32x1024xf32, #tpu.memory_space<hbm>>) target(%arg10 : memref<32x1024xf32, #tpu.memory_space<vmem>>) target_semaphore(%run_scoped3A : memref<!tpu.dma_semaphore, #tpu.memory_space<semaphore_mem>>)
      %dma_wait3A_229 = arith.constant 0 : i32
      %dma_wait3A_230 = tpu.memref_slice %arg2[%add3A_38, %dma_wait3A_229] : memref<16384x1024xf32, #tpu.memory_space<hbm>> -> memref<32x1024xf32, #tpu.memory_space<hbm>>
      %dma_wait3A_231 = arith.constant 0 : i32
      %dma_wait3A_232 = tpu.memref_slice %arg2[%add3A_38, %dma_wait3A_231] : memref<16384x1024xf32, #tpu.memory_space<hbm>> -> memref<32x1024xf32, #tpu.memory_space<hbm>>
      tpu.wait_dma2 semaphore(%run_scoped3A : memref<!tpu.dma_semaphore, #tpu.memory_space<semaphore_mem>>) src(%dma_wait3A_232 : memref<32x1024xf32, #tpu.memory_space<hbm>>) dst(%arg10 : memref<32x1024xf32, #tpu.memory_space<vmem>>)
      tpu.yield
    }) : () -> ()
    "tpu.region"() ({
      %run_scoped3A = tpu.sem_alloc : memref<!tpu.dma_semaphore, #tpu.memory_space<semaphore_mem>>
      %dma_start3A_225 = arith.constant 0 : i32
      %dma_start3A_226 = tpu.memref_slice %arg3[%add3A_38, %dma_start3A_225] : memref<16384x128xf32, #tpu.memory_space<hbm>> -> memref<32x128xf32, #tpu.memory_space<hbm>>
      %dma_start3A_227 = arith.constant 0 : i32
      %dma_start3A_228 = tpu.memref_slice %arg3[%add3A_38, %dma_start3A_227] : memref<16384x128xf32, #tpu.memory_space<hbm>> -> memref<32x128xf32, #tpu.memory_space<hbm>>
      tpu.enqueue_dma source(%dma_start3A_228 : memref<32x128xf32, #tpu.memory_space<hbm>>) target(%arg12 : memref<32x128xf32, #tpu.memory_space<vmem>>) target_semaphore(%run_scoped3A : memref<!tpu.dma_semaphore, #tpu.memory_space<semaphore_mem>>)
      %dma_wait3A_229 = arith.constant 0 : i32
      %dma_wait3A_230 = tpu.memref_slice %arg3[%add3A_38, %dma_wait3A_229] : memref<16384x128xf32, #tpu.memory_space<hbm>> -> memref<32x128xf32, #tpu.memory_space<hbm>>
      %dma_wait3A_231 = arith.constant 0 : i32
      %dma_wait3A_232 = tpu.memref_slice %arg3[%add3A_38, %dma_wait3A_231] : memref<16384x128xf32, #tpu.memory_space<hbm>> -> memref<32x128xf32, #tpu.memory_space<hbm>>
      tpu.wait_dma2 semaphore(%run_scoped3A : memref<!tpu.dma_semaphore, #tpu.memory_space<semaphore_mem>>) src(%dma_wait3A_232 : memref<32x128xf32, #tpu.memory_space<hbm>>) dst(%arg12 : memref<32x128xf32, #tpu.memory_space<vmem>>)
      tpu.yield
    }) : () -> ()
    %dma_start3A_39 = arith.constant 0 : i32
    %dma_start3A_40 = arith.constant 0 : i32
    %dma_start3A_41 = tpu.memref_slice %arg5[%dma_start3A_39, %dma_start3A_40] : memref<32768x1024xf32, #tpu.memory_space<hbm>> -> memref<32768x1024xf32, #tpu.memory_space<hbm>>
    tpu.enqueue_indirect_dma source(%arg10 : memref<32x1024xf32, #tpu.memory_space<vmem>>) target(%dma_start3A_41 : memref<32768x1024xf32, #tpu.memory_space<hbm>>) offsets(%arg8 : memref<32xi32, #tpu.memory_space<vmem>>) semaphore(%arg14 : memref<!tpu.dma_semaphore, #tpu.memory_space<semaphore_mem>>)
    %dma_start3A_42 = arith.constant 0 : i32
    %dma_start3A_43 = arith.constant 0 : i32
    %dma_start3A_44 = tpu.memref_slice %arg6[%dma_start3A_42, %dma_start3A_43] : memref<32768x128xf32, #tpu.memory_space<hbm>> -> memref<32768x128xf32, #tpu.memory_space<hbm>>
    tpu.enqueue_indirect_dma source(%arg12 : memref<32x128xf32, #tpu.memory_space<vmem>>) target(%dma_start3A_44 : memref<32768x128xf32, #tpu.memory_space<hbm>>) offsets(%arg8 : memref<32xi32, #tpu.memory_space<vmem>>) semaphore(%arg16 : memref<!tpu.dma_semaphore, #tpu.memory_space<semaphore_mem>>)
    %dma_wait3A_45 = arith.constant 0 : i32
    %dma_wait3A_46 = arith.constant 0 : i32
    %dma_wait3A_47 = tpu.memref_slice %arg5[%dma_wait3A_45, %dma_wait3A_46] : memref<32768x1024xf32, #tpu.memory_space<hbm>> -> memref<32768x1024xf32, #tpu.memory_space<hbm>>
    tpu.wait_indirect_dma semaphore(%arg13 : memref<!tpu.dma_semaphore, #tpu.memory_space<semaphore_mem>>) src(%arg9 : memref<32x1024xf32, #tpu.memory_space<vmem>>) dst(%dma_wait3A_47 : memref<32768x1024xf32, #tpu.memory_space<hbm>>)
    %dma_wait3A_48 = arith.constant 0 : i32
    %dma_wait3A_49 = arith.constant 0 : i32
    %dma_wait3A_50 = tpu.memref_slice %arg6[%dma_wait3A_48, %dma_wait3A_49] : memref<32768x128xf32, #tpu.memory_space<hbm>> -> memref<32768x128xf32, #tpu.memory_space<hbm>>
    tpu.wait_indirect_dma semaphore(%arg15 : memref<!tpu.dma_semaphore, #tpu.memory_space<semaphore_mem>>) src(%arg11 : memref<32x128xf32, #tpu.memory_space<vmem>>) dst(%dma_wait3A_50 : memref<32768x128xf32, #tpu.memory_space<hbm>>)
    %add3A_51 = arith.constant 128 : i32
    %add3A_52 = arith.addi %mul3A_2, %add3A_51 : i32
    "tpu.region"() ({
      %run_scoped3A = tpu.sem_alloc : memref<!tpu.dma_semaphore, #tpu.memory_space<semaphore_mem>>
      %dma_start3A_225 = tpu.memref_slice %arg4[%add3A_52] : memref<16384xi32, #tpu.memory_space<hbm>> -> memref<32xi32, #tpu.memory_space<hbm>>
      %dma_start3A_226 = tpu.memref_slice %arg4[%add3A_52] : memref<16384xi32, #tpu.memory_space<hbm>> -> memref<32xi32, #tpu.memory_space<hbm>>
      tpu.enqueue_dma source(%dma_start3A_226 : memref<32xi32, #tpu.memory_space<hbm>>) target(%arg7 : memref<32xi32, #tpu.memory_space<vmem>>) target_semaphore(%run_scoped3A : memref<!tpu.dma_semaphore, #tpu.memory_space<semaphore_mem>>)
      %dma_wait3A_227 = tpu.memref_slice %arg4[%add3A_52] : memref<16384xi32, #tpu.memory_space<hbm>> -> memref<32xi32, #tpu.memory_space<hbm>>
      %dma_wait3A_228 = tpu.memref_slice %arg4[%add3A_52] : memref<16384xi32, #tpu.memory_space<hbm>> -> memref<32xi32, #tpu.memory_space<hbm>>
      tpu.wait_dma2 semaphore(%run_scoped3A : memref<!tpu.dma_semaphore, #tpu.memory_space<semaphore_mem>>) src(%dma_wait3A_228 : memref<32xi32, #tpu.memory_space<hbm>>) dst(%arg7 : memref<32xi32, #tpu.memory_space<vmem>>)
      tpu.yield
    }) : () -> ()
    "tpu.region"() ({
      %run_scoped3A = tpu.sem_alloc : memref<!tpu.dma_semaphore, #tpu.memory_space<semaphore_mem>>
      %dma_start3A_225 = arith.constant 0 : i32
      %dma_start3A_226 = tpu.memref_slice %arg2[%add3A_52, %dma_start3A_225] : memref<16384x1024xf32, #tpu.memory_space<hbm>> -> memref<32x1024xf32, #tpu.memory_space<hbm>>
      %dma_start3A_227 = arith.constant 0 : i32
      %dma_start3A_228 = tpu.memref_slice %arg2[%add3A_52, %dma_start3A_227] : memref<16384x1024xf32, #tpu.memory_space<hbm>> -> memref<32x1024xf32, #tpu.memory_space<hbm>>
      tpu.enqueue_dma source(%dma_start3A_228 : memref<32x1024xf32, #tpu.memory_space<hbm>>) target(%arg9 : memref<32x1024xf32, #tpu.memory_space<vmem>>) target_semaphore(%run_scoped3A : memref<!tpu.dma_semaphore, #tpu.memory_space<semaphore_mem>>)
      %dma_wait3A_229 = arith.constant 0 : i32
      %dma_wait3A_230 = tpu.memref_slice %arg2[%add3A_52, %dma_wait3A_229] : memref<16384x1024xf32, #tpu.memory_space<hbm>> -> memref<32x1024xf32, #tpu.memory_space<hbm>>
      %dma_wait3A_231 = arith.constant 0 : i32
      %dma_wait3A_232 = tpu.memref_slice %arg2[%add3A_52, %dma_wait3A_231] : memref<16384x1024xf32, #tpu.memory_space<hbm>> -> memref<32x1024xf32, #tpu.memory_space<hbm>>
      tpu.wait_dma2 semaphore(%run_scoped3A : memref<!tpu.dma_semaphore, #tpu.memory_space<semaphore_mem>>) src(%dma_wait3A_232 : memref<32x1024xf32, #tpu.memory_space<hbm>>) dst(%arg9 : memref<32x1024xf32, #tpu.memory_space<vmem>>)
      tpu.yield
    }) : () -> ()
    "tpu.region"() ({
      %run_scoped3A = tpu.sem_alloc : memref<!tpu.dma_semaphore, #tpu.memory_space<semaphore_mem>>
      %dma_start3A_225 = arith.constant 0 : i32
      %dma_start3A_226 = tpu.memref_slice %arg3[%add3A_52, %dma_start3A_225] : memref<16384x128xf32, #tpu.memory_space<hbm>> -> memref<32x128xf32, #tpu.memory_space<hbm>>
      %dma_start3A_227 = arith.constant 0 : i32
      %dma_start3A_228 = tpu.memref_slice %arg3[%add3A_52, %dma_start3A_227] : memref<16384x128xf32, #tpu.memory_space<hbm>> -> memref<32x128xf32, #tpu.memory_space<hbm>>
      tpu.enqueue_dma source(%dma_start3A_228 : memref<32x128xf32, #tpu.memory_space<hbm>>) target(%arg11 : memref<32x128xf32, #tpu.memory_space<vmem>>) target_semaphore(%run_scoped3A : memref<!tpu.dma_semaphore, #tpu.memory_space<semaphore_mem>>)
      %dma_wait3A_229 = arith.constant 0 : i32
      %dma_wait3A_230 = tpu.memref_slice %arg3[%add3A_52, %dma_wait3A_229] : memref<16384x128xf32, #tpu.memory_space<hbm>> -> memref<32x128xf32, #tpu.memory_space<hbm>>
      %dma_wait3A_231 = arith.constant 0 : i32
      %dma_wait3A_232 = tpu.memref_slice %arg3[%add3A_52, %dma_wait3A_231] : memref<16384x128xf32, #tpu.memory_space<hbm>> -> memref<32x128xf32, #tpu.memory_space<hbm>>
      tpu.wait_dma2 semaphore(%run_scoped3A : memref<!tpu.dma_semaphore, #tpu.memory_space<semaphore_mem>>) src(%dma_wait3A_232 : memref<32x128xf32, #tpu.memory_space<hbm>>) dst(%arg11 : memref<32x128xf32, #tpu.memory_space<vmem>>)
      tpu.yield
    }) : () -> ()
    %dma_start3A_53 = arith.constant 0 : i32
    %dma_start3A_54 = arith.constant 0 : i32
    %dma_start3A_55 = tpu.memref_slice %arg5[%dma_start3A_53, %dma_start3A_54] : memref<32768x1024xf32, #tpu.memory_space<hbm>> -> memref<32768x1024xf32, #tpu.memory_space<hbm>>
    tpu.enqueue_indirect_dma source(%arg9 : memref<32x1024xf32, #tpu.memory_space<vmem>>) target(%dma_start3A_55 : memref<32768x1024xf32, #tpu.memory_space<hbm>>) offsets(%arg7 : memref<32xi32, #tpu.memory_space<vmem>>) semaphore(%arg13 : memref<!tpu.dma_semaphore, #tpu.memory_space<semaphore_mem>>)
    %dma_start3A_56 = arith.constant 0 : i32
    %dma_start3A_57 = arith.constant 0 : i32
    %dma_start3A_58 = tpu.memref_slice %arg6[%dma_start3A_56, %dma_start3A_57] : memref<32768x128xf32, #tpu.memory_space<hbm>> -> memref<32768x128xf32, #tpu.memory_space<hbm>>
    tpu.enqueue_indirect_dma source(%arg11 : memref<32x128xf32, #tpu.memory_space<vmem>>) target(%dma_start3A_58 : memref<32768x128xf32, #tpu.memory_space<hbm>>) offsets(%arg7 : memref<32xi32, #tpu.memory_space<vmem>>) semaphore(%arg15 : memref<!tpu.dma_semaphore, #tpu.memory_space<semaphore_mem>>)
    %dma_wait3A_59 = arith.constant 0 : i32
    %dma_wait3A_60 = arith.constant 0 : i32
    %dma_wait3A_61 = tpu.memref_slice %arg5[%dma_wait3A_59, %dma_wait3A_60] : memref<32768x1024xf32, #tpu.memory_space<hbm>> -> memref<32768x1024xf32, #tpu.memory_space<hbm>>
    tpu.wait_indirect_dma semaphore(%arg14 : memref<!tpu.dma_semaphore, #tpu.memory_space<semaphore_mem>>) src(%arg10 : memref<32x1024xf32, #tpu.memory_space<vmem>>) dst(%dma_wait3A_61 : memref<32768x1024xf32, #tpu.memory_space<hbm>>)
    %dma_wait3A_62 = arith.constant 0 : i32
    %dma_wait3A_63 = arith.constant 0 : i32
    %dma_wait3A_64 = tpu.memref_slice %arg6[%dma_wait3A_62, %dma_wait3A_63] : memref<32768x128xf32, #tpu.memory_space<hbm>> -> memref<32768x128xf32, #tpu.memory_space<hbm>>
    tpu.wait_indirect_dma semaphore(%arg16 : memref<!tpu.dma_semaphore, #tpu.memory_space<semaphore_mem>>) src(%arg12 : memref<32x128xf32, #tpu.memory_space<vmem>>) dst(%dma_wait3A_64 : memref<32768x128xf32, #tpu.memory_space<hbm>>)
    %add3A_65 = arith.constant 160 : i32
    %add3A_66 = arith.addi %mul3A_2, %add3A_65 : i32
    "tpu.region"() ({
      %run_scoped3A = tpu.sem_alloc : memref<!tpu.dma_semaphore, #tpu.memory_space<semaphore_mem>>
      %dma_start3A_225 = tpu.memref_slice %arg4[%add3A_66] : memref<16384xi32, #tpu.memory_space<hbm>> -> memref<32xi32, #tpu.memory_space<hbm>>
      %dma_start3A_226 = tpu.memref_slice %arg4[%add3A_66] : memref<16384xi32, #tpu.memory_space<hbm>> -> memref<32xi32, #tpu.memory_space<hbm>>
      tpu.enqueue_dma source(%dma_start3A_226 : memref<32xi32, #tpu.memory_space<hbm>>) target(%arg8 : memref<32xi32, #tpu.memory_space<vmem>>) target_semaphore(%run_scoped3A : memref<!tpu.dma_semaphore, #tpu.memory_space<semaphore_mem>>)
      %dma_wait3A_227 = tpu.memref_slice %arg4[%add3A_66] : memref<16384xi32, #tpu.memory_space<hbm>> -> memref<32xi32, #tpu.memory_space<hbm>>
      %dma_wait3A_228 = tpu.memref_slice %arg4[%add3A_66] : memref<16384xi32, #tpu.memory_space<hbm>> -> memref<32xi32, #tpu.memory_space<hbm>>
      tpu.wait_dma2 semaphore(%run_scoped3A : memref<!tpu.dma_semaphore, #tpu.memory_space<semaphore_mem>>) src(%dma_wait3A_228 : memref<32xi32, #tpu.memory_space<hbm>>) dst(%arg8 : memref<32xi32, #tpu.memory_space<vmem>>)
      tpu.yield
    }) : () -> ()
    "tpu.region"() ({
      %run_scoped3A = tpu.sem_alloc : memref<!tpu.dma_semaphore, #tpu.memory_space<semaphore_mem>>
      %dma_start3A_225 = arith.constant 0 : i32
      %dma_start3A_226 = tpu.memref_slice %arg2[%add3A_66, %dma_start3A_225] : memref<16384x1024xf32, #tpu.memory_space<hbm>> -> memref<32x1024xf32, #tpu.memory_space<hbm>>
      %dma_start3A_227 = arith.constant 0 : i32
      %dma_start3A_228 = tpu.memref_slice %arg2[%add3A_66, %dma_start3A_227] : memref<16384x1024xf32, #tpu.memory_space<hbm>> -> memref<32x1024xf32, #tpu.memory_space<hbm>>
      tpu.enqueue_dma source(%dma_start3A_228 : memref<32x1024xf32, #tpu.memory_space<hbm>>) target(%arg10 : memref<32x1024xf32, #tpu.memory_space<vmem>>) target_semaphore(%run_scoped3A : memref<!tpu.dma_semaphore, #tpu.memory_space<semaphore_mem>>)
      %dma_wait3A_229 = arith.constant 0 : i32
      %dma_wait3A_230 = tpu.memref_slice %arg2[%add3A_66, %dma_wait3A_229] : memref<16384x1024xf32, #tpu.memory_space<hbm>> -> memref<32x1024xf32, #tpu.memory_space<hbm>>
      %dma_wait3A_231 = arith.constant 0 : i32
      %dma_wait3A_232 = tpu.memref_slice %arg2[%add3A_66, %dma_wait3A_231] : memref<16384x1024xf32, #tpu.memory_space<hbm>> -> memref<32x1024xf32, #tpu.memory_space<hbm>>
      tpu.wait_dma2 semaphore(%run_scoped3A : memref<!tpu.dma_semaphore, #tpu.memory_space<semaphore_mem>>) src(%dma_wait3A_232 : memref<32x1024xf32, #tpu.memory_space<hbm>>) dst(%arg10 : memref<32x1024xf32, #tpu.memory_space<vmem>>)
      tpu.yield
    }) : () -> ()
    "tpu.region"() ({
      %run_scoped3A = tpu.sem_alloc : memref<!tpu.dma_semaphore, #tpu.memory_space<semaphore_mem>>
      %dma_start3A_225 = arith.constant 0 : i32
      %dma_start3A_226 = tpu.memref_slice %arg3[%add3A_66, %dma_start3A_225] : memref<16384x128xf32, #tpu.memory_space<hbm>> -> memref<32x128xf32, #tpu.memory_space<hbm>>
      %dma_start3A_227 = arith.constant 0 : i32
      %dma_start3A_228 = tpu.memref_slice %arg3[%add3A_66, %dma_start3A_227] : memref<16384x128xf32, #tpu.memory_space<hbm>> -> memref<32x128xf32, #tpu.memory_space<hbm>>
      tpu.enqueue_dma source(%dma_start3A_228 : memref<32x128xf32, #tpu.memory_space<hbm>>) target(%arg12 : memref<32x128xf32, #tpu.memory_space<vmem>>) target_semaphore(%run_scoped3A : memref<!tpu.dma_semaphore, #tpu.memory_space<semaphore_mem>>)
      %dma_wait3A_229 = arith.constant 0 : i32
      %dma_wait3A_230 = tpu.memref_slice %arg3[%add3A_66, %dma_wait3A_229] : memref<16384x128xf32, #tpu.memory_space<hbm>> -> memref<32x128xf32, #tpu.memory_space<hbm>>
      %dma_wait3A_231 = arith.constant 0 : i32
      %dma_wait3A_232 = tpu.memref_slice %arg3[%add3A_66, %dma_wait3A_231] : memref<16384x128xf32, #tpu.memory_space<hbm>> -> memref<32x128xf32, #tpu.memory_space<hbm>>
      tpu.wait_dma2 semaphore(%run_scoped3A : memref<!tpu.dma_semaphore, #tpu.memory_space<semaphore_mem>>) src(%dma_wait3A_232 : memref<32x128xf32, #tpu.memory_space<hbm>>) dst(%arg12 : memref<32x128xf32, #tpu.memory_space<vmem>>)
      tpu.yield
    }) : () -> ()
    %dma_start3A_67 = arith.constant 0 : i32
    %dma_start3A_68 = arith.constant 0 : i32
    %dma_start3A_69 = tpu.memref_slice %arg5[%dma_start3A_67, %dma_start3A_68] : memref<32768x1024xf32, #tpu.memory_space<hbm>> -> memref<32768x1024xf32, #tpu.memory_space<hbm>>
    tpu.enqueue_indirect_dma source(%arg10 : memref<32x1024xf32, #tpu.memory_space<vmem>>) target(%dma_start3A_69 : memref<32768x1024xf32, #tpu.memory_space<hbm>>) offsets(%arg8 : memref<32xi32, #tpu.memory_space<vmem>>) semaphore(%arg14 : memref<!tpu.dma_semaphore, #tpu.memory_space<semaphore_mem>>)
    %dma_start3A_70 = arith.constant 0 : i32
    %dma_start3A_71 = arith.constant 0 : i32
    %dma_start3A_72 = tpu.memref_slice %arg6[%dma_start3A_70, %dma_start3A_71] : memref<32768x128xf32, #tpu.memory_space<hbm>> -> memref<32768x128xf32, #tpu.memory_space<hbm>>
    tpu.enqueue_indirect_dma source(%arg12 : memref<32x128xf32, #tpu.memory_space<vmem>>) target(%dma_start3A_72 : memref<32768x128xf32, #tpu.memory_space<hbm>>) offsets(%arg8 : memref<32xi32, #tpu.memory_space<vmem>>) semaphore(%arg16 : memref<!tpu.dma_semaphore, #tpu.memory_space<semaphore_mem>>)
    %dma_wait3A_73 = arith.constant 0 : i32
    %dma_wait3A_74 = arith.constant 0 : i32
    %dma_wait3A_75 = tpu.memref_slice %arg5[%dma_wait3A_73, %dma_wait3A_74] : memref<32768x1024xf32, #tpu.memory_space<hbm>> -> memref<32768x1024xf32, #tpu.memory_space<hbm>>
    tpu.wait_indirect_dma semaphore(%arg13 : memref<!tpu.dma_semaphore, #tpu.memory_space<semaphore_mem>>) src(%arg9 : memref<32x1024xf32, #tpu.memory_space<vmem>>) dst(%dma_wait3A_75 : memref<32768x1024xf32, #tpu.memory_space<hbm>>)
    %dma_wait3A_76 = arith.constant 0 : i32
    %dma_wait3A_77 = arith.constant 0 : i32
    %dma_wait3A_78 = tpu.memref_slice %arg6[%dma_wait3A_76, %dma_wait3A_77] : memref<32768x128xf32, #tpu.memory_space<hbm>> -> memref<32768x128xf32, #tpu.memory_space<hbm>>
    tpu.wait_indirect_dma semaphore(%arg15 : memref<!tpu.dma_semaphore, #tpu.memory_space<semaphore_mem>>) src(%arg11 : memref<32x128xf32, #tpu.memory_space<vmem>>) dst(%dma_wait3A_78 : memref<32768x128xf32, #tpu.memory_space<hbm>>)
    %add3A_79 = arith.constant 192 : i32
    %add3A_80 = arith.addi %mul3A_2, %add3A_79 : i32
    "tpu.region"() ({
      %run_scoped3A = tpu.sem_alloc : memref<!tpu.dma_semaphore, #tpu.memory_space<semaphore_mem>>
      %dma_start3A_225 = tpu.memref_slice %arg4[%add3A_80] : memref<16384xi32, #tpu.memory_space<hbm>> -> memref<32xi32, #tpu.memory_space<hbm>>
      %dma_start3A_226 = tpu.memref_slice %arg4[%add3A_80] : memref<16384xi32, #tpu.memory_space<hbm>> -> memref<32xi32, #tpu.memory_space<hbm>>
      tpu.enqueue_dma source(%dma_start3A_226 : memref<32xi32, #tpu.memory_space<hbm>>) target(%arg7 : memref<32xi32, #tpu.memory_space<vmem>>) target_semaphore(%run_scoped3A : memref<!tpu.dma_semaphore, #tpu.memory_space<semaphore_mem>>)
      %dma_wait3A_227 = tpu.memref_slice %arg4[%add3A_80] : memref<16384xi32, #tpu.memory_space<hbm>> -> memref<32xi32, #tpu.memory_space<hbm>>
      %dma_wait3A_228 = tpu.memref_slice %arg4[%add3A_80] : memref<16384xi32, #tpu.memory_space<hbm>> -> memref<32xi32, #tpu.memory_space<hbm>>
      tpu.wait_dma2 semaphore(%run_scoped3A : memref<!tpu.dma_semaphore, #tpu.memory_space<semaphore_mem>>) src(%dma_wait3A_228 : memref<32xi32, #tpu.memory_space<hbm>>) dst(%arg7 : memref<32xi32, #tpu.memory_space<vmem>>)
      tpu.yield
    }) : () -> ()
    "tpu.region"() ({
      %run_scoped3A = tpu.sem_alloc : memref<!tpu.dma_semaphore, #tpu.memory_space<semaphore_mem>>
      %dma_start3A_225 = arith.constant 0 : i32
      %dma_start3A_226 = tpu.memref_slice %arg2[%add3A_80, %dma_start3A_225] : memref<16384x1024xf32, #tpu.memory_space<hbm>> -> memref<32x1024xf32, #tpu.memory_space<hbm>>
      %dma_start3A_227 = arith.constant 0 : i32
      %dma_start3A_228 = tpu.memref_slice %arg2[%add3A_80, %dma_start3A_227] : memref<16384x1024xf32, #tpu.memory_space<hbm>> -> memref<32x1024xf32, #tpu.memory_space<hbm>>
      tpu.enqueue_dma source(%dma_start3A_228 : memref<32x1024xf32, #tpu.memory_space<hbm>>) target(%arg9 : memref<32x1024xf32, #tpu.memory_space<vmem>>) target_semaphore(%run_scoped3A : memref<!tpu.dma_semaphore, #tpu.memory_space<semaphore_mem>>)
      %dma_wait3A_229 = arith.constant 0 : i32
      %dma_wait3A_230 = tpu.memref_slice %arg2[%add3A_80, %dma_wait3A_229] : memref<16384x1024xf32, #tpu.memory_space<hbm>> -> memref<32x1024xf32, #tpu.memory_space<hbm>>
      %dma_wait3A_231 = arith.constant 0 : i32
      %dma_wait3A_232 = tpu.memref_slice %arg2[%add3A_80, %dma_wait3A_231] : memref<16384x1024xf32, #tpu.memory_space<hbm>> -> memref<32x1024xf32, #tpu.memory_space<hbm>>
      tpu.wait_dma2 semaphore(%run_scoped3A : memref<!tpu.dma_semaphore, #tpu.memory_space<semaphore_mem>>) src(%dma_wait3A_232 : memref<32x1024xf32, #tpu.memory_space<hbm>>) dst(%arg9 : memref<32x1024xf32, #tpu.memory_space<vmem>>)
      tpu.yield
    }) : () -> ()
    "tpu.region"() ({
      %run_scoped3A = tpu.sem_alloc : memref<!tpu.dma_semaphore, #tpu.memory_space<semaphore_mem>>
      %dma_start3A_225 = arith.constant 0 : i32
      %dma_start3A_226 = tpu.memref_slice %arg3[%add3A_80, %dma_start3A_225] : memref<16384x128xf32, #tpu.memory_space<hbm>> -> memref<32x128xf32, #tpu.memory_space<hbm>>
      %dma_start3A_227 = arith.constant 0 : i32
      %dma_start3A_228 = tpu.memref_slice %arg3[%add3A_80, %dma_start3A_227] : memref<16384x128xf32, #tpu.memory_space<hbm>> -> memref<32x128xf32, #tpu.memory_space<hbm>>
      tpu.enqueue_dma source(%dma_start3A_228 : memref<32x128xf32, #tpu.memory_space<hbm>>) target(%arg11 : memref<32x128xf32, #tpu.memory_space<vmem>>) target_semaphore(%run_scoped3A : memref<!tpu.dma_semaphore, #tpu.memory_space<semaphore_mem>>)
      %dma_wait3A_229 = arith.constant 0 : i32
      %dma_wait3A_230 = tpu.memref_slice %arg3[%add3A_80, %dma_wait3A_229] : memref<16384x128xf32, #tpu.memory_space<hbm>> -> memref<32x128xf32, #tpu.memory_space<hbm>>
      %dma_wait3A_231 = arith.constant 0 : i32
      %dma_wait3A_232 = tpu.memref_slice %arg3[%add3A_80, %dma_wait3A_231] : memref<16384x128xf32, #tpu.memory_space<hbm>> -> memref<32x128xf32, #tpu.memory_space<hbm>>
      tpu.wait_dma2 semaphore(%run_scoped3A : memref<!tpu.dma_semaphore, #tpu.memory_space<semaphore_mem>>) src(%dma_wait3A_232 : memref<32x128xf32, #tpu.memory_space<hbm>>) dst(%arg11 : memref<32x128xf32, #tpu.memory_space<vmem>>)
      tpu.yield
    }) : () -> ()
    %dma_start3A_81 = arith.constant 0 : i32
    %dma_start3A_82 = arith.constant 0 : i32
    %dma_start3A_83 = tpu.memref_slice %arg5[%dma_start3A_81, %dma_start3A_82] : memref<32768x1024xf32, #tpu.memory_space<hbm>> -> memref<32768x1024xf32, #tpu.memory_space<hbm>>
    tpu.enqueue_indirect_dma source(%arg9 : memref<32x1024xf32, #tpu.memory_space<vmem>>) target(%dma_start3A_83 : memref<32768x1024xf32, #tpu.memory_space<hbm>>) offsets(%arg7 : memref<32xi32, #tpu.memory_space<vmem>>) semaphore(%arg13 : memref<!tpu.dma_semaphore, #tpu.memory_space<semaphore_mem>>)
    %dma_start3A_84 = arith.constant 0 : i32
    %dma_start3A_85 = arith.constant 0 : i32
    %dma_start3A_86 = tpu.memref_slice %arg6[%dma_start3A_84, %dma_start3A_85] : memref<32768x128xf32, #tpu.memory_space<hbm>> -> memref<32768x128xf32, #tpu.memory_space<hbm>>
    tpu.enqueue_indirect_dma source(%arg11 : memref<32x128xf32, #tpu.memory_space<vmem>>) target(%dma_start3A_86 : memref<32768x128xf32, #tpu.memory_space<hbm>>) offsets(%arg7 : memref<32xi32, #tpu.memory_space<vmem>>) semaphore(%arg15 : memref<!tpu.dma_semaphore, #tpu.memory_space<semaphore_mem>>)
    %dma_wait3A_87 = arith.constant 0 : i32
    %dma_wait3A_88 = arith.constant 0 : i32
    %dma_wait3A_89 = tpu.memref_slice %arg5[%dma_wait3A_87, %dma_wait3A_88] : memref<32768x1024xf32, #tpu.memory_space<hbm>> -> memref<32768x1024xf32, #tpu.memory_space<hbm>>
    tpu.wait_indirect_dma semaphore(%arg14 : memref<!tpu.dma_semaphore, #tpu.memory_space<semaphore_mem>>) src(%arg10 : memref<32x1024xf32, #tpu.memory_space<vmem>>) dst(%dma_wait3A_89 : memref<32768x1024xf32, #tpu.memory_space<hbm>>)
    %dma_wait3A_90 = arith.constant 0 : i32
    %dma_wait3A_91 = arith.constant 0 : i32
    %dma_wait3A_92 = tpu.memref_slice %arg6[%dma_wait3A_90, %dma_wait3A_91] : memref<32768x128xf32, #tpu.memory_space<hbm>> -> memref<32768x128xf32, #tpu.memory_space<hbm>>
    tpu.wait_indirect_dma semaphore(%arg16 : memref<!tpu.dma_semaphore, #tpu.memory_space<semaphore_mem>>) src(%arg12 : memref<32x128xf32, #tpu.memory_space<vmem>>) dst(%dma_wait3A_92 : memref<32768x128xf32, #tpu.memory_space<hbm>>)
    %add3A_93 = arith.constant 224 : i32
    %add3A_94 = arith.addi %mul3A_2, %add3A_93 : i32
    "tpu.region"() ({
      %run_scoped3A = tpu.sem_alloc : memref<!tpu.dma_semaphore, #tpu.memory_space<semaphore_mem>>
      %dma_start3A_225 = tpu.memref_slice %arg4[%add3A_94] : memref<16384xi32, #tpu.memory_space<hbm>> -> memref<32xi32, #tpu.memory_space<hbm>>
      %dma_start3A_226 = tpu.memref_slice %arg4[%add3A_94] : memref<16384xi32, #tpu.memory_space<hbm>> -> memref<32xi32, #tpu.memory_space<hbm>>
      tpu.enqueue_dma source(%dma_start3A_226 : memref<32xi32, #tpu.memory_space<hbm>>) target(%arg8 : memref<32xi32, #tpu.memory_space<vmem>>) target_semaphore(%run_scoped3A : memref<!tpu.dma_semaphore, #tpu.memory_space<semaphore_mem>>)
      %dma_wait3A_227 = tpu.memref_slice %arg4[%add3A_94] : memref<16384xi32, #tpu.memory_space<hbm>> -> memref<32xi32, #tpu.memory_space<hbm>>
      %dma_wait3A_228 = tpu.memref_slice %arg4[%add3A_94] : memref<16384xi32, #tpu.memory_space<hbm>> -> memref<32xi32, #tpu.memory_space<hbm>>
      tpu.wait_dma2 semaphore(%run_scoped3A : memref<!tpu.dma_semaphore, #tpu.memory_space<semaphore_mem>>) src(%dma_wait3A_228 : memref<32xi32, #tpu.memory_space<hbm>>) dst(%arg8 : memref<32xi32, #tpu.memory_space<vmem>>)
      tpu.yield
    }) : () -> ()
    "tpu.region"() ({
      %run_scoped3A = tpu.sem_alloc : memref<!tpu.dma_semaphore, #tpu.memory_space<semaphore_mem>>
      %dma_start3A_225 = arith.constant 0 : i32
      %dma_start3A_226 = tpu.memref_slice %arg2[%add3A_94, %dma_start3A_225] : memref<16384x1024xf32, #tpu.memory_space<hbm>> -> memref<32x1024xf32, #tpu.memory_space<hbm>>
      %dma_start3A_227 = arith.constant 0 : i32
      %dma_start3A_228 = tpu.memref_slice %arg2[%add3A_94, %dma_start3A_227] : memref<16384x1024xf32, #tpu.memory_space<hbm>> -> memref<32x1024xf32, #tpu.memory_space<hbm>>
      tpu.enqueue_dma source(%dma_start3A_228 : memref<32x1024xf32, #tpu.memory_space<hbm>>) target(%arg10 : memref<32x1024xf32, #tpu.memory_space<vmem>>) target_semaphore(%run_scoped3A : memref<!tpu.dma_semaphore, #tpu.memory_space<semaphore_mem>>)
      %dma_wait3A_229 = arith.constant 0 : i32
      %dma_wait3A_230 = tpu.memref_slice %arg2[%add3A_94, %dma_wait3A_229] : memref<16384x1024xf32, #tpu.memory_space<hbm>> -> memref<32x1024xf32, #tpu.memory_space<hbm>>
      %dma_wait3A_231 = arith.constant 0 : i32
      %dma_wait3A_232 = tpu.memref_slice %arg2[%add3A_94, %dma_wait3A_231] : memref<16384x1024xf32, #tpu.memory_space<hbm>> -> memref<32x1024xf32, #tpu.memory_space<hbm>>
      tpu.wait_dma2 semaphore(%run_scoped3A : memref<!tpu.dma_semaphore, #tpu.memory_space<semaphore_mem>>) src(%dma_wait3A_232 : memref<32x1024xf32, #tpu.memory_space<hbm>>) dst(%arg10 : memref<32x1024xf32, #tpu.memory_space<vmem>>)
      tpu.yield
    }) : () -> ()
    "tpu.region"() ({
      %run_scoped3A = tpu.sem_alloc : memref<!tpu.dma_semaphore, #tpu.memory_space<semaphore_mem>>
      %dma_start3A_225 = arith.constant 0 : i32
      %dma_start3A_226 = tpu.memref_slice %arg3[%add3A_94, %dma_start3A_225] : memref<16384x128xf32, #tpu.memory_space<hbm>> -> memref<32x128xf32, #tpu.memory_space<hbm>>
      %dma_start3A_227 = arith.constant 0 : i32
      %dma_start3A_228 = tpu.memref_slice %arg3[%add3A_94, %dma_start3A_227] : memref<16384x128xf32, #tpu.memory_space<hbm>> -> memref<32x128xf32, #tpu.memory_space<hbm>>
      tpu.enqueue_dma source(%dma_start3A_228 : memref<32x128xf32, #tpu.memory_space<hbm>>) target(%arg12 : memref<32x128xf32, #tpu.memory_space<vmem>>) target_semaphore(%run_scoped3A : memref<!tpu.dma_semaphore, #tpu.memory_space<semaphore_mem>>)
      %dma_wait3A_229 = arith.constant 0 : i32
      %dma_wait3A_230 = tpu.memref_slice %arg3[%add3A_94, %dma_wait3A_229] : memref<16384x128xf32, #tpu.memory_space<hbm>> -> memref<32x128xf32, #tpu.memory_space<hbm>>
      %dma_wait3A_231 = arith.constant 0 : i32
      %dma_wait3A_232 = tpu.memref_slice %arg3[%add3A_94, %dma_wait3A_231] : memref<16384x128xf32, #tpu.memory_space<hbm>> -> memref<32x128xf32, #tpu.memory_space<hbm>>
      tpu.wait_dma2 semaphore(%run_scoped3A : memref<!tpu.dma_semaphore, #tpu.memory_space<semaphore_mem>>) src(%dma_wait3A_232 : memref<32x128xf32, #tpu.memory_space<hbm>>) dst(%arg12 : memref<32x128xf32, #tpu.memory_space<vmem>>)
      tpu.yield
    }) : () -> ()
    %dma_start3A_95 = arith.constant 0 : i32
    %dma_start3A_96 = arith.constant 0 : i32
    %dma_start3A_97 = tpu.memref_slice %arg5[%dma_start3A_95, %dma_start3A_96] : memref<32768x1024xf32, #tpu.memory_space<hbm>> -> memref<32768x1024xf32, #tpu.memory_space<hbm>>
    tpu.enqueue_indirect_dma source(%arg10 : memref<32x1024xf32, #tpu.memory_space<vmem>>) target(%dma_start3A_97 : memref<32768x1024xf32, #tpu.memory_space<hbm>>) offsets(%arg8 : memref<32xi32, #tpu.memory_space<vmem>>) semaphore(%arg14 : memref<!tpu.dma_semaphore, #tpu.memory_space<semaphore_mem>>)
    %dma_start3A_98 = arith.constant 0 : i32
    %dma_start3A_99 = arith.constant 0 : i32
    %dma_start3A_100 = tpu.memref_slice %arg6[%dma_start3A_98, %dma_start3A_99] : memref<32768x128xf32, #tpu.memory_space<hbm>> -> memref<32768x128xf32, #tpu.memory_space<hbm>>
    tpu.enqueue_indirect_dma source(%arg12 : memref<32x128xf32, #tpu.memory_space<vmem>>) target(%dma_start3A_100 : memref<32768x128xf32, #tpu.memory_space<hbm>>) offsets(%arg8 : memref<32xi32, #tpu.memory_space<vmem>>) semaphore(%arg16 : memref<!tpu.dma_semaphore, #tpu.memory_space<semaphore_mem>>)
    %dma_wait3A_101 = arith.constant 0 : i32
    %dma_wait3A_102 = arith.constant 0 : i32
    %dma_wait3A_103 = tpu.memref_slice %arg5[%dma_wait3A_101, %dma_wait3A_102] : memref<32768x1024xf32, #tpu.memory_space<hbm>> -> memref<32768x1024xf32, #tpu.memory_space<hbm>>
    tpu.wait_indirect_dma semaphore(%arg13 : memref<!tpu.dma_semaphore, #tpu.memory_space<semaphore_mem>>) src(%arg9 : memref<32x1024xf32, #tpu.memory_space<vmem>>) dst(%dma_wait3A_103 : memref<32768x1024xf32, #tpu.memory_space<hbm>>)
    %dma_wait3A_104 = arith.constant 0 : i32
    %dma_wait3A_105 = arith.constant 0 : i32
    %dma_wait3A_106 = tpu.memref_slice %arg6[%dma_wait3A_104, %dma_wait3A_105] : memref<32768x128xf32, #tpu.memory_space<hbm>> -> memref<32768x128xf32, #tpu.memory_space<hbm>>
    tpu.wait_indirect_dma semaphore(%arg15 : memref<!tpu.dma_semaphore, #tpu.memory_space<semaphore_mem>>) src(%arg11 : memref<32x128xf32, #tpu.memory_space<vmem>>) dst(%dma_wait3A_106 : memref<32768x128xf32, #tpu.memory_space<hbm>>)
    %add3A_107 = arith.constant 256 : i32
    %add3A_108 = arith.addi %mul3A_2, %add3A_107 : i32
    "tpu.region"() ({
      %run_scoped3A = tpu.sem_alloc : memref<!tpu.dma_semaphore, #tpu.memory_space<semaphore_mem>>
      %dma_start3A_225 = tpu.memref_slice %arg4[%add3A_108] : memref<16384xi32, #tpu.memory_space<hbm>> -> memref<32xi32, #tpu.memory_space<hbm>>
      %dma_start3A_226 = tpu.memref_slice %arg4[%add3A_108] : memref<16384xi32, #tpu.memory_space<hbm>> -> memref<32xi32, #tpu.memory_space<hbm>>
      tpu.enqueue_dma source(%dma_start3A_226 : memref<32xi32, #tpu.memory_space<hbm>>) target(%arg7 : memref<32xi32, #tpu.memory_space<vmem>>) target_semaphore(%run_scoped3A : memref<!tpu.dma_semaphore, #tpu.memory_space<semaphore_mem>>)
      %dma_wait3A_227 = tpu.memref_slice %arg4[%add3A_108] : memref<16384xi32, #tpu.memory_space<hbm>> -> memref<32xi32, #tpu.memory_space<hbm>>
      %dma_wait3A_228 = tpu.memref_slice %arg4[%add3A_108] : memref<16384xi32, #tpu.memory_space<hbm>> -> memref<32xi32, #tpu.memory_space<hbm>>
      tpu.wait_dma2 semaphore(%run_scoped3A : memref<!tpu.dma_semaphore, #tpu.memory_space<semaphore_mem>>) src(%dma_wait3A_228 : memref<32xi32, #tpu.memory_space<hbm>>) dst(%arg7 : memref<32xi32, #tpu.memory_space<vmem>>)
      tpu.yield
    }) : () -> ()
    "tpu.region"() ({
      %run_scoped3A = tpu.sem_alloc : memref<!tpu.dma_semaphore, #tpu.memory_space<semaphore_mem>>
      %dma_start3A_225 = arith.constant 0 : i32
      %dma_start3A_226 = tpu.memref_slice %arg2[%add3A_108, %dma_start3A_225] : memref<16384x1024xf32, #tpu.memory_space<hbm>> -> memref<32x1024xf32, #tpu.memory_space<hbm>>
      %dma_start3A_227 = arith.constant 0 : i32
      %dma_start3A_228 = tpu.memref_slice %arg2[%add3A_108, %dma_start3A_227] : memref<16384x1024xf32, #tpu.memory_space<hbm>> -> memref<32x1024xf32, #tpu.memory_space<hbm>>
      tpu.enqueue_dma source(%dma_start3A_228 : memref<32x1024xf32, #tpu.memory_space<hbm>>) target(%arg9 : memref<32x1024xf32, #tpu.memory_space<vmem>>) target_semaphore(%run_scoped3A : memref<!tpu.dma_semaphore, #tpu.memory_space<semaphore_mem>>)
      %dma_wait3A_229 = arith.constant 0 : i32
      %dma_wait3A_230 = tpu.memref_slice %arg2[%add3A_108, %dma_wait3A_229] : memref<16384x1024xf32, #tpu.memory_space<hbm>> -> memref<32x1024xf32, #tpu.memory_space<hbm>>
      %dma_wait3A_231 = arith.constant 0 : i32
      %dma_wait3A_232 = tpu.memref_slice %arg2[%add3A_108, %dma_wait3A_231] : memref<16384x1024xf32, #tpu.memory_space<hbm>> -> memref<32x1024xf32, #tpu.memory_space<hbm>>
      tpu.wait_dma2 semaphore(%run_scoped3A : memref<!tpu.dma_semaphore, #tpu.memory_space<semaphore_mem>>) src(%dma_wait3A_232 : memref<32x1024xf32, #tpu.memory_space<hbm>>) dst(%arg9 : memref<32x1024xf32, #tpu.memory_space<vmem>>)
      tpu.yield
    }) : () -> ()
    "tpu.region"() ({
      %run_scoped3A = tpu.sem_alloc : memref<!tpu.dma_semaphore, #tpu.memory_space<semaphore_mem>>
      %dma_start3A_225 = arith.constant 0 : i32
      %dma_start3A_226 = tpu.memref_slice %arg3[%add3A_108, %dma_start3A_225] : memref<16384x128xf32, #tpu.memory_space<hbm>> -> memref<32x128xf32, #tpu.memory_space<hbm>>
      %dma_start3A_227 = arith.constant 0 : i32
      %dma_start3A_228 = tpu.memref_slice %arg3[%add3A_108, %dma_start3A_227] : memref<16384x128xf32, #tpu.memory_space<hbm>> -> memref<32x128xf32, #tpu.memory_space<hbm>>
      tpu.enqueue_dma source(%dma_start3A_228 : memref<32x128xf32, #tpu.memory_space<hbm>>) target(%arg11 : memref<32x128xf32, #tpu.memory_space<vmem>>) target_semaphore(%run_scoped3A : memref<!tpu.dma_semaphore, #tpu.memory_space<semaphore_mem>>)
      %dma_wait3A_229 = arith.constant 0 : i32
      %dma_wait3A_230 = tpu.memref_slice %arg3[%add3A_108, %dma_wait3A_229] : memref<16384x128xf32, #tpu.memory_space<hbm>> -> memref<32x128xf32, #tpu.memory_space<hbm>>
      %dma_wait3A_231 = arith.constant 0 : i32
      %dma_wait3A_232 = tpu.memref_slice %arg3[%add3A_108, %dma_wait3A_231] : memref<16384x128xf32, #tpu.memory_space<hbm>> -> memref<32x128xf32, #tpu.memory_space<hbm>>
      tpu.wait_dma2 semaphore(%run_scoped3A : memref<!tpu.dma_semaphore, #tpu.memory_space<semaphore_mem>>) src(%dma_wait3A_232 : memref<32x128xf32, #tpu.memory_space<hbm>>) dst(%arg11 : memref<32x128xf32, #tpu.memory_space<vmem>>)
      tpu.yield
    }) : () -> ()
    %dma_start3A_109 = arith.constant 0 : i32
    %dma_start3A_110 = arith.constant 0 : i32
    %dma_start3A_111 = tpu.memref_slice %arg5[%dma_start3A_109, %dma_start3A_110] : memref<32768x1024xf32, #tpu.memory_space<hbm>> -> memref<32768x1024xf32, #tpu.memory_space<hbm>>
    tpu.enqueue_indirect_dma source(%arg9 : memref<32x1024xf32, #tpu.memory_space<vmem>>) target(%dma_start3A_111 : memref<32768x1024xf32, #tpu.memory_space<hbm>>) offsets(%arg7 : memref<32xi32, #tpu.memory_space<vmem>>) semaphore(%arg13 : memref<!tpu.dma_semaphore, #tpu.memory_space<semaphore_mem>>)
    %dma_start3A_112 = arith.constant 0 : i32
    %dma_start3A_113 = arith.constant 0 : i32
    %dma_start3A_114 = tpu.memref_slice %arg6[%dma_start3A_112, %dma_start3A_113] : memref<32768x128xf32, #tpu.memory_space<hbm>> -> memref<32768x128xf32, #tpu.memory_space<hbm>>
    tpu.enqueue_indirect_dma source(%arg11 : memref<32x128xf32, #tpu.memory_space<vmem>>) target(%dma_start3A_114 : memref<32768x128xf32, #tpu.memory_space<hbm>>) offsets(%arg7 : memref<32xi32, #tpu.memory_space<vmem>>) semaphore(%arg15 : memref<!tpu.dma_semaphore, #tpu.memory_space<semaphore_mem>>)
    %dma_wait3A_115 = arith.constant 0 : i32
    %dma_wait3A_116 = arith.constant 0 : i32
    %dma_wait3A_117 = tpu.memref_slice %arg5[%dma_wait3A_115, %dma_wait3A_116] : memref<32768x1024xf32, #tpu.memory_space<hbm>> -> memref<32768x1024xf32, #tpu.memory_space<hbm>>
    tpu.wait_indirect_dma semaphore(%arg14 : memref<!tpu.dma_semaphore, #tpu.memory_space<semaphore_mem>>) src(%arg10 : memref<32x1024xf32, #tpu.memory_space<vmem>>) dst(%dma_wait3A_117 : memref<32768x1024xf32, #tpu.memory_space<hbm>>)
    %dma_wait3A_118 = arith.constant 0 : i32
    %dma_wait3A_119 = arith.constant 0 : i32
    %dma_wait3A_120 = tpu.memref_slice %arg6[%dma_wait3A_118, %dma_wait3A_119] : memref<32768x128xf32, #tpu.memory_space<hbm>> -> memref<32768x128xf32, #tpu.memory_space<hbm>>
    tpu.wait_indirect_dma semaphore(%arg16 : memref<!tpu.dma_semaphore, #tpu.memory_space<semaphore_mem>>) src(%arg12 : memref<32x128xf32, #tpu.memory_space<vmem>>) dst(%dma_wait3A_120 : memref<32768x128xf32, #tpu.memory_space<hbm>>)
    %add3A_121 = arith.constant 288 : i32
    %add3A_122 = arith.addi %mul3A_2, %add3A_121 : i32
    "tpu.region"() ({
      %run_scoped3A = tpu.sem_alloc : memref<!tpu.dma_semaphore, #tpu.memory_space<semaphore_mem>>
      %dma_start3A_225 = tpu.memref_slice %arg4[%add3A_122] : memref<16384xi32, #tpu.memory_space<hbm>> -> memref<32xi32, #tpu.memory_space<hbm>>
      %dma_start3A_226 = tpu.memref_slice %arg4[%add3A_122] : memref<16384xi32, #tpu.memory_space<hbm>> -> memref<32xi32, #tpu.memory_space<hbm>>
      tpu.enqueue_dma source(%dma_start3A_226 : memref<32xi32, #tpu.memory_space<hbm>>) target(%arg8 : memref<32xi32, #tpu.memory_space<vmem>>) target_semaphore(%run_scoped3A : memref<!tpu.dma_semaphore, #tpu.memory_space<semaphore_mem>>)
      %dma_wait3A_227 = tpu.memref_slice %arg4[%add3A_122] : memref<16384xi32, #tpu.memory_space<hbm>> -> memref<32xi32, #tpu.memory_space<hbm>>
      %dma_wait3A_228 = tpu.memref_slice %arg4[%add3A_122] : memref<16384xi32, #tpu.memory_space<hbm>> -> memref<32xi32, #tpu.memory_space<hbm>>
      tpu.wait_dma2 semaphore(%run_scoped3A : memref<!tpu.dma_semaphore, #tpu.memory_space<semaphore_mem>>) src(%dma_wait3A_228 : memref<32xi32, #tpu.memory_space<hbm>>) dst(%arg8 : memref<32xi32, #tpu.memory_space<vmem>>)
      tpu.yield
    }) : () -> ()
    "tpu.region"() ({
      %run_scoped3A = tpu.sem_alloc : memref<!tpu.dma_semaphore, #tpu.memory_space<semaphore_mem>>
      %dma_start3A_225 = arith.constant 0 : i32
      %dma_start3A_226 = tpu.memref_slice %arg2[%add3A_122, %dma_start3A_225] : memref<16384x1024xf32, #tpu.memory_space<hbm>> -> memref<32x1024xf32, #tpu.memory_space<hbm>>
      %dma_start3A_227 = arith.constant 0 : i32
      %dma_start3A_228 = tpu.memref_slice %arg2[%add3A_122, %dma_start3A_227] : memref<16384x1024xf32, #tpu.memory_space<hbm>> -> memref<32x1024xf32, #tpu.memory_space<hbm>>
      tpu.enqueue_dma source(%dma_start3A_228 : memref<32x1024xf32, #tpu.memory_space<hbm>>) target(%arg10 : memref<32x1024xf32, #tpu.memory_space<vmem>>) target_semaphore(%run_scoped3A : memref<!tpu.dma_semaphore, #tpu.memory_space<semaphore_mem>>)
      %dma_wait3A_229 = arith.constant 0 : i32
      %dma_wait3A_230 = tpu.memref_slice %arg2[%add3A_122, %dma_wait3A_229] : memref<16384x1024xf32, #tpu.memory_space<hbm>> -> memref<32x1024xf32, #tpu.memory_space<hbm>>
      %dma_wait3A_231 = arith.constant 0 : i32
      %dma_wait3A_232 = tpu.memref_slice %arg2[%add3A_122, %dma_wait3A_231] : memref<16384x1024xf32, #tpu.memory_space<hbm>> -> memref<32x1024xf32, #tpu.memory_space<hbm>>
      tpu.wait_dma2 semaphore(%run_scoped3A : memref<!tpu.dma_semaphore, #tpu.memory_space<semaphore_mem>>) src(%dma_wait3A_232 : memref<32x1024xf32, #tpu.memory_space<hbm>>) dst(%arg10 : memref<32x1024xf32, #tpu.memory_space<vmem>>)
      tpu.yield
    }) : () -> ()
    "tpu.region"() ({
      %run_scoped3A = tpu.sem_alloc : memref<!tpu.dma_semaphore, #tpu.memory_space<semaphore_mem>>
      %dma_start3A_225 = arith.constant 0 : i32
      %dma_start3A_226 = tpu.memref_slice %arg3[%add3A_122, %dma_start3A_225] : memref<16384x128xf32, #tpu.memory_space<hbm>> -> memref<32x128xf32, #tpu.memory_space<hbm>>
      %dma_start3A_227 = arith.constant 0 : i32
      %dma_start3A_228 = tpu.memref_slice %arg3[%add3A_122, %dma_start3A_227] : memref<16384x128xf32, #tpu.memory_space<hbm>> -> memref<32x128xf32, #tpu.memory_space<hbm>>
      tpu.enqueue_dma source(%dma_start3A_228 : memref<32x128xf32, #tpu.memory_space<hbm>>) target(%arg12 : memref<32x128xf32, #tpu.memory_space<vmem>>) target_semaphore(%run_scoped3A : memref<!tpu.dma_semaphore, #tpu.memory_space<semaphore_mem>>)
      %dma_wait3A_229 = arith.constant 0 : i32
      %dma_wait3A_230 = tpu.memref_slice %arg3[%add3A_122, %dma_wait3A_229] : memref<16384x128xf32, #tpu.memory_space<hbm>> -> memref<32x128xf32, #tpu.memory_space<hbm>>
      %dma_wait3A_231 = arith.constant 0 : i32
      %dma_wait3A_232 = tpu.memref_slice %arg3[%add3A_122, %dma_wait3A_231] : memref<16384x128xf32, #tpu.memory_space<hbm>> -> memref<32x128xf32, #tpu.memory_space<hbm>>
      tpu.wait_dma2 semaphore(%run_scoped3A : memref<!tpu.dma_semaphore, #tpu.memory_space<semaphore_mem>>) src(%dma_wait3A_232 : memref<32x128xf32, #tpu.memory_space<hbm>>) dst(%arg12 : memref<32x128xf32, #tpu.memory_space<vmem>>)
      tpu.yield
    }) : () -> ()
    %dma_start3A_123 = arith.constant 0 : i32
    %dma_start3A_124 = arith.constant 0 : i32
    %dma_start3A_125 = tpu.memref_slice %arg5[%dma_start3A_123, %dma_start3A_124] : memref<32768x1024xf32, #tpu.memory_space<hbm>> -> memref<32768x1024xf32, #tpu.memory_space<hbm>>
    tpu.enqueue_indirect_dma source(%arg10 : memref<32x1024xf32, #tpu.memory_space<vmem>>) target(%dma_start3A_125 : memref<32768x1024xf32, #tpu.memory_space<hbm>>) offsets(%arg8 : memref<32xi32, #tpu.memory_space<vmem>>) semaphore(%arg14 : memref<!tpu.dma_semaphore, #tpu.memory_space<semaphore_mem>>)
    %dma_start3A_126 = arith.constant 0 : i32
    %dma_start3A_127 = arith.constant 0 : i32
    %dma_start3A_128 = tpu.memref_slice %arg6[%dma_start3A_126, %dma_start3A_127] : memref<32768x128xf32, #tpu.memory_space<hbm>> -> memref<32768x128xf32, #tpu.memory_space<hbm>>
    tpu.enqueue_indirect_dma source(%arg12 : memref<32x128xf32, #tpu.memory_space<vmem>>) target(%dma_start3A_128 : memref<32768x128xf32, #tpu.memory_space<hbm>>) offsets(%arg8 : memref<32xi32, #tpu.memory_space<vmem>>) semaphore(%arg16 : memref<!tpu.dma_semaphore, #tpu.memory_space<semaphore_mem>>)
    %dma_wait3A_129 = arith.constant 0 : i32
    %dma_wait3A_130 = arith.constant 0 : i32
    %dma_wait3A_131 = tpu.memref_slice %arg5[%dma_wait3A_129, %dma_wait3A_130] : memref<32768x1024xf32, #tpu.memory_space<hbm>> -> memref<32768x1024xf32, #tpu.memory_space<hbm>>
    tpu.wait_indirect_dma semaphore(%arg13 : memref<!tpu.dma_semaphore, #tpu.memory_space<semaphore_mem>>) src(%arg9 : memref<32x1024xf32, #tpu.memory_space<vmem>>) dst(%dma_wait3A_131 : memref<32768x1024xf32, #tpu.memory_space<hbm>>)
    %dma_wait3A_132 = arith.constant 0 : i32
    %dma_wait3A_133 = arith.constant 0 : i32
    %dma_wait3A_134 = tpu.memref_slice %arg6[%dma_wait3A_132, %dma_wait3A_133] : memref<32768x128xf32, #tpu.memory_space<hbm>> -> memref<32768x128xf32, #tpu.memory_space<hbm>>
    tpu.wait_indirect_dma semaphore(%arg15 : memref<!tpu.dma_semaphore, #tpu.memory_space<semaphore_mem>>) src(%arg11 : memref<32x128xf32, #tpu.memory_space<vmem>>) dst(%dma_wait3A_134 : memref<32768x128xf32, #tpu.memory_space<hbm>>)
    %add3A_135 = arith.constant 320 : i32
    %add3A_136 = arith.addi %mul3A_2, %add3A_135 : i32
    "tpu.region"() ({
      %run_scoped3A = tpu.sem_alloc : memref<!tpu.dma_semaphore, #tpu.memory_space<semaphore_mem>>
      %dma_start3A_225 = tpu.memref_slice %arg4[%add3A_136] : memref<16384xi32, #tpu.memory_space<hbm>> -> memref<32xi32, #tpu.memory_space<hbm>>
      %dma_start3A_226 = tpu.memref_slice %arg4[%add3A_136] : memref<16384xi32, #tpu.memory_space<hbm>> -> memref<32xi32, #tpu.memory_space<hbm>>
      tpu.enqueue_dma source(%dma_start3A_226 : memref<32xi32, #tpu.memory_space<hbm>>) target(%arg7 : memref<32xi32, #tpu.memory_space<vmem>>) target_semaphore(%run_scoped3A : memref<!tpu.dma_semaphore, #tpu.memory_space<semaphore_mem>>)
      %dma_wait3A_227 = tpu.memref_slice %arg4[%add3A_136] : memref<16384xi32, #tpu.memory_space<hbm>> -> memref<32xi32, #tpu.memory_space<hbm>>
      %dma_wait3A_228 = tpu.memref_slice %arg4[%add3A_136] : memref<16384xi32, #tpu.memory_space<hbm>> -> memref<32xi32, #tpu.memory_space<hbm>>
      tpu.wait_dma2 semaphore(%run_scoped3A : memref<!tpu.dma_semaphore, #tpu.memory_space<semaphore_mem>>) src(%dma_wait3A_228 : memref<32xi32, #tpu.memory_space<hbm>>) dst(%arg7 : memref<32xi32, #tpu.memory_space<vmem>>)
      tpu.yield
    }) : () -> ()
    "tpu.region"() ({
      %run_scoped3A = tpu.sem_alloc : memref<!tpu.dma_semaphore, #tpu.memory_space<semaphore_mem>>
      %dma_start3A_225 = arith.constant 0 : i32
      %dma_start3A_226 = tpu.memref_slice %arg2[%add3A_136, %dma_start3A_225] : memref<16384x1024xf32, #tpu.memory_space<hbm>> -> memref<32x1024xf32, #tpu.memory_space<hbm>>
      %dma_start3A_227 = arith.constant 0 : i32
      %dma_start3A_228 = tpu.memref_slice %arg2[%add3A_136, %dma_start3A_227] : memref<16384x1024xf32, #tpu.memory_space<hbm>> -> memref<32x1024xf32, #tpu.memory_space<hbm>>
      tpu.enqueue_dma source(%dma_start3A_228 : memref<32x1024xf32, #tpu.memory_space<hbm>>) target(%arg9 : memref<32x1024xf32, #tpu.memory_space<vmem>>) target_semaphore(%run_scoped3A : memref<!tpu.dma_semaphore, #tpu.memory_space<semaphore_mem>>)
      %dma_wait3A_229 = arith.constant 0 : i32
      %dma_wait3A_230 = tpu.memref_slice %arg2[%add3A_136, %dma_wait3A_229] : memref<16384x1024xf32, #tpu.memory_space<hbm>> -> memref<32x1024xf32, #tpu.memory_space<hbm>>
      %dma_wait3A_231 = arith.constant 0 : i32
      %dma_wait3A_232 = tpu.memref_slice %arg2[%add3A_136, %dma_wait3A_231] : memref<16384x1024xf32, #tpu.memory_space<hbm>> -> memref<32x1024xf32, #tpu.memory_space<hbm>>
      tpu.wait_dma2 semaphore(%run_scoped3A : memref<!tpu.dma_semaphore, #tpu.memory_space<semaphore_mem>>) src(%dma_wait3A_232 : memref<32x1024xf32, #tpu.memory_space<hbm>>) dst(%arg9 : memref<32x1024xf32, #tpu.memory_space<vmem>>)
      tpu.yield
    }) : () -> ()
    "tpu.region"() ({
      %run_scoped3A = tpu.sem_alloc : memref<!tpu.dma_semaphore, #tpu.memory_space<semaphore_mem>>
      %dma_start3A_225 = arith.constant 0 : i32
      %dma_start3A_226 = tpu.memref_slice %arg3[%add3A_136, %dma_start3A_225] : memref<16384x128xf32, #tpu.memory_space<hbm>> -> memref<32x128xf32, #tpu.memory_space<hbm>>
      %dma_start3A_227 = arith.constant 0 : i32
      %dma_start3A_228 = tpu.memref_slice %arg3[%add3A_136, %dma_start3A_227] : memref<16384x128xf32, #tpu.memory_space<hbm>> -> memref<32x128xf32, #tpu.memory_space<hbm>>
      tpu.enqueue_dma source(%dma_start3A_228 : memref<32x128xf32, #tpu.memory_space<hbm>>) target(%arg11 : memref<32x128xf32, #tpu.memory_space<vmem>>) target_semaphore(%run_scoped3A : memref<!tpu.dma_semaphore, #tpu.memory_space<semaphore_mem>>)
      %dma_wait3A_229 = arith.constant 0 : i32
      %dma_wait3A_230 = tpu.memref_slice %arg3[%add3A_136, %dma_wait3A_229] : memref<16384x128xf32, #tpu.memory_space<hbm>> -> memref<32x128xf32, #tpu.memory_space<hbm>>
      %dma_wait3A_231 = arith.constant 0 : i32
      %dma_wait3A_232 = tpu.memref_slice %arg3[%add3A_136, %dma_wait3A_231] : memref<16384x128xf32, #tpu.memory_space<hbm>> -> memref<32x128xf32, #tpu.memory_space<hbm>>
      tpu.wait_dma2 semaphore(%run_scoped3A : memref<!tpu.dma_semaphore, #tpu.memory_space<semaphore_mem>>) src(%dma_wait3A_232 : memref<32x128xf32, #tpu.memory_space<hbm>>) dst(%arg11 : memref<32x128xf32, #tpu.memory_space<vmem>>)
      tpu.yield
    }) : () -> ()
    %dma_start3A_137 = arith.constant 0 : i32
    %dma_start3A_138 = arith.constant 0 : i32
    %dma_start3A_139 = tpu.memref_slice %arg5[%dma_start3A_137, %dma_start3A_138] : memref<32768x1024xf32, #tpu.memory_space<hbm>> -> memref<32768x1024xf32, #tpu.memory_space<hbm>>
    tpu.enqueue_indirect_dma source(%arg9 : memref<32x1024xf32, #tpu.memory_space<vmem>>) target(%dma_start3A_139 : memref<32768x1024xf32, #tpu.memory_space<hbm>>) offsets(%arg7 : memref<32xi32, #tpu.memory_space<vmem>>) semaphore(%arg13 : memref<!tpu.dma_semaphore, #tpu.memory_space<semaphore_mem>>)
    %dma_start3A_140 = arith.constant 0 : i32
    %dma_start3A_141 = arith.constant 0 : i32
    %dma_start3A_142 = tpu.memref_slice %arg6[%dma_start3A_140, %dma_start3A_141] : memref<32768x128xf32, #tpu.memory_space<hbm>> -> memref<32768x128xf32, #tpu.memory_space<hbm>>
    tpu.enqueue_indirect_dma source(%arg11 : memref<32x128xf32, #tpu.memory_space<vmem>>) target(%dma_start3A_142 : memref<32768x128xf32, #tpu.memory_space<hbm>>) offsets(%arg7 : memref<32xi32, #tpu.memory_space<vmem>>) semaphore(%arg15 : memref<!tpu.dma_semaphore, #tpu.memory_space<semaphore_mem>>)
    %dma_wait3A_143 = arith.constant 0 : i32
    %dma_wait3A_144 = arith.constant 0 : i32
    %dma_wait3A_145 = tpu.memref_slice %arg5[%dma_wait3A_143, %dma_wait3A_144] : memref<32768x1024xf32, #tpu.memory_space<hbm>> -> memref<32768x1024xf32, #tpu.memory_space<hbm>>
    tpu.wait_indirect_dma semaphore(%arg14 : memref<!tpu.dma_semaphore, #tpu.memory_space<semaphore_mem>>) src(%arg10 : memref<32x1024xf32, #tpu.memory_space<vmem>>) dst(%dma_wait3A_145 : memref<32768x1024xf32, #tpu.memory_space<hbm>>)
    %dma_wait3A_146 = arith.constant 0 : i32
    %dma_wait3A_147 = arith.constant 0 : i32
    %dma_wait3A_148 = tpu.memref_slice %arg6[%dma_wait3A_146, %dma_wait3A_147] : memref<32768x128xf32, #tpu.memory_space<hbm>> -> memref<32768x128xf32, #tpu.memory_space<hbm>>
    tpu.wait_indirect_dma semaphore(%arg16 : memref<!tpu.dma_semaphore, #tpu.memory_space<semaphore_mem>>) src(%arg12 : memref<32x128xf32, #tpu.memory_space<vmem>>) dst(%dma_wait3A_148 : memref<32768x128xf32, #tpu.memory_space<hbm>>)
    %add3A_149 = arith.constant 352 : i32
    %add3A_150 = arith.addi %mul3A_2, %add3A_149 : i32
    "tpu.region"() ({
      %run_scoped3A = tpu.sem_alloc : memref<!tpu.dma_semaphore, #tpu.memory_space<semaphore_mem>>
      %dma_start3A_225 = tpu.memref_slice %arg4[%add3A_150] : memref<16384xi32, #tpu.memory_space<hbm>> -> memref<32xi32, #tpu.memory_space<hbm>>
      %dma_start3A_226 = tpu.memref_slice %arg4[%add3A_150] : memref<16384xi32, #tpu.memory_space<hbm>> -> memref<32xi32, #tpu.memory_space<hbm>>
      tpu.enqueue_dma source(%dma_start3A_226 : memref<32xi32, #tpu.memory_space<hbm>>) target(%arg8 : memref<32xi32, #tpu.memory_space<vmem>>) target_semaphore(%run_scoped3A : memref<!tpu.dma_semaphore, #tpu.memory_space<semaphore_mem>>)
      %dma_wait3A_227 = tpu.memref_slice %arg4[%add3A_150] : memref<16384xi32, #tpu.memory_space<hbm>> -> memref<32xi32, #tpu.memory_space<hbm>>
      %dma_wait3A_228 = tpu.memref_slice %arg4[%add3A_150] : memref<16384xi32, #tpu.memory_space<hbm>> -> memref<32xi32, #tpu.memory_space<hbm>>
      tpu.wait_dma2 semaphore(%run_scoped3A : memref<!tpu.dma_semaphore, #tpu.memory_space<semaphore_mem>>) src(%dma_wait3A_228 : memref<32xi32, #tpu.memory_space<hbm>>) dst(%arg8 : memref<32xi32, #tpu.memory_space<vmem>>)
      tpu.yield
    }) : () -> ()
    "tpu.region"() ({
      %run_scoped3A = tpu.sem_alloc : memref<!tpu.dma_semaphore, #tpu.memory_space<semaphore_mem>>
      %dma_start3A_225 = arith.constant 0 : i32
      %dma_start3A_226 = tpu.memref_slice %arg2[%add3A_150, %dma_start3A_225] : memref<16384x1024xf32, #tpu.memory_space<hbm>> -> memref<32x1024xf32, #tpu.memory_space<hbm>>
      %dma_start3A_227 = arith.constant 0 : i32
      %dma_start3A_228 = tpu.memref_slice %arg2[%add3A_150, %dma_start3A_227] : memref<16384x1024xf32, #tpu.memory_space<hbm>> -> memref<32x1024xf32, #tpu.memory_space<hbm>>
      tpu.enqueue_dma source(%dma_start3A_228 : memref<32x1024xf32, #tpu.memory_space<hbm>>) target(%arg10 : memref<32x1024xf32, #tpu.memory_space<vmem>>) target_semaphore(%run_scoped3A : memref<!tpu.dma_semaphore, #tpu.memory_space<semaphore_mem>>)
      %dma_wait3A_229 = arith.constant 0 : i32
      %dma_wait3A_230 = tpu.memref_slice %arg2[%add3A_150, %dma_wait3A_229] : memref<16384x1024xf32, #tpu.memory_space<hbm>> -> memref<32x1024xf32, #tpu.memory_space<hbm>>
      %dma_wait3A_231 = arith.constant 0 : i32
      %dma_wait3A_232 = tpu.memref_slice %arg2[%add3A_150, %dma_wait3A_231] : memref<16384x1024xf32, #tpu.memory_space<hbm>> -> memref<32x1024xf32, #tpu.memory_space<hbm>>
      tpu.wait_dma2 semaphore(%run_scoped3A : memref<!tpu.dma_semaphore, #tpu.memory_space<semaphore_mem>>) src(%dma_wait3A_232 : memref<32x1024xf32, #tpu.memory_space<hbm>>) dst(%arg10 : memref<32x1024xf32, #tpu.memory_space<vmem>>)
      tpu.yield
    }) : () -> ()
    "tpu.region"() ({
      %run_scoped3A = tpu.sem_alloc : memref<!tpu.dma_semaphore, #tpu.memory_space<semaphore_mem>>
      %dma_start3A_225 = arith.constant 0 : i32
      %dma_start3A_226 = tpu.memref_slice %arg3[%add3A_150, %dma_start3A_225] : memref<16384x128xf32, #tpu.memory_space<hbm>> -> memref<32x128xf32, #tpu.memory_space<hbm>>
      %dma_start3A_227 = arith.constant 0 : i32
      %dma_start3A_228 = tpu.memref_slice %arg3[%add3A_150, %dma_start3A_227] : memref<16384x128xf32, #tpu.memory_space<hbm>> -> memref<32x128xf32, #tpu.memory_space<hbm>>
      tpu.enqueue_dma source(%dma_start3A_228 : memref<32x128xf32, #tpu.memory_space<hbm>>) target(%arg12 : memref<32x128xf32, #tpu.memory_space<vmem>>) target_semaphore(%run_scoped3A : memref<!tpu.dma_semaphore, #tpu.memory_space<semaphore_mem>>)
      %dma_wait3A_229 = arith.constant 0 : i32
      %dma_wait3A_230 = tpu.memref_slice %arg3[%add3A_150, %dma_wait3A_229] : memref<16384x128xf32, #tpu.memory_space<hbm>> -> memref<32x128xf32, #tpu.memory_space<hbm>>
      %dma_wait3A_231 = arith.constant 0 : i32
      %dma_wait3A_232 = tpu.memref_slice %arg3[%add3A_150, %dma_wait3A_231] : memref<16384x128xf32, #tpu.memory_space<hbm>> -> memref<32x128xf32, #tpu.memory_space<hbm>>
      tpu.wait_dma2 semaphore(%run_scoped3A : memref<!tpu.dma_semaphore, #tpu.memory_space<semaphore_mem>>) src(%dma_wait3A_232 : memref<32x128xf32, #tpu.memory_space<hbm>>) dst(%arg12 : memref<32x128xf32, #tpu.memory_space<vmem>>)
      tpu.yield
    }) : () -> ()
    %dma_start3A_151 = arith.constant 0 : i32
    %dma_start3A_152 = arith.constant 0 : i32
    %dma_start3A_153 = tpu.memref_slice %arg5[%dma_start3A_151, %dma_start3A_152] : memref<32768x1024xf32, #tpu.memory_space<hbm>> -> memref<32768x1024xf32, #tpu.memory_space<hbm>>
    tpu.enqueue_indirect_dma source(%arg10 : memref<32x1024xf32, #tpu.memory_space<vmem>>) target(%dma_start3A_153 : memref<32768x1024xf32, #tpu.memory_space<hbm>>) offsets(%arg8 : memref<32xi32, #tpu.memory_space<vmem>>) semaphore(%arg14 : memref<!tpu.dma_semaphore, #tpu.memory_space<semaphore_mem>>)
    %dma_start3A_154 = arith.constant 0 : i32
    %dma_start3A_155 = arith.constant 0 : i32
    %dma_start3A_156 = tpu.memref_slice %arg6[%dma_start3A_154, %dma_start3A_155] : memref<32768x128xf32, #tpu.memory_space<hbm>> -> memref<32768x128xf32, #tpu.memory_space<hbm>>
    tpu.enqueue_indirect_dma source(%arg12 : memref<32x128xf32, #tpu.memory_space<vmem>>) target(%dma_start3A_156 : memref<32768x128xf32, #tpu.memory_space<hbm>>) offsets(%arg8 : memref<32xi32, #tpu.memory_space<vmem>>) semaphore(%arg16 : memref<!tpu.dma_semaphore, #tpu.memory_space<semaphore_mem>>)
    %dma_wait3A_157 = arith.constant 0 : i32
    %dma_wait3A_158 = arith.constant 0 : i32
    %dma_wait3A_159 = tpu.memref_slice %arg5[%dma_wait3A_157, %dma_wait3A_158] : memref<32768x1024xf32, #tpu.memory_space<hbm>> -> memref<32768x1024xf32, #tpu.memory_space<hbm>>
    tpu.wait_indirect_dma semaphore(%arg13 : memref<!tpu.dma_semaphore, #tpu.memory_space<semaphore_mem>>) src(%arg9 : memref<32x1024xf32, #tpu.memory_space<vmem>>) dst(%dma_wait3A_159 : memref<32768x1024xf32, #tpu.memory_space<hbm>>)
    %dma_wait3A_160 = arith.constant 0 : i32
    %dma_wait3A_161 = arith.constant 0 : i32
    %dma_wait3A_162 = tpu.memref_slice %arg6[%dma_wait3A_160, %dma_wait3A_161] : memref<32768x128xf32, #tpu.memory_space<hbm>> -> memref<32768x128xf32, #tpu.memory_space<hbm>>
    tpu.wait_indirect_dma semaphore(%arg15 : memref<!tpu.dma_semaphore, #tpu.memory_space<semaphore_mem>>) src(%arg11 : memref<32x128xf32, #tpu.memory_space<vmem>>) dst(%dma_wait3A_162 : memref<32768x128xf32, #tpu.memory_space<hbm>>)
    %add3A_163 = arith.constant 384 : i32
    %add3A_164 = arith.addi %mul3A_2, %add3A_163 : i32
    "tpu.region"() ({
      %run_scoped3A = tpu.sem_alloc : memref<!tpu.dma_semaphore, #tpu.memory_space<semaphore_mem>>
      %dma_start3A_225 = tpu.memref_slice %arg4[%add3A_164] : memref<16384xi32, #tpu.memory_space<hbm>> -> memref<32xi32, #tpu.memory_space<hbm>>
      %dma_start3A_226 = tpu.memref_slice %arg4[%add3A_164] : memref<16384xi32, #tpu.memory_space<hbm>> -> memref<32xi32, #tpu.memory_space<hbm>>
      tpu.enqueue_dma source(%dma_start3A_226 : memref<32xi32, #tpu.memory_space<hbm>>) target(%arg7 : memref<32xi32, #tpu.memory_space<vmem>>) target_semaphore(%run_scoped3A : memref<!tpu.dma_semaphore, #tpu.memory_space<semaphore_mem>>)
      %dma_wait3A_227 = tpu.memref_slice %arg4[%add3A_164] : memref<16384xi32, #tpu.memory_space<hbm>> -> memref<32xi32, #tpu.memory_space<hbm>>
      %dma_wait3A_228 = tpu.memref_slice %arg4[%add3A_164] : memref<16384xi32, #tpu.memory_space<hbm>> -> memref<32xi32, #tpu.memory_space<hbm>>
      tpu.wait_dma2 semaphore(%run_scoped3A : memref<!tpu.dma_semaphore, #tpu.memory_space<semaphore_mem>>) src(%dma_wait3A_228 : memref<32xi32, #tpu.memory_space<hbm>>) dst(%arg7 : memref<32xi32, #tpu.memory_space<vmem>>)
      tpu.yield
    }) : () -> ()
    "tpu.region"() ({
      %run_scoped3A = tpu.sem_alloc : memref<!tpu.dma_semaphore, #tpu.memory_space<semaphore_mem>>
      %dma_start3A_225 = arith.constant 0 : i32
      %dma_start3A_226 = tpu.memref_slice %arg2[%add3A_164, %dma_start3A_225] : memref<16384x1024xf32, #tpu.memory_space<hbm>> -> memref<32x1024xf32, #tpu.memory_space<hbm>>
      %dma_start3A_227 = arith.constant 0 : i32
      %dma_start3A_228 = tpu.memref_slice %arg2[%add3A_164, %dma_start3A_227] : memref<16384x1024xf32, #tpu.memory_space<hbm>> -> memref<32x1024xf32, #tpu.memory_space<hbm>>
      tpu.enqueue_dma source(%dma_start3A_228 : memref<32x1024xf32, #tpu.memory_space<hbm>>) target(%arg9 : memref<32x1024xf32, #tpu.memory_space<vmem>>) target_semaphore(%run_scoped3A : memref<!tpu.dma_semaphore, #tpu.memory_space<semaphore_mem>>)
      %dma_wait3A_229 = arith.constant 0 : i32
      %dma_wait3A_230 = tpu.memref_slice %arg2[%add3A_164, %dma_wait3A_229] : memref<16384x1024xf32, #tpu.memory_space<hbm>> -> memref<32x1024xf32, #tpu.memory_space<hbm>>
      %dma_wait3A_231 = arith.constant 0 : i32
      %dma_wait3A_232 = tpu.memref_slice %arg2[%add3A_164, %dma_wait3A_231] : memref<16384x1024xf32, #tpu.memory_space<hbm>> -> memref<32x1024xf32, #tpu.memory_space<hbm>>
      tpu.wait_dma2 semaphore(%run_scoped3A : memref<!tpu.dma_semaphore, #tpu.memory_space<semaphore_mem>>) src(%dma_wait3A_232 : memref<32x1024xf32, #tpu.memory_space<hbm>>) dst(%arg9 : memref<32x1024xf32, #tpu.memory_space<vmem>>)
      tpu.yield
    }) : () -> ()
    "tpu.region"() ({
      %run_scoped3A = tpu.sem_alloc : memref<!tpu.dma_semaphore, #tpu.memory_space<semaphore_mem>>
      %dma_start3A_225 = arith.constant 0 : i32
      %dma_start3A_226 = tpu.memref_slice %arg3[%add3A_164, %dma_start3A_225] : memref<16384x128xf32, #tpu.memory_space<hbm>> -> memref<32x128xf32, #tpu.memory_space<hbm>>
      %dma_start3A_227 = arith.constant 0 : i32
      %dma_start3A_228 = tpu.memref_slice %arg3[%add3A_164, %dma_start3A_227] : memref<16384x128xf32, #tpu.memory_space<hbm>> -> memref<32x128xf32, #tpu.memory_space<hbm>>
      tpu.enqueue_dma source(%dma_start3A_228 : memref<32x128xf32, #tpu.memory_space<hbm>>) target(%arg11 : memref<32x128xf32, #tpu.memory_space<vmem>>) target_semaphore(%run_scoped3A : memref<!tpu.dma_semaphore, #tpu.memory_space<semaphore_mem>>)
      %dma_wait3A_229 = arith.constant 0 : i32
      %dma_wait3A_230 = tpu.memref_slice %arg3[%add3A_164, %dma_wait3A_229] : memref<16384x128xf32, #tpu.memory_space<hbm>> -> memref<32x128xf32, #tpu.memory_space<hbm>>
      %dma_wait3A_231 = arith.constant 0 : i32
      %dma_wait3A_232 = tpu.memref_slice %arg3[%add3A_164, %dma_wait3A_231] : memref<16384x128xf32, #tpu.memory_space<hbm>> -> memref<32x128xf32, #tpu.memory_space<hbm>>
      tpu.wait_dma2 semaphore(%run_scoped3A : memref<!tpu.dma_semaphore, #tpu.memory_space<semaphore_mem>>) src(%dma_wait3A_232 : memref<32x128xf32, #tpu.memory_space<hbm>>) dst(%arg11 : memref<32x128xf32, #tpu.memory_space<vmem>>)
      tpu.yield
    }) : () -> ()
    %dma_start3A_165 = arith.constant 0 : i32
    %dma_start3A_166 = arith.constant 0 : i32
    %dma_start3A_167 = tpu.memref_slice %arg5[%dma_start3A_165, %dma_start3A_166] : memref<32768x1024xf32, #tpu.memory_space<hbm>> -> memref<32768x1024xf32, #tpu.memory_space<hbm>>
    tpu.enqueue_indirect_dma source(%arg9 : memref<32x1024xf32, #tpu.memory_space<vmem>>) target(%dma_start3A_167 : memref<32768x1024xf32, #tpu.memory_space<hbm>>) offsets(%arg7 : memref<32xi32, #tpu.memory_space<vmem>>) semaphore(%arg13 : memref<!tpu.dma_semaphore, #tpu.memory_space<semaphore_mem>>)
    %dma_start3A_168 = arith.constant 0 : i32
    %dma_start3A_169 = arith.constant 0 : i32
    %dma_start3A_170 = tpu.memref_slice %arg6[%dma_start3A_168, %dma_start3A_169] : memref<32768x128xf32, #tpu.memory_space<hbm>> -> memref<32768x128xf32, #tpu.memory_space<hbm>>
    tpu.enqueue_indirect_dma source(%arg11 : memref<32x128xf32, #tpu.memory_space<vmem>>) target(%dma_start3A_170 : memref<32768x128xf32, #tpu.memory_space<hbm>>) offsets(%arg7 : memref<32xi32, #tpu.memory_space<vmem>>) semaphore(%arg15 : memref<!tpu.dma_semaphore, #tpu.memory_space<semaphore_mem>>)
    %dma_wait3A_171 = arith.constant 0 : i32
    %dma_wait3A_172 = arith.constant 0 : i32
    %dma_wait3A_173 = tpu.memref_slice %arg5[%dma_wait3A_171, %dma_wait3A_172] : memref<32768x1024xf32, #tpu.memory_space<hbm>> -> memref<32768x1024xf32, #tpu.memory_space<hbm>>
    tpu.wait_indirect_dma semaphore(%arg14 : memref<!tpu.dma_semaphore, #tpu.memory_space<semaphore_mem>>) src(%arg10 : memref<32x1024xf32, #tpu.memory_space<vmem>>) dst(%dma_wait3A_173 : memref<32768x1024xf32, #tpu.memory_space<hbm>>)
    %dma_wait3A_174 = arith.constant 0 : i32
    %dma_wait3A_175 = arith.constant 0 : i32
    %dma_wait3A_176 = tpu.memref_slice %arg6[%dma_wait3A_174, %dma_wait3A_175] : memref<32768x128xf32, #tpu.memory_space<hbm>> -> memref<32768x128xf32, #tpu.memory_space<hbm>>
    tpu.wait_indirect_dma semaphore(%arg16 : memref<!tpu.dma_semaphore, #tpu.memory_space<semaphore_mem>>) src(%arg12 : memref<32x128xf32, #tpu.memory_space<vmem>>) dst(%dma_wait3A_176 : memref<32768x128xf32, #tpu.memory_space<hbm>>)
    %add3A_177 = arith.constant 416 : i32
    %add3A_178 = arith.addi %mul3A_2, %add3A_177 : i32
    "tpu.region"() ({
      %run_scoped3A = tpu.sem_alloc : memref<!tpu.dma_semaphore, #tpu.memory_space<semaphore_mem>>
      %dma_start3A_225 = tpu.memref_slice %arg4[%add3A_178] : memref<16384xi32, #tpu.memory_space<hbm>> -> memref<32xi32, #tpu.memory_space<hbm>>
      %dma_start3A_226 = tpu.memref_slice %arg4[%add3A_178] : memref<16384xi32, #tpu.memory_space<hbm>> -> memref<32xi32, #tpu.memory_space<hbm>>
      tpu.enqueue_dma source(%dma_start3A_226 : memref<32xi32, #tpu.memory_space<hbm>>) target(%arg8 : memref<32xi32, #tpu.memory_space<vmem>>) target_semaphore(%run_scoped3A : memref<!tpu.dma_semaphore, #tpu.memory_space<semaphore_mem>>)
      %dma_wait3A_227 = tpu.memref_slice %arg4[%add3A_178] : memref<16384xi32, #tpu.memory_space<hbm>> -> memref<32xi32, #tpu.memory_space<hbm>>
      %dma_wait3A_228 = tpu.memref_slice %arg4[%add3A_178] : memref<16384xi32, #tpu.memory_space<hbm>> -> memref<32xi32, #tpu.memory_space<hbm>>
      tpu.wait_dma2 semaphore(%run_scoped3A : memref<!tpu.dma_semaphore, #tpu.memory_space<semaphore_mem>>) src(%dma_wait3A_228 : memref<32xi32, #tpu.memory_space<hbm>>) dst(%arg8 : memref<32xi32, #tpu.memory_space<vmem>>)
      tpu.yield
    }) : () -> ()
    "tpu.region"() ({
      %run_scoped3A = tpu.sem_alloc : memref<!tpu.dma_semaphore, #tpu.memory_space<semaphore_mem>>
      %dma_start3A_225 = arith.constant 0 : i32
      %dma_start3A_226 = tpu.memref_slice %arg2[%add3A_178, %dma_start3A_225] : memref<16384x1024xf32, #tpu.memory_space<hbm>> -> memref<32x1024xf32, #tpu.memory_space<hbm>>
      %dma_start3A_227 = arith.constant 0 : i32
      %dma_start3A_228 = tpu.memref_slice %arg2[%add3A_178, %dma_start3A_227] : memref<16384x1024xf32, #tpu.memory_space<hbm>> -> memref<32x1024xf32, #tpu.memory_space<hbm>>
      tpu.enqueue_dma source(%dma_start3A_228 : memref<32x1024xf32, #tpu.memory_space<hbm>>) target(%arg10 : memref<32x1024xf32, #tpu.memory_space<vmem>>) target_semaphore(%run_scoped3A : memref<!tpu.dma_semaphore, #tpu.memory_space<semaphore_mem>>)
      %dma_wait3A_229 = arith.constant 0 : i32
      %dma_wait3A_230 = tpu.memref_slice %arg2[%add3A_178, %dma_wait3A_229] : memref<16384x1024xf32, #tpu.memory_space<hbm>> -> memref<32x1024xf32, #tpu.memory_space<hbm>>
      %dma_wait3A_231 = arith.constant 0 : i32
      %dma_wait3A_232 = tpu.memref_slice %arg2[%add3A_178, %dma_wait3A_231] : memref<16384x1024xf32, #tpu.memory_space<hbm>> -> memref<32x1024xf32, #tpu.memory_space<hbm>>
      tpu.wait_dma2 semaphore(%run_scoped3A : memref<!tpu.dma_semaphore, #tpu.memory_space<semaphore_mem>>) src(%dma_wait3A_232 : memref<32x1024xf32, #tpu.memory_space<hbm>>) dst(%arg10 : memref<32x1024xf32, #tpu.memory_space<vmem>>)
      tpu.yield
    }) : () -> ()
    "tpu.region"() ({
      %run_scoped3A = tpu.sem_alloc : memref<!tpu.dma_semaphore, #tpu.memory_space<semaphore_mem>>
      %dma_start3A_225 = arith.constant 0 : i32
      %dma_start3A_226 = tpu.memref_slice %arg3[%add3A_178, %dma_start3A_225] : memref<16384x128xf32, #tpu.memory_space<hbm>> -> memref<32x128xf32, #tpu.memory_space<hbm>>
      %dma_start3A_227 = arith.constant 0 : i32
      %dma_start3A_228 = tpu.memref_slice %arg3[%add3A_178, %dma_start3A_227] : memref<16384x128xf32, #tpu.memory_space<hbm>> -> memref<32x128xf32, #tpu.memory_space<hbm>>
      tpu.enqueue_dma source(%dma_start3A_228 : memref<32x128xf32, #tpu.memory_space<hbm>>) target(%arg12 : memref<32x128xf32, #tpu.memory_space<vmem>>) target_semaphore(%run_scoped3A : memref<!tpu.dma_semaphore, #tpu.memory_space<semaphore_mem>>)
      %dma_wait3A_229 = arith.constant 0 : i32
      %dma_wait3A_230 = tpu.memref_slice %arg3[%add3A_178, %dma_wait3A_229] : memref<16384x128xf32, #tpu.memory_space<hbm>> -> memref<32x128xf32, #tpu.memory_space<hbm>>
      %dma_wait3A_231 = arith.constant 0 : i32
      %dma_wait3A_232 = tpu.memref_slice %arg3[%add3A_178, %dma_wait3A_231] : memref<16384x128xf32, #tpu.memory_space<hbm>> -> memref<32x128xf32, #tpu.memory_space<hbm>>
      tpu.wait_dma2 semaphore(%run_scoped3A : memref<!tpu.dma_semaphore, #tpu.memory_space<semaphore_mem>>) src(%dma_wait3A_232 : memref<32x128xf32, #tpu.memory_space<hbm>>) dst(%arg12 : memref<32x128xf32, #tpu.memory_space<vmem>>)
      tpu.yield
    }) : () -> ()
    %dma_start3A_179 = arith.constant 0 : i32
    %dma_start3A_180 = arith.constant 0 : i32
    %dma_start3A_181 = tpu.memref_slice %arg5[%dma_start3A_179, %dma_start3A_180] : memref<32768x1024xf32, #tpu.memory_space<hbm>> -> memref<32768x1024xf32, #tpu.memory_space<hbm>>
    tpu.enqueue_indirect_dma source(%arg10 : memref<32x1024xf32, #tpu.memory_space<vmem>>) target(%dma_start3A_181 : memref<32768x1024xf32, #tpu.memory_space<hbm>>) offsets(%arg8 : memref<32xi32, #tpu.memory_space<vmem>>) semaphore(%arg14 : memref<!tpu.dma_semaphore, #tpu.memory_space<semaphore_mem>>)
    %dma_start3A_182 = arith.constant 0 : i32
    %dma_start3A_183 = arith.constant 0 : i32
    %dma_start3A_184 = tpu.memref_slice %arg6[%dma_start3A_182, %dma_start3A_183] : memref<32768x128xf32, #tpu.memory_space<hbm>> -> memref<32768x128xf32, #tpu.memory_space<hbm>>
    tpu.enqueue_indirect_dma source(%arg12 : memref<32x128xf32, #tpu.memory_space<vmem>>) target(%dma_start3A_184 : memref<32768x128xf32, #tpu.memory_space<hbm>>) offsets(%arg8 : memref<32xi32, #tpu.memory_space<vmem>>) semaphore(%arg16 : memref<!tpu.dma_semaphore, #tpu.memory_space<semaphore_mem>>)
    %dma_wait3A_185 = arith.constant 0 : i32
    %dma_wait3A_186 = arith.constant 0 : i32
    %dma_wait3A_187 = tpu.memref_slice %arg5[%dma_wait3A_185, %dma_wait3A_186] : memref<32768x1024xf32, #tpu.memory_space<hbm>> -> memref<32768x1024xf32, #tpu.memory_space<hbm>>
    tpu.wait_indirect_dma semaphore(%arg13 : memref<!tpu.dma_semaphore, #tpu.memory_space<semaphore_mem>>) src(%arg9 : memref<32x1024xf32, #tpu.memory_space<vmem>>) dst(%dma_wait3A_187 : memref<32768x1024xf32, #tpu.memory_space<hbm>>)
    %dma_wait3A_188 = arith.constant 0 : i32
    %dma_wait3A_189 = arith.constant 0 : i32
    %dma_wait3A_190 = tpu.memref_slice %arg6[%dma_wait3A_188, %dma_wait3A_189] : memref<32768x128xf32, #tpu.memory_space<hbm>> -> memref<32768x128xf32, #tpu.memory_space<hbm>>
    tpu.wait_indirect_dma semaphore(%arg15 : memref<!tpu.dma_semaphore, #tpu.memory_space<semaphore_mem>>) src(%arg11 : memref<32x128xf32, #tpu.memory_space<vmem>>) dst(%dma_wait3A_190 : memref<32768x128xf32, #tpu.memory_space<hbm>>)
    %add3A_191 = arith.constant 448 : i32
    %add3A_192 = arith.addi %mul3A_2, %add3A_191 : i32
    "tpu.region"() ({
      %run_scoped3A = tpu.sem_alloc : memref<!tpu.dma_semaphore, #tpu.memory_space<semaphore_mem>>
      %dma_start3A_225 = tpu.memref_slice %arg4[%add3A_192] : memref<16384xi32, #tpu.memory_space<hbm>> -> memref<32xi32, #tpu.memory_space<hbm>>
      %dma_start3A_226 = tpu.memref_slice %arg4[%add3A_192] : memref<16384xi32, #tpu.memory_space<hbm>> -> memref<32xi32, #tpu.memory_space<hbm>>
      tpu.enqueue_dma source(%dma_start3A_226 : memref<32xi32, #tpu.memory_space<hbm>>) target(%arg7 : memref<32xi32, #tpu.memory_space<vmem>>) target_semaphore(%run_scoped3A : memref<!tpu.dma_semaphore, #tpu.memory_space<semaphore_mem>>)
      %dma_wait3A_227 = tpu.memref_slice %arg4[%add3A_192] : memref<16384xi32, #tpu.memory_space<hbm>> -> memref<32xi32, #tpu.memory_space<hbm>>
      %dma_wait3A_228 = tpu.memref_slice %arg4[%add3A_192] : memref<16384xi32, #tpu.memory_space<hbm>> -> memref<32xi32, #tpu.memory_space<hbm>>
      tpu.wait_dma2 semaphore(%run_scoped3A : memref<!tpu.dma_semaphore, #tpu.memory_space<semaphore_mem>>) src(%dma_wait3A_228 : memref<32xi32, #tpu.memory_space<hbm>>) dst(%arg7 : memref<32xi32, #tpu.memory_space<vmem>>)
      tpu.yield
    }) : () -> ()
    "tpu.region"() ({
      %run_scoped3A = tpu.sem_alloc : memref<!tpu.dma_semaphore, #tpu.memory_space<semaphore_mem>>
      %dma_start3A_225 = arith.constant 0 : i32
      %dma_start3A_226 = tpu.memref_slice %arg2[%add3A_192, %dma_start3A_225] : memref<16384x1024xf32, #tpu.memory_space<hbm>> -> memref<32x1024xf32, #tpu.memory_space<hbm>>
      %dma_start3A_227 = arith.constant 0 : i32
      %dma_start3A_228 = tpu.memref_slice %arg2[%add3A_192, %dma_start3A_227] : memref<16384x1024xf32, #tpu.memory_space<hbm>> -> memref<32x1024xf32, #tpu.memory_space<hbm>>
      tpu.enqueue_dma source(%dma_start3A_228 : memref<32x1024xf32, #tpu.memory_space<hbm>>) target(%arg9 : memref<32x1024xf32, #tpu.memory_space<vmem>>) target_semaphore(%run_scoped3A : memref<!tpu.dma_semaphore, #tpu.memory_space<semaphore_mem>>)
      %dma_wait3A_229 = arith.constant 0 : i32
      %dma_wait3A_230 = tpu.memref_slice %arg2[%add3A_192, %dma_wait3A_229] : memref<16384x1024xf32, #tpu.memory_space<hbm>> -> memref<32x1024xf32, #tpu.memory_space<hbm>>
      %dma_wait3A_231 = arith.constant 0 : i32
      %dma_wait3A_232 = tpu.memref_slice %arg2[%add3A_192, %dma_wait3A_231] : memref<16384x1024xf32, #tpu.memory_space<hbm>> -> memref<32x1024xf32, #tpu.memory_space<hbm>>
      tpu.wait_dma2 semaphore(%run_scoped3A : memref<!tpu.dma_semaphore, #tpu.memory_space<semaphore_mem>>) src(%dma_wait3A_232 : memref<32x1024xf32, #tpu.memory_space<hbm>>) dst(%arg9 : memref<32x1024xf32, #tpu.memory_space<vmem>>)
      tpu.yield
    }) : () -> ()
    "tpu.region"() ({
      %run_scoped3A = tpu.sem_alloc : memref<!tpu.dma_semaphore, #tpu.memory_space<semaphore_mem>>
      %dma_start3A_225 = arith.constant 0 : i32
      %dma_start3A_226 = tpu.memref_slice %arg3[%add3A_192, %dma_start3A_225] : memref<16384x128xf32, #tpu.memory_space<hbm>> -> memref<32x128xf32, #tpu.memory_space<hbm>>
      %dma_start3A_227 = arith.constant 0 : i32
      %dma_start3A_228 = tpu.memref_slice %arg3[%add3A_192, %dma_start3A_227] : memref<16384x128xf32, #tpu.memory_space<hbm>> -> memref<32x128xf32, #tpu.memory_space<hbm>>
      tpu.enqueue_dma source(%dma_start3A_228 : memref<32x128xf32, #tpu.memory_space<hbm>>) target(%arg11 : memref<32x128xf32, #tpu.memory_space<vmem>>) target_semaphore(%run_scoped3A : memref<!tpu.dma_semaphore, #tpu.memory_space<semaphore_mem>>)
      %dma_wait3A_229 = arith.constant 0 : i32
      %dma_wait3A_230 = tpu.memref_slice %arg3[%add3A_192, %dma_wait3A_229] : memref<16384x128xf32, #tpu.memory_space<hbm>> -> memref<32x128xf32, #tpu.memory_space<hbm>>
      %dma_wait3A_231 = arith.constant 0 : i32
      %dma_wait3A_232 = tpu.memref_slice %arg3[%add3A_192, %dma_wait3A_231] : memref<16384x128xf32, #tpu.memory_space<hbm>> -> memref<32x128xf32, #tpu.memory_space<hbm>>
      tpu.wait_dma2 semaphore(%run_scoped3A : memref<!tpu.dma_semaphore, #tpu.memory_space<semaphore_mem>>) src(%dma_wait3A_232 : memref<32x128xf32, #tpu.memory_space<hbm>>) dst(%arg11 : memref<32x128xf32, #tpu.memory_space<vmem>>)
      tpu.yield
    }) : () -> ()
    %dma_start3A_193 = arith.constant 0 : i32
    %dma_start3A_194 = arith.constant 0 : i32
    %dma_start3A_195 = tpu.memref_slice %arg5[%dma_start3A_193, %dma_start3A_194] : memref<32768x1024xf32, #tpu.memory_space<hbm>> -> memref<32768x1024xf32, #tpu.memory_space<hbm>>
    tpu.enqueue_indirect_dma source(%arg9 : memref<32x1024xf32, #tpu.memory_space<vmem>>) target(%dma_start3A_195 : memref<32768x1024xf32, #tpu.memory_space<hbm>>) offsets(%arg7 : memref<32xi32, #tpu.memory_space<vmem>>) semaphore(%arg13 : memref<!tpu.dma_semaphore, #tpu.memory_space<semaphore_mem>>)
    %dma_start3A_196 = arith.constant 0 : i32
    %dma_start3A_197 = arith.constant 0 : i32
    %dma_start3A_198 = tpu.memref_slice %arg6[%dma_start3A_196, %dma_start3A_197] : memref<32768x128xf32, #tpu.memory_space<hbm>> -> memref<32768x128xf32, #tpu.memory_space<hbm>>
    tpu.enqueue_indirect_dma source(%arg11 : memref<32x128xf32, #tpu.memory_space<vmem>>) target(%dma_start3A_198 : memref<32768x128xf32, #tpu.memory_space<hbm>>) offsets(%arg7 : memref<32xi32, #tpu.memory_space<vmem>>) semaphore(%arg15 : memref<!tpu.dma_semaphore, #tpu.memory_space<semaphore_mem>>)
    %dma_wait3A_199 = arith.constant 0 : i32
    %dma_wait3A_200 = arith.constant 0 : i32
    %dma_wait3A_201 = tpu.memref_slice %arg5[%dma_wait3A_199, %dma_wait3A_200] : memref<32768x1024xf32, #tpu.memory_space<hbm>> -> memref<32768x1024xf32, #tpu.memory_space<hbm>>
    tpu.wait_indirect_dma semaphore(%arg14 : memref<!tpu.dma_semaphore, #tpu.memory_space<semaphore_mem>>) src(%arg10 : memref<32x1024xf32, #tpu.memory_space<vmem>>) dst(%dma_wait3A_201 : memref<32768x1024xf32, #tpu.memory_space<hbm>>)
    %dma_wait3A_202 = arith.constant 0 : i32
    %dma_wait3A_203 = arith.constant 0 : i32
    %dma_wait3A_204 = tpu.memref_slice %arg6[%dma_wait3A_202, %dma_wait3A_203] : memref<32768x128xf32, #tpu.memory_space<hbm>> -> memref<32768x128xf32, #tpu.memory_space<hbm>>
    tpu.wait_indirect_dma semaphore(%arg16 : memref<!tpu.dma_semaphore, #tpu.memory_space<semaphore_mem>>) src(%arg12 : memref<32x128xf32, #tpu.memory_space<vmem>>) dst(%dma_wait3A_204 : memref<32768x128xf32, #tpu.memory_space<hbm>>)
    %add3A_205 = arith.constant 480 : i32
    %add3A_206 = arith.addi %mul3A_2, %add3A_205 : i32
    "tpu.region"() ({
      %run_scoped3A = tpu.sem_alloc : memref<!tpu.dma_semaphore, #tpu.memory_space<semaphore_mem>>
      %dma_start3A_225 = tpu.memref_slice %arg4[%add3A_206] : memref<16384xi32, #tpu.memory_space<hbm>> -> memref<32xi32, #tpu.memory_space<hbm>>
      %dma_start3A_226 = tpu.memref_slice %arg4[%add3A_206] : memref<16384xi32, #tpu.memory_space<hbm>> -> memref<32xi32, #tpu.memory_space<hbm>>
      tpu.enqueue_dma source(%dma_start3A_226 : memref<32xi32, #tpu.memory_space<hbm>>) target(%arg8 : memref<32xi32, #tpu.memory_space<vmem>>) target_semaphore(%run_scoped3A : memref<!tpu.dma_semaphore, #tpu.memory_space<semaphore_mem>>)
      %dma_wait3A_227 = tpu.memref_slice %arg4[%add3A_206] : memref<16384xi32, #tpu.memory_space<hbm>> -> memref<32xi32, #tpu.memory_space<hbm>>
      %dma_wait3A_228 = tpu.memref_slice %arg4[%add3A_206] : memref<16384xi32, #tpu.memory_space<hbm>> -> memref<32xi32, #tpu.memory_space<hbm>>
      tpu.wait_dma2 semaphore(%run_scoped3A : memref<!tpu.dma_semaphore, #tpu.memory_space<semaphore_mem>>) src(%dma_wait3A_228 : memref<32xi32, #tpu.memory_space<hbm>>) dst(%arg8 : memref<32xi32, #tpu.memory_space<vmem>>)
      tpu.yield
    }) : () -> ()
    "tpu.region"() ({
      %run_scoped3A = tpu.sem_alloc : memref<!tpu.dma_semaphore, #tpu.memory_space<semaphore_mem>>
      %dma_start3A_225 = arith.constant 0 : i32
      %dma_start3A_226 = tpu.memref_slice %arg2[%add3A_206, %dma_start3A_225] : memref<16384x1024xf32, #tpu.memory_space<hbm>> -> memref<32x1024xf32, #tpu.memory_space<hbm>>
      %dma_start3A_227 = arith.constant 0 : i32
      %dma_start3A_228 = tpu.memref_slice %arg2[%add3A_206, %dma_start3A_227] : memref<16384x1024xf32, #tpu.memory_space<hbm>> -> memref<32x1024xf32, #tpu.memory_space<hbm>>
      tpu.enqueue_dma source(%dma_start3A_228 : memref<32x1024xf32, #tpu.memory_space<hbm>>) target(%arg10 : memref<32x1024xf32, #tpu.memory_space<vmem>>) target_semaphore(%run_scoped3A : memref<!tpu.dma_semaphore, #tpu.memory_space<semaphore_mem>>)
      %dma_wait3A_229 = arith.constant 0 : i32
      %dma_wait3A_230 = tpu.memref_slice %arg2[%add3A_206, %dma_wait3A_229] : memref<16384x1024xf32, #tpu.memory_space<hbm>> -> memref<32x1024xf32, #tpu.memory_space<hbm>>
      %dma_wait3A_231 = arith.constant 0 : i32
      %dma_wait3A_232 = tpu.memref_slice %arg2[%add3A_206, %dma_wait3A_231] : memref<16384x1024xf32, #tpu.memory_space<hbm>> -> memref<32x1024xf32, #tpu.memory_space<hbm>>
      tpu.wait_dma2 semaphore(%run_scoped3A : memref<!tpu.dma_semaphore, #tpu.memory_space<semaphore_mem>>) src(%dma_wait3A_232 : memref<32x1024xf32, #tpu.memory_space<hbm>>) dst(%arg10 : memref<32x1024xf32, #tpu.memory_space<vmem>>)
      tpu.yield
    }) : () -> ()
    "tpu.region"() ({
      %run_scoped3A = tpu.sem_alloc : memref<!tpu.dma_semaphore, #tpu.memory_space<semaphore_mem>>
      %dma_start3A_225 = arith.constant 0 : i32
      %dma_start3A_226 = tpu.memref_slice %arg3[%add3A_206, %dma_start3A_225] : memref<16384x128xf32, #tpu.memory_space<hbm>> -> memref<32x128xf32, #tpu.memory_space<hbm>>
      %dma_start3A_227 = arith.constant 0 : i32
      %dma_start3A_228 = tpu.memref_slice %arg3[%add3A_206, %dma_start3A_227] : memref<16384x128xf32, #tpu.memory_space<hbm>> -> memref<32x128xf32, #tpu.memory_space<hbm>>
      tpu.enqueue_dma source(%dma_start3A_228 : memref<32x128xf32, #tpu.memory_space<hbm>>) target(%arg12 : memref<32x128xf32, #tpu.memory_space<vmem>>) target_semaphore(%run_scoped3A : memref<!tpu.dma_semaphore, #tpu.memory_space<semaphore_mem>>)
      %dma_wait3A_229 = arith.constant 0 : i32
      %dma_wait3A_230 = tpu.memref_slice %arg3[%add3A_206, %dma_wait3A_229] : memref<16384x128xf32, #tpu.memory_space<hbm>> -> memref<32x128xf32, #tpu.memory_space<hbm>>
      %dma_wait3A_231 = arith.constant 0 : i32
      %dma_wait3A_232 = tpu.memref_slice %arg3[%add3A_206, %dma_wait3A_231] : memref<16384x128xf32, #tpu.memory_space<hbm>> -> memref<32x128xf32, #tpu.memory_space<hbm>>
      tpu.wait_dma2 semaphore(%run_scoped3A : memref<!tpu.dma_semaphore, #tpu.memory_space<semaphore_mem>>) src(%dma_wait3A_232 : memref<32x128xf32, #tpu.memory_space<hbm>>) dst(%arg12 : memref<32x128xf32, #tpu.memory_space<vmem>>)
      tpu.yield
    }) : () -> ()
    %dma_start3A_207 = arith.constant 0 : i32
    %dma_start3A_208 = arith.constant 0 : i32
    %dma_start3A_209 = tpu.memref_slice %arg5[%dma_start3A_207, %dma_start3A_208] : memref<32768x1024xf32, #tpu.memory_space<hbm>> -> memref<32768x1024xf32, #tpu.memory_space<hbm>>
    tpu.enqueue_indirect_dma source(%arg10 : memref<32x1024xf32, #tpu.memory_space<vmem>>) target(%dma_start3A_209 : memref<32768x1024xf32, #tpu.memory_space<hbm>>) offsets(%arg8 : memref<32xi32, #tpu.memory_space<vmem>>) semaphore(%arg14 : memref<!tpu.dma_semaphore, #tpu.memory_space<semaphore_mem>>)
    %dma_start3A_210 = arith.constant 0 : i32
    %dma_start3A_211 = arith.constant 0 : i32
    %dma_start3A_212 = tpu.memref_slice %arg6[%dma_start3A_210, %dma_start3A_211] : memref<32768x128xf32, #tpu.memory_space<hbm>> -> memref<32768x128xf32, #tpu.memory_space<hbm>>
    tpu.enqueue_indirect_dma source(%arg12 : memref<32x128xf32, #tpu.memory_space<vmem>>) target(%dma_start3A_212 : memref<32768x128xf32, #tpu.memory_space<hbm>>) offsets(%arg8 : memref<32xi32, #tpu.memory_space<vmem>>) semaphore(%arg16 : memref<!tpu.dma_semaphore, #tpu.memory_space<semaphore_mem>>)
    %dma_wait3A_213 = arith.constant 0 : i32
    %dma_wait3A_214 = arith.constant 0 : i32
    %dma_wait3A_215 = tpu.memref_slice %arg5[%dma_wait3A_213, %dma_wait3A_214] : memref<32768x1024xf32, #tpu.memory_space<hbm>> -> memref<32768x1024xf32, #tpu.memory_space<hbm>>
    tpu.wait_indirect_dma semaphore(%arg13 : memref<!tpu.dma_semaphore, #tpu.memory_space<semaphore_mem>>) src(%arg9 : memref<32x1024xf32, #tpu.memory_space<vmem>>) dst(%dma_wait3A_215 : memref<32768x1024xf32, #tpu.memory_space<hbm>>)
    %dma_wait3A_216 = arith.constant 0 : i32
    %dma_wait3A_217 = arith.constant 0 : i32
    %dma_wait3A_218 = tpu.memref_slice %arg6[%dma_wait3A_216, %dma_wait3A_217] : memref<32768x128xf32, #tpu.memory_space<hbm>> -> memref<32768x128xf32, #tpu.memory_space<hbm>>
    tpu.wait_indirect_dma semaphore(%arg15 : memref<!tpu.dma_semaphore, #tpu.memory_space<semaphore_mem>>) src(%arg11 : memref<32x128xf32, #tpu.memory_space<vmem>>) dst(%dma_wait3A_218 : memref<32768x128xf32, #tpu.memory_space<hbm>>)
    %dma_wait3A_219 = arith.constant 0 : i32
    %dma_wait3A_220 = arith.constant 0 : i32
    %dma_wait3A_221 = tpu.memref_slice %arg5[%dma_wait3A_219, %dma_wait3A_220] : memref<32768x1024xf32, #tpu.memory_space<hbm>> -> memref<32768x1024xf32, #tpu.memory_space<hbm>>
    tpu.wait_indirect_dma semaphore(%arg14 : memref<!tpu.dma_semaphore, #tpu.memory_space<semaphore_mem>>) src(%arg10 : memref<32x1024xf32, #tpu.memory_space<vmem>>) dst(%dma_wait3A_221 : memref<32768x1024xf32, #tpu.memory_space<hbm>>)
    %dma_wait3A_222 = arith.constant 0 : i32
    %dma_wait3A_223 = arith.constant 0 : i32
    %dma_wait3A_224 = tpu.memref_slice %arg6[%dma_wait3A_222, %dma_wait3A_223] : memref<32768x128xf32, #tpu.memory_space<hbm>> -> memref<32768x128xf32, #tpu.memory_space<hbm>>
    tpu.wait_indirect_dma semaphore(%arg16 : memref<!tpu.dma_semaphore, #tpu.memory_space<semaphore_mem>>) src(%arg12 : memref<32x128xf32, #tpu.memory_space<vmem>>) dst(%dma_wait3A_224 : memref<32768x128xf32, #tpu.memory_space<hbm>>)
    return
  }
}

#map = affine_map<(d0, d1) -> (0, 0)>
#map1 = affine_map<(d0, d1) -> (0)>
module attributes {stable_mosaic.version = 14 : i64} {
  func.func @gather_k(%arg0: i32, %arg1: i32, %arg2: memref<32768x1024xf32, #tpu.memory_space<hbm>>, %arg3: memref<16384xi32, #tpu.memory_space<hbm>>, %arg4: memref<16384x1024xf32, #tpu.memory_space<hbm>>, %arg5: memref<32xi32, #tpu.memory_space<vmem>>, %arg6: memref<32xi32, #tpu.memory_space<vmem>>, %arg7: memref<32x1024xf32, #tpu.memory_space<vmem>>, %arg8: memref<32x1024xf32, #tpu.memory_space<vmem>>, %arg9: memref<!tpu.dma_semaphore, #tpu.memory_space<semaphore_mem>>, %arg10: memref<!tpu.dma_semaphore, #tpu.memory_space<semaphore_mem>>, %arg11: memref<!tpu.dma_semaphore, #tpu.memory_space<semaphore_mem>>, %arg12: memref<!tpu.dma_semaphore, #tpu.memory_space<semaphore_mem>>) attributes {dimension_semantics = [#tpu.dimension_semantics<core_parallel>, #tpu.dimension_semantics<subcore_parallel>], iteration_bounds = array<i64: 2, 16>, scalar_prefetch = 0 : i64, scratch_operands = 8 : i64, tpu.core_type = #tpu.core_type<sc_vector_subcore>, window_params = [{transform_indices = #map}, {transform_indices = #map1}, {transform_indices = #map}]} {
    %mul3A = arith.constant 2 : i32
    %mul3A_0 = arith.muli %arg1, %mul3A : i32
    %add3A = arith.addi %mul3A_0, %arg0 : i32
    %mul3A_1 = arith.constant 512 : i32
    %mul3A_2 = arith.muli %add3A, %mul3A_1 : i32
    %add3A_3 = arith.constant 0 : i32
    %add3A_4 = arith.addi %mul3A_2, %add3A_3 : i32
    "tpu.region"() ({
      %run_scoped3A = tpu.sem_alloc : memref<!tpu.dma_semaphore, #tpu.memory_space<semaphore_mem>>
      %dma_start3A_289 = tpu.memref_slice %arg3[%add3A_4] : memref<16384xi32, #tpu.memory_space<hbm>> -> memref<32xi32, #tpu.memory_space<hbm>>
      %dma_start3A_290 = tpu.memref_slice %arg3[%add3A_4] : memref<16384xi32, #tpu.memory_space<hbm>> -> memref<32xi32, #tpu.memory_space<hbm>>
      tpu.enqueue_dma source(%dma_start3A_290 : memref<32xi32, #tpu.memory_space<hbm>>) target(%arg5 : memref<32xi32, #tpu.memory_space<vmem>>) target_semaphore(%run_scoped3A : memref<!tpu.dma_semaphore, #tpu.memory_space<semaphore_mem>>)
      %dma_wait3A_291 = tpu.memref_slice %arg3[%add3A_4] : memref<16384xi32, #tpu.memory_space<hbm>> -> memref<32xi32, #tpu.memory_space<hbm>>
      %dma_wait3A_292 = tpu.memref_slice %arg3[%add3A_4] : memref<16384xi32, #tpu.memory_space<hbm>> -> memref<32xi32, #tpu.memory_space<hbm>>
      tpu.wait_dma2 semaphore(%run_scoped3A : memref<!tpu.dma_semaphore, #tpu.memory_space<semaphore_mem>>) src(%dma_wait3A_292 : memref<32xi32, #tpu.memory_space<hbm>>) dst(%arg5 : memref<32xi32, #tpu.memory_space<vmem>>)
      tpu.yield
    }) : () -> ()
    %dma_start3A = arith.constant 0 : i32
    %dma_start3A_5 = arith.constant 0 : i32
    %dma_start3A_6 = tpu.memref_slice %arg2[%dma_start3A, %dma_start3A_5] : memref<32768x1024xf32, #tpu.memory_space<hbm>> -> memref<32768x1024xf32, #tpu.memory_space<hbm>>
    tpu.enqueue_indirect_dma source(%dma_start3A_6 : memref<32768x1024xf32, #tpu.memory_space<hbm>>) target(%arg7 : memref<32x1024xf32, #tpu.memory_space<vmem>>) offsets(%arg5 : memref<32xi32, #tpu.memory_space<vmem>>) semaphore(%arg9 : memref<!tpu.dma_semaphore, #tpu.memory_space<semaphore_mem>>)
    %add3A_7 = arith.constant 32 : i32
    %add3A_8 = arith.addi %mul3A_2, %add3A_7 : i32
    "tpu.region"() ({
      %run_scoped3A = tpu.sem_alloc : memref<!tpu.dma_semaphore, #tpu.memory_space<semaphore_mem>>
      %dma_start3A_289 = tpu.memref_slice %arg3[%add3A_8] : memref<16384xi32, #tpu.memory_space<hbm>> -> memref<32xi32, #tpu.memory_space<hbm>>
      %dma_start3A_290 = tpu.memref_slice %arg3[%add3A_8] : memref<16384xi32, #tpu.memory_space<hbm>> -> memref<32xi32, #tpu.memory_space<hbm>>
      tpu.enqueue_dma source(%dma_start3A_290 : memref<32xi32, #tpu.memory_space<hbm>>) target(%arg6 : memref<32xi32, #tpu.memory_space<vmem>>) target_semaphore(%run_scoped3A : memref<!tpu.dma_semaphore, #tpu.memory_space<semaphore_mem>>)
      %dma_wait3A_291 = tpu.memref_slice %arg3[%add3A_8] : memref<16384xi32, #tpu.memory_space<hbm>> -> memref<32xi32, #tpu.memory_space<hbm>>
      %dma_wait3A_292 = tpu.memref_slice %arg3[%add3A_8] : memref<16384xi32, #tpu.memory_space<hbm>> -> memref<32xi32, #tpu.memory_space<hbm>>
      tpu.wait_dma2 semaphore(%run_scoped3A : memref<!tpu.dma_semaphore, #tpu.memory_space<semaphore_mem>>) src(%dma_wait3A_292 : memref<32xi32, #tpu.memory_space<hbm>>) dst(%arg6 : memref<32xi32, #tpu.memory_space<vmem>>)
      tpu.yield
    }) : () -> ()
    %dma_start3A_9 = arith.constant 0 : i32
    %dma_start3A_10 = arith.constant 0 : i32
    %dma_start3A_11 = tpu.memref_slice %arg2[%dma_start3A_9, %dma_start3A_10] : memref<32768x1024xf32, #tpu.memory_space<hbm>> -> memref<32768x1024xf32, #tpu.memory_space<hbm>>
    tpu.enqueue_indirect_dma source(%dma_start3A_11 : memref<32768x1024xf32, #tpu.memory_space<hbm>>) target(%arg8 : memref<32x1024xf32, #tpu.memory_space<vmem>>) offsets(%arg6 : memref<32xi32, #tpu.memory_space<vmem>>) semaphore(%arg10 : memref<!tpu.dma_semaphore, #tpu.memory_space<semaphore_mem>>)
    %dma_wait3A = arith.constant 0 : i32
    %dma_wait3A_12 = arith.constant 0 : i32
    %dma_wait3A_13 = tpu.memref_slice %arg2[%dma_wait3A, %dma_wait3A_12] : memref<32768x1024xf32, #tpu.memory_space<hbm>> -> memref<32768x1024xf32, #tpu.memory_space<hbm>>
    tpu.wait_indirect_dma semaphore(%arg9 : memref<!tpu.dma_semaphore, #tpu.memory_space<semaphore_mem>>) src(%dma_wait3A_13 : memref<32768x1024xf32, #tpu.memory_space<hbm>>) dst(%arg7 : memref<32x1024xf32, #tpu.memory_space<vmem>>)
    %add3A_14 = arith.constant 0 : i32
    %add3A_15 = arith.addi %mul3A_2, %add3A_14 : i32
    %dma_start3A_16 = arith.constant 0 : i32
    %dma_start3A_17 = tpu.memref_slice %arg4[%add3A_15, %dma_start3A_16] : memref<16384x1024xf32, #tpu.memory_space<hbm>> -> memref<32x1024xf32, #tpu.memory_space<hbm>>
    %dma_start3A_18 = arith.constant 0 : i32
    %dma_start3A_19 = tpu.memref_slice %arg4[%add3A_15, %dma_start3A_18] : memref<16384x1024xf32, #tpu.memory_space<hbm>> -> memref<32x1024xf32, #tpu.memory_space<hbm>>
    tpu.enqueue_dma source(%arg7 : memref<32x1024xf32, #tpu.memory_space<vmem>>) target(%dma_start3A_19 : memref<32x1024xf32, #tpu.memory_space<hbm>>) target_semaphore(%arg11 : memref<!tpu.dma_semaphore, #tpu.memory_space<semaphore_mem>>)
    %dma_wait3A_20 = arith.constant 0 : i32
    %dma_wait3A_21 = tpu.memref_slice %arg4[%add3A_15, %dma_wait3A_20] : memref<16384x1024xf32, #tpu.memory_space<hbm>> -> memref<32x1024xf32, #tpu.memory_space<hbm>>
    %dma_wait3A_22 = arith.constant 0 : i32
    %dma_wait3A_23 = tpu.memref_slice %arg4[%add3A_15, %dma_wait3A_22] : memref<16384x1024xf32, #tpu.memory_space<hbm>> -> memref<32x1024xf32, #tpu.memory_space<hbm>>
    tpu.wait_dma2 semaphore(%arg11 : memref<!tpu.dma_semaphore, #tpu.memory_space<semaphore_mem>>) src(%arg7 : memref<32x1024xf32, #tpu.memory_space<vmem>>) dst(%dma_wait3A_23 : memref<32x1024xf32, #tpu.memory_space<hbm>>)
    %add3A_24 = arith.constant 64 : i32
    %add3A_25 = arith.addi %mul3A_2, %add3A_24 : i32
    "tpu.region"() ({
      %run_scoped3A = tpu.sem_alloc : memref<!tpu.dma_semaphore, #tpu.memory_space<semaphore_mem>>
      %dma_start3A_289 = tpu.memref_slice %arg3[%add3A_25] : memref<16384xi32, #tpu.memory_space<hbm>> -> memref<32xi32, #tpu.memory_space<hbm>>
      %dma_start3A_290 = tpu.memref_slice %arg3[%add3A_25] : memref<16384xi32, #tpu.memory_space<hbm>> -> memref<32xi32, #tpu.memory_space<hbm>>
      tpu.enqueue_dma source(%dma_start3A_290 : memref<32xi32, #tpu.memory_space<hbm>>) target(%arg5 : memref<32xi32, #tpu.memory_space<vmem>>) target_semaphore(%run_scoped3A : memref<!tpu.dma_semaphore, #tpu.memory_space<semaphore_mem>>)
      %dma_wait3A_291 = tpu.memref_slice %arg3[%add3A_25] : memref<16384xi32, #tpu.memory_space<hbm>> -> memref<32xi32, #tpu.memory_space<hbm>>
      %dma_wait3A_292 = tpu.memref_slice %arg3[%add3A_25] : memref<16384xi32, #tpu.memory_space<hbm>> -> memref<32xi32, #tpu.memory_space<hbm>>
      tpu.wait_dma2 semaphore(%run_scoped3A : memref<!tpu.dma_semaphore, #tpu.memory_space<semaphore_mem>>) src(%dma_wait3A_292 : memref<32xi32, #tpu.memory_space<hbm>>) dst(%arg5 : memref<32xi32, #tpu.memory_space<vmem>>)
      tpu.yield
    }) : () -> ()
    %dma_start3A_26 = arith.constant 0 : i32
    %dma_start3A_27 = arith.constant 0 : i32
    %dma_start3A_28 = tpu.memref_slice %arg2[%dma_start3A_26, %dma_start3A_27] : memref<32768x1024xf32, #tpu.memory_space<hbm>> -> memref<32768x1024xf32, #tpu.memory_space<hbm>>
    tpu.enqueue_indirect_dma source(%dma_start3A_28 : memref<32768x1024xf32, #tpu.memory_space<hbm>>) target(%arg7 : memref<32x1024xf32, #tpu.memory_space<vmem>>) offsets(%arg5 : memref<32xi32, #tpu.memory_space<vmem>>) semaphore(%arg9 : memref<!tpu.dma_semaphore, #tpu.memory_space<semaphore_mem>>)
    %dma_wait3A_29 = arith.constant 0 : i32
    %dma_wait3A_30 = arith.constant 0 : i32
    %dma_wait3A_31 = tpu.memref_slice %arg2[%dma_wait3A_29, %dma_wait3A_30] : memref<32768x1024xf32, #tpu.memory_space<hbm>> -> memref<32768x1024xf32, #tpu.memory_space<hbm>>
    tpu.wait_indirect_dma semaphore(%arg10 : memref<!tpu.dma_semaphore, #tpu.memory_space<semaphore_mem>>) src(%dma_wait3A_31 : memref<32768x1024xf32, #tpu.memory_space<hbm>>) dst(%arg8 : memref<32x1024xf32, #tpu.memory_space<vmem>>)
    %add3A_32 = arith.constant 32 : i32
    %add3A_33 = arith.addi %mul3A_2, %add3A_32 : i32
    %dma_start3A_34 = arith.constant 0 : i32
    %dma_start3A_35 = tpu.memref_slice %arg4[%add3A_33, %dma_start3A_34] : memref<16384x1024xf32, #tpu.memory_space<hbm>> -> memref<32x1024xf32, #tpu.memory_space<hbm>>
    %dma_start3A_36 = arith.constant 0 : i32
    %dma_start3A_37 = tpu.memref_slice %arg4[%add3A_33, %dma_start3A_36] : memref<16384x1024xf32, #tpu.memory_space<hbm>> -> memref<32x1024xf32, #tpu.memory_space<hbm>>
    tpu.enqueue_dma source(%arg8 : memref<32x1024xf32, #tpu.memory_space<vmem>>) target(%dma_start3A_37 : memref<32x1024xf32, #tpu.memory_space<hbm>>) target_semaphore(%arg12 : memref<!tpu.dma_semaphore, #tpu.memory_space<semaphore_mem>>)
    %dma_wait3A_38 = arith.constant 0 : i32
    %dma_wait3A_39 = tpu.memref_slice %arg4[%add3A_33, %dma_wait3A_38] : memref<16384x1024xf32, #tpu.memory_space<hbm>> -> memref<32x1024xf32, #tpu.memory_space<hbm>>
    %dma_wait3A_40 = arith.constant 0 : i32
    %dma_wait3A_41 = tpu.memref_slice %arg4[%add3A_33, %dma_wait3A_40] : memref<16384x1024xf32, #tpu.memory_space<hbm>> -> memref<32x1024xf32, #tpu.memory_space<hbm>>
    tpu.wait_dma2 semaphore(%arg12 : memref<!tpu.dma_semaphore, #tpu.memory_space<semaphore_mem>>) src(%arg8 : memref<32x1024xf32, #tpu.memory_space<vmem>>) dst(%dma_wait3A_41 : memref<32x1024xf32, #tpu.memory_space<hbm>>)
    %add3A_42 = arith.constant 96 : i32
    %add3A_43 = arith.addi %mul3A_2, %add3A_42 : i32
    "tpu.region"() ({
      %run_scoped3A = tpu.sem_alloc : memref<!tpu.dma_semaphore, #tpu.memory_space<semaphore_mem>>
      %dma_start3A_289 = tpu.memref_slice %arg3[%add3A_43] : memref<16384xi32, #tpu.memory_space<hbm>> -> memref<32xi32, #tpu.memory_space<hbm>>
      %dma_start3A_290 = tpu.memref_slice %arg3[%add3A_43] : memref<16384xi32, #tpu.memory_space<hbm>> -> memref<32xi32, #tpu.memory_space<hbm>>
      tpu.enqueue_dma source(%dma_start3A_290 : memref<32xi32, #tpu.memory_space<hbm>>) target(%arg6 : memref<32xi32, #tpu.memory_space<vmem>>) target_semaphore(%run_scoped3A : memref<!tpu.dma_semaphore, #tpu.memory_space<semaphore_mem>>)
      %dma_wait3A_291 = tpu.memref_slice %arg3[%add3A_43] : memref<16384xi32, #tpu.memory_space<hbm>> -> memref<32xi32, #tpu.memory_space<hbm>>
      %dma_wait3A_292 = tpu.memref_slice %arg3[%add3A_43] : memref<16384xi32, #tpu.memory_space<hbm>> -> memref<32xi32, #tpu.memory_space<hbm>>
      tpu.wait_dma2 semaphore(%run_scoped3A : memref<!tpu.dma_semaphore, #tpu.memory_space<semaphore_mem>>) src(%dma_wait3A_292 : memref<32xi32, #tpu.memory_space<hbm>>) dst(%arg6 : memref<32xi32, #tpu.memory_space<vmem>>)
      tpu.yield
    }) : () -> ()
    %dma_start3A_44 = arith.constant 0 : i32
    %dma_start3A_45 = arith.constant 0 : i32
    %dma_start3A_46 = tpu.memref_slice %arg2[%dma_start3A_44, %dma_start3A_45] : memref<32768x1024xf32, #tpu.memory_space<hbm>> -> memref<32768x1024xf32, #tpu.memory_space<hbm>>
    tpu.enqueue_indirect_dma source(%dma_start3A_46 : memref<32768x1024xf32, #tpu.memory_space<hbm>>) target(%arg8 : memref<32x1024xf32, #tpu.memory_space<vmem>>) offsets(%arg6 : memref<32xi32, #tpu.memory_space<vmem>>) semaphore(%arg10 : memref<!tpu.dma_semaphore, #tpu.memory_space<semaphore_mem>>)
    %dma_wait3A_47 = arith.constant 0 : i32
    %dma_wait3A_48 = arith.constant 0 : i32
    %dma_wait3A_49 = tpu.memref_slice %arg2[%dma_wait3A_47, %dma_wait3A_48] : memref<32768x1024xf32, #tpu.memory_space<hbm>> -> memref<32768x1024xf32, #tpu.memory_space<hbm>>
    tpu.wait_indirect_dma semaphore(%arg9 : memref<!tpu.dma_semaphore, #tpu.memory_space<semaphore_mem>>) src(%dma_wait3A_49 : memref<32768x1024xf32, #tpu.memory_space<hbm>>) dst(%arg7 : memref<32x1024xf32, #tpu.memory_space<vmem>>)
    %add3A_50 = arith.constant 64 : i32
    %add3A_51 = arith.addi %mul3A_2, %add3A_50 : i32
    %dma_start3A_52 = arith.constant 0 : i32
    %dma_start3A_53 = tpu.memref_slice %arg4[%add3A_51, %dma_start3A_52] : memref<16384x1024xf32, #tpu.memory_space<hbm>> -> memref<32x1024xf32, #tpu.memory_space<hbm>>
    %dma_start3A_54 = arith.constant 0 : i32
    %dma_start3A_55 = tpu.memref_slice %arg4[%add3A_51, %dma_start3A_54] : memref<16384x1024xf32, #tpu.memory_space<hbm>> -> memref<32x1024xf32, #tpu.memory_space<hbm>>
    tpu.enqueue_dma source(%arg7 : memref<32x1024xf32, #tpu.memory_space<vmem>>) target(%dma_start3A_55 : memref<32x1024xf32, #tpu.memory_space<hbm>>) target_semaphore(%arg11 : memref<!tpu.dma_semaphore, #tpu.memory_space<semaphore_mem>>)
    %dma_wait3A_56 = arith.constant 0 : i32
    %dma_wait3A_57 = tpu.memref_slice %arg4[%add3A_51, %dma_wait3A_56] : memref<16384x1024xf32, #tpu.memory_space<hbm>> -> memref<32x1024xf32, #tpu.memory_space<hbm>>
    %dma_wait3A_58 = arith.constant 0 : i32
    %dma_wait3A_59 = tpu.memref_slice %arg4[%add3A_51, %dma_wait3A_58] : memref<16384x1024xf32, #tpu.memory_space<hbm>> -> memref<32x1024xf32, #tpu.memory_space<hbm>>
    tpu.wait_dma2 semaphore(%arg11 : memref<!tpu.dma_semaphore, #tpu.memory_space<semaphore_mem>>) src(%arg7 : memref<32x1024xf32, #tpu.memory_space<vmem>>) dst(%dma_wait3A_59 : memref<32x1024xf32, #tpu.memory_space<hbm>>)
    %add3A_60 = arith.constant 128 : i32
    %add3A_61 = arith.addi %mul3A_2, %add3A_60 : i32
    "tpu.region"() ({
      %run_scoped3A = tpu.sem_alloc : memref<!tpu.dma_semaphore, #tpu.memory_space<semaphore_mem>>
      %dma_start3A_289 = tpu.memref_slice %arg3[%add3A_61] : memref<16384xi32, #tpu.memory_space<hbm>> -> memref<32xi32, #tpu.memory_space<hbm>>
      %dma_start3A_290 = tpu.memref_slice %arg3[%add3A_61] : memref<16384xi32, #tpu.memory_space<hbm>> -> memref<32xi32, #tpu.memory_space<hbm>>
      tpu.enqueue_dma source(%dma_start3A_290 : memref<32xi32, #tpu.memory_space<hbm>>) target(%arg5 : memref<32xi32, #tpu.memory_space<vmem>>) target_semaphore(%run_scoped3A : memref<!tpu.dma_semaphore, #tpu.memory_space<semaphore_mem>>)
      %dma_wait3A_291 = tpu.memref_slice %arg3[%add3A_61] : memref<16384xi32, #tpu.memory_space<hbm>> -> memref<32xi32, #tpu.memory_space<hbm>>
      %dma_wait3A_292 = tpu.memref_slice %arg3[%add3A_61] : memref<16384xi32, #tpu.memory_space<hbm>> -> memref<32xi32, #tpu.memory_space<hbm>>
      tpu.wait_dma2 semaphore(%run_scoped3A : memref<!tpu.dma_semaphore, #tpu.memory_space<semaphore_mem>>) src(%dma_wait3A_292 : memref<32xi32, #tpu.memory_space<hbm>>) dst(%arg5 : memref<32xi32, #tpu.memory_space<vmem>>)
      tpu.yield
    }) : () -> ()
    %dma_start3A_62 = arith.constant 0 : i32
    %dma_start3A_63 = arith.constant 0 : i32
    %dma_start3A_64 = tpu.memref_slice %arg2[%dma_start3A_62, %dma_start3A_63] : memref<32768x1024xf32, #tpu.memory_space<hbm>> -> memref<32768x1024xf32, #tpu.memory_space<hbm>>
    tpu.enqueue_indirect_dma source(%dma_start3A_64 : memref<32768x1024xf32, #tpu.memory_space<hbm>>) target(%arg7 : memref<32x1024xf32, #tpu.memory_space<vmem>>) offsets(%arg5 : memref<32xi32, #tpu.memory_space<vmem>>) semaphore(%arg9 : memref<!tpu.dma_semaphore, #tpu.memory_space<semaphore_mem>>)
    %dma_wait3A_65 = arith.constant 0 : i32
    %dma_wait3A_66 = arith.constant 0 : i32
    %dma_wait3A_67 = tpu.memref_slice %arg2[%dma_wait3A_65, %dma_wait3A_66] : memref<32768x1024xf32, #tpu.memory_space<hbm>> -> memref<32768x1024xf32, #tpu.memory_space<hbm>>
    tpu.wait_indirect_dma semaphore(%arg10 : memref<!tpu.dma_semaphore, #tpu.memory_space<semaphore_mem>>) src(%dma_wait3A_67 : memref<32768x1024xf32, #tpu.memory_space<hbm>>) dst(%arg8 : memref<32x1024xf32, #tpu.memory_space<vmem>>)
    %add3A_68 = arith.constant 96 : i32
    %add3A_69 = arith.addi %mul3A_2, %add3A_68 : i32
    %dma_start3A_70 = arith.constant 0 : i32
    %dma_start3A_71 = tpu.memref_slice %arg4[%add3A_69, %dma_start3A_70] : memref<16384x1024xf32, #tpu.memory_space<hbm>> -> memref<32x1024xf32, #tpu.memory_space<hbm>>
    %dma_start3A_72 = arith.constant 0 : i32
    %dma_start3A_73 = tpu.memref_slice %arg4[%add3A_69, %dma_start3A_72] : memref<16384x1024xf32, #tpu.memory_space<hbm>> -> memref<32x1024xf32, #tpu.memory_space<hbm>>
    tpu.enqueue_dma source(%arg8 : memref<32x1024xf32, #tpu.memory_space<vmem>>) target(%dma_start3A_73 : memref<32x1024xf32, #tpu.memory_space<hbm>>) target_semaphore(%arg12 : memref<!tpu.dma_semaphore, #tpu.memory_space<semaphore_mem>>)
    %dma_wait3A_74 = arith.constant 0 : i32
    %dma_wait3A_75 = tpu.memref_slice %arg4[%add3A_69, %dma_wait3A_74] : memref<16384x1024xf32, #tpu.memory_space<hbm>> -> memref<32x1024xf32, #tpu.memory_space<hbm>>
    %dma_wait3A_76 = arith.constant 0 : i32
    %dma_wait3A_77 = tpu.memref_slice %arg4[%add3A_69, %dma_wait3A_76] : memref<16384x1024xf32, #tpu.memory_space<hbm>> -> memref<32x1024xf32, #tpu.memory_space<hbm>>
    tpu.wait_dma2 semaphore(%arg12 : memref<!tpu.dma_semaphore, #tpu.memory_space<semaphore_mem>>) src(%arg8 : memref<32x1024xf32, #tpu.memory_space<vmem>>) dst(%dma_wait3A_77 : memref<32x1024xf32, #tpu.memory_space<hbm>>)
    %add3A_78 = arith.constant 160 : i32
    %add3A_79 = arith.addi %mul3A_2, %add3A_78 : i32
    "tpu.region"() ({
      %run_scoped3A = tpu.sem_alloc : memref<!tpu.dma_semaphore, #tpu.memory_space<semaphore_mem>>
      %dma_start3A_289 = tpu.memref_slice %arg3[%add3A_79] : memref<16384xi32, #tpu.memory_space<hbm>> -> memref<32xi32, #tpu.memory_space<hbm>>
      %dma_start3A_290 = tpu.memref_slice %arg3[%add3A_79] : memref<16384xi32, #tpu.memory_space<hbm>> -> memref<32xi32, #tpu.memory_space<hbm>>
      tpu.enqueue_dma source(%dma_start3A_290 : memref<32xi32, #tpu.memory_space<hbm>>) target(%arg6 : memref<32xi32, #tpu.memory_space<vmem>>) target_semaphore(%run_scoped3A : memref<!tpu.dma_semaphore, #tpu.memory_space<semaphore_mem>>)
      %dma_wait3A_291 = tpu.memref_slice %arg3[%add3A_79] : memref<16384xi32, #tpu.memory_space<hbm>> -> memref<32xi32, #tpu.memory_space<hbm>>
      %dma_wait3A_292 = tpu.memref_slice %arg3[%add3A_79] : memref<16384xi32, #tpu.memory_space<hbm>> -> memref<32xi32, #tpu.memory_space<hbm>>
      tpu.wait_dma2 semaphore(%run_scoped3A : memref<!tpu.dma_semaphore, #tpu.memory_space<semaphore_mem>>) src(%dma_wait3A_292 : memref<32xi32, #tpu.memory_space<hbm>>) dst(%arg6 : memref<32xi32, #tpu.memory_space<vmem>>)
      tpu.yield
    }) : () -> ()
    %dma_start3A_80 = arith.constant 0 : i32
    %dma_start3A_81 = arith.constant 0 : i32
    %dma_start3A_82 = tpu.memref_slice %arg2[%dma_start3A_80, %dma_start3A_81] : memref<32768x1024xf32, #tpu.memory_space<hbm>> -> memref<32768x1024xf32, #tpu.memory_space<hbm>>
    tpu.enqueue_indirect_dma source(%dma_start3A_82 : memref<32768x1024xf32, #tpu.memory_space<hbm>>) target(%arg8 : memref<32x1024xf32, #tpu.memory_space<vmem>>) offsets(%arg6 : memref<32xi32, #tpu.memory_space<vmem>>) semaphore(%arg10 : memref<!tpu.dma_semaphore, #tpu.memory_space<semaphore_mem>>)
    %dma_wait3A_83 = arith.constant 0 : i32
    %dma_wait3A_84 = arith.constant 0 : i32
    %dma_wait3A_85 = tpu.memref_slice %arg2[%dma_wait3A_83, %dma_wait3A_84] : memref<32768x1024xf32, #tpu.memory_space<hbm>> -> memref<32768x1024xf32, #tpu.memory_space<hbm>>
    tpu.wait_indirect_dma semaphore(%arg9 : memref<!tpu.dma_semaphore, #tpu.memory_space<semaphore_mem>>) src(%dma_wait3A_85 : memref<32768x1024xf32, #tpu.memory_space<hbm>>) dst(%arg7 : memref<32x1024xf32, #tpu.memory_space<vmem>>)
    %add3A_86 = arith.constant 128 : i32
    %add3A_87 = arith.addi %mul3A_2, %add3A_86 : i32
    %dma_start3A_88 = arith.constant 0 : i32
    %dma_start3A_89 = tpu.memref_slice %arg4[%add3A_87, %dma_start3A_88] : memref<16384x1024xf32, #tpu.memory_space<hbm>> -> memref<32x1024xf32, #tpu.memory_space<hbm>>
    %dma_start3A_90 = arith.constant 0 : i32
    %dma_start3A_91 = tpu.memref_slice %arg4[%add3A_87, %dma_start3A_90] : memref<16384x1024xf32, #tpu.memory_space<hbm>> -> memref<32x1024xf32, #tpu.memory_space<hbm>>
    tpu.enqueue_dma source(%arg7 : memref<32x1024xf32, #tpu.memory_space<vmem>>) target(%dma_start3A_91 : memref<32x1024xf32, #tpu.memory_space<hbm>>) target_semaphore(%arg11 : memref<!tpu.dma_semaphore, #tpu.memory_space<semaphore_mem>>)
    %dma_wait3A_92 = arith.constant 0 : i32
    %dma_wait3A_93 = tpu.memref_slice %arg4[%add3A_87, %dma_wait3A_92] : memref<16384x1024xf32, #tpu.memory_space<hbm>> -> memref<32x1024xf32, #tpu.memory_space<hbm>>
    %dma_wait3A_94 = arith.constant 0 : i32
    %dma_wait3A_95 = tpu.memref_slice %arg4[%add3A_87, %dma_wait3A_94] : memref<16384x1024xf32, #tpu.memory_space<hbm>> -> memref<32x1024xf32, #tpu.memory_space<hbm>>
    tpu.wait_dma2 semaphore(%arg11 : memref<!tpu.dma_semaphore, #tpu.memory_space<semaphore_mem>>) src(%arg7 : memref<32x1024xf32, #tpu.memory_space<vmem>>) dst(%dma_wait3A_95 : memref<32x1024xf32, #tpu.memory_space<hbm>>)
    %add3A_96 = arith.constant 192 : i32
    %add3A_97 = arith.addi %mul3A_2, %add3A_96 : i32
    "tpu.region"() ({
      %run_scoped3A = tpu.sem_alloc : memref<!tpu.dma_semaphore, #tpu.memory_space<semaphore_mem>>
      %dma_start3A_289 = tpu.memref_slice %arg3[%add3A_97] : memref<16384xi32, #tpu.memory_space<hbm>> -> memref<32xi32, #tpu.memory_space<hbm>>
      %dma_start3A_290 = tpu.memref_slice %arg3[%add3A_97] : memref<16384xi32, #tpu.memory_space<hbm>> -> memref<32xi32, #tpu.memory_space<hbm>>
      tpu.enqueue_dma source(%dma_start3A_290 : memref<32xi32, #tpu.memory_space<hbm>>) target(%arg5 : memref<32xi32, #tpu.memory_space<vmem>>) target_semaphore(%run_scoped3A : memref<!tpu.dma_semaphore, #tpu.memory_space<semaphore_mem>>)
      %dma_wait3A_291 = tpu.memref_slice %arg3[%add3A_97] : memref<16384xi32, #tpu.memory_space<hbm>> -> memref<32xi32, #tpu.memory_space<hbm>>
      %dma_wait3A_292 = tpu.memref_slice %arg3[%add3A_97] : memref<16384xi32, #tpu.memory_space<hbm>> -> memref<32xi32, #tpu.memory_space<hbm>>
      tpu.wait_dma2 semaphore(%run_scoped3A : memref<!tpu.dma_semaphore, #tpu.memory_space<semaphore_mem>>) src(%dma_wait3A_292 : memref<32xi32, #tpu.memory_space<hbm>>) dst(%arg5 : memref<32xi32, #tpu.memory_space<vmem>>)
      tpu.yield
    }) : () -> ()
    %dma_start3A_98 = arith.constant 0 : i32
    %dma_start3A_99 = arith.constant 0 : i32
    %dma_start3A_100 = tpu.memref_slice %arg2[%dma_start3A_98, %dma_start3A_99] : memref<32768x1024xf32, #tpu.memory_space<hbm>> -> memref<32768x1024xf32, #tpu.memory_space<hbm>>
    tpu.enqueue_indirect_dma source(%dma_start3A_100 : memref<32768x1024xf32, #tpu.memory_space<hbm>>) target(%arg7 : memref<32x1024xf32, #tpu.memory_space<vmem>>) offsets(%arg5 : memref<32xi32, #tpu.memory_space<vmem>>) semaphore(%arg9 : memref<!tpu.dma_semaphore, #tpu.memory_space<semaphore_mem>>)
    %dma_wait3A_101 = arith.constant 0 : i32
    %dma_wait3A_102 = arith.constant 0 : i32
    %dma_wait3A_103 = tpu.memref_slice %arg2[%dma_wait3A_101, %dma_wait3A_102] : memref<32768x1024xf32, #tpu.memory_space<hbm>> -> memref<32768x1024xf32, #tpu.memory_space<hbm>>
    tpu.wait_indirect_dma semaphore(%arg10 : memref<!tpu.dma_semaphore, #tpu.memory_space<semaphore_mem>>) src(%dma_wait3A_103 : memref<32768x1024xf32, #tpu.memory_space<hbm>>) dst(%arg8 : memref<32x1024xf32, #tpu.memory_space<vmem>>)
    %add3A_104 = arith.constant 160 : i32
    %add3A_105 = arith.addi %mul3A_2, %add3A_104 : i32
    %dma_start3A_106 = arith.constant 0 : i32
    %dma_start3A_107 = tpu.memref_slice %arg4[%add3A_105, %dma_start3A_106] : memref<16384x1024xf32, #tpu.memory_space<hbm>> -> memref<32x1024xf32, #tpu.memory_space<hbm>>
    %dma_start3A_108 = arith.constant 0 : i32
    %dma_start3A_109 = tpu.memref_slice %arg4[%add3A_105, %dma_start3A_108] : memref<16384x1024xf32, #tpu.memory_space<hbm>> -> memref<32x1024xf32, #tpu.memory_space<hbm>>
    tpu.enqueue_dma source(%arg8 : memref<32x1024xf32, #tpu.memory_space<vmem>>) target(%dma_start3A_109 : memref<32x1024xf32, #tpu.memory_space<hbm>>) target_semaphore(%arg12 : memref<!tpu.dma_semaphore, #tpu.memory_space<semaphore_mem>>)
    %dma_wait3A_110 = arith.constant 0 : i32
    %dma_wait3A_111 = tpu.memref_slice %arg4[%add3A_105, %dma_wait3A_110] : memref<16384x1024xf32, #tpu.memory_space<hbm>> -> memref<32x1024xf32, #tpu.memory_space<hbm>>
    %dma_wait3A_112 = arith.constant 0 : i32
    %dma_wait3A_113 = tpu.memref_slice %arg4[%add3A_105, %dma_wait3A_112] : memref<16384x1024xf32, #tpu.memory_space<hbm>> -> memref<32x1024xf32, #tpu.memory_space<hbm>>
    tpu.wait_dma2 semaphore(%arg12 : memref<!tpu.dma_semaphore, #tpu.memory_space<semaphore_mem>>) src(%arg8 : memref<32x1024xf32, #tpu.memory_space<vmem>>) dst(%dma_wait3A_113 : memref<32x1024xf32, #tpu.memory_space<hbm>>)
    %add3A_114 = arith.constant 224 : i32
    %add3A_115 = arith.addi %mul3A_2, %add3A_114 : i32
    "tpu.region"() ({
      %run_scoped3A = tpu.sem_alloc : memref<!tpu.dma_semaphore, #tpu.memory_space<semaphore_mem>>
      %dma_start3A_289 = tpu.memref_slice %arg3[%add3A_115] : memref<16384xi32, #tpu.memory_space<hbm>> -> memref<32xi32, #tpu.memory_space<hbm>>
      %dma_start3A_290 = tpu.memref_slice %arg3[%add3A_115] : memref<16384xi32, #tpu.memory_space<hbm>> -> memref<32xi32, #tpu.memory_space<hbm>>
      tpu.enqueue_dma source(%dma_start3A_290 : memref<32xi32, #tpu.memory_space<hbm>>) target(%arg6 : memref<32xi32, #tpu.memory_space<vmem>>) target_semaphore(%run_scoped3A : memref<!tpu.dma_semaphore, #tpu.memory_space<semaphore_mem>>)
      %dma_wait3A_291 = tpu.memref_slice %arg3[%add3A_115] : memref<16384xi32, #tpu.memory_space<hbm>> -> memref<32xi32, #tpu.memory_space<hbm>>
      %dma_wait3A_292 = tpu.memref_slice %arg3[%add3A_115] : memref<16384xi32, #tpu.memory_space<hbm>> -> memref<32xi32, #tpu.memory_space<hbm>>
      tpu.wait_dma2 semaphore(%run_scoped3A : memref<!tpu.dma_semaphore, #tpu.memory_space<semaphore_mem>>) src(%dma_wait3A_292 : memref<32xi32, #tpu.memory_space<hbm>>) dst(%arg6 : memref<32xi32, #tpu.memory_space<vmem>>)
      tpu.yield
    }) : () -> ()
    %dma_start3A_116 = arith.constant 0 : i32
    %dma_start3A_117 = arith.constant 0 : i32
    %dma_start3A_118 = tpu.memref_slice %arg2[%dma_start3A_116, %dma_start3A_117] : memref<32768x1024xf32, #tpu.memory_space<hbm>> -> memref<32768x1024xf32, #tpu.memory_space<hbm>>
    tpu.enqueue_indirect_dma source(%dma_start3A_118 : memref<32768x1024xf32, #tpu.memory_space<hbm>>) target(%arg8 : memref<32x1024xf32, #tpu.memory_space<vmem>>) offsets(%arg6 : memref<32xi32, #tpu.memory_space<vmem>>) semaphore(%arg10 : memref<!tpu.dma_semaphore, #tpu.memory_space<semaphore_mem>>)
    %dma_wait3A_119 = arith.constant 0 : i32
    %dma_wait3A_120 = arith.constant 0 : i32
    %dma_wait3A_121 = tpu.memref_slice %arg2[%dma_wait3A_119, %dma_wait3A_120] : memref<32768x1024xf32, #tpu.memory_space<hbm>> -> memref<32768x1024xf32, #tpu.memory_space<hbm>>
    tpu.wait_indirect_dma semaphore(%arg9 : memref<!tpu.dma_semaphore, #tpu.memory_space<semaphore_mem>>) src(%dma_wait3A_121 : memref<32768x1024xf32, #tpu.memory_space<hbm>>) dst(%arg7 : memref<32x1024xf32, #tpu.memory_space<vmem>>)
    %add3A_122 = arith.constant 192 : i32
    %add3A_123 = arith.addi %mul3A_2, %add3A_122 : i32
    %dma_start3A_124 = arith.constant 0 : i32
    %dma_start3A_125 = tpu.memref_slice %arg4[%add3A_123, %dma_start3A_124] : memref<16384x1024xf32, #tpu.memory_space<hbm>> -> memref<32x1024xf32, #tpu.memory_space<hbm>>
    %dma_start3A_126 = arith.constant 0 : i32
    %dma_start3A_127 = tpu.memref_slice %arg4[%add3A_123, %dma_start3A_126] : memref<16384x1024xf32, #tpu.memory_space<hbm>> -> memref<32x1024xf32, #tpu.memory_space<hbm>>
    tpu.enqueue_dma source(%arg7 : memref<32x1024xf32, #tpu.memory_space<vmem>>) target(%dma_start3A_127 : memref<32x1024xf32, #tpu.memory_space<hbm>>) target_semaphore(%arg11 : memref<!tpu.dma_semaphore, #tpu.memory_space<semaphore_mem>>)
    %dma_wait3A_128 = arith.constant 0 : i32
    %dma_wait3A_129 = tpu.memref_slice %arg4[%add3A_123, %dma_wait3A_128] : memref<16384x1024xf32, #tpu.memory_space<hbm>> -> memref<32x1024xf32, #tpu.memory_space<hbm>>
    %dma_wait3A_130 = arith.constant 0 : i32
    %dma_wait3A_131 = tpu.memref_slice %arg4[%add3A_123, %dma_wait3A_130] : memref<16384x1024xf32, #tpu.memory_space<hbm>> -> memref<32x1024xf32, #tpu.memory_space<hbm>>
    tpu.wait_dma2 semaphore(%arg11 : memref<!tpu.dma_semaphore, #tpu.memory_space<semaphore_mem>>) src(%arg7 : memref<32x1024xf32, #tpu.memory_space<vmem>>) dst(%dma_wait3A_131 : memref<32x1024xf32, #tpu.memory_space<hbm>>)
    %add3A_132 = arith.constant 256 : i32
    %add3A_133 = arith.addi %mul3A_2, %add3A_132 : i32
    "tpu.region"() ({
      %run_scoped3A = tpu.sem_alloc : memref<!tpu.dma_semaphore, #tpu.memory_space<semaphore_mem>>
      %dma_start3A_289 = tpu.memref_slice %arg3[%add3A_133] : memref<16384xi32, #tpu.memory_space<hbm>> -> memref<32xi32, #tpu.memory_space<hbm>>
      %dma_start3A_290 = tpu.memref_slice %arg3[%add3A_133] : memref<16384xi32, #tpu.memory_space<hbm>> -> memref<32xi32, #tpu.memory_space<hbm>>
      tpu.enqueue_dma source(%dma_start3A_290 : memref<32xi32, #tpu.memory_space<hbm>>) target(%arg5 : memref<32xi32, #tpu.memory_space<vmem>>) target_semaphore(%run_scoped3A : memref<!tpu.dma_semaphore, #tpu.memory_space<semaphore_mem>>)
      %dma_wait3A_291 = tpu.memref_slice %arg3[%add3A_133] : memref<16384xi32, #tpu.memory_space<hbm>> -> memref<32xi32, #tpu.memory_space<hbm>>
      %dma_wait3A_292 = tpu.memref_slice %arg3[%add3A_133] : memref<16384xi32, #tpu.memory_space<hbm>> -> memref<32xi32, #tpu.memory_space<hbm>>
      tpu.wait_dma2 semaphore(%run_scoped3A : memref<!tpu.dma_semaphore, #tpu.memory_space<semaphore_mem>>) src(%dma_wait3A_292 : memref<32xi32, #tpu.memory_space<hbm>>) dst(%arg5 : memref<32xi32, #tpu.memory_space<vmem>>)
      tpu.yield
    }) : () -> ()
    %dma_start3A_134 = arith.constant 0 : i32
    %dma_start3A_135 = arith.constant 0 : i32
    %dma_start3A_136 = tpu.memref_slice %arg2[%dma_start3A_134, %dma_start3A_135] : memref<32768x1024xf32, #tpu.memory_space<hbm>> -> memref<32768x1024xf32, #tpu.memory_space<hbm>>
    tpu.enqueue_indirect_dma source(%dma_start3A_136 : memref<32768x1024xf32, #tpu.memory_space<hbm>>) target(%arg7 : memref<32x1024xf32, #tpu.memory_space<vmem>>) offsets(%arg5 : memref<32xi32, #tpu.memory_space<vmem>>) semaphore(%arg9 : memref<!tpu.dma_semaphore, #tpu.memory_space<semaphore_mem>>)
    %dma_wait3A_137 = arith.constant 0 : i32
    %dma_wait3A_138 = arith.constant 0 : i32
    %dma_wait3A_139 = tpu.memref_slice %arg2[%dma_wait3A_137, %dma_wait3A_138] : memref<32768x1024xf32, #tpu.memory_space<hbm>> -> memref<32768x1024xf32, #tpu.memory_space<hbm>>
    tpu.wait_indirect_dma semaphore(%arg10 : memref<!tpu.dma_semaphore, #tpu.memory_space<semaphore_mem>>) src(%dma_wait3A_139 : memref<32768x1024xf32, #tpu.memory_space<hbm>>) dst(%arg8 : memref<32x1024xf32, #tpu.memory_space<vmem>>)
    %add3A_140 = arith.constant 224 : i32
    %add3A_141 = arith.addi %mul3A_2, %add3A_140 : i32
    %dma_start3A_142 = arith.constant 0 : i32
    %dma_start3A_143 = tpu.memref_slice %arg4[%add3A_141, %dma_start3A_142] : memref<16384x1024xf32, #tpu.memory_space<hbm>> -> memref<32x1024xf32, #tpu.memory_space<hbm>>
    %dma_start3A_144 = arith.constant 0 : i32
    %dma_start3A_145 = tpu.memref_slice %arg4[%add3A_141, %dma_start3A_144] : memref<16384x1024xf32, #tpu.memory_space<hbm>> -> memref<32x1024xf32, #tpu.memory_space<hbm>>
    tpu.enqueue_dma source(%arg8 : memref<32x1024xf32, #tpu.memory_space<vmem>>) target(%dma_start3A_145 : memref<32x1024xf32, #tpu.memory_space<hbm>>) target_semaphore(%arg12 : memref<!tpu.dma_semaphore, #tpu.memory_space<semaphore_mem>>)
    %dma_wait3A_146 = arith.constant 0 : i32
    %dma_wait3A_147 = tpu.memref_slice %arg4[%add3A_141, %dma_wait3A_146] : memref<16384x1024xf32, #tpu.memory_space<hbm>> -> memref<32x1024xf32, #tpu.memory_space<hbm>>
    %dma_wait3A_148 = arith.constant 0 : i32
    %dma_wait3A_149 = tpu.memref_slice %arg4[%add3A_141, %dma_wait3A_148] : memref<16384x1024xf32, #tpu.memory_space<hbm>> -> memref<32x1024xf32, #tpu.memory_space<hbm>>
    tpu.wait_dma2 semaphore(%arg12 : memref<!tpu.dma_semaphore, #tpu.memory_space<semaphore_mem>>) src(%arg8 : memref<32x1024xf32, #tpu.memory_space<vmem>>) dst(%dma_wait3A_149 : memref<32x1024xf32, #tpu.memory_space<hbm>>)
    %add3A_150 = arith.constant 288 : i32
    %add3A_151 = arith.addi %mul3A_2, %add3A_150 : i32
    "tpu.region"() ({
      %run_scoped3A = tpu.sem_alloc : memref<!tpu.dma_semaphore, #tpu.memory_space<semaphore_mem>>
      %dma_start3A_289 = tpu.memref_slice %arg3[%add3A_151] : memref<16384xi32, #tpu.memory_space<hbm>> -> memref<32xi32, #tpu.memory_space<hbm>>
      %dma_start3A_290 = tpu.memref_slice %arg3[%add3A_151] : memref<16384xi32, #tpu.memory_space<hbm>> -> memref<32xi32, #tpu.memory_space<hbm>>
      tpu.enqueue_dma source(%dma_start3A_290 : memref<32xi32, #tpu.memory_space<hbm>>) target(%arg6 : memref<32xi32, #tpu.memory_space<vmem>>) target_semaphore(%run_scoped3A : memref<!tpu.dma_semaphore, #tpu.memory_space<semaphore_mem>>)
      %dma_wait3A_291 = tpu.memref_slice %arg3[%add3A_151] : memref<16384xi32, #tpu.memory_space<hbm>> -> memref<32xi32, #tpu.memory_space<hbm>>
      %dma_wait3A_292 = tpu.memref_slice %arg3[%add3A_151] : memref<16384xi32, #tpu.memory_space<hbm>> -> memref<32xi32, #tpu.memory_space<hbm>>
      tpu.wait_dma2 semaphore(%run_scoped3A : memref<!tpu.dma_semaphore, #tpu.memory_space<semaphore_mem>>) src(%dma_wait3A_292 : memref<32xi32, #tpu.memory_space<hbm>>) dst(%arg6 : memref<32xi32, #tpu.memory_space<vmem>>)
      tpu.yield
    }) : () -> ()
    %dma_start3A_152 = arith.constant 0 : i32
    %dma_start3A_153 = arith.constant 0 : i32
    %dma_start3A_154 = tpu.memref_slice %arg2[%dma_start3A_152, %dma_start3A_153] : memref<32768x1024xf32, #tpu.memory_space<hbm>> -> memref<32768x1024xf32, #tpu.memory_space<hbm>>
    tpu.enqueue_indirect_dma source(%dma_start3A_154 : memref<32768x1024xf32, #tpu.memory_space<hbm>>) target(%arg8 : memref<32x1024xf32, #tpu.memory_space<vmem>>) offsets(%arg6 : memref<32xi32, #tpu.memory_space<vmem>>) semaphore(%arg10 : memref<!tpu.dma_semaphore, #tpu.memory_space<semaphore_mem>>)
    %dma_wait3A_155 = arith.constant 0 : i32
    %dma_wait3A_156 = arith.constant 0 : i32
    %dma_wait3A_157 = tpu.memref_slice %arg2[%dma_wait3A_155, %dma_wait3A_156] : memref<32768x1024xf32, #tpu.memory_space<hbm>> -> memref<32768x1024xf32, #tpu.memory_space<hbm>>
    tpu.wait_indirect_dma semaphore(%arg9 : memref<!tpu.dma_semaphore, #tpu.memory_space<semaphore_mem>>) src(%dma_wait3A_157 : memref<32768x1024xf32, #tpu.memory_space<hbm>>) dst(%arg7 : memref<32x1024xf32, #tpu.memory_space<vmem>>)
    %add3A_158 = arith.constant 256 : i32
    %add3A_159 = arith.addi %mul3A_2, %add3A_158 : i32
    %dma_start3A_160 = arith.constant 0 : i32
    %dma_start3A_161 = tpu.memref_slice %arg4[%add3A_159, %dma_start3A_160] : memref<16384x1024xf32, #tpu.memory_space<hbm>> -> memref<32x1024xf32, #tpu.memory_space<hbm>>
    %dma_start3A_162 = arith.constant 0 : i32
    %dma_start3A_163 = tpu.memref_slice %arg4[%add3A_159, %dma_start3A_162] : memref<16384x1024xf32, #tpu.memory_space<hbm>> -> memref<32x1024xf32, #tpu.memory_space<hbm>>
    tpu.enqueue_dma source(%arg7 : memref<32x1024xf32, #tpu.memory_space<vmem>>) target(%dma_start3A_163 : memref<32x1024xf32, #tpu.memory_space<hbm>>) target_semaphore(%arg11 : memref<!tpu.dma_semaphore, #tpu.memory_space<semaphore_mem>>)
    %dma_wait3A_164 = arith.constant 0 : i32
    %dma_wait3A_165 = tpu.memref_slice %arg4[%add3A_159, %dma_wait3A_164] : memref<16384x1024xf32, #tpu.memory_space<hbm>> -> memref<32x1024xf32, #tpu.memory_space<hbm>>
    %dma_wait3A_166 = arith.constant 0 : i32
    %dma_wait3A_167 = tpu.memref_slice %arg4[%add3A_159, %dma_wait3A_166] : memref<16384x1024xf32, #tpu.memory_space<hbm>> -> memref<32x1024xf32, #tpu.memory_space<hbm>>
    tpu.wait_dma2 semaphore(%arg11 : memref<!tpu.dma_semaphore, #tpu.memory_space<semaphore_mem>>) src(%arg7 : memref<32x1024xf32, #tpu.memory_space<vmem>>) dst(%dma_wait3A_167 : memref<32x1024xf32, #tpu.memory_space<hbm>>)
    %add3A_168 = arith.constant 320 : i32
    %add3A_169 = arith.addi %mul3A_2, %add3A_168 : i32
    "tpu.region"() ({
      %run_scoped3A = tpu.sem_alloc : memref<!tpu.dma_semaphore, #tpu.memory_space<semaphore_mem>>
      %dma_start3A_289 = tpu.memref_slice %arg3[%add3A_169] : memref<16384xi32, #tpu.memory_space<hbm>> -> memref<32xi32, #tpu.memory_space<hbm>>
      %dma_start3A_290 = tpu.memref_slice %arg3[%add3A_169] : memref<16384xi32, #tpu.memory_space<hbm>> -> memref<32xi32, #tpu.memory_space<hbm>>
      tpu.enqueue_dma source(%dma_start3A_290 : memref<32xi32, #tpu.memory_space<hbm>>) target(%arg5 : memref<32xi32, #tpu.memory_space<vmem>>) target_semaphore(%run_scoped3A : memref<!tpu.dma_semaphore, #tpu.memory_space<semaphore_mem>>)
      %dma_wait3A_291 = tpu.memref_slice %arg3[%add3A_169] : memref<16384xi32, #tpu.memory_space<hbm>> -> memref<32xi32, #tpu.memory_space<hbm>>
      %dma_wait3A_292 = tpu.memref_slice %arg3[%add3A_169] : memref<16384xi32, #tpu.memory_space<hbm>> -> memref<32xi32, #tpu.memory_space<hbm>>
      tpu.wait_dma2 semaphore(%run_scoped3A : memref<!tpu.dma_semaphore, #tpu.memory_space<semaphore_mem>>) src(%dma_wait3A_292 : memref<32xi32, #tpu.memory_space<hbm>>) dst(%arg5 : memref<32xi32, #tpu.memory_space<vmem>>)
      tpu.yield
    }) : () -> ()
    %dma_start3A_170 = arith.constant 0 : i32
    %dma_start3A_171 = arith.constant 0 : i32
    %dma_start3A_172 = tpu.memref_slice %arg2[%dma_start3A_170, %dma_start3A_171] : memref<32768x1024xf32, #tpu.memory_space<hbm>> -> memref<32768x1024xf32, #tpu.memory_space<hbm>>
    tpu.enqueue_indirect_dma source(%dma_start3A_172 : memref<32768x1024xf32, #tpu.memory_space<hbm>>) target(%arg7 : memref<32x1024xf32, #tpu.memory_space<vmem>>) offsets(%arg5 : memref<32xi32, #tpu.memory_space<vmem>>) semaphore(%arg9 : memref<!tpu.dma_semaphore, #tpu.memory_space<semaphore_mem>>)
    %dma_wait3A_173 = arith.constant 0 : i32
    %dma_wait3A_174 = arith.constant 0 : i32
    %dma_wait3A_175 = tpu.memref_slice %arg2[%dma_wait3A_173, %dma_wait3A_174] : memref<32768x1024xf32, #tpu.memory_space<hbm>> -> memref<32768x1024xf32, #tpu.memory_space<hbm>>
    tpu.wait_indirect_dma semaphore(%arg10 : memref<!tpu.dma_semaphore, #tpu.memory_space<semaphore_mem>>) src(%dma_wait3A_175 : memref<32768x1024xf32, #tpu.memory_space<hbm>>) dst(%arg8 : memref<32x1024xf32, #tpu.memory_space<vmem>>)
    %add3A_176 = arith.constant 288 : i32
    %add3A_177 = arith.addi %mul3A_2, %add3A_176 : i32
    %dma_start3A_178 = arith.constant 0 : i32
    %dma_start3A_179 = tpu.memref_slice %arg4[%add3A_177, %dma_start3A_178] : memref<16384x1024xf32, #tpu.memory_space<hbm>> -> memref<32x1024xf32, #tpu.memory_space<hbm>>
    %dma_start3A_180 = arith.constant 0 : i32
    %dma_start3A_181 = tpu.memref_slice %arg4[%add3A_177, %dma_start3A_180] : memref<16384x1024xf32, #tpu.memory_space<hbm>> -> memref<32x1024xf32, #tpu.memory_space<hbm>>
    tpu.enqueue_dma source(%arg8 : memref<32x1024xf32, #tpu.memory_space<vmem>>) target(%dma_start3A_181 : memref<32x1024xf32, #tpu.memory_space<hbm>>) target_semaphore(%arg12 : memref<!tpu.dma_semaphore, #tpu.memory_space<semaphore_mem>>)
    %dma_wait3A_182 = arith.constant 0 : i32
    %dma_wait3A_183 = tpu.memref_slice %arg4[%add3A_177, %dma_wait3A_182] : memref<16384x1024xf32, #tpu.memory_space<hbm>> -> memref<32x1024xf32, #tpu.memory_space<hbm>>
    %dma_wait3A_184 = arith.constant 0 : i32
    %dma_wait3A_185 = tpu.memref_slice %arg4[%add3A_177, %dma_wait3A_184] : memref<16384x1024xf32, #tpu.memory_space<hbm>> -> memref<32x1024xf32, #tpu.memory_space<hbm>>
    tpu.wait_dma2 semaphore(%arg12 : memref<!tpu.dma_semaphore, #tpu.memory_space<semaphore_mem>>) src(%arg8 : memref<32x1024xf32, #tpu.memory_space<vmem>>) dst(%dma_wait3A_185 : memref<32x1024xf32, #tpu.memory_space<hbm>>)
    %add3A_186 = arith.constant 352 : i32
    %add3A_187 = arith.addi %mul3A_2, %add3A_186 : i32
    "tpu.region"() ({
      %run_scoped3A = tpu.sem_alloc : memref<!tpu.dma_semaphore, #tpu.memory_space<semaphore_mem>>
      %dma_start3A_289 = tpu.memref_slice %arg3[%add3A_187] : memref<16384xi32, #tpu.memory_space<hbm>> -> memref<32xi32, #tpu.memory_space<hbm>>
      %dma_start3A_290 = tpu.memref_slice %arg3[%add3A_187] : memref<16384xi32, #tpu.memory_space<hbm>> -> memref<32xi32, #tpu.memory_space<hbm>>
      tpu.enqueue_dma source(%dma_start3A_290 : memref<32xi32, #tpu.memory_space<hbm>>) target(%arg6 : memref<32xi32, #tpu.memory_space<vmem>>) target_semaphore(%run_scoped3A : memref<!tpu.dma_semaphore, #tpu.memory_space<semaphore_mem>>)
      %dma_wait3A_291 = tpu.memref_slice %arg3[%add3A_187] : memref<16384xi32, #tpu.memory_space<hbm>> -> memref<32xi32, #tpu.memory_space<hbm>>
      %dma_wait3A_292 = tpu.memref_slice %arg3[%add3A_187] : memref<16384xi32, #tpu.memory_space<hbm>> -> memref<32xi32, #tpu.memory_space<hbm>>
      tpu.wait_dma2 semaphore(%run_scoped3A : memref<!tpu.dma_semaphore, #tpu.memory_space<semaphore_mem>>) src(%dma_wait3A_292 : memref<32xi32, #tpu.memory_space<hbm>>) dst(%arg6 : memref<32xi32, #tpu.memory_space<vmem>>)
      tpu.yield
    }) : () -> ()
    %dma_start3A_188 = arith.constant 0 : i32
    %dma_start3A_189 = arith.constant 0 : i32
    %dma_start3A_190 = tpu.memref_slice %arg2[%dma_start3A_188, %dma_start3A_189] : memref<32768x1024xf32, #tpu.memory_space<hbm>> -> memref<32768x1024xf32, #tpu.memory_space<hbm>>
    tpu.enqueue_indirect_dma source(%dma_start3A_190 : memref<32768x1024xf32, #tpu.memory_space<hbm>>) target(%arg8 : memref<32x1024xf32, #tpu.memory_space<vmem>>) offsets(%arg6 : memref<32xi32, #tpu.memory_space<vmem>>) semaphore(%arg10 : memref<!tpu.dma_semaphore, #tpu.memory_space<semaphore_mem>>)
    %dma_wait3A_191 = arith.constant 0 : i32
    %dma_wait3A_192 = arith.constant 0 : i32
    %dma_wait3A_193 = tpu.memref_slice %arg2[%dma_wait3A_191, %dma_wait3A_192] : memref<32768x1024xf32, #tpu.memory_space<hbm>> -> memref<32768x1024xf32, #tpu.memory_space<hbm>>
    tpu.wait_indirect_dma semaphore(%arg9 : memref<!tpu.dma_semaphore, #tpu.memory_space<semaphore_mem>>) src(%dma_wait3A_193 : memref<32768x1024xf32, #tpu.memory_space<hbm>>) dst(%arg7 : memref<32x1024xf32, #tpu.memory_space<vmem>>)
    %add3A_194 = arith.constant 320 : i32
    %add3A_195 = arith.addi %mul3A_2, %add3A_194 : i32
    %dma_start3A_196 = arith.constant 0 : i32
    %dma_start3A_197 = tpu.memref_slice %arg4[%add3A_195, %dma_start3A_196] : memref<16384x1024xf32, #tpu.memory_space<hbm>> -> memref<32x1024xf32, #tpu.memory_space<hbm>>
    %dma_start3A_198 = arith.constant 0 : i32
    %dma_start3A_199 = tpu.memref_slice %arg4[%add3A_195, %dma_start3A_198] : memref<16384x1024xf32, #tpu.memory_space<hbm>> -> memref<32x1024xf32, #tpu.memory_space<hbm>>
    tpu.enqueue_dma source(%arg7 : memref<32x1024xf32, #tpu.memory_space<vmem>>) target(%dma_start3A_199 : memref<32x1024xf32, #tpu.memory_space<hbm>>) target_semaphore(%arg11 : memref<!tpu.dma_semaphore, #tpu.memory_space<semaphore_mem>>)
    %dma_wait3A_200 = arith.constant 0 : i32
    %dma_wait3A_201 = tpu.memref_slice %arg4[%add3A_195, %dma_wait3A_200] : memref<16384x1024xf32, #tpu.memory_space<hbm>> -> memref<32x1024xf32, #tpu.memory_space<hbm>>
    %dma_wait3A_202 = arith.constant 0 : i32
    %dma_wait3A_203 = tpu.memref_slice %arg4[%add3A_195, %dma_wait3A_202] : memref<16384x1024xf32, #tpu.memory_space<hbm>> -> memref<32x1024xf32, #tpu.memory_space<hbm>>
    tpu.wait_dma2 semaphore(%arg11 : memref<!tpu.dma_semaphore, #tpu.memory_space<semaphore_mem>>) src(%arg7 : memref<32x1024xf32, #tpu.memory_space<vmem>>) dst(%dma_wait3A_203 : memref<32x1024xf32, #tpu.memory_space<hbm>>)
    %add3A_204 = arith.constant 384 : i32
    %add3A_205 = arith.addi %mul3A_2, %add3A_204 : i32
    "tpu.region"() ({
      %run_scoped3A = tpu.sem_alloc : memref<!tpu.dma_semaphore, #tpu.memory_space<semaphore_mem>>
      %dma_start3A_289 = tpu.memref_slice %arg3[%add3A_205] : memref<16384xi32, #tpu.memory_space<hbm>> -> memref<32xi32, #tpu.memory_space<hbm>>
      %dma_start3A_290 = tpu.memref_slice %arg3[%add3A_205] : memref<16384xi32, #tpu.memory_space<hbm>> -> memref<32xi32, #tpu.memory_space<hbm>>
      tpu.enqueue_dma source(%dma_start3A_290 : memref<32xi32, #tpu.memory_space<hbm>>) target(%arg5 : memref<32xi32, #tpu.memory_space<vmem>>) target_semaphore(%run_scoped3A : memref<!tpu.dma_semaphore, #tpu.memory_space<semaphore_mem>>)
      %dma_wait3A_291 = tpu.memref_slice %arg3[%add3A_205] : memref<16384xi32, #tpu.memory_space<hbm>> -> memref<32xi32, #tpu.memory_space<hbm>>
      %dma_wait3A_292 = tpu.memref_slice %arg3[%add3A_205] : memref<16384xi32, #tpu.memory_space<hbm>> -> memref<32xi32, #tpu.memory_space<hbm>>
      tpu.wait_dma2 semaphore(%run_scoped3A : memref<!tpu.dma_semaphore, #tpu.memory_space<semaphore_mem>>) src(%dma_wait3A_292 : memref<32xi32, #tpu.memory_space<hbm>>) dst(%arg5 : memref<32xi32, #tpu.memory_space<vmem>>)
      tpu.yield
    }) : () -> ()
    %dma_start3A_206 = arith.constant 0 : i32
    %dma_start3A_207 = arith.constant 0 : i32
    %dma_start3A_208 = tpu.memref_slice %arg2[%dma_start3A_206, %dma_start3A_207] : memref<32768x1024xf32, #tpu.memory_space<hbm>> -> memref<32768x1024xf32, #tpu.memory_space<hbm>>
    tpu.enqueue_indirect_dma source(%dma_start3A_208 : memref<32768x1024xf32, #tpu.memory_space<hbm>>) target(%arg7 : memref<32x1024xf32, #tpu.memory_space<vmem>>) offsets(%arg5 : memref<32xi32, #tpu.memory_space<vmem>>) semaphore(%arg9 : memref<!tpu.dma_semaphore, #tpu.memory_space<semaphore_mem>>)
    %dma_wait3A_209 = arith.constant 0 : i32
    %dma_wait3A_210 = arith.constant 0 : i32
    %dma_wait3A_211 = tpu.memref_slice %arg2[%dma_wait3A_209, %dma_wait3A_210] : memref<32768x1024xf32, #tpu.memory_space<hbm>> -> memref<32768x1024xf32, #tpu.memory_space<hbm>>
    tpu.wait_indirect_dma semaphore(%arg10 : memref<!tpu.dma_semaphore, #tpu.memory_space<semaphore_mem>>) src(%dma_wait3A_211 : memref<32768x1024xf32, #tpu.memory_space<hbm>>) dst(%arg8 : memref<32x1024xf32, #tpu.memory_space<vmem>>)
    %add3A_212 = arith.constant 352 : i32
    %add3A_213 = arith.addi %mul3A_2, %add3A_212 : i32
    %dma_start3A_214 = arith.constant 0 : i32
    %dma_start3A_215 = tpu.memref_slice %arg4[%add3A_213, %dma_start3A_214] : memref<16384x1024xf32, #tpu.memory_space<hbm>> -> memref<32x1024xf32, #tpu.memory_space<hbm>>
    %dma_start3A_216 = arith.constant 0 : i32
    %dma_start3A_217 = tpu.memref_slice %arg4[%add3A_213, %dma_start3A_216] : memref<16384x1024xf32, #tpu.memory_space<hbm>> -> memref<32x1024xf32, #tpu.memory_space<hbm>>
    tpu.enqueue_dma source(%arg8 : memref<32x1024xf32, #tpu.memory_space<vmem>>) target(%dma_start3A_217 : memref<32x1024xf32, #tpu.memory_space<hbm>>) target_semaphore(%arg12 : memref<!tpu.dma_semaphore, #tpu.memory_space<semaphore_mem>>)
    %dma_wait3A_218 = arith.constant 0 : i32
    %dma_wait3A_219 = tpu.memref_slice %arg4[%add3A_213, %dma_wait3A_218] : memref<16384x1024xf32, #tpu.memory_space<hbm>> -> memref<32x1024xf32, #tpu.memory_space<hbm>>
    %dma_wait3A_220 = arith.constant 0 : i32
    %dma_wait3A_221 = tpu.memref_slice %arg4[%add3A_213, %dma_wait3A_220] : memref<16384x1024xf32, #tpu.memory_space<hbm>> -> memref<32x1024xf32, #tpu.memory_space<hbm>>
    tpu.wait_dma2 semaphore(%arg12 : memref<!tpu.dma_semaphore, #tpu.memory_space<semaphore_mem>>) src(%arg8 : memref<32x1024xf32, #tpu.memory_space<vmem>>) dst(%dma_wait3A_221 : memref<32x1024xf32, #tpu.memory_space<hbm>>)
    %add3A_222 = arith.constant 416 : i32
    %add3A_223 = arith.addi %mul3A_2, %add3A_222 : i32
    "tpu.region"() ({
      %run_scoped3A = tpu.sem_alloc : memref<!tpu.dma_semaphore, #tpu.memory_space<semaphore_mem>>
      %dma_start3A_289 = tpu.memref_slice %arg3[%add3A_223] : memref<16384xi32, #tpu.memory_space<hbm>> -> memref<32xi32, #tpu.memory_space<hbm>>
      %dma_start3A_290 = tpu.memref_slice %arg3[%add3A_223] : memref<16384xi32, #tpu.memory_space<hbm>> -> memref<32xi32, #tpu.memory_space<hbm>>
      tpu.enqueue_dma source(%dma_start3A_290 : memref<32xi32, #tpu.memory_space<hbm>>) target(%arg6 : memref<32xi32, #tpu.memory_space<vmem>>) target_semaphore(%run_scoped3A : memref<!tpu.dma_semaphore, #tpu.memory_space<semaphore_mem>>)
      %dma_wait3A_291 = tpu.memref_slice %arg3[%add3A_223] : memref<16384xi32, #tpu.memory_space<hbm>> -> memref<32xi32, #tpu.memory_space<hbm>>
      %dma_wait3A_292 = tpu.memref_slice %arg3[%add3A_223] : memref<16384xi32, #tpu.memory_space<hbm>> -> memref<32xi32, #tpu.memory_space<hbm>>
      tpu.wait_dma2 semaphore(%run_scoped3A : memref<!tpu.dma_semaphore, #tpu.memory_space<semaphore_mem>>) src(%dma_wait3A_292 : memref<32xi32, #tpu.memory_space<hbm>>) dst(%arg6 : memref<32xi32, #tpu.memory_space<vmem>>)
      tpu.yield
    }) : () -> ()
    %dma_start3A_224 = arith.constant 0 : i32
    %dma_start3A_225 = arith.constant 0 : i32
    %dma_start3A_226 = tpu.memref_slice %arg2[%dma_start3A_224, %dma_start3A_225] : memref<32768x1024xf32, #tpu.memory_space<hbm>> -> memref<32768x1024xf32, #tpu.memory_space<hbm>>
    tpu.enqueue_indirect_dma source(%dma_start3A_226 : memref<32768x1024xf32, #tpu.memory_space<hbm>>) target(%arg8 : memref<32x1024xf32, #tpu.memory_space<vmem>>) offsets(%arg6 : memref<32xi32, #tpu.memory_space<vmem>>) semaphore(%arg10 : memref<!tpu.dma_semaphore, #tpu.memory_space<semaphore_mem>>)
    %dma_wait3A_227 = arith.constant 0 : i32
    %dma_wait3A_228 = arith.constant 0 : i32
    %dma_wait3A_229 = tpu.memref_slice %arg2[%dma_wait3A_227, %dma_wait3A_228] : memref<32768x1024xf32, #tpu.memory_space<hbm>> -> memref<32768x1024xf32, #tpu.memory_space<hbm>>
    tpu.wait_indirect_dma semaphore(%arg9 : memref<!tpu.dma_semaphore, #tpu.memory_space<semaphore_mem>>) src(%dma_wait3A_229 : memref<32768x1024xf32, #tpu.memory_space<hbm>>) dst(%arg7 : memref<32x1024xf32, #tpu.memory_space<vmem>>)
    %add3A_230 = arith.constant 384 : i32
    %add3A_231 = arith.addi %mul3A_2, %add3A_230 : i32
    %dma_start3A_232 = arith.constant 0 : i32
    %dma_start3A_233 = tpu.memref_slice %arg4[%add3A_231, %dma_start3A_232] : memref<16384x1024xf32, #tpu.memory_space<hbm>> -> memref<32x1024xf32, #tpu.memory_space<hbm>>
    %dma_start3A_234 = arith.constant 0 : i32
    %dma_start3A_235 = tpu.memref_slice %arg4[%add3A_231, %dma_start3A_234] : memref<16384x1024xf32, #tpu.memory_space<hbm>> -> memref<32x1024xf32, #tpu.memory_space<hbm>>
    tpu.enqueue_dma source(%arg7 : memref<32x1024xf32, #tpu.memory_space<vmem>>) target(%dma_start3A_235 : memref<32x1024xf32, #tpu.memory_space<hbm>>) target_semaphore(%arg11 : memref<!tpu.dma_semaphore, #tpu.memory_space<semaphore_mem>>)
    %dma_wait3A_236 = arith.constant 0 : i32
    %dma_wait3A_237 = tpu.memref_slice %arg4[%add3A_231, %dma_wait3A_236] : memref<16384x1024xf32, #tpu.memory_space<hbm>> -> memref<32x1024xf32, #tpu.memory_space<hbm>>
    %dma_wait3A_238 = arith.constant 0 : i32
    %dma_wait3A_239 = tpu.memref_slice %arg4[%add3A_231, %dma_wait3A_238] : memref<16384x1024xf32, #tpu.memory_space<hbm>> -> memref<32x1024xf32, #tpu.memory_space<hbm>>
    tpu.wait_dma2 semaphore(%arg11 : memref<!tpu.dma_semaphore, #tpu.memory_space<semaphore_mem>>) src(%arg7 : memref<32x1024xf32, #tpu.memory_space<vmem>>) dst(%dma_wait3A_239 : memref<32x1024xf32, #tpu.memory_space<hbm>>)
    %add3A_240 = arith.constant 448 : i32
    %add3A_241 = arith.addi %mul3A_2, %add3A_240 : i32
    "tpu.region"() ({
      %run_scoped3A = tpu.sem_alloc : memref<!tpu.dma_semaphore, #tpu.memory_space<semaphore_mem>>
      %dma_start3A_289 = tpu.memref_slice %arg3[%add3A_241] : memref<16384xi32, #tpu.memory_space<hbm>> -> memref<32xi32, #tpu.memory_space<hbm>>
      %dma_start3A_290 = tpu.memref_slice %arg3[%add3A_241] : memref<16384xi32, #tpu.memory_space<hbm>> -> memref<32xi32, #tpu.memory_space<hbm>>
      tpu.enqueue_dma source(%dma_start3A_290 : memref<32xi32, #tpu.memory_space<hbm>>) target(%arg5 : memref<32xi32, #tpu.memory_space<vmem>>) target_semaphore(%run_scoped3A : memref<!tpu.dma_semaphore, #tpu.memory_space<semaphore_mem>>)
      %dma_wait3A_291 = tpu.memref_slice %arg3[%add3A_241] : memref<16384xi32, #tpu.memory_space<hbm>> -> memref<32xi32, #tpu.memory_space<hbm>>
      %dma_wait3A_292 = tpu.memref_slice %arg3[%add3A_241] : memref<16384xi32, #tpu.memory_space<hbm>> -> memref<32xi32, #tpu.memory_space<hbm>>
      tpu.wait_dma2 semaphore(%run_scoped3A : memref<!tpu.dma_semaphore, #tpu.memory_space<semaphore_mem>>) src(%dma_wait3A_292 : memref<32xi32, #tpu.memory_space<hbm>>) dst(%arg5 : memref<32xi32, #tpu.memory_space<vmem>>)
      tpu.yield
    }) : () -> ()
    %dma_start3A_242 = arith.constant 0 : i32
    %dma_start3A_243 = arith.constant 0 : i32
    %dma_start3A_244 = tpu.memref_slice %arg2[%dma_start3A_242, %dma_start3A_243] : memref<32768x1024xf32, #tpu.memory_space<hbm>> -> memref<32768x1024xf32, #tpu.memory_space<hbm>>
    tpu.enqueue_indirect_dma source(%dma_start3A_244 : memref<32768x1024xf32, #tpu.memory_space<hbm>>) target(%arg7 : memref<32x1024xf32, #tpu.memory_space<vmem>>) offsets(%arg5 : memref<32xi32, #tpu.memory_space<vmem>>) semaphore(%arg9 : memref<!tpu.dma_semaphore, #tpu.memory_space<semaphore_mem>>)
    %dma_wait3A_245 = arith.constant 0 : i32
    %dma_wait3A_246 = arith.constant 0 : i32
    %dma_wait3A_247 = tpu.memref_slice %arg2[%dma_wait3A_245, %dma_wait3A_246] : memref<32768x1024xf32, #tpu.memory_space<hbm>> -> memref<32768x1024xf32, #tpu.memory_space<hbm>>
    tpu.wait_indirect_dma semaphore(%arg10 : memref<!tpu.dma_semaphore, #tpu.memory_space<semaphore_mem>>) src(%dma_wait3A_247 : memref<32768x1024xf32, #tpu.memory_space<hbm>>) dst(%arg8 : memref<32x1024xf32, #tpu.memory_space<vmem>>)
    %add3A_248 = arith.constant 416 : i32
    %add3A_249 = arith.addi %mul3A_2, %add3A_248 : i32
    %dma_start3A_250 = arith.constant 0 : i32
    %dma_start3A_251 = tpu.memref_slice %arg4[%add3A_249, %dma_start3A_250] : memref<16384x1024xf32, #tpu.memory_space<hbm>> -> memref<32x1024xf32, #tpu.memory_space<hbm>>
    %dma_start3A_252 = arith.constant 0 : i32
    %dma_start3A_253 = tpu.memref_slice %arg4[%add3A_249, %dma_start3A_252] : memref<16384x1024xf32, #tpu.memory_space<hbm>> -> memref<32x1024xf32, #tpu.memory_space<hbm>>
    tpu.enqueue_dma source(%arg8 : memref<32x1024xf32, #tpu.memory_space<vmem>>) target(%dma_start3A_253 : memref<32x1024xf32, #tpu.memory_space<hbm>>) target_semaphore(%arg12 : memref<!tpu.dma_semaphore, #tpu.memory_space<semaphore_mem>>)
    %dma_wait3A_254 = arith.constant 0 : i32
    %dma_wait3A_255 = tpu.memref_slice %arg4[%add3A_249, %dma_wait3A_254] : memref<16384x1024xf32, #tpu.memory_space<hbm>> -> memref<32x1024xf32, #tpu.memory_space<hbm>>
    %dma_wait3A_256 = arith.constant 0 : i32
    %dma_wait3A_257 = tpu.memref_slice %arg4[%add3A_249, %dma_wait3A_256] : memref<16384x1024xf32, #tpu.memory_space<hbm>> -> memref<32x1024xf32, #tpu.memory_space<hbm>>
    tpu.wait_dma2 semaphore(%arg12 : memref<!tpu.dma_semaphore, #tpu.memory_space<semaphore_mem>>) src(%arg8 : memref<32x1024xf32, #tpu.memory_space<vmem>>) dst(%dma_wait3A_257 : memref<32x1024xf32, #tpu.memory_space<hbm>>)
    %add3A_258 = arith.constant 480 : i32
    %add3A_259 = arith.addi %mul3A_2, %add3A_258 : i32
    "tpu.region"() ({
      %run_scoped3A = tpu.sem_alloc : memref<!tpu.dma_semaphore, #tpu.memory_space<semaphore_mem>>
      %dma_start3A_289 = tpu.memref_slice %arg3[%add3A_259] : memref<16384xi32, #tpu.memory_space<hbm>> -> memref<32xi32, #tpu.memory_space<hbm>>
      %dma_start3A_290 = tpu.memref_slice %arg3[%add3A_259] : memref<16384xi32, #tpu.memory_space<hbm>> -> memref<32xi32, #tpu.memory_space<hbm>>
      tpu.enqueue_dma source(%dma_start3A_290 : memref<32xi32, #tpu.memory_space<hbm>>) target(%arg6 : memref<32xi32, #tpu.memory_space<vmem>>) target_semaphore(%run_scoped3A : memref<!tpu.dma_semaphore, #tpu.memory_space<semaphore_mem>>)
      %dma_wait3A_291 = tpu.memref_slice %arg3[%add3A_259] : memref<16384xi32, #tpu.memory_space<hbm>> -> memref<32xi32, #tpu.memory_space<hbm>>
      %dma_wait3A_292 = tpu.memref_slice %arg3[%add3A_259] : memref<16384xi32, #tpu.memory_space<hbm>> -> memref<32xi32, #tpu.memory_space<hbm>>
      tpu.wait_dma2 semaphore(%run_scoped3A : memref<!tpu.dma_semaphore, #tpu.memory_space<semaphore_mem>>) src(%dma_wait3A_292 : memref<32xi32, #tpu.memory_space<hbm>>) dst(%arg6 : memref<32xi32, #tpu.memory_space<vmem>>)
      tpu.yield
    }) : () -> ()
    %dma_start3A_260 = arith.constant 0 : i32
    %dma_start3A_261 = arith.constant 0 : i32
    %dma_start3A_262 = tpu.memref_slice %arg2[%dma_start3A_260, %dma_start3A_261] : memref<32768x1024xf32, #tpu.memory_space<hbm>> -> memref<32768x1024xf32, #tpu.memory_space<hbm>>
    tpu.enqueue_indirect_dma source(%dma_start3A_262 : memref<32768x1024xf32, #tpu.memory_space<hbm>>) target(%arg8 : memref<32x1024xf32, #tpu.memory_space<vmem>>) offsets(%arg6 : memref<32xi32, #tpu.memory_space<vmem>>) semaphore(%arg10 : memref<!tpu.dma_semaphore, #tpu.memory_space<semaphore_mem>>)
    %dma_wait3A_263 = arith.constant 0 : i32
    %dma_wait3A_264 = arith.constant 0 : i32
    %dma_wait3A_265 = tpu.memref_slice %arg2[%dma_wait3A_263, %dma_wait3A_264] : memref<32768x1024xf32, #tpu.memory_space<hbm>> -> memref<32768x1024xf32, #tpu.memory_space<hbm>>
    tpu.wait_indirect_dma semaphore(%arg9 : memref<!tpu.dma_semaphore, #tpu.memory_space<semaphore_mem>>) src(%dma_wait3A_265 : memref<32768x1024xf32, #tpu.memory_space<hbm>>) dst(%arg7 : memref<32x1024xf32, #tpu.memory_space<vmem>>)
    %add3A_266 = arith.constant 448 : i32
    %add3A_267 = arith.addi %mul3A_2, %add3A_266 : i32
    %dma_start3A_268 = arith.constant 0 : i32
    %dma_start3A_269 = tpu.memref_slice %arg4[%add3A_267, %dma_start3A_268] : memref<16384x1024xf32, #tpu.memory_space<hbm>> -> memref<32x1024xf32, #tpu.memory_space<hbm>>
    %dma_start3A_270 = arith.constant 0 : i32
    %dma_start3A_271 = tpu.memref_slice %arg4[%add3A_267, %dma_start3A_270] : memref<16384x1024xf32, #tpu.memory_space<hbm>> -> memref<32x1024xf32, #tpu.memory_space<hbm>>
    tpu.enqueue_dma source(%arg7 : memref<32x1024xf32, #tpu.memory_space<vmem>>) target(%dma_start3A_271 : memref<32x1024xf32, #tpu.memory_space<hbm>>) target_semaphore(%arg11 : memref<!tpu.dma_semaphore, #tpu.memory_space<semaphore_mem>>)
    %dma_wait3A_272 = arith.constant 0 : i32
    %dma_wait3A_273 = arith.constant 0 : i32
    %dma_wait3A_274 = tpu.memref_slice %arg2[%dma_wait3A_272, %dma_wait3A_273] : memref<32768x1024xf32, #tpu.memory_space<hbm>> -> memref<32768x1024xf32, #tpu.memory_space<hbm>>
    tpu.wait_indirect_dma semaphore(%arg10 : memref<!tpu.dma_semaphore, #tpu.memory_space<semaphore_mem>>) src(%dma_wait3A_274 : memref<32768x1024xf32, #tpu.memory_space<hbm>>) dst(%arg8 : memref<32x1024xf32, #tpu.memory_space<vmem>>)
    %add3A_275 = arith.constant 480 : i32
    %add3A_276 = arith.addi %mul3A_2, %add3A_275 : i32
    %dma_start3A_277 = arith.constant 0 : i32
    %dma_start3A_278 = tpu.memref_slice %arg4[%add3A_276, %dma_start3A_277] : memref<16384x1024xf32, #tpu.memory_space<hbm>> -> memref<32x1024xf32, #tpu.memory_space<hbm>>
    %dma_start3A_279 = arith.constant 0 : i32
    %dma_start3A_280 = tpu.memref_slice %arg4[%add3A_276, %dma_start3A_279] : memref<16384x1024xf32, #tpu.memory_space<hbm>> -> memref<32x1024xf32, #tpu.memory_space<hbm>>
    tpu.enqueue_dma source(%arg8 : memref<32x1024xf32, #tpu.memory_space<vmem>>) target(%dma_start3A_280 : memref<32x1024xf32, #tpu.memory_space<hbm>>) target_semaphore(%arg12 : memref<!tpu.dma_semaphore, #tpu.memory_space<semaphore_mem>>)
    %dma_wait3A_281 = arith.constant 0 : i32
    %dma_wait3A_282 = tpu.memref_slice %arg4[%add3A_267, %dma_wait3A_281] : memref<16384x1024xf32, #tpu.memory_space<hbm>> -> memref<32x1024xf32, #tpu.memory_space<hbm>>
    %dma_wait3A_283 = arith.constant 0 : i32
    %dma_wait3A_284 = tpu.memref_slice %arg4[%add3A_267, %dma_wait3A_283] : memref<16384x1024xf32, #tpu.memory_space<hbm>> -> memref<32x1024xf32, #tpu.memory_space<hbm>>
    tpu.wait_dma2 semaphore(%arg11 : memref<!tpu.dma_semaphore, #tpu.memory_space<semaphore_mem>>) src(%arg7 : memref<32x1024xf32, #tpu.memory_space<vmem>>) dst(%dma_wait3A_284 : memref<32x1024xf32, #tpu.memory_space<hbm>>)
    %dma_wait3A_285 = arith.constant 0 : i32
    %dma_wait3A_286 = tpu.memref_slice %arg4[%add3A_276, %dma_wait3A_285] : memref<16384x1024xf32, #tpu.memory_space<hbm>> -> memref<32x1024xf32, #tpu.memory_space<hbm>>
    %dma_wait3A_287 = arith.constant 0 : i32
    %dma_wait3A_288 = tpu.memref_slice %arg4[%add3A_276, %dma_wait3A_287] : memref<16384x1024xf32, #tpu.memory_space<hbm>> -> memref<32x1024xf32, #tpu.memory_space<hbm>>
    tpu.wait_dma2 semaphore(%arg12 : memref<!tpu.dma_semaphore, #tpu.memory_space<semaphore_mem>>) src(%arg8 : memref<32x1024xf32, #tpu.memory_space<vmem>>) dst(%dma_wait3A_288 : memref<32x1024xf32, #tpu.memory_space<hbm>>)
    return
  }
}

module attributes {stable_mosaic.version = 14 : i64} {
  func.func @body(%arg0: i32, %arg1: memref<1x64xf32, #tpu.memory_space<vmem>>, %arg2: memref<1x1x1024xi32, #tpu.memory_space<vmem>>, %arg3: memref<1x1x1024xi32, #tpu.memory_space<vmem>>, %arg4: memref<1x1x1024xf32, #tpu.memory_space<vmem>>, %arg5: memref<1x1x1024xi32, #tpu.memory_space<vmem>>, %arg6: memref<1024x128xf32, #tpu.memory_space<vmem>>, %arg7: memref<1x128xi32, #tpu.memory_space<vmem>>, %arg8: memref<1x128xi32, #tpu.memory_space<vmem>>, %arg9: memref<1x128xi32, #tpu.memory_space<vmem>>) attributes {dimension_semantics = [#tpu.dimension_semantics<arbitrary>], iteration_bounds = array<i64: 16>, scalar_prefetch = 0 : i64, scratch_operands = 0 : i64, tpu.core_type = #tpu.core_type<tc>, window_params = [{pipeline_mode = #tpu.pipeline_mode<synchronous>, transform_indices = @transform_0, window_bounds = array<i64: 1, 64>}, {transform_indices = @transform_1, window_bounds = array<i64: 1, 1, 1024>}, {transform_indices = @transform_2, window_bounds = array<i64: 1, 1, 1024>}, {transform_indices = @transform_3, window_bounds = array<i64: 1, 1, 1024>}, {transform_indices = @transform_4, window_bounds = array<i64: 1, 1, 1024>}, {transform_indices = @transform_5, window_bounds = array<i64: 1024, 128>}, {pipeline_mode = #tpu.pipeline_mode<synchronous>, transform_indices = @transform_6, window_bounds = array<i64: 1, 128>}, {pipeline_mode = #tpu.pipeline_mode<synchronous>, transform_indices = @transform_7, window_bounds = array<i64: 1, 128>}, {pipeline_mode = #tpu.pipeline_mode<synchronous>, transform_indices = @transform_8, window_bounds = array<i64: 1, 128>}]} {
    %get3A = arith.constant 0 : index
    %get3A_0 = arith.constant 0 : index
    %get3A_1 = vector.load %arg1[%get3A, %get3A_0] : memref<1x64xf32, #tpu.memory_space<vmem>>, vector<1x64xf32>
    %add3A = arith.constant 2.550000e+02 : f32
    %add3A_2 = vector.broadcast %add3A : f32 to vector<1x64xf32>
    %add3A_3 = arith.addf %get3A_1, %add3A_2 : vector<1x64xf32>
    %mul3A = arith.constant 3.906250e-03 : f32
    %mul3A_4 = vector.broadcast %mul3A : f32 to vector<1x64xf32>
    %mul3A_5 = arith.mulf %add3A_3, %mul3A_4 : vector<1x64xf32>
    %floor3A = math.floor %mul3A_5 : vector<1x64xf32>
    %iota3A = tpu.iota {dimensions = array<i32: 0>} : vector<64x64xi32>
    %iota3A_6 = tpu.iota {dimensions = array<i32: 1>} : vector<64x64xi32>
    %le3A = arith.cmpi sle, %iota3A, %iota3A_6 : vector<64x64xi32>
    %convert_element_type3A = arith.extui %le3A : vector<64x64xi1> to vector<64x64xi32>
    %convert_element_type3A_7 = arith.sitofp %convert_element_type3A : vector<64x64xi32> to vector<64x64xf32>
    %dot_general3A = arith.constant dense<0.000000e+00> : vector<1x64xf32>
    %dot_general3A_8 = tpu.matmul %floor3A, %convert_element_type3A_7, %dot_general3A {dimension_numbers = #tpu.dot_dimension_numbers<[1], [0], [0], [1], [0, 0, 1, 1], [], []>, transpose_lhs_hint = false} : vector<1x64xf32>, vector<64x64xf32>, vector<1x64xf32> -> vector<1x64xf32>
    %sub3A = arith.subf %dot_general3A_8, %floor3A : vector<1x64xf32>
    %mul3A_9 = arith.constant 2.560000e+02 : f32
    %mul3A_10 = vector.broadcast %mul3A_9 : f32 to vector<1x64xf32>
    %mul3A_11 = arith.mulf %sub3A, %mul3A_10 : vector<1x64xf32>
    %slice3A = vector.extract_strided_slice %dot_general3A_8 {offsets = [0, 63], sizes = [1, 1], strides = [1, 1]} : vector<1x64xf32> to vector<1x1xf32>
    %get3A_12 = arith.constant 0 : index
    %get3A_13 = arith.constant 0 : index
    %get3A_14 = arith.constant 0 : index
    %get3A_15 = vector.load %arg2[%get3A_12, %get3A_13, %get3A_14] : memref<1x1x1024xi32, #tpu.memory_space<vmem>>, vector<1x1x1024xi32>
    %get3A_16 = vector.shape_cast %get3A_15 : vector<1x1x1024xi32> to vector<1024xi32>
    %iota3A_17 = tpu.iota {dimensions = array<i32: 1>} : vector<1024x64xi32>
    %broadcast_in_dim3A = vector.shape_cast %get3A_16 : vector<1024xi32> to vector<1024x1xi32>
    %eq3A = vector.broadcast %broadcast_in_dim3A : vector<1024x1xi32> to vector<1024x64xi32>
    %eq3A_18 = arith.cmpi eq, %iota3A_17, %eq3A : vector<1024x64xi32>
    %convert_element_type3A_19 = arith.extui %eq3A_18 : vector<1024x64xi1> to vector<1024x64xi32>
    %convert_element_type3A_20 = arith.sitofp %convert_element_type3A_19 : vector<1024x64xi32> to vector<1024x64xf32>
    %mul3A_21 = vector.broadcast %mul3A_11 : vector<1x64xf32> to vector<1024x64xf32>
    %mul3A_22 = arith.mulf %convert_element_type3A_20, %mul3A_21 : vector<1024x64xf32>
    %reduce_sum3A = arith.constant dense<0.000000e+00> : vector<1024xf32>
    %reduce_sum3A_23 = vector.multi_reduction <add>, %mul3A_22, %reduce_sum3A [1] : vector<1024x64xf32> to vector<1024xf32>
    %convert_element_type3A_24 = arith.fptosi %reduce_sum3A_23 : vector<1024xf32> to vector<1024xi32>
    %get3A_25 = arith.constant 0 : index
    %get3A_26 = arith.constant 0 : index
    %get3A_27 = arith.constant 0 : index
    %get3A_28 = vector.load %arg3[%get3A_25, %get3A_26, %get3A_27] : memref<1x1x1024xi32, #tpu.memory_space<vmem>>, vector<1x1x1024xi32>
    %get3A_29 = vector.shape_cast %get3A_28 : vector<1x1x1024xi32> to vector<1x1024xi32>
    %broadcast_in_dim3A_30 = vector.shape_cast %convert_element_type3A_24 : vector<1024xi32> to vector<1x1024xi32>
    %add3A_31 = arith.addi %broadcast_in_dim3A_30, %get3A_29 : vector<1x1024xi32>
    %swap3A = arith.constant 0 : index
    %swap3A_32 = arith.constant 0 : index
    %swap3A_33 = arith.constant 0 : index
    %swap3A_34 = vector.load %arg5[%swap3A, %swap3A_32, %swap3A_33] : memref<1x1x1024xi32, #tpu.memory_space<vmem>>, vector<1x1x1024xi32>
    %swap3A_35 = vector.shape_cast %swap3A_34 : vector<1x1x1024xi32> to vector<1x1024xi32>
    %swap3A_36 = vector.shape_cast %add3A_31 : vector<1x1024xi32> to vector<1x1x1024xi32>
    tpu.vector_store %arg5[%swap3A, %swap3A_32, %swap3A_33], %swap3A_36 {strides = array<i32>} : memref<1x1x1024xi32, #tpu.memory_space<vmem>>, vector<1x1x1024xi32>,
    %get3A_37 = arith.constant 0 : index
    %get3A_38 = arith.constant 0 : index
    %get3A_39 = arith.constant 0 : index
    %get3A_40 = vector.load %arg4[%get3A_37, %get3A_38, %get3A_39] : memref<1x1x1024xf32, #tpu.memory_space<vmem>>, vector<1x1x1024xf32>
    %get3A_41 = vector.shape_cast %get3A_40 : vector<1x1x1024xf32> to vector<1024xf32>
    %broadcast_in_dim3A_42 = vector.shape_cast %get3A_41 : vector<1024xf32> to vector<1024x1xf32>
    %broadcast_in_dim3A_43 = vector.shape_cast %broadcast_in_dim3A_42 : vector<1024x1xf32> to vector<1024x1xf32>
    %broadcast_in_dim3A_44 = vector.broadcast %broadcast_in_dim3A_43 : vector<1024x1xf32> to vector<1024x128xf32>
    %swap3A_45 = arith.constant 0 : index
    %swap3A_46 = arith.constant 0 : index
    %swap3A_47 = vector.load %arg6[%swap3A_45, %swap3A_46] : memref<1024x128xf32, #tpu.memory_space<vmem>>, vector<1024x128xf32>
    tpu.vector_store %arg6[%swap3A_45, %swap3A_46], %broadcast_in_dim3A_44 {strides = array<i32>} : memref<1024x128xf32, #tpu.memory_space<vmem>>, vector<1024x128xf32>,
    %eq3A_48 = arith.constant 0 : i32
    %eq3A_49 = arith.cmpi eq, %arg0, %eq3A_48 : i32
    %convert_element_type3A_50 = arith.extui %eq3A_49 : i1 to i32
    %cond3A = arith.constant 0 : i32
    %cond3A_51 = arith.cmpi ne, %convert_element_type3A_50, %cond3A : i32
    scf.if %cond3A_51 {
      %iota3A_52 = tpu.iota {dimensions = array<i32: 0>} : vector<128x1xi32>
      %convert_element_type3A_53 = arith.sitofp %iota3A_52 : vector<128x1xi32> to vector<128x1xf32>
      %broadcast_in_dim3A_54 = vector.shape_cast %dot_general3A_8 : vector<1x64xf32> to vector<1x64xf32>
      %broadcast_in_dim3A_55 = vector.broadcast %broadcast_in_dim3A_54 : vector<1x64xf32> to vector<128x64xf32>
      %le3A_56 = vector.broadcast %convert_element_type3A_53 : vector<128x1xf32> to vector<128x64xf32>
      %le3A_57 = arith.cmpf ole, %broadcast_in_dim3A_55, %le3A_56 : vector<128x64xf32>
      %convert_element_type3A_58 = arith.extui %le3A_57 : vector<128x64xi1> to vector<128x64xi32>
      %convert_element_type3A_59 = arith.sitofp %convert_element_type3A_58 : vector<128x64xi32> to vector<128x64xf32>
      %reduce_sum3A_60 = arith.constant dense<0.000000e+00> : vector<128xf32>
      %reduce_sum3A_61 = vector.multi_reduction <add>, %convert_element_type3A_59, %reduce_sum3A_60 [1] : vector<128x64xf32> to vector<128xf32>
      %broadcast_in_dim3A_62 = vector.shape_cast %reduce_sum3A_61 : vector<128xf32> to vector<128x1xf32>
      %lt3A = vector.broadcast %slice3A : vector<1x1xf32> to vector<128x1xf32>
      %lt3A_63 = arith.cmpf olt, %convert_element_type3A_53, %lt3A : vector<128x1xf32>
      %sub3A_64 = arith.constant 1.000000e+00 : f32
      %sub3A_65 = vector.broadcast %sub3A_64 : f32 to vector<1x1xf32>
      %sub3A_66 = arith.subf %slice3A, %sub3A_65 : vector<1x1xf32>
      %max3A = arith.constant 0.000000e+00 : f32
      %max3A_67 = vector.broadcast %max3A : f32 to vector<1x1xf32>
      %max3A_68 = arith.maximumf %sub3A_66, %max3A_67 : vector<1x1xf32>
      %broadcast_in_dim3A_69 = vector.shape_cast %max3A_68 : vector<1x1xf32> to vector<1x1xf32>
      %broadcast_in_dim3A_70 = vector.broadcast %broadcast_in_dim3A_69 : vector<1x1xf32> to vector<128x1xf32>
      %select_n3A = arith.select %lt3A_63, %broadcast_in_dim3A_62, %broadcast_in_dim3A_70 : vector<128x1xi1>, vector<128x1xf32>
      %convert_element_type3A_71 = arith.fptosi %select_n3A : vector<128x1xf32> to vector<128x1xi32>
      %squeeze3A = vector.shape_cast %convert_element_type3A_71 : vector<128x1xi32> to vector<128xi32>
      %broadcast_in_dim3A_72 = vector.shape_cast %squeeze3A : vector<128xi32> to vector<1x128xi32>
      %swap3A_73 = arith.constant 0 : index
      %swap3A_74 = arith.constant 0 : index
      %swap3A_75 = vector.load %arg7[%swap3A_73, %swap3A_74] : memref<1x128xi32, #tpu.memory_space<vmem>>, vector<1x128xi32>
      tpu.vector_store %arg7[%swap3A_73, %swap3A_74], %broadcast_in_dim3A_72 {strides = array<i32>} : memref<1x128xi32, #tpu.memory_space<vmem>>, vector<1x128xi32>,
      %convert_element_type3A_76 = arith.extui %lt3A_63 : vector<128x1xi1> to vector<128x1xi32>
      %squeeze3A_77 = vector.shape_cast %convert_element_type3A_76 : vector<128x1xi32> to vector<128xi32>
      %broadcast_in_dim3A_78 = vector.shape_cast %squeeze3A_77 : vector<128xi32> to vector<1x128xi32>
      %swap3A_79 = arith.constant 0 : index
      %swap3A_80 = arith.constant 0 : index
      %swap3A_81 = vector.load %arg8[%swap3A_79, %swap3A_80] : memref<1x128xi32, #tpu.memory_space<vmem>>, vector<1x128xi32>
      tpu.vector_store %arg8[%swap3A_79, %swap3A_80], %broadcast_in_dim3A_78 {strides = array<i32>} : memref<1x128xi32, #tpu.memory_space<vmem>>, vector<1x128xi32>,
      %broadcast_in_dim3A_82 = vector.shape_cast %max3A_68 : vector<1x1xf32> to vector<1x1xf32>
      %broadcast_in_dim3A_83 = vector.broadcast %broadcast_in_dim3A_82 : vector<1x1xf32> to vector<128x1xf32>
      %select_n3A_84 = arith.select %lt3A_63, %convert_element_type3A_53, %broadcast_in_dim3A_83 : vector<128x1xi1>, vector<128x1xf32>
      %convert_element_type3A_85 = arith.fptosi %select_n3A_84 : vector<128x1xf32> to vector<128x1xi32>
      %squeeze3A_86 = vector.shape_cast %convert_element_type3A_85 : vector<128x1xi32> to vector<128xi32>
      %broadcast_in_dim3A_87 = vector.shape_cast %squeeze3A_86 : vector<128xi32> to vector<1x128xi32>
      %swap3A_88 = arith.constant 0 : index
      %swap3A_89 = arith.constant 0 : index
      %swap3A_90 = vector.load %arg9[%swap3A_88, %swap3A_89] : memref<1x128xi32, #tpu.memory_space<vmem>>, vector<1x128xi32>
      tpu.vector_store %arg9[%swap3A_88, %swap3A_89], %broadcast_in_dim3A_87 {strides = array<i32>} : memref<1x128xi32, #tpu.memory_space<vmem>>, vector<1x128xi32>,
    } else {
    }
    return
  }
  func.func @transform_0(%arg0: i32) -> (i32, i32) {
    %c0_i32 = arith.constant 0 : i32
    %c0_i32_0 = arith.constant 0 : i32
    %c0_i32_1 = arith.constant 0 : i32
    return %c0_i32, %c0_i32_0 : i32, i32
  }
  func.func @transform_1(%arg0: i32) -> (i32, i32, i32) {
    %c0_i32 = arith.constant 0 : i32
    %c0_i32_0 = arith.constant 0 : i32
    %c0_i32_1 = arith.constant 0 : i32
    return %arg0, %c0_i32, %c0_i32_0 : i32, i32, i32
  }
  func.func @transform_2(%arg0: i32) -> (i32, i32, i32) {
    %c0_i32 = arith.constant 0 : i32
    %c0_i32_0 = arith.constant 0 : i32
    %c0_i32_1 = arith.constant 0 : i32
    return %arg0, %c0_i32, %c0_i32_0 : i32, i32, i32
  }
  func.func @transform_3(%arg0: i32) -> (i32, i32, i32) {
    %c0_i32 = arith.constant 0 : i32
    %c0_i32_0 = arith.constant 0 : i32
    %c0_i32_1 = arith.constant 0 : i32
    return %arg0, %c0_i32, %c0_i32_0 : i32, i32, i32
  }
  func.func @transform_4(%arg0: i32) -> (i32, i32, i32) {
    %c0_i32 = arith.constant 0 : i32
    %c0_i32_0 = arith.constant 0 : i32
    %c0_i32_1 = arith.constant 0 : i32
    return %arg0, %c0_i32, %c0_i32_0 : i32, i32, i32
  }
  func.func @transform_5(%arg0: i32) -> (i32, i32) {
    %c0_i32 = arith.constant 0 : i32
    %c0_i32_0 = arith.constant 0 : i32
    return %arg0, %c0_i32 : i32, i32
  }
  func.func @transform_6(%arg0: i32) -> (i32, i32) {
    %c0_i32 = arith.constant 0 : i32
    %c0_i32_0 = arith.constant 0 : i32
    %c0_i32_1 = arith.constant 0 : i32
    return %c0_i32, %c0_i32_0 : i32, i32
  }
  func.func @transform_7(%arg0: i32) -> (i32, i32) {
    %c0_i32 = arith.constant 0 : i32
    %c0_i32_0 = arith.constant 0 : i32
    %c0_i32_1 = arith.constant 0 : i32
    return %c0_i32, %c0_i32_0 : i32, i32
  }
  func.func @transform_8(%arg0: i32) -> (i32, i32) {
    %c0_i32 = arith.constant 0 : i32
    %c0_i32_0 = arith.constant 0 : i32
    %c0_i32_1 = arith.constant 0 : i32
    return %c0_i32, %c0_i32_0 : i32, i32
  }
}

module attributes {stable_mosaic.version = 14 : i64} {
  func.func @body(%arg0: i32, %arg1: memref<1024x1024xf32, #tpu.memory_space<vmem>>, %arg2: memref<1024x64xf32, #tpu.memory_space<vmem>>, %arg3: memref<1x64xf32, #tpu.memory_space<vmem>>, %arg4: memref<1x1x1024xi32, #tpu.memory_space<vmem>>, %arg5: memref<1x1x1024xf32, #tpu.memory_space<vmem>>, %arg6: memref<1x1x1024xi32, #tpu.memory_space<vmem>>, %arg7: memref<1x64xf32, #tpu.memory_space<vmem>>, %arg8: memref<1024x1024xf32, #tpu.memory_space<vmem>>) attributes {dimension_semantics = [#tpu.dimension_semantics<arbitrary>], iteration_bounds = array<i64: 16>, scalar_prefetch = 0 : i64, scratch_operands = 1 : i64, tpu.core_type = #tpu.core_type<tc>, window_params = [{transform_indices = @transform_0, window_bounds = array<i64: 1024, 1024>}, {pipeline_mode = #tpu.pipeline_mode<synchronous>, transform_indices = @transform_1, window_bounds = array<i64: 1024, 64>}, {pipeline_mode = #tpu.pipeline_mode<synchronous>, transform_indices = @transform_2, window_bounds = array<i64: 1, 64>}, {transform_indices = @transform_3, window_bounds = array<i64: 1, 1, 1024>}, {transform_indices = @transform_4, window_bounds = array<i64: 1, 1, 1024>}, {transform_indices = @transform_5, window_bounds = array<i64: 1, 1, 1024>}, {pipeline_mode = #tpu.pipeline_mode<synchronous>, transform_indices = @transform_6, window_bounds = array<i64: 1, 64>}]} {
    %get3A = arith.constant 0 : index
    %get3A_0 = arith.constant 0 : index
    %get3A_1 = vector.load %arg1[%get3A, %get3A_0] : memref<1024x1024xf32, #tpu.memory_space<vmem>>, vector<1024x1024xf32>
    %get3A_2 = arith.constant 0 : index
    %get3A_3 = arith.constant 0 : index
    %get3A_4 = vector.load %arg2[%get3A_2, %get3A_3] : memref<1024x64xf32, #tpu.memory_space<vmem>>, vector<1024x64xf32>
    %dot_general3A = arith.constant dense<0.000000e+00> : vector<1024x64xf32>
    %dot_general3A_5 = tpu.matmul %get3A_1, %get3A_4, %dot_general3A {dimension_numbers = #tpu.dot_dimension_numbers<[1], [0], [0], [1], [0, 0, 1, 1], [], []>, transpose_lhs_hint = false} : vector<1024x1024xf32>, vector<1024x64xf32>, vector<1024x64xf32> -> vector<1024x64xf32>
    %get3A_6 = arith.constant 0 : index
    %get3A_7 = arith.constant 0 : index
    %get3A_8 = vector.load %arg3[%get3A_6, %get3A_7] : memref<1x64xf32, #tpu.memory_space<vmem>>, vector<1x64xf32>
    %add3A = vector.broadcast %get3A_8 : vector<1x64xf32> to vector<1024x64xf32>
    %add3A_9 = arith.addf %dot_general3A_5, %add3A : vector<1024x64xf32>
    %reduce_max3A = arith.constant dense<0xFF800000> : vector<1024xf32>
    %reduce_max3A_10 = vector.multi_reduction <maximumf>, %add3A_9, %reduce_max3A [1] : vector<1024x64xf32> to vector<1024xf32>
    %broadcast_in_dim3A = vector.shape_cast %reduce_max3A_10 : vector<1024xf32> to vector<1024x1xf32>
    %iota3A = tpu.iota {dimensions = array<i32: 1>} : vector<1024x64xi32>
    %ge3A = vector.broadcast %broadcast_in_dim3A : vector<1024x1xf32> to vector<1024x64xf32>
    %ge3A_11 = arith.cmpf oge, %add3A_9, %ge3A : vector<1024x64xf32>
    %jit3A = arith.constant 64 : i32
    %broadcast_in_dim3A_12 = vector.broadcast %jit3A : i32 to vector<1024x64xi32>
    %select_n3A = arith.select %ge3A_11, %iota3A, %broadcast_in_dim3A_12 : vector<1024x64xi1>, vector<1024x64xi32>
    %reduce_min3A = arith.constant dense<2147483647> : vector<1024xi32>
    %reduce_min3A_13 = vector.multi_reduction <minsi>, %select_n3A, %reduce_min3A [1] : vector<1024x64xi32> to vector<1024xi32>
    %broadcast_in_dim3A_14 = vector.shape_cast %reduce_min3A_13 : vector<1024xi32> to vector<1024x1xi32>
    %eq3A = vector.broadcast %broadcast_in_dim3A_14 : vector<1024x1xi32> to vector<1024x64xi32>
    %eq3A_15 = arith.cmpi eq, %iota3A, %eq3A : vector<1024x64xi32>
    %convert_element_type3A = arith.extui %eq3A_15 : vector<1024x64xi1> to vector<1024x64xi32>
    %convert_element_type3A_16 = arith.sitofp %convert_element_type3A : vector<1024x64xi32> to vector<1024x64xf32>
    %eq3A_17 = arith.constant 0 : i32
    %eq3A_18 = arith.cmpi eq, %arg0, %eq3A_17 : i32
    %convert_element_type3A_19 = arith.extui %eq3A_18 : i1 to i32
    %cond3A = arith.constant 0 : i32
    %cond3A_20 = arith.cmpi ne, %convert_element_type3A_19, %cond3A : i32
    scf.if %cond3A_20 {
      %broadcast_in_dim3A_63 = arith.constant 0.000000e+00 : f32
      %broadcast_in_dim3A_64 = vector.broadcast %broadcast_in_dim3A_63 : f32 to vector<1x64xf32>
      %swap3A_65 = arith.constant 0 : index
      %swap3A_66 = arith.constant 0 : index
      %swap3A_67 = vector.load %arg7[%swap3A_65, %swap3A_66] : memref<1x64xf32, #tpu.memory_space<vmem>>, vector<1x64xf32>
      tpu.vector_store %arg7[%swap3A_65, %swap3A_66], %broadcast_in_dim3A_64 {strides = array<i32>} : memref<1x64xf32, #tpu.memory_space<vmem>>, vector<1x64xf32>,
      %iota3A_68 = tpu.iota {dimensions = array<i32: 0>} : vector<1024x1024xi32>
      %iota3A_69 = tpu.iota {dimensions = array<i32: 1>} : vector<1024x1024xi32>
      %lt3A = arith.cmpi slt, %iota3A_69, %iota3A_68 : vector<1024x1024xi32>
      %convert_element_type3A_70 = arith.extui %lt3A : vector<1024x1024xi1> to vector<1024x1024xi32>
      %convert_element_type3A_71 = arith.sitofp %convert_element_type3A_70 : vector<1024x1024xi32> to vector<1024x1024xf32>
      %swap3A_72 = arith.constant 0 : index
      %swap3A_73 = arith.constant 0 : index
      %swap3A_74 = vector.load %arg8[%swap3A_72, %swap3A_73] : memref<1024x1024xf32, #tpu.memory_space<vmem>>, vector<1024x1024xf32>
      tpu.vector_store %arg8[%swap3A_72, %swap3A_73], %convert_element_type3A_71 {strides = array<i32>} : memref<1024x1024xf32, #tpu.memory_space<vmem>>, vector<1024x1024xf32>,
    } else {
    }
    %get3A_21 = arith.constant 0 : index
    %get3A_22 = arith.constant 0 : index
    %get3A_23 = vector.load %arg8[%get3A_21, %get3A_22] : memref<1024x1024xf32, #tpu.memory_space<vmem>>, vector<1024x1024xf32>
    %dot_general3A_24 = arith.constant dense<0.000000e+00> : vector<1024x64xf32>
    %dot_general3A_25 = tpu.matmul %get3A_23, %convert_element_type3A_16, %dot_general3A_24 {dimension_numbers = #tpu.dot_dimension_numbers<[1], [0], [0], [1], [0, 0, 1, 1], [], []>, transpose_lhs_hint = false} : vector<1024x1024xf32>, vector<1024x64xf32>, vector<1024x64xf32> -> vector<1024x64xf32>
    %get3A_26 = arith.constant 0 : index
    %get3A_27 = arith.constant 0 : index
    %get3A_28 = vector.load %arg7[%get3A_26, %get3A_27] : memref<1x64xf32, #tpu.memory_space<vmem>>, vector<1x64xf32>
    %add3A_29 = vector.broadcast %get3A_28 : vector<1x64xf32> to vector<1024x64xf32>
    %add3A_30 = arith.addf %dot_general3A_25, %add3A_29 : vector<1024x64xf32>
    %mul3A = arith.mulf %convert_element_type3A_16, %add3A_30 : vector<1024x64xf32>
    %reduce_sum3A = arith.constant dense<0.000000e+00> : vector<1024xf32>
    %reduce_sum3A_31 = vector.multi_reduction <add>, %mul3A, %reduce_sum3A [1] : vector<1024x64xf32> to vector<1024xf32>
    %get3A_32 = arith.constant 0 : index
    %get3A_33 = arith.constant 0 : index
    %get3A_34 = vector.load %arg7[%get3A_32, %get3A_33] : memref<1x64xf32, #tpu.memory_space<vmem>>, vector<1x64xf32>
    %reduce_sum3A_35 = arith.constant dense<0.000000e+00> : vector<64xf32>
    %reduce_sum3A_36 = vector.multi_reduction <add>, %convert_element_type3A_16, %reduce_sum3A_35 [0] : vector<1024x64xf32> to vector<64xf32>
    %broadcast_in_dim3A_37 = vector.shape_cast %reduce_sum3A_36 : vector<64xf32> to vector<1x64xf32>
    %add3A_38 = arith.addf %get3A_34, %broadcast_in_dim3A_37 : vector<1x64xf32>
    %swap3A = arith.constant 0 : index
    %swap3A_39 = arith.constant 0 : index
    %swap3A_40 = vector.load %arg7[%swap3A, %swap3A_39] : memref<1x64xf32, #tpu.memory_space<vmem>>, vector<1x64xf32>
    tpu.vector_store %arg7[%swap3A, %swap3A_39], %add3A_38 {strides = array<i32>} : memref<1x64xf32, #tpu.memory_space<vmem>>, vector<1x64xf32>,
    %broadcast_in_dim3A_41 = vector.shape_cast %reduce_min3A_13 : vector<1024xi32> to vector<1x1024xi32>
    %swap3A_42 = arith.constant 0 : index
    %swap3A_43 = arith.constant 0 : index
    %swap3A_44 = arith.constant 0 : index
    %swap3A_45 = vector.load %arg4[%swap3A_42, %swap3A_43, %swap3A_44] : memref<1x1x1024xi32, #tpu.memory_space<vmem>>, vector<1x1x1024xi32>
    %swap3A_46 = vector.shape_cast %swap3A_45 : vector<1x1x1024xi32> to vector<1x1024xi32>
    %swap3A_47 = vector.shape_cast %broadcast_in_dim3A_41 : vector<1x1024xi32> to vector<1x1x1024xi32>
    tpu.vector_store %arg4[%swap3A_42, %swap3A_43, %swap3A_44], %swap3A_47 {strides = array<i32>} : memref<1x1x1024xi32, #tpu.memory_space<vmem>>, vector<1x1x1024xi32>,
    %squeeze3A = vector.shape_cast %broadcast_in_dim3A : vector<1024x1xf32> to vector<1024xf32>
    %broadcast_in_dim3A_48 = vector.shape_cast %squeeze3A : vector<1024xf32> to vector<1x1024xf32>
    %swap3A_49 = arith.constant 0 : index
    %swap3A_50 = arith.constant 0 : index
    %swap3A_51 = arith.constant 0 : index
    %swap3A_52 = vector.load %arg5[%swap3A_49, %swap3A_50, %swap3A_51] : memref<1x1x1024xf32, #tpu.memory_space<vmem>>, vector<1x1x1024xf32>
    %swap3A_53 = vector.shape_cast %swap3A_52 : vector<1x1x1024xf32> to vector<1x1024xf32>
    %swap3A_54 = vector.shape_cast %broadcast_in_dim3A_48 : vector<1x1024xf32> to vector<1x1x1024xf32>
    tpu.vector_store %arg5[%swap3A_49, %swap3A_50, %swap3A_51], %swap3A_54 {strides = array<i32>} : memref<1x1x1024xf32, #tpu.memory_space<vmem>>, vector<1x1x1024xf32>,
    %convert_element_type3A_55 = arith.fptosi %reduce_sum3A_31 : vector<1024xf32> to vector<1024xi32>
    %broadcast_in_dim3A_56 = vector.shape_cast %convert_element_type3A_55 : vector<1024xi32> to vector<1x1024xi32>
    %swap3A_57 = arith.constant 0 : index
    %swap3A_58 = arith.constant 0 : index
    %swap3A_59 = arith.constant 0 : index
    %swap3A_60 = vector.load %arg6[%swap3A_57, %swap3A_58, %swap3A_59] : memref<1x1x1024xi32, #tpu.memory_space<vmem>>, vector<1x1x1024xi32>
    %swap3A_61 = vector.shape_cast %swap3A_60 : vector<1x1x1024xi32> to vector<1x1024xi32>
    %swap3A_62 = vector.shape_cast %broadcast_in_dim3A_56 : vector<1x1024xi32> to vector<1x1x1024xi32>
    tpu.vector_store %arg6[%swap3A_57, %swap3A_58, %swap3A_59], %swap3A_62 {strides = array<i32>} : memref<1x1x1024xi32, #tpu.memory_space<vmem>>, vector<1x1x1024xi32>,
    return
  }
  func.func @transform_0(%arg0: i32) -> (i32, i32) {
    %c0_i32 = arith.constant 0 : i32
    %c0_i32_0 = arith.constant 0 : i32
    return %arg0, %c0_i32 : i32, i32
  }
  func.func @transform_1(%arg0: i32) -> (i32, i32) {
    %c0_i32 = arith.constant 0 : i32
    %c0_i32_0 = arith.constant 0 : i32
    %c0_i32_1 = arith.constant 0 : i32
    return %c0_i32, %c0_i32_0 : i32, i32
  }
  func.func @transform_2(%arg0: i32) -> (i32, i32) {
    %c0_i32 = arith.constant 0 : i32
    %c0_i32_0 = arith.constant 0 : i32
    %c0_i32_1 = arith.constant 0 : i32
    return %c0_i32, %c0_i32_0 : i32, i32
  }
  func.func @transform_3(%arg0: i32) -> (i32, i32, i32) {
    %c0_i32 = arith.constant 0 : i32
    %c0_i32_0 = arith.constant 0 : i32
    %c0_i32_1 = arith.constant 0 : i32
    return %arg0, %c0_i32, %c0_i32_0 : i32, i32, i32
  }
  func.func @transform_4(%arg0: i32) -> (i32, i32, i32) {
    %c0_i32 = arith.constant 0 : i32
    %c0_i32_0 = arith.constant 0 : i32
    %c0_i32_1 = arith.constant 0 : i32
    return %arg0, %c0_i32, %c0_i32_0 : i32, i32, i32
  }
  func.func @transform_5(%arg0: i32) -> (i32, i32, i32) {
    %c0_i32 = arith.constant 0 : i32
    %c0_i32_0 = arith.constant 0 : i32
    %c0_i32_1 = arith.constant 0 : i32
    return %arg0, %c0_i32, %c0_i32_0 : i32, i32, i32
  }
  func.func @transform_6(%arg0: i32) -> (i32, i32) {
    %c0_i32 = arith.constant 0 : i32
    %c0_i32_0 = arith.constant 0 : i32
    %c0_i32_1 = arith.constant 0 : i32
    return %c0_i32, %c0_i32_0 : i32, i32
  }
}

module attributes {stable_mosaic.version = 14 : i64} {
  func.func @body(%arg0: i32, %arg1: memref<128xi32, #tpu.memory_space<smem>>, %arg2: memref<128xi32, #tpu.memory_space<smem>>, %arg3: memref<128xi32, #tpu.memory_space<smem>>, %arg4: memref<256x1024xf32, #tpu.memory_space<vmem>>, %arg5: memref<1x1024x256xf32, #tpu.memory_space<vmem>>, %arg6: memref<1x1x256xf32, #tpu.memory_space<vmem>>, %arg7: memref<1x256x1024xf32, #tpu.memory_space<vmem>>, %arg8: memref<1x1x1024xf32, #tpu.memory_space<vmem>>, %arg9: memref<256x128xf32, #tpu.memory_space<vmem>>, %arg10: memref<256x1024xf32, #tpu.memory_space<vmem>>) attributes {dimension_semantics = [#tpu.dimension_semantics<arbitrary>], iteration_bounds = array<i64: 128>, scalar_prefetch = 3 : i64, scratch_operands = 0 : i64, tpu.core_type = #tpu.core_type<tc>, window_params = [{transform_indices = @transform_0, window_bounds = array<i64: 256, 1024>}, {transform_indices = @transform_1, window_bounds = array<i64: 1, 1024, 256>}, {transform_indices = @transform_2, window_bounds = array<i64: 1, 1, 256>}, {transform_indices = @transform_3, window_bounds = array<i64: 1, 256, 1024>}, {transform_indices = @transform_4, window_bounds = array<i64: 1, 1, 1024>}, {transform_indices = @transform_5, window_bounds = array<i64: 256, 128>}, {transform_indices = @transform_6, window_bounds = array<i64: 256, 1024>}]} {
    %get3A = arith.index_cast %arg0 : i32 to index
    %get3A_0 = memref.load %arg2[%get3A] : memref<128xi32, #tpu.memory_space<smem>>
    %eq3A = arith.constant 1 : i32
    %eq3A_1 = arith.cmpi eq, %get3A_0, %eq3A : i32
    %convert_element_type3A = arith.extui %eq3A_1 : i1 to i32
    %cond3A = arith.constant 0 : i32
    %cond3A_2 = arith.cmpi ne, %convert_element_type3A, %cond3A : i32
    scf.if %cond3A_2 {
      %get3A_3 = arith.constant 0 : index
      %get3A_4 = arith.constant 0 : index
      %get3A_5 = vector.load %arg4[%get3A_3, %get3A_4] : memref<256x1024xf32, #tpu.memory_space<vmem>>, vector<256x1024xf32>
      %get3A_6 = arith.constant 0 : index
      %get3A_7 = arith.constant 0 : index
      %get3A_8 = arith.constant 0 : index
      %get3A_9 = vector.load %arg5[%get3A_6, %get3A_7, %get3A_8] : memref<1x1024x256xf32, #tpu.memory_space<vmem>>, vector<1x1024x256xf32>
      %get3A_10 = vector.shape_cast %get3A_9 : vector<1x1024x256xf32> to vector<1024x256xf32>
      %dot_general3A = arith.constant dense<0.000000e+00> : vector<256x256xf32>
      %dot_general3A_11 = tpu.matmul %get3A_5, %get3A_10, %dot_general3A {dimension_numbers = #tpu.dot_dimension_numbers<[1], [0], [0], [1], [0, 0, 1, 1], [], []>, transpose_lhs_hint = false} : vector<256x1024xf32>, vector<1024x256xf32>, vector<256x256xf32> -> vector<256x256xf32>
      %get3A_12 = arith.constant 0 : index
      %get3A_13 = arith.constant 0 : index
      %get3A_14 = arith.constant 0 : index
      %get3A_15 = vector.load %arg6[%get3A_12, %get3A_13, %get3A_14] : memref<1x1x256xf32, #tpu.memory_space<vmem>>, vector<1x1x256xf32>
      %get3A_16 = vector.shape_cast %get3A_15 : vector<1x1x256xf32> to vector<1x256xf32>
      %add3A = vector.broadcast %get3A_16 : vector<1x256xf32> to vector<256x256xf32>
      %add3A_17 = arith.addf %dot_general3A_11, %add3A : vector<256x256xf32>
      %max3A = arith.constant 0.000000e+00 : f32
      %max3A_18 = vector.broadcast %max3A : f32 to vector<256x256xf32>
      %max3A_19 = arith.maximumf %add3A_17, %max3A_18 : vector<256x256xf32>
      %get3A_20 = arith.constant 0 : index
      %get3A_21 = arith.constant 0 : index
      %get3A_22 = arith.constant 0 : index
      %get3A_23 = vector.load %arg7[%get3A_20, %get3A_21, %get3A_22] : memref<1x256x1024xf32, #tpu.memory_space<vmem>>, vector<1x256x1024xf32>
      %get3A_24 = vector.shape_cast %get3A_23 : vector<1x256x1024xf32> to vector<256x1024xf32>
      %dot_general3A_25 = arith.constant dense<0.000000e+00> : vector<256x1024xf32>
      %dot_general3A_26 = tpu.matmul %max3A_19, %get3A_24, %dot_general3A_25 {dimension_numbers = #tpu.dot_dimension_numbers<[1], [0], [0], [1], [0, 0, 1, 1], [], []>, transpose_lhs_hint = false} : vector<256x256xf32>, vector<256x1024xf32>, vector<256x1024xf32> -> vector<256x1024xf32>
      %get3A_27 = arith.constant 0 : index
      %get3A_28 = arith.constant 0 : index
      %get3A_29 = arith.constant 0 : index
      %get3A_30 = vector.load %arg8[%get3A_27, %get3A_28, %get3A_29] : memref<1x1x1024xf32, #tpu.memory_space<vmem>>, vector<1x1x1024xf32>
      %get3A_31 = vector.shape_cast %get3A_30 : vector<1x1x1024xf32> to vector<1x1024xf32>
      %add3A_32 = vector.broadcast %get3A_31 : vector<1x1024xf32> to vector<256x1024xf32>
      %add3A_33 = arith.addf %dot_general3A_26, %add3A_32 : vector<256x1024xf32>
      %get3A_34 = arith.constant 0 : index
      %get3A_35 = arith.constant 0 : index
      %get3A_36 = vector.load %arg9[%get3A_34, %get3A_35] : memref<256x128xf32, #tpu.memory_space<vmem>>, vector<256x128xf32>
      %slice3A = vector.extract_strided_slice %get3A_36 {offsets = [0, 0], sizes = [256, 1], strides = [1, 1]} : vector<256x128xf32> to vector<256x1xf32>
      %mul3A = vector.broadcast %slice3A : vector<256x1xf32> to vector<256x1024xf32>
      %mul3A_37 = arith.mulf %add3A_33, %mul3A : vector<256x1024xf32>
      %swap3A = arith.constant 0 : index
      %swap3A_38 = arith.constant 0 : index
      %swap3A_39 = vector.load %arg10[%swap3A, %swap3A_38] : memref<256x1024xf32, #tpu.memory_space<vmem>>, vector<256x1024xf32>
      tpu.vector_store %arg10[%swap3A, %swap3A_38], %mul3A_37 {strides = array<i32>} : memref<256x1024xf32, #tpu.memory_space<vmem>>, vector<256x1024xf32>,
    } else {
    }
    return
  }
  func.func @transform_0(%arg0: i32, %arg1: memref<128xi32, #tpu.memory_space<smem>>, %arg2: memref<128xi32, #tpu.memory_space<smem>>, %arg3: memref<128xi32, #tpu.memory_space<smem>>) -> (i32, i32) {
    %get3A = arith.index_cast %arg0 : i32 to index
    %get3A_0 = memref.load %arg3[%get3A] : memref<128xi32, #tpu.memory_space<smem>>
    %c0_i32 = arith.constant 0 : i32
    %c0_i32_1 = arith.constant 0 : i32
    return %get3A_0, %c0_i32 : i32, i32
  }
  func.func @transform_1(%arg0: i32, %arg1: memref<128xi32, #tpu.memory_space<smem>>, %arg2: memref<128xi32, #tpu.memory_space<smem>>, %arg3: memref<128xi32, #tpu.memory_space<smem>>) -> (i32, i32, i32) {
    %get3A = arith.index_cast %arg0 : i32 to index
    %get3A_0 = memref.load %arg1[%get3A] : memref<128xi32, #tpu.memory_space<smem>>
    %c0_i32 = arith.constant 0 : i32
    %c0_i32_1 = arith.constant 0 : i32
    %c0_i32_2 = arith.constant 0 : i32
    return %get3A_0, %c0_i32, %c0_i32_1 : i32, i32, i32
  }
  func.func @transform_2(%arg0: i32, %arg1: memref<128xi32, #tpu.memory_space<smem>>, %arg2: memref<128xi32, #tpu.memory_space<smem>>, %arg3: memref<128xi32, #tpu.memory_space<smem>>) -> (i32, i32, i32) {
    %get3A = arith.index_cast %arg0 : i32 to index
    %get3A_0 = memref.load %arg1[%get3A] : memref<128xi32, #tpu.memory_space<smem>>
    %c0_i32 = arith.constant 0 : i32
    %c0_i32_1 = arith.constant 0 : i32
    %c0_i32_2 = arith.constant 0 : i32
    return %get3A_0, %c0_i32, %c0_i32_1 : i32, i32, i32
  }
  func.func @transform_3(%arg0: i32, %arg1: memref<128xi32, #tpu.memory_space<smem>>, %arg2: memref<128xi32, #tpu.memory_space<smem>>, %arg3: memref<128xi32, #tpu.memory_space<smem>>) -> (i32, i32, i32) {
    %get3A = arith.index_cast %arg0 : i32 to index
    %get3A_0 = memref.load %arg1[%get3A] : memref<128xi32, #tpu.memory_space<smem>>
    %c0_i32 = arith.constant 0 : i32
    %c0_i32_1 = arith.constant 0 : i32
    %c0_i32_2 = arith.constant 0 : i32
    return %get3A_0, %c0_i32, %c0_i32_1 : i32, i32, i32
  }
  func.func @transform_4(%arg0: i32, %arg1: memref<128xi32, #tpu.memory_space<smem>>, %arg2: memref<128xi32, #tpu.memory_space<smem>>, %arg3: memref<128xi32, #tpu.memory_space<smem>>) -> (i32, i32, i32) {
    %get3A = arith.index_cast %arg0 : i32 to index
    %get3A_0 = memref.load %arg1[%get3A] : memref<128xi32, #tpu.memory_space<smem>>
    %c0_i32 = arith.constant 0 : i32
    %c0_i32_1 = arith.constant 0 : i32
    %c0_i32_2 = arith.constant 0 : i32
    return %get3A_0, %c0_i32, %c0_i32_1 : i32, i32, i32
  }
  func.func @transform_5(%arg0: i32, %arg1: memref<128xi32, #tpu.memory_space<smem>>, %arg2: memref<128xi32, #tpu.memory_space<smem>>, %arg3: memref<128xi32, #tpu.memory_space<smem>>) -> (i32, i32) {
    %get3A = arith.index_cast %arg0 : i32 to index
    %get3A_0 = memref.load %arg3[%get3A] : memref<128xi32, #tpu.memory_space<smem>>
    %c0_i32 = arith.constant 0 : i32
    %c0_i32_1 = arith.constant 0 : i32
    return %get3A_0, %c0_i32 : i32, i32
  }
  func.func @transform_6(%arg0: i32, %arg1: memref<128xi32, #tpu.memory_space<smem>>, %arg2: memref<128xi32, #tpu.memory_space<smem>>, %arg3: memref<128xi32, #tpu.memory_space<smem>>) -> (i32, i32) {
    %get3A = arith.index_cast %arg0 : i32 to index
    %get3A_0 = memref.load %arg3[%get3A] : memref<128xi32, #tpu.memory_space<smem>>
    %c0_i32 = arith.constant 0 : i32
    %c0_i32_1 = arith.constant 0 : i32
    return %get3A_0, %c0_i32 : i32, i32
  }
}

</mosaic_0001>

<sc_bundles>
// kernel: kernel.10.cloned.1.call-start
scs
__scs_entry_jumppad:
0x0: {  	(pc) =	sbr.rel $0x88, $3  }
0x1: {  	(tag) =	ssettag $0x0;
	lr =	simm.s32 $0x1  }
0x2: {  	[smem:$0x3F9A] =	sst lr;
	_ =	strace $0xD0000000  }
0x3: {  	_ = 	snop  }
0x4: {  	_ = 	snop  }
0x5: {  	_ = 	snop  }
0x6: {  	_ = 	snop  }
0x7: {  	_ = 	snop  }
__scs_overlays_trampoline_lowered:
0x8: {  	[smem:$0x3FA9] =	sst s0  }
0x9: {  	[smem:$0x3FAA] =	sst s1  }
0xa: {  	[smem:$0x3FAB] =	sst s2  }
0xb: {  	[smem:$0x3FAC] =	sst s3  }
0xc: {  	[smem:$0x3FAD] =	sst s4  }
0xd: {  	[smem:$0x3FAE] =	sst s5  }
0xe: {  	[smem:$0x3FAF] =	sst s6  }
0xf: {  	[smem:$0x3FB0] =	sst s7  }
0x10: {  	[smem:$0x3FB1] =	sst s8  }
0x11: {  	[smem:$0x3FB2] =	sst s9;
	s0 =	simm.s32 @!p0 $0x0  }
0x12: {  	s1 =	sld [smem:$0x3F98];
	s0 =	simm.s32 @p0 $0x1  }
0x13: {  	[smem:$0x3FB3] =	sst s0;
	s0 =	simm.s32 @!p1 $0x0  }
0x14: {  	s2 =	sld [smem:$0x3F97];
	s0 =	simm.s32 @p1 $0x1  }
0x15: {  	[smem:$0x3FB4] =	sst s0;
	s0 =	simm.s32 @!p2 $0x0  }
0x16: {  	s3 =	sld [smem:$0x3FDB];
	s0 =	simm.s32 @p2 $0x1  }
0x17: {  	s4 =	simm.s32 $0x1BF5;
	[smem:$0x3FB6] =	sst s0  }
0x18: {  	s0 =	sld [smem:$0x3F99];
	_ =	swait.ge [sflag:s4], $0x0  }
0x19: {  	s7 =	sld [smem:$0x3F9A]  }
0x1a: {  	s8 =	sadd.s32 $0xFFFFE003, lr  }
0x1b: {  	s9 =	sadd.s32 $0xFFFFFEF7, lr;
	s5 =	simm.s32 $0xFFFFFFFF;
	p2 =	slt.u32 s8, $0xFFFFF086  }
0x1c: {  	p1 =	slt.u32 s9, $0xF7A;
	s5 =	simm.s32 @!p2 $0x0  }
0x1d: {  	s5 =	simm.s32 @p1 $0x1;
	p0 =	seq.s32 s7, s2  }
0x1e: {  	s7 =	smul.u32 @!p0 $0xF7A, s2;
	p2 =	seq.s32 @!p0 s5, $0x0  }
0x1f: {  	s9 =	smul.u32 $0xF7A, s1;
	s8 =	simm.s32 @!p0 $0x1BF5;
	p2 =	por !p2, p0  }
0x20: {  	[sflag:s8] =	ssyncset.s32 @!p0 $0xFFFFF086;
	s6 =	sadd.s32 @!p0 s3, s7;
	s7 =	simm.s32 @!p0 $0x108  }
0x21: {  	s3 =	sadd.s32 s3, s9;
	s6 =	sadd.s32 @!p0 $0x88, s6;
	s7 =	simm.s32 @p2 $0x1082  }
0x22: {  	[simem:s7], [sflag:s8] =	dma.local @!p0 [hbm:s6], $0xF7A  }
0x23: {  	s9 =	sor.u32 $0xD0000000, s2;
	s6 =	simm.s32 $0x108;
	_ =	swait.ge @!p0 [sflag:s8], $0x0  }
0x24: {  	s3 =	sadd.s32 $0x88, s3;
	s6 =	simm.s32 @!p1 $0x1082;
	[sflag:s4] =	ssyncset.s32 $0xFFFFF086  }
0x25: {  	[simem:s6], [sflag:s4] =	dma.local [hbm:s3], $0xF7A  }
0x26: {  	[smem:$0x3F9A] =	sst s1;
	(tag) =	ssettag s2;
	_ =	strace s9  }
0x27: {  	s1 =	sld [smem:$0x3FAA]  }
0x28: {  	s2 =	sld [smem:$0x3FAB]  }
0x29: {  	s4 =	sld [smem:$0x3FAD]  }
0x2a: {  	p0 =	seq.s32 s5, $0x0;
	s5 =	sld [smem:$0x3FAE]  }
0x2b: {  	s6 =	sld [smem:$0x3FAF]  }
0x2c: {  	s7 =	sld [smem:$0x3FB0]  }
0x2d: {  	s3 =	simm.s32 $0x108;
	s8 =	sld [smem:$0x3FB1]  }
0x2e: {  	s3 =	simm.s32 @!p0 $0x1082;
	s9 =	sld [smem:$0x3FB2]  }
0x2f: {  	lr =	sadd.s32 s0, s3;
	s0 =	sld [smem:$0x3FA9]  }
0x30: {  	s3 =	sld [smem:$0x3FAC]  }
0x31: {  	[smem:$0x3FB5] =	sst s10  }
0x32: {  	s10 =	sld [smem:$0x3FB3];
	_ =	sdelay $0x3  }
0x33: {  	p0 =	seq.s32 s10, $0x1;
	s10 =	sld [smem:$0x3FB5];
	_ =	sdelay $0x3  }
0x34: {  	[smem:$0x3FB5] =	sst s10  }
0x35: {  	s10 =	sld [smem:$0x3FB4];
	_ =	sdelay $0x3  }
0x36: {  	p1 =	seq.s32 s10, $0x1;
	s10 =	sld [smem:$0x3FB5];
	_ =	sdelay $0x3  }
0x37: {  	[smem:$0x3FB5] =	sst s10  }
0x38: {  	s10 =	sld [smem:$0x3FB6]  }
0x39: {  	_ = 	snop;
	(pc) =	sbr.ind lr, $3  }
0x3a: {  	_ = 	snop  }
0x3b: {  	_ = 	snop  }
0x3c: {  	p2 =	seq.s32 s10, $0x1;
	s10 =	sld [smem:$0x3FB5]  }
0x3d: {  	_ =	shalt  }
0x3e: {  	_ =	shalt  }
0x3f: {  	_ =	shalt  }
0x40: {  	_ =	shalt  }
0x41: {  	_ =	shalt  }
0x42: {  	_ =	shalt  }
0x43: {  	_ =	shalt  }
0x44: {  	_ =	shalt  }
0x45: {  	_ =	shalt  }
0x46: {  	_ =	shalt  }
0x47: {  	_ =	shalt  }
0x48: {  	_ =	shalt  }
0x49: {  	_ =	shalt  }
0x4a: {  	_ =	shalt  }
0x4b: {  	_ =	shalt  }
0x4c: {  	_ =	shalt  }
0x4d: {  	_ =	shalt  }
0x4e: {  	_ =	shalt  }
0x4f: {  	_ =	shalt  }
0x50: {  	_ =	shalt  }
0x51: {  	_ =	shalt  }
0x52: {  	_ =	shalt  }
0x53: {  	_ =	shalt  }
0x54: {  	_ =	shalt  }
0x55: {  	_ =	shalt  }
0x56: {  	_ =	shalt  }
0x57: {  	_ =	shalt  }
0x58: {  	_ =	shalt  }
0x59: {  	_ =	shalt  }
0x5a: {  	_ =	shalt  }
0x5b: {  	_ =	shalt  }
0x5c: {  	_ =	shalt  }
0x5d: {  	_ =	shalt  }
0x5e: {  	_ =	shalt  }
0x5f: {  	_ =	shalt  }
0x60: {  	_ =	shalt  }
0x61: {  	_ =	shalt  }
0x62: {  	_ =	shalt  }
0x63: {  	_ =	shalt  }
0x64: {  	_ =	shalt  }
0x65: {  	_ =	shalt  }
0x66: {  	_ =	shalt  }
0x67: {  	_ =	shalt  }
0x68: {  	_ =	shalt  }
0x69: {  	_ =	shalt  }
0x6a: {  	_ =	shalt  }
0x6b: {  	_ =	shalt  }
0x6c: {  	_ =	shalt  }
0x6d: {  	_ =	shalt  }
0x6e: {  	_ =	shalt  }
0x6f: {  	_ =	shalt  }
0x70: {  	_ =	shalt  }
0x71: {  	_ =	shalt  }
0x72: {  	_ =	shalt  }
0x73: {  	_ =	shalt  }
0x74: {  	_ =	shalt  }
0x75: {  	_ =	shalt  }
0x76: {  	_ =	shalt  }
0x77: {  	_ =	shalt  }
0x78: {  	_ =	shalt  }
0x79: {  	_ =	shalt  }
0x7a: {  	_ =	shalt  }
0x7b: {  	_ =	shalt  }
0x7c: {  	_ =	shalt  }
0x7d: {  	_ =	shalt  }
0x7e: {  	_ =	shalt  }
0x7f: {  	_ =	shalt  }
0x80: {  	_ =	shalt  }
0x81: {  	_ =	shalt  }
0x82: {  	_ =	shalt  }
0x83: {  	_ =	shalt  }
0x84: {  	_ =	shalt  }
0x85: {  	_ =	shalt  }
0x86: {  	_ =	shalt  }
0x87: {  	_ =	shalt  }
.Lfunc_end0:
.L_simem_size_0:
called_computation.1_lowered:
.L_overlay_start_0:
0x88: {  	s2 =	sld [smem:$0x3FD9]  }
0x89: {  	s3 =	sld [smem:$0x3FFE];
	_ =	sdelay $0x1  }
0x8a: {  	s1 =	srdreg.scid  }
0x8b: {  	s0 =	sand.u32 $0x1, s1  }
0x8c: {  	s17 =	sshll.u32 s0, $0xA;
	s2 =	sadd.s32 s3, s2  }
0x8d: {  	s2 =	sadd.s32 s2, s17  }
0x8e: {  	[smem:$0x3FC1] =	sst s2  }
0x8f: {  	_ = 	snop  }
0x90: {  	s2 =	sld [smem:$0x3FD0];
	(tm) =	ssettm $0x1  }
0x91: {  	s18 =	sld [smem:$0x3FFB];
	_ =	sdelay $0x3  }
0x92: {  	_ =	strace s18  }
0x93: {  	s3 =	sld [smem:$0x3FFC];
	_ =	sdelay $0x3  }
0x94: {  	_ =	strace s3  }
0x95: {  	s3 =	sld [smem:$0x3FFD];
	_ =	sdelay $0x3  }
0x96: {  	_ =	strace s3  }
0x97: {  	_ =	strace $0x8FFFFFFF  }
0x98: {  	s19 =	sld [smem:$0x3FDB];
	_ =	sdelay $0x1  }
0x99: {  	s4 =	simm.s32 $_scs_section_size  }
0x9a: {  	s5 =	simm.s32 $_size__tile_overlayer_lowered;
	s6 =	simm.s32 $_tile_overlayer_lowered  }
0x9b: {  	s22 =	simm.s32 $0x1BFF;
	s21 =	sshll.u32 s6, $0x1;
	s3 =	sadd.s32 s4, s19  }
0x9c: {  	s7 =	simm.s32 $0x0;
	s20 =	sshll.u32 s5, $0x1;
	s5 =	sadd.s32 s21, s3  }
0x9d: {  	[timem:s7], [sflag:s22] =	dma.local [hbm:s5], s20  }
0x9e: {  	_ =	swait.ge [sflag:s22], s20  }
0x9f: {  	s4 =	ssub.s32 $0x0, s20;
	[sflag:s22] =	ssyncset.done $0x0  }
0xa0: {  	[sflag:s22] =	ssyncadd.s32 s4;
	_ =	sdelay $0x1  }
0xa1: {  	s23 =	simm.s32 $0x1B8B  }
0xa2: {  	_ =	swait.ge [sflag:s23], $0x1  }
0xa3: {  	[sflag:s23] =	ssyncset.done $0x0  }
0xa4: {  	s25 =	simm.s32 $0x1B8E;
	s24 =	sld [smem:$0x3FFE];
	[sflag:s23] =	ssyncadd.s32 $0xFFFFFFFF  }
0xa5: {  	s26 =	simm.s32 $execute0_lowered;
	[smem:$0x3FD2] =	sst s25  }
0xa6: {  	s5 =	sshll.u32 s26, $0x1;
	_ =	strace $0x80000049;
	[dreg:$0x1] =	wrdreg $0xFFFFFFFF  }
0xa7: {  	s28 =	simm.s32 $_size_execute0_lowered;
	s3 =	sadd.s32 s3, s5;
	[dreg:$0x0] =	wrdreg $0x0  }
0xa8: {  	s5 =	sshll.u32 s28, $0x1;
	[dreg:$0x2] =	wrdreg s3  }
0xa9: {  	[dreg:$0x3] =	wrdreg s5  }
0xaa: {  	[dreg:$0x4] =	wrdreg $0xC0  }
0xab: {  	_ =	task [dreg:s7], $0x5FFFF  }
0xac: {  	[dreg:$0x1] =	wrdreg $0xFFFFFFFF  }
0xad: {  	[dreg:$0x0] =	wrdreg $0x60  }
0xae: {  	[dreg:$0x2] =	wrdreg s24  }
0xaf: {  	[dreg:$0x3] =	wrdreg s2  }
0xb0: {  	[dreg:$0x4] =	wrdreg $0x9  }
0xb1: {  	_ =	task.clear_ibuf [dreg:s7], $0x5FFFF;
	_ =	strace $0x90000049  }
0xb2: {  	s29 =	simm.s32 $0x9;
	_ =	strace $0x8000004B  }
0xb3: {  	_ =	swait.ge [sflag:s29], $0x1  }
0xb4: {  	[sflag:s29] =	ssyncadd.s32 $0xFFFFFFFF  }
0xb5: {  	_ =	strace $0x9000004B  }
0xb6: {  	_ =	sfence  }
0xb7: {  	s30 =	sld [smem:$0x0];
	_ =	sdelay $0x2  }
0xb8: {  	s31 =	sshll.u32 s1, $0xD;
	s1 =	sshrl.u32 s1, $0x2  }
0xb9: {  	s3 =	sand.u32 $0x4000, s31;
	s1 =	sadd.s32 s1, s30  }
0xba: {  	s0 =	sor.u32 s3, s0;
	s1 =	sshll.u32 s1, $0x11  }
0xbb: {  	s0 =	sor.u32 s1, s0  }
0xbc: {  	s0 =	sadd.s32 $0x8F2B, s0  }
0xbd: {  	[sflag:s0] =	ssyncadd.remote.s32 $0x1  }
0xbe: {  	_ =	sfence.sel $0xFFFF  }
0xbf: {  	[dreg:$0x0] =	wrdreg $0xFFFFFFFF;
	(pc) =	sbr.abs _section_cstart, $3  }
0xc0: {  	[dreg:$0x1] =	wrdreg $0xFFFFFFFF  }
0xc1: {  	_ =	task.clear_ibuf [dreg:s7], $0x2FFFF;
	_ =	strace $0x9FFFFFFF  }
0xc2: {  	(tm) =	ssettm $0x7FFFFFFF  }
0xc3: {  	_ =	shalt  }
tec
execute0_lowered:
.L_overlay_start_1:
0x0: {  	(tag) =	ssettag $0x1  }
0x1: {  	s0 =	rddreg [dreg:$0x0]  }
0x2: {  	s1 =	rddreg [dreg:$0x1];
	s2 =	srdreg.scid  }
0x3: {  	s3 =	stileid.u32;
	s6 =	sand.u32 $0x1, s2;
	s2 =	simm.s32 $0x0  }
0x4: {  	s3 =	sshll.u32 s3, $0xA;
	s4 =	sshll.u32 s6, $0x9;
	[smem:$0x7FF] =	sst s2  }
0x5: {  	s6 =	ssub.s32 $0x2, s6;
	s5 =	sor.u32 s4, s3;
	s4 =	sadd.s32 $0x41C00, s0  }
0x6: {  	_ =	strace $0x8000004A;
	s3 =	sshrl.u32 s5, $0x3;
	s7 =	sor.u32 $0x20, s5  }
0x7: {  	s20 =	sshll.u32 s5, $0x7;
	s22 =	sor.u32 $0x40, s5;
	s9 =	sor.u32 $0x60, s5  }
0x8: {  	s31 =	sor.u32 $0x80, s5;
	s11 =	sor.u32 $0xA0, s5;
	s16 =	sor.u32 $0xC0, s5  }
0x9: {  	s3 =	sadd.s32 s4, s3;
	s8 =	sshrl.u32 s7, $0x3;
	s21 =	sadd.s32 s1, s20  }
0xa: {  	s23 =	sshrl.u32 s22, $0x3;
	s7 =	sshll.u32 s7, $0x7;
	s25 =	sshrl.u32 s9, $0x3  }
0xb: {  	s28 =	sshll.u32 s22, $0x7;
	s10 =	sshll.u32 s9, $0x7;
	s13 =	sshrl.u32 s11, $0x3  }
0xc: {  	s17 =	sshrl.u32 s16, $0x3;
	s18 =	sshll.u32 s11, $0x7;
	[dreg:$0x3] =	wrdreg s3  }
0xd: {  	s19 =	sadd.s32 s4, s8;
	[dreg:$0x5] =	wrdreg s21;
	s3 =	sadd.s32 s4, s23  }
0xe: {  	s24 =	sadd.s32 s1, s7;
	s26 =	sadd.s32 s4, s25;
	[dreg:$0x4] =	wrdreg s19  }
0xf: {  	s29 =	sadd.s32 s1, s28;
	s8 =	sshrl.u32 s31, $0x3;
	[dreg:$0x6] =	wrdreg s3  }
0x10: {  	s12 =	sadd.s32 s1, s10;
	s14 =	sadd.s32 s4, s13;
	[dreg:$0x7] =	wrdreg s24  }
0x11: {  	s7 =	sshll.u32 s31, $0x7;
	s20 =	sadd.s32 s1, s18;
	[dreg:$0x8] =	wrdreg s26  }
0x12: {  	s23 =	sor.u32 $0x100, s5;
	s10 =	sor.u32 $0x120, s5;
	[dreg:$0x9] =	wrdreg s29  }
0x13: {  	s31 =	sor.u32 $0x140, s5;
	s18 =	sshrl.u32 s6, $0x1;
	[dreg:$0xb] =	wrdreg s12  }
0x14: {  	s3 =	sadd.s32 s4, s8;
	[dreg:$0xc] =	wrdreg s14;
	s15 =	sadd.s32 s1, s7  }
0x15: {  	s19 =	sor.u32 $0xE0, s5;
	[dreg:$0xf] =	wrdreg s20;
	s7 =	sshll.u32 s16, $0x7  }
0x16: {  	s24 =	sshrl.u32 s23, $0x3;
	s26 =	sshrl.u32 s10, $0x3;
	s8 =	sshll.u32 s23, $0x7  }
0x17: {  	s11 =	sshll.u32 s10, $0x7;
	s12 =	sor.u32 $0x160, s5;
	[dreg:$0xa] =	wrdreg s3  }
0x18: {  	[dreg:$0xd] =	wrdreg s15;
	s3 =	sadd.s32 s4, s17;
	s21 =	sshrl.u32 s19, $0x3  }
0x19: {  	s7 =	sadd.s32 s1, s7;
	s9 =	sshll.u32 s19, $0x7;
	s28 =	sadd.s32 s4, s26  }
0x1a: {  	s29 =	sadd.s32 s1, s8;
	s13 =	sadd.s32 s1, s11;
	[dreg:$0xe] =	wrdreg s3  }
0x1b: {  	s14 =	sshrl.u32 s12, $0x3;
	s8 =	sshll.u32 s31, $0x7;
	[dreg:$0x11] =	wrdreg s7  }
0x1c: {  	s17 =	sor.u32 $0x180, s5;
	s10 =	sshll.u32 s12, $0x7;
	[dreg:$0x14] =	wrdreg s28  }
0x1d: {  	s11 =	sor.u32 $0x1A0, s5;
	s22 =	sadd.s32 s4, s21;
	[dreg:$0x15] =	wrdreg s29  }
0x1e: {  	s3 =	sadd.s32 $0x442400, s0;
	s7 =	sadd.s32 s4, s24;
	[dreg:$0x17] =	wrdreg s13  }
0x1f: {  	s25 =	sadd.s32 s1, s9;
	s9 =	sshrl.u32 s31, $0x3;
	[dreg:$0x10] =	wrdreg s22  }
0x20: {  	s15 =	sadd.s32 s4, s14;
	s16 =	sadd.s32 s1, s8;
	[dreg:$0x12] =	wrdreg s7  }
0x21: {  	s19 =	sshrl.u32 s17, $0x3;
	s20 =	sadd.s32 s1, s10;
	[dreg:$0x13] =	wrdreg s25  }
0x22: {  	s21 =	sshrl.u32 s11, $0x3;
	s8 =	sshll.u32 s17, $0x7;
	[dreg:$0x18] =	wrdreg s15  }
0x23: {  	s24 =	sor.u32 $0x1C0, s5;
	s26 =	sshll.u32 s11, $0x7;
	[dreg:$0x19] =	wrdreg s16  }
0x24: {  	s5 =	sor.u32 $0x1E0, s5;
	s7 =	sadd.s32 s4, s9;
	[dreg:$0x1b] =	wrdreg s20  }
0x25: {  	s22 =	sadd.s32 s4, s21;
	s23 =	sadd.s32 s1, s8;
	s9 =	ssub.s32 s6, s18  }
0x26: {  	s25 =	sshrl.u32 s24, $0x3;
	s28 =	sadd.s32 s1, s26;
	s29 =	sshrl.u32 s5, $0x3  }
0x27: {  	s31 =	sshll.u32 s24, $0x7;
	s5 =	sshll.u32 s5, $0x7;
	[dreg:$0x16] =	wrdreg s7  }
0x28: {  	s8 =	simm.s32 $0x5;
	s26 =	simm.s32 $0x8100;
	[dreg:$0x1c] =	wrdreg s22  }
0x29: {  	s20 =	simm.s32 $0x3;
	s21 =	simm.s32 $0x2;
	[dreg:$0x1d] =	wrdreg s23  }
0x2a: {  	s7 =	sadd.s32 s4, s19;
	s6 =	sadd.s32 s4, s25;
	[dreg:$0x1f] =	wrdreg s28  }
0x2b: {  	s4 =	sadd.s32 s4, s29;
	s30 =	smax.u32 s9, $0x1;
	[dreg:$0x1a] =	wrdreg s7  }
0x2c: {  	s9 =	simm.s32 $0x100;
	s19 =	simm.s32 $0x1;
	[dreg:$0x1e] =	wrdreg s6  }
0x2d: {  	v2 =	vlaneseq.u32;
	[smem:$0x7FB] =	sst s4;
	s6 =	sadd.s32 s1, s31;
	s4 =	sadd.s32 $0x442500, s0  }
0x2e: {  	vm0 =	vmmov $0xffff;
	v1 =	vshrl.u32 v2, $0x3;
	s1 =	sadd.s32 s1, s5;
	s5 =	sadd.s32 $0x442600, s0;
	[smem:$0x7FC] =	sst s6  }
0x2f: {  	v0 =	vand.u32 $0x7, v2;
	v2 =	vor.u32 $0x8, v2;
	v1 =	vmul.u32 $0x8, v1;
	s22 =	simm.s32 $0x4;
	s6 =	sadd.s32 $0x442700, s0;
	[smem:$0x7FD] =	sst s1  }
.LBB2_1:
0x30: {  	s23 =	rddreg [dreg:$0x3]  }
0x31: {  	[tilespmem:s2], [sflag:$0x5] =	stream.linear.gather [hbm4b:s23+s2], $0x20, $0x38;
	[tilespmem:$0x10100] =	vst v63  }
0x32: {  	_ =	swait.ge [sflag:s8], $0x20  }
0x33: {  	[sflag:s8] =	ssyncset.done $0x0  }
0x34: {  	[sflag:s8] =	ssyncadd.s32 $0xFFFFFFE0  }
0x35: {  	v3 =	vld [tilespmem:$0x0];
	_ =	sdelay $0x4  }
0x36: {  	v4 =	vshll.u32 v3, $0x3  }
0x37: {  	v3 =	vand.u32 $0x7, v3;
	v4 =	vand.u32 $0xFFFFFFC0, v4  }
0x38: {  	v3 =	vor.u32 v3, v4  }
0x39: {  	v4 =	vperm.xlane v3, v0;
	_ =	sdelay $0x1  }
0x3a: {  	v4 =	vadd.s32 v1, v4;
	_ =	sdelay $0x4  }
0x3b: {  	[tilespmem:s9], [sflag:$0x1] =	stream.indirect_vreg.gather [hbm4b:s3+s2], $0x80, v4, vm0, $0xb8;
	[tilespmem:$0x10100] =	vst v63  }
0x3c: {  	s0 =	simm.s32 $0x900;
	v3 =	vperm.xlane v3, v2  }
0x3d: {  	[tilespmem:s0], [sflag:$0x1] =	stream.indirect_vreg.gather [hbm4b:s4+s2], $0x80, v4, vm0, $0xb8;
	[tilespmem:$0x10100] =	vst v63  }
0x3e: {  	s24 =	simm.s32 $0x1100;
	v3 =	vadd.s32 v1, v3  }
0x3f: {  	[tilespmem:s24], [sflag:$0x1] =	stream.indirect_vreg.gather [hbm4b:s5+s2], $0x80, v4, vm0, $0xb8;
	[tilespmem:$0x10100] =	vst v63  }
0x40: {  	s25 =	simm.s32 $0x1900  }
0x41: {  	[tilespmem:s25], [sflag:$0x1] =	stream.indirect_vreg.gather [hbm4b:s6+s2], $0x80, v4, vm0, $0xb8;
	[tilespmem:$0x10100] =	vst v63  }
0x42: {  	s28 =	simm.s32 $0x2100  }
0x43: {  	[tilespmem:s28], [sflag:$0x1] =	stream.indirect_vreg.gather [hbm4b:s3+s2], $0x80, v3, vm0, $0xb8;
	[tilespmem:$0x10100] =	vst v63  }
0x44: {  	s29 =	simm.s32 $0x2900  }
0x45: {  	[tilespmem:s29], [sflag:$0x1] =	stream.indirect_vreg.gather [hbm4b:s4+s2], $0x80, v3, vm0, $0xb8;
	[tilespmem:$0x10100] =	vst v63  }
0x46: {  	s31 =	simm.s32 $0x3100  }
0x47: {  	[tilespmem:s31], [sflag:$0x1] =	stream.indirect_vreg.gather [hbm4b:s5+s2], $0x80, v3, vm0, $0xb8;
	[tilespmem:$0x10100] =	vst v63  }
0x48: {  	s10 =	simm.s32 $0x3900  }
0x49: {  	[tilespmem:s10], [sflag:$0x1] =	stream.indirect_vreg.gather [hbm4b:s6+s2], $0x80, v3, vm0, $0xb8;
	[tilespmem:$0x10100] =	vst v63  }
0x4a: {  	v3 =	vld [tilespmem:$0x10];
	_ =	sdelay $0x4  }
0x4b: {  	v33 =	vshll.u32 v3, $0x3  }
0x4c: {  	v3 =	vand.u32 $0x7, v3;
	v4 =	vand.u32 $0xFFFFFFC0, v33  }
0x4d: {  	v3 =	vor.u32 v3, v4  }
0x4e: {  	v4 =	vperm.xlane v3, v0;
	_ =	sdelay $0x1  }
0x4f: {  	v4 =	vadd.s32 v1, v4;
	_ =	sdelay $0x3  }
0x50: {  	s11 =	simm.s32 $0x4100  }
0x51: {  	[tilespmem:s11], [sflag:$0x1] =	stream.indirect_vreg.gather [hbm4b:s3+s2], $0x80, v4, vm0, $0xb8;
	[tilespmem:$0x10100] =	vst v63  }
0x52: {  	s12 =	simm.s32 $0x4900;
	v3 =	vperm.xlane v3, v2  }
0x53: {  	[tilespmem:s12], [sflag:$0x1] =	stream.indirect_vreg.gather [hbm4b:s4+s2], $0x80, v4, vm0, $0xb8;
	[tilespmem:$0x10100] =	vst v63  }
0x54: {  	s13 =	simm.s32 $0x5100;
	v3 =	vadd.s32 v1, v3  }
0x55: {  	[tilespmem:s13], [sflag:$0x1] =	stream.indirect_vreg.gather [hbm4b:s5+s2], $0x80, v4, vm0, $0xb8;
	[tilespmem:$0x10100] =	vst v63  }
0x56: {  	s14 =	simm.s32 $0x5900  }
0x57: {  	[tilespmem:s14], [sflag:$0x1] =	stream.indirect_vreg.gather [hbm4b:s6+s2], $0x80, v4, vm0, $0xb8;
	[tilespmem:$0x10100] =	vst v63  }
0x58: {  	s15 =	simm.s32 $0x6100  }
0x59: {  	[tilespmem:s15], [sflag:$0x1] =	stream.indirect_vreg.gather [hbm4b:s3+s2], $0x80, v3, vm0, $0xb8;
	[tilespmem:$0x10100] =	vst v63  }
0x5a: {  	s16 =	simm.s32 $0x6900  }
0x5b: {  	[tilespmem:s16], [sflag:$0x1] =	stream.indirect_vreg.gather [hbm4b:s4+s2], $0x80, v3, vm0, $0xb8;
	[tilespmem:$0x10100] =	vst v63  }
0x5c: {  	s23 =	simm.s32 $0x7100  }
0x5d: {  	[tilespmem:s23], [sflag:$0x1] =	stream.indirect_vreg.gather [hbm4b:s5+s2], $0x80, v3, vm0, $0xb8;
	[tilespmem:$0x10100] =	vst v63  }
0x5e: {  	s28 =	simm.s32 $0x7900  }
0x5f: {  	[tilespmem:s28], [sflag:$0x1] =	stream.indirect_vreg.gather [hbm4b:s6+s2], $0x80, v3, vm0, $0xb8;
	[tilespmem:$0x10100] =	vst v63  }
0x60: {  	s25 =	rddreg [dreg:$0x4];
	s29 =	simm.s32 $0x80  }
0x61: {  	[tilespmem:s29], [sflag:$0x5] =	stream.linear.gather [hbm4b:s25+s2], $0x20, $0x38;
	[tilespmem:$0x10100] =	vst v63  }
0x62: {  	_ =	swait.ge [sflag:s8], $0x20  }
0x63: {  	[sflag:s8] =	ssyncset.done $0x0  }
0x64: {  	[sflag:s8] =	ssyncadd.s32 $0xFFFFFFE0  }
0x65: {  	v3 =	vld [tilespmem:$0x80];
	_ =	sdelay $0x4  }
0x66: {  	v34 =	vshll.u32 v3, $0x3  }
0x67: {  	v3 =	vand.u32 $0x7, v3;
	v4 =	vand.u32 $0xFFFFFFC0, v34  }
0x68: {  	v3 =	vor.u32 v3, v4  }
0x69: {  	v4 =	vperm.xlane v3, v0;
	_ =	sdelay $0x1  }
0x6a: {  	v4 =	vadd.s32 v1, v4;
	_ =	sdelay $0x4  }
0x6b: {  	[tilespmem:s26], [sflag:$0x2] =	stream.indirect_vreg.gather [hbm4b:s3+s2], $0x80, v4, vm0, $0xb8;
	[tilespmem:$0x10100] =	vst v63  }
0x6c: {  	s31 =	simm.s32 $0x8900;
	v3 =	vperm.xlane v3, v2  }
0x6d: {  	[tilespmem:s31], [sflag:$0x2] =	stream.indirect_vreg.gather [hbm4b:s4+s2], $0x80, v4, vm0, $0xb8;
	[tilespmem:$0x10100] =	vst v63  }
0x6e: {  	s10 =	simm.s32 $0x9100;
	v3 =	vadd.s32 v1, v3  }
0x6f: {  	[tilespmem:s10], [sflag:$0x2] =	stream.indirect_vreg.gather [hbm4b:s5+s2], $0x80, v4, vm0, $0xb8;
	[tilespmem:$0x10100] =	vst v63  }
0x70: {  	s11 =	simm.s32 $0x9900  }
0x71: {  	[tilespmem:s11], [sflag:$0x2] =	stream.indirect_vreg.gather [hbm4b:s6+s2], $0x80, v4, vm0, $0xb8;
	[tilespmem:$0x10100] =	vst v63  }
0x72: {  	s12 =	simm.s32 $0xA100  }
0x73: {  	[tilespmem:s12], [sflag:$0x2] =	stream.indirect_vreg.gather [hbm4b:s3+s2], $0x80, v3, vm0, $0xb8;
	[tilespmem:$0x10100] =	vst v63  }
0x74: {  	s14 =	simm.s32 $0xA900  }
0x75: {  	[tilespmem:s14], [sflag:$0x2] =	stream.indirect_vreg.gather [hbm4b:s4+s2], $0x80, v3, vm0, $0xb8;
	[tilespmem:$0x10100] =	vst v63  }
0x76: {  	s15 =	simm.s32 $0xB100  }
0x77: {  	[tilespmem:s15], [sflag:$0x2] =	stream.indirect_vreg.gather [hbm4b:s5+s2], $0x80, v3, vm0, $0xb8;
	[tilespmem:$0x10100] =	vst v63  }
0x78: {  	s16 =	simm.s32 $0xB900  }
0x79: {  	[tilespmem:s16], [sflag:$0x2] =	stream.indirect_vreg.gather [hbm4b:s6+s2], $0x80, v3, vm0, $0xb8;
	[tilespmem:$0x10100] =	vst v63  }
0x7a: {  	v3 =	vld [tilespmem:$0x90];
	_ =	sdelay $0x4  }
0x7b: {  	v35 =	vshll.u32 v3, $0x3  }
0x7c: {  	v3 =	vand.u32 $0x7, v3;
	v4 =	vand.u32 $0xFFFFFFC0, v35  }
0x7d: {  	v3 =	vor.u32 v3, v4  }
0x7e: {  	v4 =	vperm.xlane v3, v0;
	_ =	sdelay $0x1  }
0x7f: {  	v4 =	vadd.s32 v1, v4;
	_ =	sdelay $0x3  }
0x80: {  	s25 =	simm.s32 $0xC100  }
0x81: {  	[tilespmem:s25], [sflag:$0x2] =	stream.indirect_vreg.gather [hbm4b:s3+s2], $0x80, v4, vm0, $0xb8;
	[tilespmem:$0x10100] =	vst v63  }
0x82: {  	s28 =	simm.s32 $0xC900;
	v3 =	vperm.xlane v3, v2  }
0x83: {  	[tilespmem:s28], [sflag:$0x2] =	stream.indirect_vreg.gather [hbm4b:s4+s2], $0x80, v4, vm0, $0xb8;
	[tilespmem:$0x10100] =	vst v63  }
0x84: {  	s29 =	simm.s32 $0xD100;
	v3 =	vadd.s32 v1, v3  }
0x85: {  	[tilespmem:s29], [sflag:$0x2] =	stream.indirect_vreg.gather [hbm4b:s5+s2], $0x80, v4, vm0, $0xb8;
	[tilespmem:$0x10100] =	vst v63  }
0x86: {  	s0 =	simm.s32 $0xD900  }
0x87: {  	[tilespmem:s0], [sflag:$0x2] =	stream.indirect_vreg.gather [hbm4b:s6+s2], $0x80, v4, vm0, $0xb8;
	[tilespmem:$0x10100] =	vst v63  }
0x88: {  	s11 =	simm.s32 $0xE100  }
0x89: {  	[tilespmem:s11], [sflag:$0x2] =	stream.indirect_vreg.gather [hbm4b:s3+s2], $0x80, v3, vm0, $0xb8;
	[tilespmem:$0x10100] =	vst v63  }
0x8a: {  	s15 =	simm.s32 $0xE900  }
0x8b: {  	[tilespmem:s15], [sflag:$0x2] =	stream.indirect_vreg.gather [hbm4b:s4+s2], $0x80, v3, vm0, $0xb8;
	[tilespmem:$0x10100] =	vst v63  }
0x8c: {  	s16 =	simm.s32 $0xF100  }
0x8d: {  	[tilespmem:s16], [sflag:$0x2] =	stream.indirect_vreg.gather [hbm4b:s5+s2], $0x80, v3, vm0, $0xb8;
	[tilespmem:$0x10100] =	vst v63  }
0x8e: {  	s25 =	simm.s32 $0xF900  }
0x8f: {  	[tilespmem:s25], [sflag:$0x2] =	stream.indirect_vreg.gather [hbm4b:s6+s2], $0x80, v3, vm0, $0xb8;
	[tilespmem:$0x10100] =	vst v63  }
0x90: {  	_ =	swait.ge [sflag:s19], $0x8000  }
0x91: {  	[sflag:s19] =	ssyncset.done $0x0  }
0x92: {  	s28 =	rddreg [dreg:$0x5];
	[sflag:s19] =	ssyncadd.s32 $0xFFFF8000  }
0x93: {  	[hbm4b:s28+s2] =	stream.linear.scatter [tilespmem:s9], [sflag:$0x3], $0x8000, $0x38;
	[tilespmem:$0x10100] =	vst v63  }
0x94: {  	_ =	swait.ge [sflag:s20], $0x8000  }
0x95: {  	[sflag:s20] =	ssyncset.done $0x0  }
0x96: {  	s29 =	rddreg [dreg:$0x6];
	[sflag:s20] =	ssyncadd.s32 $0xFFFF8000  }
0x97: {  	[tilespmem:s2], [sflag:$0x5] =	stream.linear.gather [hbm4b:s29+s2], $0x20, $0x38;
	[tilespmem:$0x10100] =	vst v63  }
0x98: {  	_ =	swait.ge [sflag:s8], $0x20  }
0x99: {  	[sflag:s8] =	ssyncset.done $0x0  }
0x9a: {  	[sflag:s8] =	ssyncadd.s32 $0xFFFFFFE0  }
0x9b: {  	v3 =	vld [tilespmem:$0x0];
	_ =	sdelay $0x4  }
0x9c: {  	v36 =	vshll.u32 v3, $0x3  }
0x9d: {  	v3 =	vand.u32 $0x7, v3;
	v4 =	vand.u32 $0xFFFFFFC0, v36  }
0x9e: {  	v3 =	vor.u32 v3, v4  }
0x9f: {  	v4 =	vperm.xlane v3, v0;
	_ =	sdelay $0x1  }
0xa0: {  	v4 =	vadd.s32 v1, v4;
	_ =	sdelay $0x4  }
0xa1: {  	[tilespmem:s9], [sflag:$0x1] =	stream.indirect_vreg.gather [hbm4b:s3+s2], $0x80, v4, vm0, $0xb8;
	[tilespmem:$0x10100] =	vst v63  }
0xa2: {  	s7 =	simm.s32 $0x900;
	v3 =	vperm.xlane v3, v2  }
0xa3: {  	[tilespmem:s7], [sflag:$0x1] =	stream.indirect_vreg.gather [hbm4b:s4+s2], $0x80, v4, vm0, $0xb8;
	[tilespmem:$0x10100] =	vst v63  }
0xa4: {  	s1 =	simm.s32 $0x1100;
	v3 =	vadd.s32 v1, v3  }
0xa5: {  	[tilespmem:s1], [sflag:$0x1] =	stream.indirect_vreg.gather [hbm4b:s5+s2], $0x80, v4, vm0, $0xb8;
	[tilespmem:$0x10100] =	vst v63  }
0xa6: {  	s1 =	simm.s32 $0x1900  }
0xa7: {  	[tilespmem:s1], [sflag:$0x1] =	stream.indirect_vreg.gather [hbm4b:s6+s2], $0x80, v4, vm0, $0xb8;
	[tilespmem:$0x10100] =	vst v63  }
0xa8: {  	s7 =	simm.s32 $0x2100  }
0xa9: {  	[tilespmem:s7], [sflag:$0x1] =	stream.indirect_vreg.gather [hbm4b:s3+s2], $0x80, v3, vm0, $0xb8;
	[tilespmem:$0x10100] =	vst v63  }
0xaa: {  	s15 =	simm.s32 $0x2900  }
0xab: {  	[tilespmem:s15], [sflag:$0x1] =	stream.indirect_vreg.gather [hbm4b:s4+s2], $0x80, v3, vm0, $0xb8;
	[tilespmem:$0x10100] =	vst v63  }
0xac: {  	s16 =	simm.s32 $0x3100  }
0xad: {  	[tilespmem:s16], [sflag:$0x1] =	stream.indirect_vreg.gather [hbm4b:s5+s2], $0x80, v3, vm0, $0xb8;
	[tilespmem:$0x10100] =	vst v63  }
0xae: {  	s17 =	simm.s32 $0x3900  }
0xaf: {  	[tilespmem:s17], [sflag:$0x1] =	stream.indirect_vreg.gather [hbm4b:s6+s2], $0x80, v3, vm0, $0xb8;
	[tilespmem:$0x10100] =	vst v63  }
0xb0: {  	v3 =	vld [tilespmem:$0x10];
	_ =	sdelay $0x4  }
0xb1: {  	v37 =	vshll.u32 v3, $0x3  }
0xb2: {  	v3 =	vand.u32 $0x7, v3;
	v4 =	vand.u32 $0xFFFFFFC0, v37  }
0xb3: {  	v3 =	vor.u32 v3, v4  }
0xb4: {  	v4 =	vperm.xlane v3, v0;
	_ =	sdelay $0x1  }
0xb5: {  	v4 =	vadd.s32 v1, v4;
	_ =	sdelay $0x3  }
0xb6: {  	s18 =	simm.s32 $0x4100  }
0xb7: {  	[tilespmem:s18], [sflag:$0x1] =	stream.indirect_vreg.gather [hbm4b:s3+s2], $0x80, v4, vm0, $0xb8;
	[tilespmem:$0x10100] =	vst v63  }
0xb8: {  	s24 =	simm.s32 $0x4900;
	v3 =	vperm.xlane v3, v2  }
0xb9: {  	[tilespmem:s24], [sflag:$0x1] =	stream.indirect_vreg.gather [hbm4b:s4+s2], $0x80, v4, vm0, $0xb8;
	[tilespmem:$0x10100] =	vst v63  }
0xba: {  	s17 =	simm.s32 $0x5100;
	v3 =	vadd.s32 v1, v3  }
0xbb: {  	[tilespmem:s17], [sflag:$0x1] =	stream.indirect_vreg.gather [hbm4b:s5+s2], $0x80, v4, vm0, $0xb8;
	[tilespmem:$0x10100] =	vst v63  }
0xbc: {  	s18 =	simm.s32 $0x5900  }
0xbd: {  	[tilespmem:s18], [sflag:$0x1] =	stream.indirect_vreg.gather [hbm4b:s6+s2], $0x80, v4, vm0, $0xb8;
	[tilespmem:$0x10100] =	vst v63  }
0xbe: {  	s24 =	simm.s32 $0x6100  }
0xbf: {  	[tilespmem:s24], [sflag:$0x1] =	stream.indirect_vreg.gather [hbm4b:s3+s2], $0x80, v3, vm0, $0xb8;
	[tilespmem:$0x10100] =	vst v63  }
0xc0: {  	s25 =	simm.s32 $0x6900  }
0xc1: {  	[tilespmem:s25], [sflag:$0x1] =	stream.indirect_vreg.gather [hbm4b:s4+s2], $0x80, v3, vm0, $0xb8;
	[tilespmem:$0x10100] =	vst v63  }
0xc2: {  	s28 =	simm.s32 $0x7100  }
0xc3: {  	[tilespmem:s28], [sflag:$0x1] =	stream.indirect_vreg.gather [hbm4b:s5+s2], $0x80, v3, vm0, $0xb8;
	[tilespmem:$0x10100] =	vst v63  }
0xc4: {  	s29 =	simm.s32 $0x7900  }
0xc5: {  	[tilespmem:s29], [sflag:$0x1] =	stream.indirect_vreg.gather [hbm4b:s6+s2], $0x80, v3, vm0, $0xb8;
	[tilespmem:$0x10100] =	vst v63  }
0xc6: {  	_ =	swait.ge [sflag:s21], $0x8000  }
0xc7: {  	[sflag:s21] =	ssyncset.done $0x0  }
0xc8: {  	s0 =	rddreg [dreg:$0x7];
	[sflag:s21] =	ssyncadd.s32 $0xFFFF8000  }
0xc9: {  	[hbm4b:s0+s2] =	stream.linear.scatter [tilespmem:s26], [sflag:$0x4], $0x8000, $0x38;
	[tilespmem:$0x10100] =	vst v63  }
0xca: {  	_ =	swait.ge [sflag:s22], $0x8000  }
0xcb: {  	[sflag:s22] =	ssyncset.done $0x0  }
0xcc: {  	s0 =	simm.s32 $0x80;
	s23 =	rddreg [dreg:$0x8];
	[sflag:s22] =	ssyncadd.s32 $0xFFFF8000  }
0xcd: {  	[tilespmem:s0], [sflag:$0x5] =	stream.linear.gather [hbm4b:s23+s2], $0x20, $0x38;
	[tilespmem:$0x10100] =	vst v63  }
0xce: {  	_ =	swait.ge [sflag:s8], $0x20  }
0xcf: {  	[sflag:s8] =	ssyncset.done $0x0  }
0xd0: {  	[sflag:s8] =	ssyncadd.s32 $0xFFFFFFE0  }
0xd1: {  	v3 =	vld [tilespmem:$0x80];
	_ =	sdelay $0x4  }
0xd2: {  	v38 =	vshll.u32 v3, $0x3  }
0xd3: {  	v3 =	vand.u32 $0x7, v3;
	v4 =	vand.u32 $0xFFFFFFC0, v38  }
0xd4: {  	v3 =	vor.u32 v3, v4  }
0xd5: {  	v4 =	vperm.xlane v3, v0;
	_ =	sdelay $0x1  }
0xd6: {  	v4 =	vadd.s32 v1, v4;
	_ =	sdelay $0x4  }
0xd7: {  	[tilespmem:s26], [sflag:$0x2] =	stream.indirect_vreg.gather [hbm4b:s3+s2], $0x80, v4, vm0, $0xb8;
	[tilespmem:$0x10100] =	vst v63  }
0xd8: {  	s13 =	simm.s32 $0x8900;
	v3 =	vperm.xlane v3, v2  }
0xd9: {  	[tilespmem:s13], [sflag:$0x2] =	stream.indirect_vreg.gather [hbm4b:s4+s2], $0x80, v4, vm0, $0xb8;
	[tilespmem:$0x10100] =	vst v63  }
0xda: {  	s31 =	simm.s32 $0x9100;
	v3 =	vadd.s32 v1, v3  }
0xdb: {  	[tilespmem:s31], [sflag:$0x2] =	stream.indirect_vreg.gather [hbm4b:s5+s2], $0x80, v4, vm0, $0xb8;
	[tilespmem:$0x10100] =	vst v63  }
0xdc: {  	s31 =	simm.s32 $0x9900  }
0xdd: {  	[tilespmem:s31], [sflag:$0x2] =	stream.indirect_vreg.gather [hbm4b:s6+s2], $0x80, v4, vm0, $0xb8;
	[tilespmem:$0x10100] =	vst v63  }
0xde: {  	s23 =	simm.s32 $0xA100  }
0xdf: {  	[tilespmem:s23], [sflag:$0x2] =	stream.indirect_vreg.gather [hbm4b:s3+s2], $0x80, v3, vm0, $0xb8;
	[tilespmem:$0x10100] =	vst v63  }
0xe0: {  	s23 =	simm.s32 $0xA900  }
0xe1: {  	[tilespmem:s23], [sflag:$0x2] =	stream.indirect_vreg.gather [hbm4b:s4+s2], $0x80, v3, vm0, $0xb8;
	[tilespmem:$0x10100] =	vst v63  }
0xe2: {  	s23 =	simm.s32 $0xB100  }
0xe3: {  	[tilespmem:s23], [sflag:$0x2] =	stream.indirect_vreg.gather [hbm4b:s5+s2], $0x80, v3, vm0, $0xb8;
	[tilespmem:$0x10100] =	vst v63  }
0xe4: {  	s12 =	simm.s32 $0xB900  }
0xe5: {  	[tilespmem:s12], [sflag:$0x2] =	stream.indirect_vreg.gather [hbm4b:s6+s2], $0x80, v3, vm0, $0xb8;
	[tilespmem:$0x10100] =	vst v63  }
0xe6: {  	v3 =	vld [tilespmem:$0x90];
	_ =	sdelay $0x4  }
0xe7: {  	v39 =	vshll.u32 v3, $0x3  }
0xe8: {  	v3 =	vand.u32 $0x7, v3;
	v4 =	vand.u32 $0xFFFFFFC0, v39  }
0xe9: {  	v3 =	vor.u32 v3, v4  }
0xea: {  	v4 =	vperm.xlane v3, v0;
	_ =	sdelay $0x1  }
0xeb: {  	v4 =	vadd.s32 v1, v4;
	_ =	sdelay $0x3  }
0xec: {  	s14 =	simm.s32 $0xC100  }
0xed: {  	[tilespmem:s14], [sflag:$0x2] =	stream.indirect_vreg.gather [hbm4b:s3+s2], $0x80, v4, vm0, $0xb8;
	[tilespmem:$0x10100] =	vst v63  }
0xee: {  	s10 =	simm.s32 $0xC900;
	v3 =	vperm.xlane v3, v2  }
0xef: {  	[tilespmem:s10], [sflag:$0x2] =	stream.indirect_vreg.gather [hbm4b:s4+s2], $0x80, v4, vm0, $0xb8;
	[tilespmem:$0x10100] =	vst v63  }
0xf0: {  	s23 =	simm.s32 $0xD100;
	v3 =	vadd.s32 v1, v3  }
0xf1: {  	[tilespmem:s23], [sflag:$0x2] =	stream.indirect_vreg.gather [hbm4b:s5+s2], $0x80, v4, vm0, $0xb8;
	[tilespmem:$0x10100] =	vst v63  }
0xf2: {  	s12 =	simm.s32 $0xD900  }
0xf3: {  	[tilespmem:s12], [sflag:$0x2] =	stream.indirect_vreg.gather [hbm4b:s6+s2], $0x80, v4, vm0, $0xb8;
	[tilespmem:$0x10100] =	vst v63  }
0xf4: {  	s23 =	simm.s32 $0xE100  }
0xf5: {  	[tilespmem:s23], [sflag:$0x2] =	stream.indirect_vreg.gather [hbm4b:s3+s2], $0x80, v3, vm0, $0xb8;
	[tilespmem:$0x10100] =	vst v63  }
0xf6: {  	s23 =	simm.s32 $0xE900  }
0xf7: {  	[tilespmem:s23], [sflag:$0x2] =	stream.indirect_vreg.gather [hbm4b:s4+s2], $0x80, v3, vm0, $0xb8;
	[tilespmem:$0x10100] =	vst v63  }
0xf8: {  	s23 =	simm.s32 $0xF100  }
0xf9: {  	[tilespmem:s23], [sflag:$0x2] =	stream.indirect_vreg.gather [hbm4b:s5+s2], $0x80, v3, vm0, $0xb8;
	[tilespmem:$0x10100] =	vst v63  }
0xfa: {  	s11 =	simm.s32 $0xF900  }
0xfb: {  	[tilespmem:s11], [sflag:$0x2] =	stream.indirect_vreg.gather [hbm4b:s6+s2], $0x80, v3, vm0, $0xb8;
	[tilespmem:$0x10100] =	vst v63  }
0xfc: {  	_ =	swait.ge [sflag:s19], $0x8000  }
0xfd: {  	[sflag:s19] =	ssyncset.done $0x0  }
0xfe: {  	s23 =	rddreg [dreg:$0x9];
	[sflag:s19] =	ssyncadd.s32 $0xFFFF8000  }
0xff: {  	[hbm4b:s23+s2] =	stream.linear.scatter [tilespmem:s9], [sflag:$0x3], $0x8000, $0x38;
	[tilespmem:$0x10100] =	vst v63  }
0x100: {  	_ =	swait.ge [sflag:s20], $0x8000  }
0x101: {  	[sflag:s20] =	ssyncset.done $0x0  }
0x102: {  	s23 =	rddreg [dreg:$0xa];
	[sflag:s20] =	ssyncadd.s32 $0xFFFF8000  }
0x103: {  	[tilespmem:s2], [sflag:$0x5] =	stream.linear.gather [hbm4b:s23+s2], $0x20, $0x38;
	[tilespmem:$0x10100] =	vst v63  }
0x104: {  	_ =	swait.ge [sflag:s8], $0x20  }
0x105: {  	[sflag:s8] =	ssyncset.done $0x0  }
0x106: {  	[sflag:s8] =	ssyncadd.s32 $0xFFFFFFE0  }
0x107: {  	v3 =	vld [tilespmem:$0x0];
	_ =	sdelay $0x4  }
0x108: {  	v40 =	vshll.u32 v3, $0x3  }
0x109: {  	v3 =	vand.u32 $0x7, v3;
	v4 =	vand.u32 $0xFFFFFFC0, v40  }
0x10a: {  	v3 =	vor.u32 v3, v4  }
0x10b: {  	v4 =	vperm.xlane v3, v0;
	_ =	sdelay $0x1  }
0x10c: {  	v4 =	vadd.s32 v1, v4;
	_ =	sdelay $0x4  }
0x10d: {  	[tilespmem:s9], [sflag:$0x1] =	stream.indirect_vreg.gather [hbm4b:s3+s2], $0x80, v4, vm0, $0xb8;
	[tilespmem:$0x10100] =	vst v63  }
0x10e: {  	s23 =	simm.s32 $0x900;
	v3 =	vperm.xlane v3, v2  }
0x10f: {  	[tilespmem:s23], [sflag:$0x1] =	stream.indirect_vreg.gather [hbm4b:s4+s2], $0x80, v4, vm0, $0xb8;
	[tilespmem:$0x10100] =	vst v63  }
0x110: {  	v3 =	vadd.s32 v1, v3;
	s23 =	simm.s32 $0x1100  }
0x111: {  	[tilespmem:s23], [sflag:$0x1] =	stream.indirect_vreg.gather [hbm4b:s5+s2], $0x80, v4, vm0, $0xb8;
	[tilespmem:$0x10100] =	vst v63  }
0x112: {  	_ = 	snop  }
0x113: {  	[tilespmem:s1], [sflag:$0x1] =	stream.indirect_vreg.gather [hbm4b:s6+s2], $0x80, v4, vm0, $0xb8;
	[tilespmem:$0x10100] =	vst v63  }
0x114: {  	_ = 	snop  }
0x115: {  	[tilespmem:s7], [sflag:$0x1] =	stream.indirect_vreg.gather [hbm4b:s3+s2], $0x80, v3, vm0, $0xb8;
	[tilespmem:$0x10100] =	vst v63  }
0x116: {  	_ = 	snop  }
0x117: {  	[tilespmem:s15], [sflag:$0x1] =	stream.indirect_vreg.gather [hbm4b:s4+s2], $0x80, v3, vm0, $0xb8;
	[tilespmem:$0x10100] =	vst v63  }
0x118: {  	_ = 	snop  }
0x119: {  	[tilespmem:s16], [sflag:$0x1] =	stream.indirect_vreg.gather [hbm4b:s5+s2], $0x80, v3, vm0, $0xb8;
	[tilespmem:$0x10100] =	vst v63  }
0x11a: {  	s23 =	simm.s32 $0x3900  }
0x11b: {  	[tilespmem:s23], [sflag:$0x1] =	stream.indirect_vreg.gather [hbm4b:s6+s2], $0x80, v3, vm0, $0xb8;
	[tilespmem:$0x10100] =	vst v63  }
0x11c: {  	v3 =	vld [tilespmem:$0x10];
	_ =	sdelay $0x4  }
0x11d: {  	v41 =	vshll.u32 v3, $0x3  }
0x11e: {  	v3 =	vand.u32 $0x7, v3;
	v4 =	vand.u32 $0xFFFFFFC0, v41  }
0x11f: {  	v3 =	vor.u32 v3, v4  }
0x120: {  	v4 =	vperm.xlane v3, v0;
	_ =	sdelay $0x1  }
0x121: {  	v4 =	vadd.s32 v1, v4;
	_ =	sdelay $0x3  }
0x122: {  	s23 =	simm.s32 $0x4100  }
0x123: {  	[tilespmem:s23], [sflag:$0x1] =	stream.indirect_vreg.gather [hbm4b:s3+s2], $0x80, v4, vm0, $0xb8;
	[tilespmem:$0x10100] =	vst v63  }
0x124: {  	v3 =	vperm.xlane v3, v2;
	s23 =	simm.s32 $0x4900  }
0x125: {  	[tilespmem:s23], [sflag:$0x1] =	stream.indirect_vreg.gather [hbm4b:s4+s2], $0x80, v4, vm0, $0xb8;
	[tilespmem:$0x10100] =	vst v63  }
0x126: {  	v3 =	vadd.s32 v1, v3  }
0x127: {  	[tilespmem:s17], [sflag:$0x1] =	stream.indirect_vreg.gather [hbm4b:s5+s2], $0x80, v4, vm0, $0xb8;
	[tilespmem:$0x10100] =	vst v63  }
0x128: {  	_ = 	snop  }
0x129: {  	[tilespmem:s18], [sflag:$0x1] =	stream.indirect_vreg.gather [hbm4b:s6+s2], $0x80, v4, vm0, $0xb8;
	[tilespmem:$0x10100] =	vst v63  }
0x12a: {  	_ = 	snop  }
0x12b: {  	[tilespmem:s24], [sflag:$0x1] =	stream.indirect_vreg.gather [hbm4b:s3+s2], $0x80, v3, vm0, $0xb8;
	[tilespmem:$0x10100] =	vst v63  }
0x12c: {  	_ = 	snop  }
0x12d: {  	[tilespmem:s25], [sflag:$0x1] =	stream.indirect_vreg.gather [hbm4b:s4+s2], $0x80, v3, vm0, $0xb8;
	[tilespmem:$0x10100] =	vst v63  }
0x12e: {  	_ = 	snop  }
0x12f: {  	[tilespmem:s28], [sflag:$0x1] =	stream.indirect_vreg.gather [hbm4b:s5+s2], $0x80, v3, vm0, $0xb8;
	[tilespmem:$0x10100] =	vst v63  }
0x130: {  	_ = 	snop  }
0x131: {  	[tilespmem:s29], [sflag:$0x1] =	stream.indirect_vreg.gather [hbm4b:s6+s2], $0x80, v3, vm0, $0xb8;
	[tilespmem:$0x10100] =	vst v63  }
0x132: {  	_ =	swait.ge [sflag:s21], $0x8000  }
0x133: {  	[sflag:s21] =	ssyncset.done $0x0  }
0x134: {  	s23 =	rddreg [dreg:$0xb];
	[sflag:s21] =	ssyncadd.s32 $0xFFFF8000  }
0x135: {  	[hbm4b:s23+s2] =	stream.linear.scatter [tilespmem:s26], [sflag:$0x4], $0x8000, $0x38;
	[tilespmem:$0x10100] =	vst v63  }
0x136: {  	_ =	swait.ge [sflag:s22], $0x8000  }
0x137: {  	[sflag:s22] =	ssyncset.done $0x0  }
0x138: {  	s23 =	rddreg [dreg:$0xc];
	[sflag:s22] =	ssyncadd.s32 $0xFFFF8000  }
0x139: {  	[tilespmem:s0], [sflag:$0x5] =	stream.linear.gather [hbm4b:s23+s2], $0x20, $0x38;
	[tilespmem:$0x10100] =	vst v63  }
0x13a: {  	_ =	swait.ge [sflag:s8], $0x20  }
0x13b: {  	[sflag:s8] =	ssyncset.done $0x0  }
0x13c: {  	[sflag:s8] =	ssyncadd.s32 $0xFFFFFFE0  }
0x13d: {  	v3 =	vld [tilespmem:$0x80];
	_ =	sdelay $0x4  }
0x13e: {  	v42 =	vshll.u32 v3, $0x3  }
0x13f: {  	v3 =	vand.u32 $0x7, v3;
	v4 =	vand.u32 $0xFFFFFFC0, v42  }
0x140: {  	v3 =	vor.u32 v3, v4  }
0x141: {  	v4 =	vperm.xlane v3, v0;
	_ =	sdelay $0x1  }
0x142: {  	v4 =	vadd.s32 v1, v4;
	_ =	sdelay $0x4  }
0x143: {  	[tilespmem:s26], [sflag:$0x2] =	stream.indirect_vreg.gather [hbm4b:s3+s2], $0x80, v4, vm0, $0xb8;
	[tilespmem:$0x10100] =	vst v63  }
0x144: {  	s23 =	simm.s32 $0x8900;
	v3 =	vperm.xlane v3, v2  }
0x145: {  	[tilespmem:s23], [sflag:$0x2] =	stream.indirect_vreg.gather [hbm4b:s4+s2], $0x80, v4, vm0, $0xb8;
	[tilespmem:$0x10100] =	vst v63  }
0x146: {  	s13 =	simm.s32 $0x9100;
	v3 =	vadd.s32 v1, v3  }
0x147: {  	[tilespmem:s13], [sflag:$0x2] =	stream.indirect_vreg.gather [hbm4b:s5+s2], $0x80, v4, vm0, $0xb8;
	[tilespmem:$0x10100] =	vst v63  }
0x148: {  	s31 =	simm.s32 $0x9900  }
0x149: {  	[tilespmem:s31], [sflag:$0x2] =	stream.indirect_vreg.gather [hbm4b:s6+s2], $0x80, v4, vm0, $0xb8;
	[tilespmem:$0x10100] =	vst v63  }
0x14a: {  	s23 =	simm.s32 $0xA100  }
0x14b: {  	[tilespmem:s23], [sflag:$0x2] =	stream.indirect_vreg.gather [hbm4b:s3+s2], $0x80, v3, vm0, $0xb8;
	[tilespmem:$0x10100] =	vst v63  }
0x14c: {  	s23 =	simm.s32 $0xA900  }
0x14d: {  	[tilespmem:s23], [sflag:$0x2] =	stream.indirect_vreg.gather [hbm4b:s4+s2], $0x80, v3, vm0, $0xb8;
	[tilespmem:$0x10100] =	vst v63  }
0x14e: {  	s23 =	simm.s32 $0xB100  }
0x14f: {  	[tilespmem:s23], [sflag:$0x2] =	stream.indirect_vreg.gather [hbm4b:s5+s2], $0x80, v3, vm0, $0xb8;
	[tilespmem:$0x10100] =	vst v63  }
0x150: {  	s23 =	simm.s32 $0xB900  }
0x151: {  	[tilespmem:s23], [sflag:$0x2] =	stream.indirect_vreg.gather [hbm4b:s6+s2], $0x80, v3, vm0, $0xb8;
	[tilespmem:$0x10100] =	vst v63  }
0x152: {  	v3 =	vld [tilespmem:$0x90];
	_ =	sdelay $0x4  }
0x153: {  	v43 =	vshll.u32 v3, $0x3  }
0x154: {  	v3 =	vand.u32 $0x7, v3;
	v4 =	vand.u32 $0xFFFFFFC0, v43  }
0x155: {  	v3 =	vor.u32 v3, v4  }
0x156: {  	v4 =	vperm.xlane v3, v0;
	_ =	sdelay $0x1  }
0x157: {  	v4 =	vadd.s32 v1, v4;
	_ =	sdelay $0x3  }
0x158: {  	s23 =	simm.s32 $0xC100  }
0x159: {  	[tilespmem:s23], [sflag:$0x2] =	stream.indirect_vreg.gather [hbm4b:s3+s2], $0x80, v4, vm0, $0xb8;
	[tilespmem:$0x10100] =	vst v63  }
0x15a: {  	v3 =	vperm.xlane v3, v2;
	s23 =	simm.s32 $0xC900  }
0x15b: {  	[tilespmem:s23], [sflag:$0x2] =	stream.indirect_vreg.gather [hbm4b:s4+s2], $0x80, v4, vm0, $0xb8;
	[tilespmem:$0x10100] =	vst v63  }
0x15c: {  	s14 =	simm.s32 $0xD100;
	v3 =	vadd.s32 v1, v3  }
0x15d: {  	[tilespmem:s14], [sflag:$0x2] =	stream.indirect_vreg.gather [hbm4b:s5+s2], $0x80, v4, vm0, $0xb8;
	[tilespmem:$0x10100] =	vst v63  }
0x15e: {  	s10 =	simm.s32 $0xD900  }
0x15f: {  	[tilespmem:s10], [sflag:$0x2] =	stream.indirect_vreg.gather [hbm4b:s6+s2], $0x80, v4, vm0, $0xb8;
	[tilespmem:$0x10100] =	vst v63  }
0x160: {  	s12 =	simm.s32 $0xE100  }
0x161: {  	[tilespmem:s12], [sflag:$0x2] =	stream.indirect_vreg.gather [hbm4b:s3+s2], $0x80, v3, vm0, $0xb8;
	[tilespmem:$0x10100] =	vst v63  }
0x162: {  	s23 =	simm.s32 $0xE900  }
0x163: {  	[tilespmem:s23], [sflag:$0x2] =	stream.indirect_vreg.gather [hbm4b:s4+s2], $0x80, v3, vm0, $0xb8;
	[tilespmem:$0x10100] =	vst v63  }
0x164: {  	s23 =	simm.s32 $0xF100  }
0x165: {  	[tilespmem:s23], [sflag:$0x2] =	stream.indirect_vreg.gather [hbm4b:s5+s2], $0x80, v3, vm0, $0xb8;
	[tilespmem:$0x10100] =	vst v63  }
0x166: {  	s11 =	simm.s32 $0xF900  }
0x167: {  	[tilespmem:s11], [sflag:$0x2] =	stream.indirect_vreg.gather [hbm4b:s6+s2], $0x80, v3, vm0, $0xb8;
	[tilespmem:$0x10100] =	vst v63  }
0x168: {  	_ =	swait.ge [sflag:s19], $0x8000  }
0x169: {  	[sflag:s19] =	ssyncset.done $0x0  }
0x16a: {  	s23 =	rddreg [dreg:$0xd];
	[sflag:s19] =	ssyncadd.s32 $0xFFFF8000  }
0x16b: {  	[hbm4b:s23+s2] =	stream.linear.scatter [tilespmem:s9], [sflag:$0x3], $0x8000, $0x38;
	[tilespmem:$0x10100] =	vst v63  }
0x16c: {  	_ =	swait.ge [sflag:s20], $0x8000  }
0x16d: {  	[sflag:s20] =	ssyncset.done $0x0  }
0x16e: {  	s23 =	rddreg [dreg:$0xe];
	[sflag:s20] =	ssyncadd.s32 $0xFFFF8000  }
0x16f: {  	[tilespmem:s2], [sflag:$0x5] =	stream.linear.gather [hbm4b:s23+s2], $0x20, $0x38;
	[tilespmem:$0x10100] =	vst v63  }
0x170: {  	_ =	swait.ge [sflag:s8], $0x20  }
0x171: {  	[sflag:s8] =	ssyncset.done $0x0  }
0x172: {  	[sflag:s8] =	ssyncadd.s32 $0xFFFFFFE0  }
0x173: {  	v3 =	vld [tilespmem:$0x0];
	_ =	sdelay $0x4  }
0x174: {  	v44 =	vshll.u32 v3, $0x3  }
0x175: {  	v3 =	vand.u32 $0x7, v3;
	v4 =	vand.u32 $0xFFFFFFC0, v44  }
0x176: {  	v3 =	vor.u32 v3, v4  }
0x177: {  	v4 =	vperm.xlane v3, v0;
	_ =	sdelay $0x1  }
0x178: {  	v4 =	vadd.s32 v1, v4;
	_ =	sdelay $0x4  }
0x179: {  	[tilespmem:s9], [sflag:$0x1] =	stream.indirect_vreg.gather [hbm4b:s3+s2], $0x80, v4, vm0, $0xb8;
	[tilespmem:$0x10100] =	vst v63  }
0x17a: {  	s23 =	simm.s32 $0x900;
	v3 =	vperm.xlane v3, v2  }
0x17b: {  	[tilespmem:s23], [sflag:$0x1] =	stream.indirect_vreg.gather [hbm4b:s4+s2], $0x80, v4, vm0, $0xb8;
	[tilespmem:$0x10100] =	vst v63  }
0x17c: {  	v3 =	vadd.s32 v1, v3;
	s23 =	simm.s32 $0x1100  }
0x17d: {  	[tilespmem:s23], [sflag:$0x1] =	stream.indirect_vreg.gather [hbm4b:s5+s2], $0x80, v4, vm0, $0xb8;
	[tilespmem:$0x10100] =	vst v63  }
0x17e: {  	s1 =	simm.s32 $0x1900  }
0x17f: {  	[tilespmem:s1], [sflag:$0x1] =	stream.indirect_vreg.gather [hbm4b:s6+s2], $0x80, v4, vm0, $0xb8;
	[tilespmem:$0x10100] =	vst v63  }
0x180: {  	s7 =	simm.s32 $0x2100  }
0x181: {  	[tilespmem:s7], [sflag:$0x1] =	stream.indirect_vreg.gather [hbm4b:s3+s2], $0x80, v3, vm0, $0xb8;
	[tilespmem:$0x10100] =	vst v63  }
0x182: {  	s15 =	simm.s32 $0x2900  }
0x183: {  	[tilespmem:s15], [sflag:$0x1] =	stream.indirect_vreg.gather [hbm4b:s4+s2], $0x80, v3, vm0, $0xb8;
	[tilespmem:$0x10100] =	vst v63  }
0x184: {  	s16 =	simm.s32 $0x3100  }
0x185: {  	[tilespmem:s16], [sflag:$0x1] =	stream.indirect_vreg.gather [hbm4b:s5+s2], $0x80, v3, vm0, $0xb8;
	[tilespmem:$0x10100] =	vst v63  }
0x186: {  	s23 =	simm.s32 $0x3900  }
0x187: {  	[tilespmem:s23], [sflag:$0x1] =	stream.indirect_vreg.gather [hbm4b:s6+s2], $0x80, v3, vm0, $0xb8;
	[tilespmem:$0x10100] =	vst v63  }
0x188: {  	v3 =	vld [tilespmem:$0x10];
	_ =	sdelay $0x4  }
0x189: {  	v45 =	vshll.u32 v3, $0x3  }
0x18a: {  	v3 =	vand.u32 $0x7, v3;
	v4 =	vand.u32 $0xFFFFFFC0, v45  }
0x18b: {  	v3 =	vor.u32 v3, v4  }
0x18c: {  	v4 =	vperm.xlane v3, v0;
	_ =	sdelay $0x1  }
0x18d: {  	v4 =	vadd.s32 v1, v4;
	_ =	sdelay $0x3  }
0x18e: {  	s23 =	simm.s32 $0x4100  }
0x18f: {  	[tilespmem:s23], [sflag:$0x1] =	stream.indirect_vreg.gather [hbm4b:s3+s2], $0x80, v4, vm0, $0xb8;
	[tilespmem:$0x10100] =	vst v63  }
0x190: {  	v3 =	vperm.xlane v3, v2;
	s23 =	simm.s32 $0x4900  }
0x191: {  	[tilespmem:s23], [sflag:$0x1] =	stream.indirect_vreg.gather [hbm4b:s4+s2], $0x80, v4, vm0, $0xb8;
	[tilespmem:$0x10100] =	vst v63  }
0x192: {  	s17 =	simm.s32 $0x5100;
	v3 =	vadd.s32 v1, v3  }
0x193: {  	[tilespmem:s17], [sflag:$0x1] =	stream.indirect_vreg.gather [hbm4b:s5+s2], $0x80, v4, vm0, $0xb8;
	[tilespmem:$0x10100] =	vst v63  }
0x194: {  	s18 =	simm.s32 $0x5900  }
0x195: {  	[tilespmem:s18], [sflag:$0x1] =	stream.indirect_vreg.gather [hbm4b:s6+s2], $0x80, v4, vm0, $0xb8;
	[tilespmem:$0x10100] =	vst v63  }
0x196: {  	s24 =	simm.s32 $0x6100  }
0x197: {  	[tilespmem:s24], [sflag:$0x1] =	stream.indirect_vreg.gather [hbm4b:s3+s2], $0x80, v3, vm0, $0xb8;
	[tilespmem:$0x10100] =	vst v63  }
0x198: {  	s25 =	simm.s32 $0x6900  }
0x199: {  	[tilespmem:s25], [sflag:$0x1] =	stream.indirect_vreg.gather [hbm4b:s4+s2], $0x80, v3, vm0, $0xb8;
	[tilespmem:$0x10100] =	vst v63  }
0x19a: {  	s28 =	simm.s32 $0x7100  }
0x19b: {  	[tilespmem:s28], [sflag:$0x1] =	stream.indirect_vreg.gather [hbm4b:s5+s2], $0x80, v3, vm0, $0xb8;
	[tilespmem:$0x10100] =	vst v63  }
0x19c: {  	s29 =	simm.s32 $0x7900  }
0x19d: {  	[tilespmem:s29], [sflag:$0x1] =	stream.indirect_vreg.gather [hbm4b:s6+s2], $0x80, v3, vm0, $0xb8;
	[tilespmem:$0x10100] =	vst v63  }
0x19e: {  	_ =	swait.ge [sflag:s21], $0x8000  }
0x19f: {  	[sflag:s21] =	ssyncset.done $0x0  }
0x1a0: {  	s15 =	rddreg [dreg:$0xf];
	[sflag:s21] =	ssyncadd.s32 $0xFFFF8000  }
0x1a1: {  	[hbm4b:s15+s2] =	stream.linear.scatter [tilespmem:s26], [sflag:$0x4], $0x8000, $0x38;
	[tilespmem:$0x10100] =	vst v63  }
0x1a2: {  	_ =	swait.ge [sflag:s22], $0x8000  }
0x1a3: {  	[sflag:s22] =	ssyncset.done $0x0  }
0x1a4: {  	s0 =	simm.s32 $0x80;
	s15 =	rddreg [dreg:$0x10];
	[sflag:s22] =	ssyncadd.s32 $0xFFFF8000  }
0x1a5: {  	[tilespmem:s0], [sflag:$0x5] =	stream.linear.gather [hbm4b:s15+s2], $0x20, $0x38;
	[tilespmem:$0x10100] =	vst v63  }
0x1a6: {  	_ =	swait.ge [sflag:s8], $0x20  }
0x1a7: {  	[sflag:s8] =	ssyncset.done $0x0  }
0x1a8: {  	[sflag:s8] =	ssyncadd.s32 $0xFFFFFFE0  }
0x1a9: {  	v3 =	vld [tilespmem:$0x80];
	_ =	sdelay $0x4  }
0x1aa: {  	v46 =	vshll.u32 v3, $0x3  }
0x1ab: {  	v3 =	vand.u32 $0x7, v3;
	v4 =	vand.u32 $0xFFFFFFC0, v46  }
0x1ac: {  	v3 =	vor.u32 v3, v4  }
0x1ad: {  	v4 =	vperm.xlane v3, v0;
	_ =	sdelay $0x1  }
0x1ae: {  	v4 =	vadd.s32 v1, v4;
	_ =	sdelay $0x4  }
0x1af: {  	[tilespmem:s26], [sflag:$0x2] =	stream.indirect_vreg.gather [hbm4b:s3+s2], $0x80, v4, vm0, $0xb8;
	[tilespmem:$0x10100] =	vst v63  }
0x1b0: {  	s23 =	simm.s32 $0x8900;
	v3 =	vperm.xlane v3, v2  }
0x1b1: {  	[tilespmem:s23], [sflag:$0x2] =	stream.indirect_vreg.gather [hbm4b:s4+s2], $0x80, v4, vm0, $0xb8;
	[tilespmem:$0x10100] =	vst v63  }
0x1b2: {  	s13 =	simm.s32 $0x9100;
	v3 =	vadd.s32 v1, v3  }
0x1b3: {  	[tilespmem:s13], [sflag:$0x2] =	stream.indirect_vreg.gather [hbm4b:s5+s2], $0x80, v4, vm0, $0xb8;
	[tilespmem:$0x10100] =	vst v63  }
0x1b4: {  	s31 =	simm.s32 $0x9900  }
0x1b5: {  	[tilespmem:s31], [sflag:$0x2] =	stream.indirect_vreg.gather [hbm4b:s6+s2], $0x80, v4, vm0, $0xb8;
	[tilespmem:$0x10100] =	vst v63  }
0x1b6: {  	s31 =	simm.s32 $0xA100  }
0x1b7: {  	[tilespmem:s31], [sflag:$0x2] =	stream.indirect_vreg.gather [hbm4b:s3+s2], $0x80, v3, vm0, $0xb8;
	[tilespmem:$0x10100] =	vst v63  }
0x1b8: {  	s23 =	simm.s32 $0xA900  }
0x1b9: {  	[tilespmem:s23], [sflag:$0x2] =	stream.indirect_vreg.gather [hbm4b:s4+s2], $0x80, v3, vm0, $0xb8;
	[tilespmem:$0x10100] =	vst v63  }
0x1ba: {  	s23 =	simm.s32 $0xB100  }
0x1bb: {  	[tilespmem:s23], [sflag:$0x2] =	stream.indirect_vreg.gather [hbm4b:s5+s2], $0x80, v3, vm0, $0xb8;
	[tilespmem:$0x10100] =	vst v63  }
0x1bc: {  	s23 =	simm.s32 $0xB900  }
0x1bd: {  	[tilespmem:s23], [sflag:$0x2] =	stream.indirect_vreg.gather [hbm4b:s6+s2], $0x80, v3, vm0, $0xb8;
	[tilespmem:$0x10100] =	vst v63  }
0x1be: {  	v3 =	vld [tilespmem:$0x90];
	_ =	sdelay $0x4  }
0x1bf: {  	v47 =	vshll.u32 v3, $0x3  }
0x1c0: {  	v3 =	vand.u32 $0x7, v3;
	v4 =	vand.u32 $0xFFFFFFC0, v47  }
0x1c1: {  	v3 =	vor.u32 v3, v4  }
0x1c2: {  	v4 =	vperm.xlane v3, v0;
	_ =	sdelay $0x1  }
0x1c3: {  	v4 =	vadd.s32 v1, v4;
	_ =	sdelay $0x3  }
0x1c4: {  	s23 =	simm.s32 $0xC100  }
0x1c5: {  	[tilespmem:s23], [sflag:$0x2] =	stream.indirect_vreg.gather [hbm4b:s3+s2], $0x80, v4, vm0, $0xb8;
	[tilespmem:$0x10100] =	vst v63  }
0x1c6: {  	v3 =	vperm.xlane v3, v2;
	s23 =	simm.s32 $0xC900  }
0x1c7: {  	[tilespmem:s23], [sflag:$0x2] =	stream.indirect_vreg.gather [hbm4b:s4+s2], $0x80, v4, vm0, $0xb8;
	[tilespmem:$0x10100] =	vst v63  }
0x1c8: {  	v3 =	vadd.s32 v1, v3;
	s23 =	simm.s32 $0xD100  }
0x1c9: {  	[tilespmem:s23], [sflag:$0x2] =	stream.indirect_vreg.gather [hbm4b:s5+s2], $0x80, v4, vm0, $0xb8;
	[tilespmem:$0x10100] =	vst v63  }
0x1ca: {  	s14 =	simm.s32 $0xD900  }
0x1cb: {  	[tilespmem:s14], [sflag:$0x2] =	stream.indirect_vreg.gather [hbm4b:s6+s2], $0x80, v4, vm0, $0xb8;
	[tilespmem:$0x10100] =	vst v63  }
0x1cc: {  	s10 =	simm.s32 $0xE100  }
0x1cd: {  	[tilespmem:s10], [sflag:$0x2] =	stream.indirect_vreg.gather [hbm4b:s3+s2], $0x80, v3, vm0, $0xb8;
	[tilespmem:$0x10100] =	vst v63  }
0x1ce: {  	s12 =	simm.s32 $0xE900  }
0x1cf: {  	[tilespmem:s12], [sflag:$0x2] =	stream.indirect_vreg.gather [hbm4b:s4+s2], $0x80, v3, vm0, $0xb8;
	[tilespmem:$0x10100] =	vst v63  }
0x1d0: {  	s23 =	simm.s32 $0xF100  }
0x1d1: {  	[tilespmem:s23], [sflag:$0x2] =	stream.indirect_vreg.gather [hbm4b:s5+s2], $0x80, v3, vm0, $0xb8;
	[tilespmem:$0x10100] =	vst v63  }
0x1d2: {  	s11 =	simm.s32 $0xF900  }
0x1d3: {  	[tilespmem:s11], [sflag:$0x2] =	stream.indirect_vreg.gather [hbm4b:s6+s2], $0x80, v3, vm0, $0xb8;
	[tilespmem:$0x10100] =	vst v63  }
0x1d4: {  	_ =	swait.ge [sflag:s19], $0x8000  }
0x1d5: {  	[sflag:s19] =	ssyncset.done $0x0  }
0x1d6: {  	s23 =	rddreg [dreg:$0x11];
	[sflag:s19] =	ssyncadd.s32 $0xFFFF8000  }
0x1d7: {  	[hbm4b:s23+s2] =	stream.linear.scatter [tilespmem:s9], [sflag:$0x3], $0x8000, $0x38;
	[tilespmem:$0x10100] =	vst v63  }
0x1d8: {  	_ =	swait.ge [sflag:s20], $0x8000  }
0x1d9: {  	[sflag:s20] =	ssyncset.done $0x0  }
0x1da: {  	s23 =	rddreg [dreg:$0x12];
	[sflag:s20] =	ssyncadd.s32 $0xFFFF8000  }
0x1db: {  	[tilespmem:s2], [sflag:$0x5] =	stream.linear.gather [hbm4b:s23+s2], $0x20, $0x38;
	[tilespmem:$0x10100] =	vst v63  }
0x1dc: {  	_ =	swait.ge [sflag:s8], $0x20  }
0x1dd: {  	[sflag:s8] =	ssyncset.done $0x0  }
0x1de: {  	[sflag:s8] =	ssyncadd.s32 $0xFFFFFFE0  }
0x1df: {  	v3 =	vld [tilespmem:$0x0];
	_ =	sdelay $0x4  }
0x1e0: {  	v48 =	vshll.u32 v3, $0x3  }
0x1e1: {  	v3 =	vand.u32 $0x7, v3;
	v4 =	vand.u32 $0xFFFFFFC0, v48  }
0x1e2: {  	v3 =	vor.u32 v3, v4  }
0x1e3: {  	v4 =	vperm.xlane v3, v0;
	_ =	sdelay $0x1  }
0x1e4: {  	v4 =	vadd.s32 v1, v4;
	_ =	sdelay $0x4  }
0x1e5: {  	[tilespmem:s9], [sflag:$0x1] =	stream.indirect_vreg.gather [hbm4b:s3+s2], $0x80, v4, vm0, $0xb8;
	[tilespmem:$0x10100] =	vst v63  }
0x1e6: {  	s23 =	simm.s32 $0x900;
	v3 =	vperm.xlane v3, v2  }
0x1e7: {  	[tilespmem:s23], [sflag:$0x1] =	stream.indirect_vreg.gather [hbm4b:s4+s2], $0x80, v4, vm0, $0xb8;
	[tilespmem:$0x10100] =	vst v63  }
0x1e8: {  	v3 =	vadd.s32 v1, v3;
	s23 =	simm.s32 $0x1100  }
0x1e9: {  	[tilespmem:s23], [sflag:$0x1] =	stream.indirect_vreg.gather [hbm4b:s5+s2], $0x80, v4, vm0, $0xb8;
	[tilespmem:$0x10100] =	vst v63  }
0x1ea: {  	s23 =	simm.s32 $0x1900  }
0x1eb: {  	[tilespmem:s23], [sflag:$0x1] =	stream.indirect_vreg.gather [hbm4b:s6+s2], $0x80, v4, vm0, $0xb8;
	[tilespmem:$0x10100] =	vst v63  }
0x1ec: {  	s7 =	simm.s32 $0x2100  }
0x1ed: {  	[tilespmem:s7], [sflag:$0x1] =	stream.indirect_vreg.gather [hbm4b:s3+s2], $0x80, v3, vm0, $0xb8;
	[tilespmem:$0x10100] =	vst v63  }
0x1ee: {  	s1 =	simm.s32 $0x2900  }
0x1ef: {  	[tilespmem:s1], [sflag:$0x1] =	stream.indirect_vreg.gather [hbm4b:s4+s2], $0x80, v3, vm0, $0xb8;
	[tilespmem:$0x10100] =	vst v63  }
0x1f0: {  	s16 =	simm.s32 $0x3100  }
0x1f1: {  	[tilespmem:s16], [sflag:$0x1] =	stream.indirect_vreg.gather [hbm4b:s5+s2], $0x80, v3, vm0, $0xb8;
	[tilespmem:$0x10100] =	vst v63  }
0x1f2: {  	s23 =	simm.s32 $0x3900  }
0x1f3: {  	[tilespmem:s23], [sflag:$0x1] =	stream.indirect_vreg.gather [hbm4b:s6+s2], $0x80, v3, vm0, $0xb8;
	[tilespmem:$0x10100] =	vst v63  }
0x1f4: {  	v3 =	vld [tilespmem:$0x10];
	_ =	sdelay $0x4  }
0x1f5: {  	v49 =	vshll.u32 v3, $0x3  }
0x1f6: {  	v3 =	vand.u32 $0x7, v3;
	v4 =	vand.u32 $0xFFFFFFC0, v49  }
0x1f7: {  	v3 =	vor.u32 v3, v4  }
0x1f8: {  	v4 =	vperm.xlane v3, v0;
	_ =	sdelay $0x1  }
0x1f9: {  	v4 =	vadd.s32 v1, v4;
	_ =	sdelay $0x3  }
0x1fa: {  	s23 =	simm.s32 $0x4100  }
0x1fb: {  	[tilespmem:s23], [sflag:$0x1] =	stream.indirect_vreg.gather [hbm4b:s3+s2], $0x80, v4, vm0, $0xb8;
	[tilespmem:$0x10100] =	vst v63  }
0x1fc: {  	v3 =	vperm.xlane v3, v2;
	s23 =	simm.s32 $0x4900  }
0x1fd: {  	[tilespmem:s23], [sflag:$0x1] =	stream.indirect_vreg.gather [hbm4b:s4+s2], $0x80, v4, vm0, $0xb8;
	[tilespmem:$0x10100] =	vst v63  }
0x1fe: {  	s17 =	simm.s32 $0x5100;
	v3 =	vadd.s32 v1, v3  }
0x1ff: {  	[tilespmem:s17], [sflag:$0x1] =	stream.indirect_vreg.gather [hbm4b:s5+s2], $0x80, v4, vm0, $0xb8;
	[tilespmem:$0x10100] =	vst v63  }
0x200: {  	s18 =	simm.s32 $0x5900  }
0x201: {  	[tilespmem:s18], [sflag:$0x1] =	stream.indirect_vreg.gather [hbm4b:s6+s2], $0x80, v4, vm0, $0xb8;
	[tilespmem:$0x10100] =	vst v63  }
0x202: {  	s24 =	simm.s32 $0x6100  }
0x203: {  	[tilespmem:s24], [sflag:$0x1] =	stream.indirect_vreg.gather [hbm4b:s3+s2], $0x80, v3, vm0, $0xb8;
	[tilespmem:$0x10100] =	vst v63  }
0x204: {  	s25 =	simm.s32 $0x6900  }
0x205: {  	[tilespmem:s25], [sflag:$0x1] =	stream.indirect_vreg.gather [hbm4b:s4+s2], $0x80, v3, vm0, $0xb8;
	[tilespmem:$0x10100] =	vst v63  }
0x206: {  	s28 =	simm.s32 $0x7100  }
0x207: {  	[tilespmem:s28], [sflag:$0x1] =	stream.indirect_vreg.gather [hbm4b:s5+s2], $0x80, v3, vm0, $0xb8;
	[tilespmem:$0x10100] =	vst v63  }
0x208: {  	s29 =	simm.s32 $0x7900  }
0x209: {  	[tilespmem:s29], [sflag:$0x1] =	stream.indirect_vreg.gather [hbm4b:s6+s2], $0x80, v3, vm0, $0xb8;
	[tilespmem:$0x10100] =	vst v63  }
0x20a: {  	_ =	swait.ge [sflag:s21], $0x8000  }
0x20b: {  	[sflag:s21] =	ssyncset.done $0x0  }
0x20c: {  	s1 =	rddreg [dreg:$0x13];
	[sflag:s21] =	ssyncadd.s32 $0xFFFF8000  }
0x20d: {  	[hbm4b:s1+s2] =	stream.linear.scatter [tilespmem:s26], [sflag:$0x4], $0x8000, $0x38;
	[tilespmem:$0x10100] =	vst v63  }
0x20e: {  	_ =	swait.ge [sflag:s22], $0x8000  }
0x20f: {  	[sflag:s22] =	ssyncset.done $0x0  }
0x210: {  	s0 =	simm.s32 $0x80;
	s1 =	rddreg [dreg:$0x14];
	[sflag:s22] =	ssyncadd.s32 $0xFFFF8000  }
0x211: {  	[tilespmem:s0], [sflag:$0x5] =	stream.linear.gather [hbm4b:s1+s2], $0x20, $0x38;
	[tilespmem:$0x10100] =	vst v63  }
0x212: {  	_ =	swait.ge [sflag:s8], $0x20  }
0x213: {  	[sflag:s8] =	ssyncset.done $0x0  }
0x214: {  	[sflag:s8] =	ssyncadd.s32 $0xFFFFFFE0  }
0x215: {  	v3 =	vld [tilespmem:$0x80];
	_ =	sdelay $0x4  }
0x216: {  	v50 =	vshll.u32 v3, $0x3  }
0x217: {  	v3 =	vand.u32 $0x7, v3;
	v4 =	vand.u32 $0xFFFFFFC0, v50  }
0x218: {  	v3 =	vor.u32 v3, v4  }
0x219: {  	v4 =	vperm.xlane v3, v0;
	_ =	sdelay $0x1  }
0x21a: {  	v4 =	vadd.s32 v1, v4;
	_ =	sdelay $0x4  }
0x21b: {  	[tilespmem:s26], [sflag:$0x2] =	stream.indirect_vreg.gather [hbm4b:s3+s2], $0x80, v4, vm0, $0xb8;
	[tilespmem:$0x10100] =	vst v63  }
0x21c: {  	s23 =	simm.s32 $0x8900;
	v3 =	vperm.xlane v3, v2  }
0x21d: {  	[tilespmem:s23], [sflag:$0x2] =	stream.indirect_vreg.gather [hbm4b:s4+s2], $0x80, v4, vm0, $0xb8;
	[tilespmem:$0x10100] =	vst v63  }
0x21e: {  	s13 =	simm.s32 $0x9100;
	v3 =	vadd.s32 v1, v3  }
0x21f: {  	[tilespmem:s13], [sflag:$0x2] =	stream.indirect_vreg.gather [hbm4b:s5+s2], $0x80, v4, vm0, $0xb8;
	[tilespmem:$0x10100] =	vst v63  }
0x220: {  	s15 =	simm.s32 $0x9900  }
0x221: {  	[tilespmem:s15], [sflag:$0x2] =	stream.indirect_vreg.gather [hbm4b:s6+s2], $0x80, v4, vm0, $0xb8;
	[tilespmem:$0x10100] =	vst v63  }
0x222: {  	s31 =	simm.s32 $0xA100  }
0x223: {  	[tilespmem:s31], [sflag:$0x2] =	stream.indirect_vreg.gather [hbm4b:s3+s2], $0x80, v3, vm0, $0xb8;
	[tilespmem:$0x10100] =	vst v63  }
0x224: {  	s31 =	simm.s32 $0xA900  }
0x225: {  	[tilespmem:s31], [sflag:$0x2] =	stream.indirect_vreg.gather [hbm4b:s4+s2], $0x80, v3, vm0, $0xb8;
	[tilespmem:$0x10100] =	vst v63  }
0x226: {  	s23 =	simm.s32 $0xB100  }
0x227: {  	[tilespmem:s23], [sflag:$0x2] =	stream.indirect_vreg.gather [hbm4b:s5+s2], $0x80, v3, vm0, $0xb8;
	[tilespmem:$0x10100] =	vst v63  }
0x228: {  	s23 =	simm.s32 $0xB900  }
0x229: {  	[tilespmem:s23], [sflag:$0x2] =	stream.indirect_vreg.gather [hbm4b:s6+s2], $0x80, v3, vm0, $0xb8;
	[tilespmem:$0x10100] =	vst v63  }
0x22a: {  	v3 =	vld [tilespmem:$0x90];
	_ =	sdelay $0x4  }
0x22b: {  	v51 =	vshll.u32 v3, $0x3  }
0x22c: {  	v3 =	vand.u32 $0x7, v3;
	v4 =	vand.u32 $0xFFFFFFC0, v51  }
0x22d: {  	v3 =	vor.u32 v3, v4  }
0x22e: {  	v4 =	vperm.xlane v3, v0;
	_ =	sdelay $0x1  }
0x22f: {  	v4 =	vadd.s32 v1, v4;
	_ =	sdelay $0x3  }
0x230: {  	s23 =	simm.s32 $0xC100  }
0x231: {  	[tilespmem:s23], [sflag:$0x2] =	stream.indirect_vreg.gather [hbm4b:s3+s2], $0x80, v4, vm0, $0xb8;
	[tilespmem:$0x10100] =	vst v63  }
0x232: {  	v3 =	vperm.xlane v3, v2;
	s23 =	simm.s32 $0xC900  }
0x233: {  	[tilespmem:s23], [sflag:$0x2] =	stream.indirect_vreg.gather [hbm4b:s4+s2], $0x80, v4, vm0, $0xb8;
	[tilespmem:$0x10100] =	vst v63  }
0x234: {  	v3 =	vadd.s32 v1, v3;
	s23 =	simm.s32 $0xD100  }
0x235: {  	[tilespmem:s23], [sflag:$0x2] =	stream.indirect_vreg.gather [hbm4b:s5+s2], $0x80, v4, vm0, $0xb8;
	[tilespmem:$0x10100] =	vst v63  }
0x236: {  	s14 =	simm.s32 $0xD900  }
0x237: {  	[tilespmem:s14], [sflag:$0x2] =	stream.indirect_vreg.gather [hbm4b:s6+s2], $0x80, v4, vm0, $0xb8;
	[tilespmem:$0x10100] =	vst v63  }
0x238: {  	s10 =	simm.s32 $0xE100  }
0x239: {  	[tilespmem:s10], [sflag:$0x2] =	stream.indirect_vreg.gather [hbm4b:s3+s2], $0x80, v3, vm0, $0xb8;
	[tilespmem:$0x10100] =	vst v63  }
0x23a: {  	s12 =	simm.s32 $0xE900  }
0x23b: {  	[tilespmem:s12], [sflag:$0x2] =	stream.indirect_vreg.gather [hbm4b:s4+s2], $0x80, v3, vm0, $0xb8;
	[tilespmem:$0x10100] =	vst v63  }
0x23c: {  	s23 =	simm.s32 $0xF100  }
0x23d: {  	[tilespmem:s23], [sflag:$0x2] =	stream.indirect_vreg.gather [hbm4b:s5+s2], $0x80, v3, vm0, $0xb8;
	[tilespmem:$0x10100] =	vst v63  }
0x23e: {  	s11 =	simm.s32 $0xF900  }
0x23f: {  	[tilespmem:s11], [sflag:$0x2] =	stream.indirect_vreg.gather [hbm4b:s6+s2], $0x80, v3, vm0, $0xb8;
	[tilespmem:$0x10100] =	vst v63  }
0x240: {  	_ =	swait.ge [sflag:s19], $0x8000  }
0x241: {  	[sflag:s19] =	ssyncset.done $0x0  }
0x242: {  	s23 =	rddreg [dreg:$0x15];
	[sflag:s19] =	ssyncadd.s32 $0xFFFF8000  }
0x243: {  	[hbm4b:s23+s2] =	stream.linear.scatter [tilespmem:s9], [sflag:$0x3], $0x8000, $0x38;
	[tilespmem:$0x10100] =	vst v63  }
0x244: {  	_ =	swait.ge [sflag:s20], $0x8000  }
0x245: {  	[sflag:s20] =	ssyncset.done $0x0  }
0x246: {  	s23 =	rddreg [dreg:$0x16];
	[sflag:s20] =	ssyncadd.s32 $0xFFFF8000  }
0x247: {  	[tilespmem:s2], [sflag:$0x5] =	stream.linear.gather [hbm4b:s23+s2], $0x20, $0x38;
	[tilespmem:$0x10100] =	vst v63  }
0x248: {  	_ =	swait.ge [sflag:s8], $0x20  }
0x249: {  	[sflag:s8] =	ssyncset.done $0x0  }
0x24a: {  	[sflag:s8] =	ssyncadd.s32 $0xFFFFFFE0  }
0x24b: {  	v3 =	vld [tilespmem:$0x0];
	_ =	sdelay $0x4  }
0x24c: {  	v52 =	vshll.u32 v3, $0x3  }
0x24d: {  	v3 =	vand.u32 $0x7, v3;
	v4 =	vand.u32 $0xFFFFFFC0, v52  }
0x24e: {  	v3 =	vor.u32 v3, v4  }
0x24f: {  	v4 =	vperm.xlane v3, v0;
	_ =	sdelay $0x1  }
0x250: {  	v4 =	vadd.s32 v1, v4;
	_ =	sdelay $0x4  }
0x251: {  	[tilespmem:s9], [sflag:$0x1] =	stream.indirect_vreg.gather [hbm4b:s3+s2], $0x80, v4, vm0, $0xb8;
	[tilespmem:$0x10100] =	vst v63  }
0x252: {  	s23 =	simm.s32 $0x900;
	v3 =	vperm.xlane v3, v2  }
0x253: {  	[tilespmem:s23], [sflag:$0x1] =	stream.indirect_vreg.gather [hbm4b:s4+s2], $0x80, v4, vm0, $0xb8;
	[tilespmem:$0x10100] =	vst v63  }
0x254: {  	v3 =	vadd.s32 v1, v3;
	s23 =	simm.s32 $0x1100  }
0x255: {  	[tilespmem:s23], [sflag:$0x1] =	stream.indirect_vreg.gather [hbm4b:s5+s2], $0x80, v4, vm0, $0xb8;
	[tilespmem:$0x10100] =	vst v63  }
0x256: {  	s23 =	simm.s32 $0x1900  }
0x257: {  	[tilespmem:s23], [sflag:$0x1] =	stream.indirect_vreg.gather [hbm4b:s6+s2], $0x80, v4, vm0, $0xb8;
	[tilespmem:$0x10100] =	vst v63  }
0x258: {  	s23 =	simm.s32 $0x2100  }
0x259: {  	[tilespmem:s23], [sflag:$0x1] =	stream.indirect_vreg.gather [hbm4b:s3+s2], $0x80, v3, vm0, $0xb8;
	[tilespmem:$0x10100] =	vst v63  }
0x25a: {  	s7 =	simm.s32 $0x2900  }
0x25b: {  	[tilespmem:s7], [sflag:$0x1] =	stream.indirect_vreg.gather [hbm4b:s4+s2], $0x80, v3, vm0, $0xb8;
	[tilespmem:$0x10100] =	vst v63  }
0x25c: {  	s16 =	simm.s32 $0x3100  }
0x25d: {  	[tilespmem:s16], [sflag:$0x1] =	stream.indirect_vreg.gather [hbm4b:s5+s2], $0x80, v3, vm0, $0xb8;
	[tilespmem:$0x10100] =	vst v63  }
0x25e: {  	s23 =	simm.s32 $0x3900  }
0x25f: {  	[tilespmem:s23], [sflag:$0x1] =	stream.indirect_vreg.gather [hbm4b:s6+s2], $0x80, v3, vm0, $0xb8;
	[tilespmem:$0x10100] =	vst v63  }
0x260: {  	v3 =	vld [tilespmem:$0x10];
	_ =	sdelay $0x4  }
0x261: {  	v53 =	vshll.u32 v3, $0x3  }
0x262: {  	v3 =	vand.u32 $0x7, v3;
	v4 =	vand.u32 $0xFFFFFFC0, v53  }
0x263: {  	v3 =	vor.u32 v3, v4  }
0x264: {  	v4 =	vperm.xlane v3, v0;
	_ =	sdelay $0x1  }
0x265: {  	v4 =	vadd.s32 v1, v4;
	_ =	sdelay $0x3  }
0x266: {  	s16 =	simm.s32 $0x4100  }
0x267: {  	[tilespmem:s16], [sflag:$0x1] =	stream.indirect_vreg.gather [hbm4b:s3+s2], $0x80, v4, vm0, $0xb8;
	[tilespmem:$0x10100] =	vst v63  }
0x268: {  	s23 =	simm.s32 $0x4900;
	v3 =	vperm.xlane v3, v2  }
0x269: {  	[tilespmem:s23], [sflag:$0x1] =	stream.indirect_vreg.gather [hbm4b:s4+s2], $0x80, v4, vm0, $0xb8;
	[tilespmem:$0x10100] =	vst v63  }
0x26a: {  	s17 =	simm.s32 $0x5100;
	v3 =	vadd.s32 v1, v3  }
0x26b: {  	[tilespmem:s17], [sflag:$0x1] =	stream.indirect_vreg.gather [hbm4b:s5+s2], $0x80, v4, vm0, $0xb8;
	[tilespmem:$0x10100] =	vst v63  }
0x26c: {  	s18 =	simm.s32 $0x5900  }
0x26d: {  	[tilespmem:s18], [sflag:$0x1] =	stream.indirect_vreg.gather [hbm4b:s6+s2], $0x80, v4, vm0, $0xb8;
	[tilespmem:$0x10100] =	vst v63  }
0x26e: {  	s24 =	simm.s32 $0x6100  }
0x26f: {  	[tilespmem:s24], [sflag:$0x1] =	stream.indirect_vreg.gather [hbm4b:s3+s2], $0x80, v3, vm0, $0xb8;
	[tilespmem:$0x10100] =	vst v63  }
0x270: {  	s25 =	simm.s32 $0x6900  }
0x271: {  	[tilespmem:s25], [sflag:$0x1] =	stream.indirect_vreg.gather [hbm4b:s4+s2], $0x80, v3, vm0, $0xb8;
	[tilespmem:$0x10100] =	vst v63  }
0x272: {  	s28 =	simm.s32 $0x7100  }
0x273: {  	[tilespmem:s28], [sflag:$0x1] =	stream.indirect_vreg.gather [hbm4b:s5+s2], $0x80, v3, vm0, $0xb8;
	[tilespmem:$0x10100] =	vst v63  }
0x274: {  	s29 =	simm.s32 $0x7900  }
0x275: {  	[tilespmem:s29], [sflag:$0x1] =	stream.indirect_vreg.gather [hbm4b:s6+s2], $0x80, v3, vm0, $0xb8;
	[tilespmem:$0x10100] =	vst v63  }
0x276: {  	_ =	swait.ge [sflag:s21], $0x8000  }
0x277: {  	[sflag:s21] =	ssyncset.done $0x0  }
0x278: {  	s7 =	rddreg [dreg:$0x17];
	[sflag:s21] =	ssyncadd.s32 $0xFFFF8000  }
0x279: {  	[hbm4b:s7+s2] =	stream.linear.scatter [tilespmem:s26], [sflag:$0x4], $0x8000, $0x38;
	[tilespmem:$0x10100] =	vst v63  }
0x27a: {  	_ =	swait.ge [sflag:s22], $0x8000  }
0x27b: {  	[sflag:s22] =	ssyncset.done $0x0  }
0x27c: {  	s0 =	simm.s32 $0x80;
	s16 =	rddreg [dreg:$0x18];
	[sflag:s22] =	ssyncadd.s32 $0xFFFF8000  }
0x27d: {  	[tilespmem:s0], [sflag:$0x5] =	stream.linear.gather [hbm4b:s16+s2], $0x20, $0x38;
	[tilespmem:$0x10100] =	vst v63  }
0x27e: {  	_ =	swait.ge [sflag:s8], $0x20  }
0x27f: {  	[sflag:s8] =	ssyncset.done $0x0  }
0x280: {  	[sflag:s8] =	ssyncadd.s32 $0xFFFFFFE0  }
0x281: {  	v3 =	vld [tilespmem:$0x80];
	_ =	sdelay $0x4  }
0x282: {  	v54 =	vshll.u32 v3, $0x3  }
0x283: {  	v3 =	vand.u32 $0x7, v3;
	v4 =	vand.u32 $0xFFFFFFC0, v54  }
0x284: {  	v3 =	vor.u32 v3, v4  }
0x285: {  	v4 =	vperm.xlane v3, v0;
	_ =	sdelay $0x1  }
0x286: {  	v4 =	vadd.s32 v1, v4;
	_ =	sdelay $0x4  }
0x287: {  	[tilespmem:s26], [sflag:$0x2] =	stream.indirect_vreg.gather [hbm4b:s3+s2], $0x80, v4, vm0, $0xb8;
	[tilespmem:$0x10100] =	vst v63  }
0x288: {  	s23 =	simm.s32 $0x8900;
	v3 =	vperm.xlane v3, v2  }
0x289: {  	[tilespmem:s23], [sflag:$0x2] =	stream.indirect_vreg.gather [hbm4b:s4+s2], $0x80, v4, vm0, $0xb8;
	[tilespmem:$0x10100] =	vst v63  }
0x28a: {  	s1 =	simm.s32 $0x9100;
	v3 =	vadd.s32 v1, v3  }
0x28b: {  	[tilespmem:s1], [sflag:$0x2] =	stream.indirect_vreg.gather [hbm4b:s5+s2], $0x80, v4, vm0, $0xb8;
	[tilespmem:$0x10100] =	vst v63  }
0x28c: {  	s13 =	simm.s32 $0x9900  }
0x28d: {  	[tilespmem:s13], [sflag:$0x2] =	stream.indirect_vreg.gather [hbm4b:s6+s2], $0x80, v4, vm0, $0xb8;
	[tilespmem:$0x10100] =	vst v63  }
0x28e: {  	s15 =	simm.s32 $0xA100  }
0x28f: {  	[tilespmem:s15], [sflag:$0x2] =	stream.indirect_vreg.gather [hbm4b:s3+s2], $0x80, v3, vm0, $0xb8;
	[tilespmem:$0x10100] =	vst v63  }
0x290: {  	s31 =	simm.s32 $0xA900  }
0x291: {  	[tilespmem:s31], [sflag:$0x2] =	stream.indirect_vreg.gather [hbm4b:s4+s2], $0x80, v3, vm0, $0xb8;
	[tilespmem:$0x10100] =	vst v63  }
0x292: {  	s7 =	simm.s32 $0xB100  }
0x293: {  	[tilespmem:s7], [sflag:$0x2] =	stream.indirect_vreg.gather [hbm4b:s5+s2], $0x80, v3, vm0, $0xb8;
	[tilespmem:$0x10100] =	vst v63  }
0x294: {  	s23 =	simm.s32 $0xB900  }
0x295: {  	[tilespmem:s23], [sflag:$0x2] =	stream.indirect_vreg.gather [hbm4b:s6+s2], $0x80, v3, vm0, $0xb8;
	[tilespmem:$0x10100] =	vst v63  }
0x296: {  	v3 =	vld [tilespmem:$0x90];
	_ =	sdelay $0x4  }
0x297: {  	v55 =	vshll.u32 v3, $0x3  }
0x298: {  	v3 =	vand.u32 $0x7, v3;
	v4 =	vand.u32 $0xFFFFFFC0, v55  }
0x299: {  	v3 =	vor.u32 v3, v4  }
0x29a: {  	v4 =	vperm.xlane v3, v0;
	_ =	sdelay $0x1  }
0x29b: {  	v4 =	vadd.s32 v1, v4;
	_ =	sdelay $0x3  }
0x29c: {  	s7 =	simm.s32 $0xC100  }
0x29d: {  	[tilespmem:s7], [sflag:$0x2] =	stream.indirect_vreg.gather [hbm4b:s3+s2], $0x80, v4, vm0, $0xb8;
	[tilespmem:$0x10100] =	vst v63  }
0x29e: {  	s23 =	simm.s32 $0xC900;
	v3 =	vperm.xlane v3, v2  }
0x29f: {  	[tilespmem:s23], [sflag:$0x2] =	stream.indirect_vreg.gather [hbm4b:s4+s2], $0x80, v4, vm0, $0xb8;
	[tilespmem:$0x10100] =	vst v63  }
0x2a0: {  	v3 =	vadd.s32 v1, v3;
	s7 =	simm.s32 $0xD100  }
0x2a1: {  	[tilespmem:s7], [sflag:$0x2] =	stream.indirect_vreg.gather [hbm4b:s5+s2], $0x80, v4, vm0, $0xb8;
	[tilespmem:$0x10100] =	vst v63  }
0x2a2: {  	s14 =	simm.s32 $0xD900  }
0x2a3: {  	[tilespmem:s14], [sflag:$0x2] =	stream.indirect_vreg.gather [hbm4b:s6+s2], $0x80, v4, vm0, $0xb8;
	[tilespmem:$0x10100] =	vst v63  }
0x2a4: {  	s10 =	simm.s32 $0xE100  }
0x2a5: {  	[tilespmem:s10], [sflag:$0x2] =	stream.indirect_vreg.gather [hbm4b:s3+s2], $0x80, v3, vm0, $0xb8;
	[tilespmem:$0x10100] =	vst v63  }
0x2a6: {  	s12 =	simm.s32 $0xE900  }
0x2a7: {  	[tilespmem:s12], [sflag:$0x2] =	stream.indirect_vreg.gather [hbm4b:s4+s2], $0x80, v3, vm0, $0xb8;
	[tilespmem:$0x10100] =	vst v63  }
0x2a8: {  	s10 =	simm.s32 $0xF100  }
0x2a9: {  	[tilespmem:s10], [sflag:$0x2] =	stream.indirect_vreg.gather [hbm4b:s5+s2], $0x80, v3, vm0, $0xb8;
	[tilespmem:$0x10100] =	vst v63  }
0x2aa: {  	s11 =	simm.s32 $0xF900  }
0x2ab: {  	[tilespmem:s11], [sflag:$0x2] =	stream.indirect_vreg.gather [hbm4b:s6+s2], $0x80, v3, vm0, $0xb8;
	[tilespmem:$0x10100] =	vst v63  }
0x2ac: {  	_ =	swait.ge [sflag:s19], $0x8000  }
0x2ad: {  	[sflag:s19] =	ssyncset.done $0x0  }
0x2ae: {  	s12 =	rddreg [dreg:$0x19];
	[sflag:s19] =	ssyncadd.s32 $0xFFFF8000  }
0x2af: {  	[hbm4b:s12+s2] =	stream.linear.scatter [tilespmem:s9], [sflag:$0x3], $0x8000, $0x38;
	[tilespmem:$0x10100] =	vst v63  }
0x2b0: {  	_ =	swait.ge [sflag:s20], $0x8000  }
0x2b1: {  	[sflag:s20] =	ssyncset.done $0x0  }
0x2b2: {  	s14 =	rddreg [dreg:$0x1a];
	[sflag:s20] =	ssyncadd.s32 $0xFFFF8000  }
0x2b3: {  	[tilespmem:s2], [sflag:$0x5] =	stream.linear.gather [hbm4b:s14+s2], $0x20, $0x38;
	[tilespmem:$0x10100] =	vst v63  }
0x2b4: {  	_ =	swait.ge [sflag:s8], $0x20  }
0x2b5: {  	[sflag:s8] =	ssyncset.done $0x0  }
0x2b6: {  	[sflag:s8] =	ssyncadd.s32 $0xFFFFFFE0  }
0x2b7: {  	v3 =	vld [tilespmem:$0x0];
	_ =	sdelay $0x4  }
0x2b8: {  	v56 =	vshll.u32 v3, $0x3  }
0x2b9: {  	v3 =	vand.u32 $0x7, v3;
	v4 =	vand.u32 $0xFFFFFFC0, v56  }
0x2ba: {  	v3 =	vor.u32 v3, v4  }
0x2bb: {  	v4 =	vperm.xlane v3, v0;
	_ =	sdelay $0x1  }
0x2bc: {  	v4 =	vadd.s32 v1, v4;
	_ =	sdelay $0x4  }
0x2bd: {  	[tilespmem:s9], [sflag:$0x1] =	stream.indirect_vreg.gather [hbm4b:s3+s2], $0x80, v4, vm0, $0xb8;
	[tilespmem:$0x10100] =	vst v63  }
0x2be: {  	s23 =	simm.s32 $0x900;
	v3 =	vperm.xlane v3, v2  }
0x2bf: {  	[tilespmem:s23], [sflag:$0x1] =	stream.indirect_vreg.gather [hbm4b:s4+s2], $0x80, v4, vm0, $0xb8;
	[tilespmem:$0x10100] =	vst v63  }
0x2c0: {  	s7 =	simm.s32 $0x1100;
	v3 =	vadd.s32 v1, v3  }
0x2c1: {  	[tilespmem:s7], [sflag:$0x1] =	stream.indirect_vreg.gather [hbm4b:s5+s2], $0x80, v4, vm0, $0xb8;
	[tilespmem:$0x10100] =	vst v63  }
0x2c2: {  	s10 =	simm.s32 $0x1900  }
0x2c3: {  	[tilespmem:s10], [sflag:$0x1] =	stream.indirect_vreg.gather [hbm4b:s6+s2], $0x80, v4, vm0, $0xb8;
	[tilespmem:$0x10100] =	vst v63  }
0x2c4: {  	s11 =	simm.s32 $0x2100  }
0x2c5: {  	[tilespmem:s11], [sflag:$0x1] =	stream.indirect_vreg.gather [hbm4b:s3+s2], $0x80, v3, vm0, $0xb8;
	[tilespmem:$0x10100] =	vst v63  }
0x2c6: {  	s12 =	simm.s32 $0x2900  }
0x2c7: {  	[tilespmem:s12], [sflag:$0x1] =	stream.indirect_vreg.gather [hbm4b:s4+s2], $0x80, v3, vm0, $0xb8;
	[tilespmem:$0x10100] =	vst v63  }
0x2c8: {  	s14 =	simm.s32 $0x3100  }
0x2c9: {  	[tilespmem:s14], [sflag:$0x1] =	stream.indirect_vreg.gather [hbm4b:s5+s2], $0x80, v3, vm0, $0xb8;
	[tilespmem:$0x10100] =	vst v63  }
0x2ca: {  	s23 =	simm.s32 $0x3900  }
0x2cb: {  	[tilespmem:s23], [sflag:$0x1] =	stream.indirect_vreg.gather [hbm4b:s6+s2], $0x80, v3, vm0, $0xb8;
	[tilespmem:$0x10100] =	vst v63  }
0x2cc: {  	v3 =	vld [tilespmem:$0x10];
	_ =	sdelay $0x4  }
0x2cd: {  	v57 =	vshll.u32 v3, $0x3  }
0x2ce: {  	v3 =	vand.u32 $0x7, v3;
	v4 =	vand.u32 $0xFFFFFFC0, v57  }
0x2cf: {  	v3 =	vor.u32 v3, v4  }
0x2d0: {  	v4 =	vperm.xlane v3, v0;
	_ =	sdelay $0x1  }
0x2d1: {  	v4 =	vadd.s32 v1, v4;
	_ =	sdelay $0x3  }
0x2d2: {  	s14 =	simm.s32 $0x4100  }
0x2d3: {  	[tilespmem:s14], [sflag:$0x1] =	stream.indirect_vreg.gather [hbm4b:s3+s2], $0x80, v4, vm0, $0xb8;
	[tilespmem:$0x10100] =	vst v63  }
0x2d4: {  	s23 =	simm.s32 $0x4900;
	v3 =	vperm.xlane v3, v2  }
0x2d5: {  	[tilespmem:s23], [sflag:$0x1] =	stream.indirect_vreg.gather [hbm4b:s4+s2], $0x80, v4, vm0, $0xb8;
	[tilespmem:$0x10100] =	vst v63  }
0x2d6: {  	s17 =	simm.s32 $0x5100;
	v3 =	vadd.s32 v1, v3  }
0x2d7: {  	[tilespmem:s17], [sflag:$0x1] =	stream.indirect_vreg.gather [hbm4b:s5+s2], $0x80, v4, vm0, $0xb8;
	[tilespmem:$0x10100] =	vst v63  }
0x2d8: {  	s18 =	simm.s32 $0x5900  }
0x2d9: {  	[tilespmem:s18], [sflag:$0x1] =	stream.indirect_vreg.gather [hbm4b:s6+s2], $0x80, v4, vm0, $0xb8;
	[tilespmem:$0x10100] =	vst v63  }
0x2da: {  	s24 =	simm.s32 $0x6100  }
0x2db: {  	[tilespmem:s24], [sflag:$0x1] =	stream.indirect_vreg.gather [hbm4b:s3+s2], $0x80, v3, vm0, $0xb8;
	[tilespmem:$0x10100] =	vst v63  }
0x2dc: {  	s25 =	simm.s32 $0x6900  }
0x2dd: {  	[tilespmem:s25], [sflag:$0x1] =	stream.indirect_vreg.gather [hbm4b:s4+s2], $0x80, v3, vm0, $0xb8;
	[tilespmem:$0x10100] =	vst v63  }
0x2de: {  	s28 =	simm.s32 $0x7100  }
0x2df: {  	[tilespmem:s28], [sflag:$0x1] =	stream.indirect_vreg.gather [hbm4b:s5+s2], $0x80, v3, vm0, $0xb8;
	[tilespmem:$0x10100] =	vst v63  }
0x2e0: {  	s29 =	simm.s32 $0x7900  }
0x2e1: {  	[tilespmem:s29], [sflag:$0x1] =	stream.indirect_vreg.gather [hbm4b:s6+s2], $0x80, v3, vm0, $0xb8;
	[tilespmem:$0x10100] =	vst v63  }
0x2e2: {  	_ =	swait.ge [sflag:s21], $0x8000  }
0x2e3: {  	[sflag:s21] =	ssyncset.done $0x0  }
0x2e4: {  	s29 =	rddreg [dreg:$0x1b];
	[sflag:s21] =	ssyncadd.s32 $0xFFFF8000  }
0x2e5: {  	[hbm4b:s29+s2] =	stream.linear.scatter [tilespmem:s26], [sflag:$0x4], $0x8000, $0x38;
	[tilespmem:$0x10100] =	vst v63  }
0x2e6: {  	_ =	swait.ge [sflag:s22], $0x8000  }
0x2e7: {  	[sflag:s22] =	ssyncset.done $0x0  }
0x2e8: {  	s0 =	simm.s32 $0x80;
	s11 =	rddreg [dreg:$0x1c];
	[sflag:s22] =	ssyncadd.s32 $0xFFFF8000  }
0x2e9: {  	[tilespmem:s0], [sflag:$0x5] =	stream.linear.gather [hbm4b:s11+s2], $0x20, $0x38;
	[tilespmem:$0x10100] =	vst v63  }
0x2ea: {  	_ =	swait.ge [sflag:s8], $0x20  }
0x2eb: {  	[sflag:s8] =	ssyncset.done $0x0  }
0x2ec: {  	[sflag:s8] =	ssyncadd.s32 $0xFFFFFFE0  }
0x2ed: {  	v3 =	vld [tilespmem:$0x80];
	_ =	sdelay $0x4  }
0x2ee: {  	v58 =	vshll.u32 v3, $0x3  }
0x2ef: {  	v3 =	vand.u32 $0x7, v3;
	v4 =	vand.u32 $0xFFFFFFC0, v58  }
0x2f0: {  	v3 =	vor.u32 v3, v4  }
0x2f1: {  	v4 =	vperm.xlane v3, v0;
	_ =	sdelay $0x1  }
0x2f2: {  	v4 =	vadd.s32 v1, v4;
	_ =	sdelay $0x4  }
0x2f3: {  	[tilespmem:s26], [sflag:$0x2] =	stream.indirect_vreg.gather [hbm4b:s3+s2], $0x80, v4, vm0, $0xb8;
	[tilespmem:$0x10100] =	vst v63  }
0x2f4: {  	s23 =	simm.s32 $0x8900;
	v3 =	vperm.xlane v3, v2  }
0x2f5: {  	[tilespmem:s23], [sflag:$0x2] =	stream.indirect_vreg.gather [hbm4b:s4+s2], $0x80, v4, vm0, $0xb8;
	[tilespmem:$0x10100] =	vst v63  }
0x2f6: {  	s16 =	simm.s32 $0x9100;
	v3 =	vadd.s32 v1, v3  }
0x2f7: {  	[tilespmem:s16], [sflag:$0x2] =	stream.indirect_vreg.gather [hbm4b:s5+s2], $0x80, v4, vm0, $0xb8;
	[tilespmem:$0x10100] =	vst v63  }
0x2f8: {  	s13 =	simm.s32 $0x9900  }
0x2f9: {  	[tilespmem:s13], [sflag:$0x2] =	stream.indirect_vreg.gather [hbm4b:s6+s2], $0x80, v4, vm0, $0xb8;
	[tilespmem:$0x10100] =	vst v63  }
0x2fa: {  	s15 =	simm.s32 $0xA100  }
0x2fb: {  	[tilespmem:s15], [sflag:$0x2] =	stream.indirect_vreg.gather [hbm4b:s3+s2], $0x80, v3, vm0, $0xb8;
	[tilespmem:$0x10100] =	vst v63  }
0x2fc: {  	s31 =	simm.s32 $0xA900  }
0x2fd: {  	[tilespmem:s31], [sflag:$0x2] =	stream.indirect_vreg.gather [hbm4b:s4+s2], $0x80, v3, vm0, $0xb8;
	[tilespmem:$0x10100] =	vst v63  }
0x2fe: {  	s29 =	simm.s32 $0xB100  }
0x2ff: {  	[tilespmem:s29], [sflag:$0x2] =	stream.indirect_vreg.gather [hbm4b:s5+s2], $0x80, v3, vm0, $0xb8;
	[tilespmem:$0x10100] =	vst v63  }
0x300: {  	s31 =	simm.s32 $0xB900  }
0x301: {  	[tilespmem:s31], [sflag:$0x2] =	stream.indirect_vreg.gather [hbm4b:s6+s2], $0x80, v3, vm0, $0xb8;
	[tilespmem:$0x10100] =	vst v63  }
0x302: {  	v3 =	vld [tilespmem:$0x90];
	_ =	sdelay $0x4  }
0x303: {  	v59 =	vshll.u32 v3, $0x3  }
0x304: {  	v3 =	vand.u32 $0x7, v3;
	v4 =	vand.u32 $0xFFFFFFC0, v59  }
0x305: {  	v3 =	vor.u32 v3, v4  }
0x306: {  	v4 =	vperm.xlane v3, v0;
	_ =	sdelay $0x1  }
0x307: {  	v4 =	vadd.s32 v1, v4;
	_ =	sdelay $0x3  }
0x308: {  	s31 =	simm.s32 $0xC100  }
0x309: {  	[tilespmem:s31], [sflag:$0x2] =	stream.indirect_vreg.gather [hbm4b:s3+s2], $0x80, v4, vm0, $0xb8;
	[tilespmem:$0x10100] =	vst v63  }
0x30a: {  	v3 =	vperm.xlane v3, v2;
	s31 =	simm.s32 $0xC900  }
0x30b: {  	[tilespmem:s31], [sflag:$0x2] =	stream.indirect_vreg.gather [hbm4b:s4+s2], $0x80, v4, vm0, $0xb8;
	[tilespmem:$0x10100] =	vst v63  }
0x30c: {  	v3 =	vadd.s32 v1, v3;
	s31 =	simm.s32 $0xD100  }
0x30d: {  	[tilespmem:s31], [sflag:$0x2] =	stream.indirect_vreg.gather [hbm4b:s5+s2], $0x80, v4, vm0, $0xb8;
	[tilespmem:$0x10100] =	vst v63  }
0x30e: {  	s31 =	simm.s32 $0xD900  }
0x30f: {  	[tilespmem:s31], [sflag:$0x2] =	stream.indirect_vreg.gather [hbm4b:s6+s2], $0x80, v4, vm0, $0xb8;
	[tilespmem:$0x10100] =	vst v63  }
0x310: {  	s23 =	simm.s32 $0xE100  }
0x311: {  	[tilespmem:s23], [sflag:$0x2] =	stream.indirect_vreg.gather [hbm4b:s3+s2], $0x80, v3, vm0, $0xb8;
	[tilespmem:$0x10100] =	vst v63  }
0x312: {  	s23 =	simm.s32 $0xE900  }
0x313: {  	[tilespmem:s23], [sflag:$0x2] =	stream.indirect_vreg.gather [hbm4b:s4+s2], $0x80, v3, vm0, $0xb8;
	[tilespmem:$0x10100] =	vst v63  }
0x314: {  	s23 =	simm.s32 $0xF100  }
0x315: {  	[tilespmem:s23], [sflag:$0x2] =	stream.indirect_vreg.gather [hbm4b:s5+s2], $0x80, v3, vm0, $0xb8;
	[tilespmem:$0x10100] =	vst v63  }
0x316: {  	s23 =	simm.s32 $0xF900  }
0x317: {  	[tilespmem:s23], [sflag:$0x2] =	stream.indirect_vreg.gather [hbm4b:s6+s2], $0x80, v3, vm0, $0xb8;
	[tilespmem:$0x10100] =	vst v63  }
0x318: {  	_ =	swait.ge [sflag:s19], $0x8000  }
0x319: {  	[sflag:s19] =	ssyncset.done $0x0  }
0x31a: {  	s23 =	rddreg [dreg:$0x1d];
	[sflag:s19] =	ssyncadd.s32 $0xFFFF8000  }
0x31b: {  	[hbm4b:s23+s2] =	stream.linear.scatter [tilespmem:s9], [sflag:$0x3], $0x8000, $0x38;
	[tilespmem:$0x10100] =	vst v63  }
0x31c: {  	_ =	swait.ge [sflag:s20], $0x8000  }
0x31d: {  	[sflag:s20] =	ssyncset.done $0x0  }
0x31e: {  	s23 =	rddreg [dreg:$0x1e];
	[sflag:s20] =	ssyncadd.s32 $0xFFFF8000  }
0x31f: {  	[tilespmem:s2], [sflag:$0x5] =	stream.linear.gather [hbm4b:s23+s2], $0x20, $0x38;
	[tilespmem:$0x10100] =	vst v63  }
0x320: {  	_ =	swait.ge [sflag:s8], $0x20  }
0x321: {  	[sflag:s8] =	ssyncset.done $0x0  }
0x322: {  	[sflag:s8] =	ssyncadd.s32 $0xFFFFFFE0  }
0x323: {  	v3 =	vld [tilespmem:$0x0];
	_ =	sdelay $0x4  }
0x324: {  	v60 =	vshll.u32 v3, $0x3  }
0x325: {  	v3 =	vand.u32 $0x7, v3;
	v4 =	vand.u32 $0xFFFFFFC0, v60  }
0x326: {  	v3 =	vor.u32 v3, v4  }
0x327: {  	v4 =	vperm.xlane v3, v0;
	_ =	sdelay $0x1  }
0x328: {  	v4 =	vadd.s32 v1, v4;
	_ =	sdelay $0x4  }
0x329: {  	[tilespmem:s9], [sflag:$0x1] =	stream.indirect_vreg.gather [hbm4b:s3+s2], $0x80, v4, vm0, $0xb8;
	[tilespmem:$0x10100] =	vst v63  }
0x32a: {  	s23 =	simm.s32 $0x900;
	v3 =	vperm.xlane v3, v2  }
0x32b: {  	[tilespmem:s23], [sflag:$0x1] =	stream.indirect_vreg.gather [hbm4b:s4+s2], $0x80, v4, vm0, $0xb8;
	[tilespmem:$0x10100] =	vst v63  }
0x32c: {  	v3 =	vadd.s32 v1, v3;
	s23 =	simm.s32 $0x1100  }
0x32d: {  	[tilespmem:s23], [sflag:$0x1] =	stream.indirect_vreg.gather [hbm4b:s5+s2], $0x80, v4, vm0, $0xb8;
	[tilespmem:$0x10100] =	vst v63  }
0x32e: {  	s1 =	simm.s32 $0x1900  }
0x32f: {  	[tilespmem:s1], [sflag:$0x1] =	stream.indirect_vreg.gather [hbm4b:s6+s2], $0x80, v4, vm0, $0xb8;
	[tilespmem:$0x10100] =	vst v63  }
0x330: {  	s7 =	simm.s32 $0x2100  }
0x331: {  	[tilespmem:s7], [sflag:$0x1] =	stream.indirect_vreg.gather [hbm4b:s3+s2], $0x80, v3, vm0, $0xb8;
	[tilespmem:$0x10100] =	vst v63  }
0x332: {  	s10 =	simm.s32 $0x2900  }
0x333: {  	[tilespmem:s10], [sflag:$0x1] =	stream.indirect_vreg.gather [hbm4b:s4+s2], $0x80, v3, vm0, $0xb8;
	[tilespmem:$0x10100] =	vst v63  }
0x334: {  	s12 =	simm.s32 $0x3100  }
0x335: {  	[tilespmem:s12], [sflag:$0x1] =	stream.indirect_vreg.gather [hbm4b:s5+s2], $0x80, v3, vm0, $0xb8;
	[tilespmem:$0x10100] =	vst v63  }
0x336: {  	s12 =	simm.s32 $0x3900  }
0x337: {  	[tilespmem:s12], [sflag:$0x1] =	stream.indirect_vreg.gather [hbm4b:s6+s2], $0x80, v3, vm0, $0xb8;
	[tilespmem:$0x10100] =	vst v63  }
0x338: {  	v3 =	vld [tilespmem:$0x10];
	_ =	sdelay $0x4  }
0x339: {  	v61 =	vshll.u32 v3, $0x3  }
0x33a: {  	v3 =	vand.u32 $0x7, v3;
	v4 =	vand.u32 $0xFFFFFFC0, v61  }
0x33b: {  	v3 =	vor.u32 v3, v4  }
0x33c: {  	v4 =	vperm.xlane v3, v0;
	_ =	sdelay $0x1  }
0x33d: {  	v4 =	vadd.s32 v1, v4;
	_ =	sdelay $0x3  }
0x33e: {  	s23 =	simm.s32 $0x4100  }
0x33f: {  	[tilespmem:s23], [sflag:$0x1] =	stream.indirect_vreg.gather [hbm4b:s3+s2], $0x80, v4, vm0, $0xb8;
	[tilespmem:$0x10100] =	vst v63  }
0x340: {  	s7 =	simm.s32 $0x4900;
	v3 =	vperm.xlane v3, v2  }
0x341: {  	[tilespmem:s7], [sflag:$0x1] =	stream.indirect_vreg.gather [hbm4b:s4+s2], $0x80, v4, vm0, $0xb8;
	[tilespmem:$0x10100] =	vst v63  }
0x342: {  	s14 =	simm.s32 $0x5100;
	v3 =	vadd.s32 v1, v3  }
0x343: {  	[tilespmem:s14], [sflag:$0x1] =	stream.indirect_vreg.gather [hbm4b:s5+s2], $0x80, v4, vm0, $0xb8;
	[tilespmem:$0x10100] =	vst v63  }
0x344: {  	s17 =	simm.s32 $0x5900  }
0x345: {  	[tilespmem:s17], [sflag:$0x1] =	stream.indirect_vreg.gather [hbm4b:s6+s2], $0x80, v4, vm0, $0xb8;
	[tilespmem:$0x10100] =	vst v63  }
0x346: {  	s18 =	simm.s32 $0x6100  }
0x347: {  	[tilespmem:s18], [sflag:$0x1] =	stream.indirect_vreg.gather [hbm4b:s3+s2], $0x80, v3, vm0, $0xb8;
	[tilespmem:$0x10100] =	vst v63  }
0x348: {  	s24 =	simm.s32 $0x6900  }
0x349: {  	[tilespmem:s24], [sflag:$0x1] =	stream.indirect_vreg.gather [hbm4b:s4+s2], $0x80, v3, vm0, $0xb8;
	[tilespmem:$0x10100] =	vst v63  }
0x34a: {  	s25 =	simm.s32 $0x7100  }
0x34b: {  	[tilespmem:s25], [sflag:$0x1] =	stream.indirect_vreg.gather [hbm4b:s5+s2], $0x80, v3, vm0, $0xb8;
	[tilespmem:$0x10100] =	vst v63  }
0x34c: {  	s28 =	simm.s32 $0x7900  }
0x34d: {  	[tilespmem:s28], [sflag:$0x1] =	stream.indirect_vreg.gather [hbm4b:s6+s2], $0x80, v3, vm0, $0xb8;
	[tilespmem:$0x10100] =	vst v63  }
0x34e: {  	_ =	swait.ge [sflag:s21], $0x8000  }
0x34f: {  	[sflag:s21] =	ssyncset.done $0x0  }
0x350: {  	s10 =	rddreg [dreg:$0x1f];
	[sflag:s21] =	ssyncadd.s32 $0xFFFF8000  }
0x351: {  	[hbm4b:s10+s2] =	stream.linear.scatter [tilespmem:s26], [sflag:$0x4], $0x8000, $0x38;
	[tilespmem:$0x10100] =	vst v63  }
0x352: {  	_ =	swait.ge [sflag:s22], $0x8000  }
0x353: {  	s12 =	sld [smem:$0x7FB]  }
0x354: {  	[sflag:s22] =	ssyncset.done $0x0  }
0x355: {  	s11 =	simm.s32 $0x80;
	[sflag:s22] =	ssyncadd.s32 $0xFFFF8000  }
0x356: {  	[tilespmem:s11], [sflag:$0x5] =	stream.linear.gather [hbm4b:s12+s2], $0x20, $0x38;
	[tilespmem:$0x10100] =	vst v63  }
0x357: {  	_ =	swait.ge [sflag:s8], $0x20  }
0x358: {  	[sflag:s8] =	ssyncset.done $0x0  }
0x359: {  	[sflag:s8] =	ssyncadd.s32 $0xFFFFFFE0  }
0x35a: {  	v3 =	vld [tilespmem:$0x80];
	_ =	sdelay $0x4  }
0x35b: {  	v62 =	vshll.u32 v3, $0x3  }
0x35c: {  	v3 =	vand.u32 $0x7, v3;
	v4 =	vand.u32 $0xFFFFFFC0, v62  }
0x35d: {  	v3 =	vor.u32 v3, v4  }
0x35e: {  	v4 =	vperm.xlane v3, v0;
	_ =	sdelay $0x1  }
0x35f: {  	v4 =	vadd.s32 v1, v4;
	_ =	sdelay $0x4  }
0x360: {  	[tilespmem:s26], [sflag:$0x2] =	stream.indirect_vreg.gather [hbm4b:s3+s2], $0x80, v4, vm0, $0xb8;
	[tilespmem:$0x10100] =	vst v63  }
0x361: {  	s14 =	simm.s32 $0x8900;
	v3 =	vperm.xlane v3, v2  }
0x362: {  	[tilespmem:s14], [sflag:$0x2] =	stream.indirect_vreg.gather [hbm4b:s4+s2], $0x80, v4, vm0, $0xb8;
	[tilespmem:$0x10100] =	vst v63  }
0x363: {  	s0 =	simm.s32 $0x9100;
	v3 =	vadd.s32 v1, v3  }
0x364: {  	[tilespmem:s0], [sflag:$0x2] =	stream.indirect_vreg.gather [hbm4b:s5+s2], $0x80, v4, vm0, $0xb8;
	[tilespmem:$0x10100] =	vst v63  }
0x365: {  	s16 =	simm.s32 $0x9900  }
0x366: {  	[tilespmem:s16], [sflag:$0x2] =	stream.indirect_vreg.gather [hbm4b:s6+s2], $0x80, v4, vm0, $0xb8;
	[tilespmem:$0x10100] =	vst v63  }
0x367: {  	s13 =	simm.s32 $0xA100  }
0x368: {  	[tilespmem:s13], [sflag:$0x2] =	stream.indirect_vreg.gather [hbm4b:s3+s2], $0x80, v3, vm0, $0xb8;
	[tilespmem:$0x10100] =	vst v63  }
0x369: {  	s15 =	simm.s32 $0xA900  }
0x36a: {  	[tilespmem:s15], [sflag:$0x2] =	stream.indirect_vreg.gather [hbm4b:s4+s2], $0x80, v3, vm0, $0xb8;
	[tilespmem:$0x10100] =	vst v63  }
0x36b: {  	s29 =	simm.s32 $0xB100  }
0x36c: {  	[tilespmem:s29], [sflag:$0x2] =	stream.indirect_vreg.gather [hbm4b:s5+s2], $0x80, v3, vm0, $0xb8;
	[tilespmem:$0x10100] =	vst v63  }
0x36d: {  	s15 =	simm.s32 $0xB900  }
0x36e: {  	[tilespmem:s15], [sflag:$0x2] =	stream.indirect_vreg.gather [hbm4b:s6+s2], $0x80, v3, vm0, $0xb8;
	[tilespmem:$0x10100] =	vst v63  }
0x36f: {  	v3 =	vld [tilespmem:$0x90];
	_ =	sdelay $0x4  }
0x370: {  	v63 =	vshll.u32 v3, $0x3  }
0x371: {  	v3 =	vand.u32 $0x7, v3;
	v4 =	vand.u32 $0xFFFFFFC0, v63  }
0x372: {  	v3 =	vor.u32 v3, v4  }
0x373: {  	v4 =	vperm.xlane v3, v0;
	_ =	sdelay $0x1  }
0x374: {  	v4 =	vadd.s32 v1, v4;
	_ =	sdelay $0x3  }
0x375: {  	s16 =	simm.s32 $0xC100  }
0x376: {  	[tilespmem:s16], [sflag:$0x2] =	stream.indirect_vreg.gather [hbm4b:s3+s2], $0x80, v4, vm0, $0xb8;
	[tilespmem:$0x10100] =	vst v63  }
0x377: {  	s17 =	simm.s32 $0xC900;
	v3 =	vperm.xlane v3, v2  }
0x378: {  	[tilespmem:s17], [sflag:$0x2] =	stream.indirect_vreg.gather [hbm4b:s4+s2], $0x80, v4, vm0, $0xb8;
	[tilespmem:$0x10100] =	vst v63  }
0x379: {  	s18 =	simm.s32 $0xD100;
	v3 =	vadd.s32 v1, v3  }
0x37a: {  	[tilespmem:s18], [sflag:$0x2] =	stream.indirect_vreg.gather [hbm4b:s5+s2], $0x80, v4, vm0, $0xb8;
	[tilespmem:$0x10100] =	vst v63  }
0x37b: {  	s31 =	simm.s32 $0xD900  }
0x37c: {  	[tilespmem:s31], [sflag:$0x2] =	stream.indirect_vreg.gather [hbm4b:s6+s2], $0x80, v4, vm0, $0xb8;
	[tilespmem:$0x10100] =	vst v63  }
0x37d: {  	s23 =	simm.s32 $0xE100  }
0x37e: {  	[tilespmem:s23], [sflag:$0x2] =	stream.indirect_vreg.gather [hbm4b:s3+s2], $0x80, v3, vm0, $0xb8;
	[tilespmem:$0x10100] =	vst v63  }
0x37f: {  	s24 =	simm.s32 $0xE900  }
0x380: {  	[tilespmem:s24], [sflag:$0x2] =	stream.indirect_vreg.gather [hbm4b:s4+s2], $0x80, v3, vm0, $0xb8;
	[tilespmem:$0x10100] =	vst v63  }
0x381: {  	s25 =	simm.s32 $0xF100  }
0x382: {  	[tilespmem:s25], [sflag:$0x2] =	stream.indirect_vreg.gather [hbm4b:s5+s2], $0x80, v3, vm0, $0xb8;
	[tilespmem:$0x10100] =	vst v63  }
0x383: {  	s28 =	simm.s32 $0xF900  }
0x384: {  	[tilespmem:s28], [sflag:$0x2] =	stream.indirect_vreg.gather [hbm4b:s6+s2], $0x80, v3, vm0, $0xb8;
	[tilespmem:$0x10100] =	vst v63  }
0x385: {  	_ =	swait.ge [sflag:s19], $0x8000  }
0x386: {  	s29 =	sld [smem:$0x7FC]  }
0x387: {  	[sflag:s19] =	ssyncset.done $0x0  }
0x388: {  	[sflag:s19] =	ssyncadd.s32 $0xFFFF8000  }
0x389: {  	[hbm4b:s29+s2] =	stream.linear.scatter [tilespmem:s9], [sflag:$0x3], $0x8000, $0x38;
	[tilespmem:$0x10100] =	vst v63  }
0x38a: {  	_ =	swait.ge [sflag:s21], $0x8000  }
0x38b: {  	s31 =	sld [smem:$0x7FD]  }
0x38c: {  	[sflag:s21] =	ssyncset.done $0x0  }
0x38d: {  	[sflag:s21] =	ssyncadd.s32 $0xFFFF8000  }
0x38e: {  	[hbm4b:s31+s2] =	stream.linear.scatter [tilespmem:s26], [sflag:$0x4], $0x8000, $0x38;
	[tilespmem:$0x10100] =	vst v63  }
0x38f: {  	p0 =	sne.s32 s30, $0x1;
	_ =	swait.ge [sflag:s20], $0x8000  }
.Ltmp0:
0x390: {  	[sflag:s20] =	ssyncset.done $0x0;
	(pc) =	sbr.rel @p0 .LBB2_1-.Ltmp0, $4  }
0x391: {  	[sflag:s20] =	ssyncadd.s32 $0xFFFF8000  }
0x392: {  	_ =	swait.ge [sflag:s22], $0x8000  }
0x393: {  	[sflag:s22] =	ssyncset.done $0x0  }
0x394: {  	s30 =	sadd.s32 $0xFFFFFFFF, s30;
	[sflag:s22] =	ssyncadd.s32 $0xFFFF8000  }
0x395: {  	_ =	sfence.sel $0x180000  }
0x396: {  	[bflag:$0x0] =	sbarrier.arrive $0xFFFF  }
0x397: {  	_ =	strace $0x9000004A  }
0x398: {  	s0 =	stileid.u32;
	[bflag:$0x2] =	sbarrier.arrive $0xFFFF  }
0x399: {  	p0 =	sne.s32 s0, $0x0;
	s0 =	rddreg [dreg:$0x2]  }
0x39a: {  	s0 =	sadd.s32 @!p0 $0x100000, s0  }
0x39b: {  	[sflag:s0] =	ssyncadd.tile.s32 @!p0 $0x1;
	_ =	shalt  }
.Lfunc_end2:
_tile_overlayer_lowered:
.L_overlay_start_2:
0x39c: {  	(tag) =	ssettag $0x2  }
0x39d: {  	s0 =	rddreg [dreg:$0x0];
	s2 =	stileid.u32  }
0x39e: {  	s1 =	rddreg [dreg:$0x1];
	p0 =	sne.s32 s2, $0x0  }
0x39f: {  	s3 =	rddreg [dreg:$0x2];
	[bflag:$0x3] =	sbarrier.arrive $0xFFFF;
	s2 =	simm.s32 @!p0 $0x1C05  }
0x3a0: {  	[timem:s3], [sflag:s2] =	dma.local @!p0 [hbm:s0], s1  }
0x3a1: {  	s0 =	simm.s32 @!p0 $0x5  }
0x3a2: {  	_ =	swait.ge @!p0 [sflag:s0], s1  }
0x3a3: {  	s1 =	ssub.s32 @!p0 $0x0, s1;
	[sflag:s0] =	ssyncset.done @!p0 $0x0  }
0x3a4: {  	[sflag:s0] =	ssyncadd.s32 @!p0 s1  }
0x3a5: {  	[bflag:$0x3] =	sbarrier.arrive $0xFFFF  }
0x3a6: {  	_ =	shalt  }

// kernel: kernel.7.cloned.1.call-start
scs
__scs_entry_jumppad:
0x0: {  	(pc) =	sbr.rel $0x88, $3  }
0x1: {  	(tag) =	ssettag $0x0;
	lr =	simm.s32 $0x1  }
0x2: {  	[smem:$0x3F9A] =	sst lr;
	_ =	strace $0xD0000000  }
0x3: {  	_ = 	snop  }
0x4: {  	_ = 	snop  }
0x5: {  	_ = 	snop  }
0x6: {  	_ = 	snop  }
0x7: {  	_ = 	snop  }
__scs_overlays_trampoline_lowered:
0x8: {  	[smem:$0x3FA9] =	sst s0  }
0x9: {  	[smem:$0x3FAA] =	sst s1  }
0xa: {  	[smem:$0x3FAB] =	sst s2  }
0xb: {  	[smem:$0x3FAC] =	sst s3  }
0xc: {  	[smem:$0x3FAD] =	sst s4  }
0xd: {  	[smem:$0x3FAE] =	sst s5  }
0xe: {  	[smem:$0x3FAF] =	sst s6  }
0xf: {  	[smem:$0x3FB0] =	sst s7  }
0x10: {  	[smem:$0x3FB1] =	sst s8  }
0x11: {  	[smem:$0x3FB2] =	sst s9;
	s0 =	simm.s32 @!p0 $0x0  }
0x12: {  	s1 =	sld [smem:$0x3F98];
	s0 =	simm.s32 @p0 $0x1  }
0x13: {  	[smem:$0x3FB3] =	sst s0;
	s0 =	simm.s32 @!p1 $0x0  }
0x14: {  	s2 =	sld [smem:$0x3F97];
	s0 =	simm.s32 @p1 $0x1  }
0x15: {  	[smem:$0x3FB4] =	sst s0;
	s0 =	simm.s32 @!p2 $0x0  }
0x16: {  	s3 =	sld [smem:$0x3FDB];
	s0 =	simm.s32 @p2 $0x1  }
0x17: {  	s4 =	simm.s32 $0x1BF5;
	[smem:$0x3FB6] =	sst s0  }
0x18: {  	s0 =	sld [smem:$0x3F99];
	_ =	swait.ge [sflag:s4], $0x0  }
0x19: {  	s7 =	sld [smem:$0x3F9A]  }
0x1a: {  	s8 =	sadd.s32 $0xFFFFE003, lr  }
0x1b: {  	s9 =	sadd.s32 $0xFFFFFEF7, lr;
	s5 =	simm.s32 $0xFFFFFFFF;
	p2 =	slt.u32 s8, $0xFFFFF086  }
0x1c: {  	p1 =	slt.u32 s9, $0xF7A;
	s5 =	simm.s32 @!p2 $0x0  }
0x1d: {  	s5 =	simm.s32 @p1 $0x1;
	p0 =	seq.s32 s7, s2  }
0x1e: {  	s7 =	smul.u32 @!p0 $0xF7A, s2;
	p2 =	seq.s32 @!p0 s5, $0x0  }
0x1f: {  	s9 =	smul.u32 $0xF7A, s1;
	s8 =	simm.s32 @!p0 $0x1BF5;
	p2 =	por !p2, p0  }
0x20: {  	[sflag:s8] =	ssyncset.s32 @!p0 $0xFFFFF086;
	s6 =	sadd.s32 @!p0 s3, s7;
	s7 =	simm.s32 @!p0 $0x108  }
0x21: {  	s3 =	sadd.s32 s3, s9;
	s6 =	sadd.s32 @!p0 $0x88, s6;
	s7 =	simm.s32 @p2 $0x1082  }
0x22: {  	[simem:s7], [sflag:s8] =	dma.local @!p0 [hbm:s6], $0xF7A  }
0x23: {  	s9 =	sor.u32 $0xD0000000, s2;
	s6 =	simm.s32 $0x108;
	_ =	swait.ge @!p0 [sflag:s8], $0x0  }
0x24: {  	s3 =	sadd.s32 $0x88, s3;
	s6 =	simm.s32 @!p1 $0x1082;
	[sflag:s4] =	ssyncset.s32 $0xFFFFF086  }
0x25: {  	[simem:s6], [sflag:s4] =	dma.local [hbm:s3], $0xF7A  }
0x26: {  	[smem:$0x3F9A] =	sst s1;
	(tag) =	ssettag s2;
	_ =	strace s9  }
0x27: {  	s1 =	sld [smem:$0x3FAA]  }
0x28: {  	s2 =	sld [smem:$0x3FAB]  }
0x29: {  	s4 =	sld [smem:$0x3FAD]  }
0x2a: {  	p0 =	seq.s32 s5, $0x0;
	s5 =	sld [smem:$0x3FAE]  }
0x2b: {  	s6 =	sld [smem:$0x3FAF]  }
0x2c: {  	s7 =	sld [smem:$0x3FB0]  }
0x2d: {  	s3 =	simm.s32 $0x108;
	s8 =	sld [smem:$0x3FB1]  }
0x2e: {  	s3 =	simm.s32 @!p0 $0x1082;
	s9 =	sld [smem:$0x3FB2]  }
0x2f: {  	lr =	sadd.s32 s0, s3;
	s0 =	sld [smem:$0x3FA9]  }
0x30: {  	s3 =	sld [smem:$0x3FAC]  }
0x31: {  	[smem:$0x3FB5] =	sst s10  }
0x32: {  	s10 =	sld [smem:$0x3FB3];
	_ =	sdelay $0x3  }
0x33: {  	p0 =	seq.s32 s10, $0x1;
	s10 =	sld [smem:$0x3FB5];
	_ =	sdelay $0x3  }
0x34: {  	[smem:$0x3FB5] =	sst s10  }
0x35: {  	s10 =	sld [smem:$0x3FB4];
	_ =	sdelay $0x3  }
0x36: {  	p1 =	seq.s32 s10, $0x1;
	s10 =	sld [smem:$0x3FB5];
	_ =	sdelay $0x3  }
0x37: {  	[smem:$0x3FB5] =	sst s10  }
0x38: {  	s10 =	sld [smem:$0x3FB6]  }
0x39: {  	_ = 	snop;
	(pc) =	sbr.ind lr, $3  }
0x3a: {  	_ = 	snop  }
0x3b: {  	_ = 	snop  }
0x3c: {  	p2 =	seq.s32 s10, $0x1;
	s10 =	sld [smem:$0x3FB5]  }
0x3d: {  	_ =	shalt  }
0x3e: {  	_ =	shalt  }
0x3f: {  	_ =	shalt  }
0x40: {  	_ =	shalt  }
0x41: {  	_ =	shalt  }
0x42: {  	_ =	shalt  }
0x43: {  	_ =	shalt  }
0x44: {  	_ =	shalt  }
0x45: {  	_ =	shalt  }
0x46: {  	_ =	shalt  }
0x47: {  	_ =	shalt  }
0x48: {  	_ =	shalt  }
0x49: {  	_ =	shalt  }
0x4a: {  	_ =	shalt  }
0x4b: {  	_ =	shalt  }
0x4c: {  	_ =	shalt  }
0x4d: {  	_ =	shalt  }
0x4e: {  	_ =	shalt  }
0x4f: {  	_ =	shalt  }
0x50: {  	_ =	shalt  }
0x51: {  	_ =	shalt  }
0x52: {  	_ =	shalt  }
0x53: {  	_ =	shalt  }
0x54: {  	_ =	shalt  }
0x55: {  	_ =	shalt  }
0x56: {  	_ =	shalt  }
0x57: {  	_ =	shalt  }
0x58: {  	_ =	shalt  }
0x59: {  	_ =	shalt  }
0x5a: {  	_ =	shalt  }
0x5b: {  	_ =	shalt  }
0x5c: {  	_ =	shalt  }
0x5d: {  	_ =	shalt  }
0x5e: {  	_ =	shalt  }
0x5f: {  	_ =	shalt  }
0x60: {  	_ =	shalt  }
0x61: {  	_ =	shalt  }
0x62: {  	_ =	shalt  }
0x63: {  	_ =	shalt  }
0x64: {  	_ =	shalt  }
0x65: {  	_ =	shalt  }
0x66: {  	_ =	shalt  }
0x67: {  	_ =	shalt  }
0x68: {  	_ =	shalt  }
0x69: {  	_ =	shalt  }
0x6a: {  	_ =	shalt  }
0x6b: {  	_ =	shalt  }
0x6c: {  	_ =	shalt  }
0x6d: {  	_ =	shalt  }
0x6e: {  	_ =	shalt  }
0x6f: {  	_ =	shalt  }
0x70: {  	_ =	shalt  }
0x71: {  	_ =	shalt  }
0x72: {  	_ =	shalt  }
0x73: {  	_ =	shalt  }
0x74: {  	_ =	shalt  }
0x75: {  	_ =	shalt  }
0x76: {  	_ =	shalt  }
0x77: {  	_ =	shalt  }
0x78: {  	_ =	shalt  }
0x79: {  	_ =	shalt  }
0x7a: {  	_ =	shalt  }
0x7b: {  	_ =	shalt  }
0x7c: {  	_ =	shalt  }
0x7d: {  	_ =	shalt  }
0x7e: {  	_ =	shalt  }
0x7f: {  	_ =	shalt  }
0x80: {  	_ =	shalt  }
0x81: {  	_ =	shalt  }
0x82: {  	_ =	shalt  }
0x83: {  	_ =	shalt  }
0x84: {  	_ =	shalt  }
0x85: {  	_ =	shalt  }
0x86: {  	_ =	shalt  }
0x87: {  	_ =	shalt  }
.Lfunc_end0:
.L_simem_size_0:
called_computation_lowered:
.L_overlay_start_0:
0x88: {  	s2 =	sld [smem:$0x3FD9]  }
0x89: {  	s3 =	sld [smem:$0x3FFE];
	_ =	sdelay $0x1  }
0x8a: {  	s1 =	srdreg.scid  }
0x8b: {  	s0 =	sand.u32 $0x1, s1  }
0x8c: {  	s17 =	sshll.u32 s0, $0xA;
	s2 =	sadd.s32 s3, s2  }
0x8d: {  	s2 =	sadd.s32 s2, s17  }
0x8e: {  	[smem:$0x3FC1] =	sst s2  }
0x8f: {  	_ = 	snop  }
0x90: {  	s2 =	sld [smem:$0x3FC9]  }
0x91: {  	s18 =	sld [smem:$0x3FD0];
	(tm) =	ssettm $0x1  }
0x92: {  	s4 =	sld [smem:$0x3FFB];
	_ =	sdelay $0x3  }
0x93: {  	_ =	strace s4  }
0x94: {  	s4 =	sld [smem:$0x3FFC];
	_ =	sdelay $0x3  }
0x95: {  	_ =	strace s4  }
0x96: {  	s4 =	sld [smem:$0x3FFD];
	_ =	sdelay $0x3  }
0x97: {  	_ =	strace s4  }
0x98: {  	_ =	strace $0x8FFFFFFF  }
0x99: {  	s19 =	sld [smem:$0x3FDB];
	_ =	sdelay $0x1  }
0x9a: {  	s5 =	simm.s32 $_scs_section_size  }
0x9b: {  	s6 =	simm.s32 $_size__tile_overlayer_lowered;
	s7 =	simm.s32 $_tile_overlayer_lowered  }
0x9c: {  	s22 =	simm.s32 $0x1BFF;
	s21 =	sshll.u32 s7, $0x1;
	s4 =	sadd.s32 s5, s19  }
0x9d: {  	s8 =	simm.s32 $0x0;
	s20 =	sshll.u32 s6, $0x1;
	s6 =	sadd.s32 s21, s4  }
0x9e: {  	[timem:s8], [sflag:s22] =	dma.local [hbm:s6], s20  }
0x9f: {  	_ =	swait.ge [sflag:s22], s20  }
0xa0: {  	s5 =	ssub.s32 $0x0, s20;
	[sflag:s22] =	ssyncset.done $0x0  }
0xa1: {  	[sflag:s22] =	ssyncadd.s32 s5;
	_ =	sdelay $0x1  }
0xa2: {  	s23 =	simm.s32 $0x1B8B  }
0xa3: {  	_ =	swait.ge [sflag:s23], $0x1  }
0xa4: {  	[sflag:s23] =	ssyncset.done $0x0  }
0xa5: {  	s25 =	simm.s32 $0x1B8E;
	s24 =	sld [smem:$0x3FFE];
	[sflag:s23] =	ssyncadd.s32 $0xFFFFFFFF  }
0xa6: {  	s26 =	simm.s32 $execute0_lowered;
	[smem:$0x3FD2] =	sst s25  }
0xa7: {  	s6 =	sshll.u32 s26, $0x1;
	_ =	strace $0x80000046;
	[dreg:$0x1] =	wrdreg $0xFFFFFFFF  }
0xa8: {  	s28 =	simm.s32 $_size_execute0_lowered;
	s4 =	sadd.s32 s4, s6;
	[dreg:$0x0] =	wrdreg $0x0  }
0xa9: {  	s6 =	sshll.u32 s28, $0x1;
	[dreg:$0x2] =	wrdreg s4  }
0xaa: {  	[dreg:$0x3] =	wrdreg s6  }
0xab: {  	[dreg:$0x4] =	wrdreg $0xC0  }
0xac: {  	_ =	task [dreg:s8], $0x5FFFF  }
0xad: {  	[dreg:$0x1] =	wrdreg $0xFFFFFFFF  }
0xae: {  	[dreg:$0x0] =	wrdreg $0x60  }
0xaf: {  	[dreg:$0x2] =	wrdreg s2  }
0xb0: {  	[dreg:$0x3] =	wrdreg s24  }
0xb1: {  	[dreg:$0x4] =	wrdreg s18  }
0xb2: {  	[dreg:$0x5] =	wrdreg $0x9  }
0xb3: {  	_ =	task.clear_ibuf [dreg:s8], $0x6FFFF;
	_ =	strace $0x90000046  }
0xb4: {  	s29 =	simm.s32 $0x9;
	_ =	strace $0x80000048  }
0xb5: {  	_ =	swait.ge [sflag:s29], $0x1  }
0xb6: {  	[sflag:s29] =	ssyncadd.s32 $0xFFFFFFFF  }
0xb7: {  	_ =	strace $0x90000048  }
0xb8: {  	_ =	sfence  }
0xb9: {  	s30 =	sld [smem:$0x0];
	_ =	sdelay $0x2  }
0xba: {  	s31 =	sshll.u32 s1, $0xD;
	s1 =	sshrl.u32 s1, $0x2  }
0xbb: {  	s3 =	sand.u32 $0x4000, s31;
	s1 =	sadd.s32 s1, s30  }
0xbc: {  	s0 =	sor.u32 s3, s0;
	s1 =	sshll.u32 s1, $0x11  }
0xbd: {  	s0 =	sor.u32 s1, s0  }
0xbe: {  	s0 =	sadd.s32 $0x8F2B, s0  }
0xbf: {  	[sflag:s0] =	ssyncadd.remote.s32 $0x1  }
0xc0: {  	_ =	sfence.sel $0xFFFF  }
0xc1: {  	[dreg:$0x0] =	wrdreg $0xFFFFFFFF;
	(pc) =	sbr.abs _section_cstart, $3  }
0xc2: {  	[dreg:$0x1] =	wrdreg $0xFFFFFFFF  }
0xc3: {  	_ =	task.clear_ibuf [dreg:s8], $0x2FFFF;
	_ =	strace $0x9FFFFFFF  }
0xc4: {  	(tm) =	ssettm $0x7FFFFFFF  }
0xc5: {  	_ =	shalt  }
tec
execute0_lowered:
.L_overlay_start_1:
0x0: {  	(tag) =	ssettag $0x1  }
0x1: {  	s1 =	rddreg [dreg:$0x0];
	s2 =	srdreg.scid  }
0x2: {  	s0 =	rddreg [dreg:$0x1];
	s3 =	stileid.u32;
	s28 =	simm.s32 $0x20  }
0x3: {  	s29 =	simm.s32 $0x80;
	s30 =	simm.s32 $0x8100;
	s31 =	simm.s32 $0x11100  }
0x4: {  	s8 =	sand.u32 $0x1, s2;
	s4 =	sshll.u32 s3, $0xA;
	s3 =	simm.s32 $0x0  }
0x5: {  	s6 =	sadd.s32 $0x1C00, s0;
	s5 =	sshll.u32 s8, $0x9;
	[smem:$0x7FF] =	sst s3  }
0x6: {  	s8 =	ssub.s32 $0x2, s8;
	s7 =	sor.u32 s5, s4;
	s5 =	sadd.s32 $0x41C00, s0  }
0x7: {  	_ =	strace $0x80000047;
	s4 =	sshrl.u32 s7, $0x3;
	s13 =	sshll.u32 s7, $0x7  }
0x8: {  	s9 =	sshll.u32 s7, $0x4;
	s10 =	sor.u32 $0x20, s7;
	s19 =	sor.u32 $0x40, s7  }
0x9: {  	s25 =	sor.u32 $0x60, s7;
	s4 =	sadd.s32 s5, s4;
	s14 =	sadd.s32 s6, s9  }
0xa: {  	s15 =	sshrl.u32 s10, $0x3;
	s17 =	sshll.u32 s10, $0x7;
	s18 =	sshll.u32 s10, $0x4  }
0xb: {  	s21 =	sshrl.u32 s19, $0x3;
	s23 =	sshll.u32 s19, $0x7;
	s24 =	sshll.u32 s19, $0x4  }
0xc: {  	s2 =	sshrl.u32 s25, $0x3;
	s11 =	sshll.u32 s25, $0x7;
	[dreg:$0x4] =	wrdreg s4  }
0xd: {  	s12 =	sshll.u32 s25, $0x4;
	s4 =	sadd.s32 s1, s13;
	[dreg:$0x6] =	wrdreg s14  }
0xe: {  	s19 =	sor.u32 $0xA0, s7;
	s16 =	sadd.s32 s5, s15;
	[dreg:$0x5] =	wrdreg s4  }
0xf: {  	s25 =	sor.u32 $0xC0, s7;
	s20 =	sadd.s32 s6, s18;
	[dreg:$0x7] =	wrdreg s16  }
0x10: {  	s22 =	sadd.s32 s5, s21;
	s26 =	sadd.s32 s6, s24;
	[dreg:$0x9] =	wrdreg s20  }
0x11: {  	s9 =	sadd.s32 s5, s2;
	s13 =	sor.u32 $0x80, s7;
	[dreg:$0xa] =	wrdreg s22  }
0x12: {  	s14 =	sadd.s32 s6, s12;
	s21 =	sshrl.u32 s19, $0x3;
	[dreg:$0xc] =	wrdreg s26  }
0x13: {  	s24 =	sshll.u32 s19, $0x4;
	s2 =	sshrl.u32 s25, $0x3;
	[dreg:$0xd] =	wrdreg s9  }
0x14: {  	s12 =	sshll.u32 s25, $0x4;
	s4 =	sadd.s32 s1, s17;
	[dreg:$0xf] =	wrdreg s14  }
0x15: {  	s15 =	sshrl.u32 s13, $0x3;
	s22 =	sadd.s32 s5, s21;
	[dreg:$0x8] =	wrdreg s4  }
0x16: {  	s17 =	sshll.u32 s13, $0x7;
	s26 =	sadd.s32 s6, s24;
	[dreg:$0x13] =	wrdreg s22  }
0x17: {  	s18 =	sshll.u32 s13, $0x4;
	s9 =	sadd.s32 s5, s2;
	[dreg:$0x15] =	wrdreg s26  }
0x18: {  	s13 =	sor.u32 $0xE0, s7;
	s14 =	sadd.s32 s6, s12;
	[dreg:$0x16] =	wrdreg s9  }
0x19: {  	s4 =	sadd.s32 s1, s23;
	s16 =	sadd.s32 s5, s15;
	[dreg:$0x18] =	wrdreg s14  }
0x1a: {  	s20 =	sadd.s32 s6, s18;
	s23 =	sshll.u32 s19, $0x7;
	[dreg:$0xb] =	wrdreg s4  }
0x1b: {  	s15 =	sshrl.u32 s13, $0x3;
	s18 =	sshll.u32 s13, $0x4;
	[dreg:$0x10] =	wrdreg s16  }
0x1c: {  	s19 =	sor.u32 $0x100, s7;
	s4 =	sadd.s32 s1, s11;
	[dreg:$0x12] =	wrdreg s20  }
0x1d: {  	s11 =	sshll.u32 s25, $0x7;
	s16 =	sadd.s32 s5, s15;
	s20 =	sadd.s32 s6, s18  }
0x1e: {  	s21 =	sshrl.u32 s19, $0x3;
	s24 =	sshll.u32 s19, $0x4;
	[dreg:$0xe] =	wrdreg s4  }
0x1f: {  	s25 =	sor.u32 $0x120, s7;
	s4 =	sadd.s32 s1, s17;
	[dreg:$0x19] =	wrdreg s16  }
0x20: {  	s17 =	sshll.u32 s13, $0x7;
	[dreg:$0x1b] =	wrdreg s20;
	s22 =	sadd.s32 s5, s21  }
0x21: {  	s26 =	sadd.s32 s6, s24;
	s2 =	sshrl.u32 s25, $0x3;
	[dreg:$0x11] =	wrdreg s4  }
0x22: {  	s12 =	sshll.u32 s25, $0x4;
	s13 =	sor.u32 $0x140, s7;
	[dreg:$0x1c] =	wrdreg s22  }
0x23: {  	s4 =	sadd.s32 s1, s23;
	s23 =	sshll.u32 s19, $0x7;
	[dreg:$0x1e] =	wrdreg s26  }
0x24: {  	s9 =	sadd.s32 s5, s2;
	s14 =	sadd.s32 s6, s12;
	s15 =	sshrl.u32 s13, $0x3  }
0x25: {  	s18 =	sshll.u32 s13, $0x4;
	s19 =	sor.u32 $0x160, s7;
	[dreg:$0x14] =	wrdreg s4  }
0x26: {  	s4 =	sadd.s32 s1, s11;
	[dreg:$0x1f] =	wrdreg s9;
	s11 =	sshll.u32 s25, $0x7  }
0x27: {  	[smem:$0x7EB] =	sst s14;
	s16 =	sadd.s32 s5, s15;
	s20 =	sadd.s32 s6, s18  }
0x28: {  	s21 =	sshrl.u32 s19, $0x3;
	s24 =	sshll.u32 s19, $0x4;
	[dreg:$0x17] =	wrdreg s4  }
0x29: {  	s25 =	sor.u32 $0x180, s7;
	s14 =	sor.u32 $0x1A0, s7;
	[smem:$0x7EC] =	sst s16  }
0x2a: {  	s4 =	sadd.s32 s1, s17;
	s17 =	sshll.u32 s13, $0x7;
	[smem:$0x7EE] =	sst s20  }
0x2b: {  	s22 =	sadd.s32 s5, s21;
	s26 =	sadd.s32 s6, s24;
	[dreg:$0x1a] =	wrdreg s4  }
0x2c: {  	s2 =	sshrl.u32 s25, $0x3;
	s12 =	sshll.u32 s25, $0x7;
	[smem:$0x7EF] =	sst s22  }
0x2d: {  	s13 =	sshll.u32 s25, $0x4;
	s4 =	sadd.s32 s1, s23;
	[smem:$0x7F1] =	sst s26  }
0x2e: {  	s10 =	sshll.u32 s14, $0x4;
	s9 =	sadd.s32 s6, s13;
	[dreg:$0x1d] =	wrdreg s4  }
0x2f: {  	s16 =	sshll.u32 s14, $0x7;
	s18 =	sadd.s32 s6, s10;
	[smem:$0x7F4] =	sst s9  }
0x30: {  	s23 =	sshll.u32 s19, $0x7;
	s4 =	sadd.s32 s1, s11;
	[smem:$0x7F7] =	sst s18  }
0x31: {  	s11 =	sadd.s32 s5, s2;
	s9 =	sadd.s32 s1, s16;
	[smem:$0x7EA] =	sst s4  }
0x32: {  	s4 =	sadd.s32 s1, s17;
	[smem:$0x7F2] =	sst s11;
	s11 =	sshrl.u32 s14, $0x3  }
0x33: {  	s17 =	sor.u32 $0x1C0, s7;
	[smem:$0x7F6] =	sst s9;
	s7 =	sor.u32 $0x1E0, s7  }
0x34: {  	[smem:$0x7ED] =	sst s4;
	s4 =	sadd.s32 s1, s23;
	s15 =	sadd.s32 s5, s11  }
0x35: {  	s19 =	sshrl.u32 s17, $0x3;
	s21 =	sshll.u32 s17, $0x7;
	s22 =	sshll.u32 s17, $0x4  }
0x36: {  	s24 =	sshrl.u32 s7, $0x3;
	s25 =	sshll.u32 s7, $0x7;
	s7 =	sshll.u32 s7, $0x4  }
0x37: {  	s11 =	simm.s32 $0x10100;
	[smem:$0x7F0] =	sst s4;
	s4 =	sadd.s32 s1, s12  }
0x38: {  	[smem:$0x7F5] =	sst s15;
	s12 =	sshrl.u32 s8, $0x1;
	s20 =	sadd.s32 s5, s19  }
0x39: {  	s9 =	sadd.s32 s1, s21;
	s23 =	sadd.s32 s6, s22;
	[smem:$0x7F3] =	sst s4  }
0x3a: {  	s5 =	sadd.s32 s5, s24;
	s1 =	sadd.s32 s1, s25;
	[smem:$0x7F8] =	sst s20  }
0x3b: {  	s26 =	sadd.s32 s6, s7;
	s6 =	sadd.s32 $0x42600, s0;
	[smem:$0x7F9] =	sst s9  }
0x3c: {  	s7 =	sadd.s32 $0x42700, s0;
	s22 =	simm.s32 $0x100;
	[smem:$0x7FA] =	sst s23  }
0x3d: {  	s25 =	simm.s32 $0x1;
	s4 =	sadd.s32 $0x42400, s0;
	[smem:$0x7FB] =	sst s5  }
0x3e: {  	v2 =	vlaneseq.u32;
	s8 =	ssub.s32 s8, s12;
	s5 =	sadd.s32 $0x42500, s0;
	[smem:$0x7FC] =	sst s1  }
0x3f: {  	vm0 =	vmmov $0xffff;
	v1 =	vshrl.u32 v2, $0x3;
	[smem:$0x7FD] =	sst s26;
	s9 =	simm.s32 $0x5;
	s26 =	simm.s32 $0x3  }
0x40: {  	v0 =	vand.u32 $0x7, v2;
	v2 =	vor.u32 $0x8, v2;
	v1 =	vmul.u32 $0x8, v1;
	s1 =	simm.s32 $0x2;
	s0 =	simm.s32 $0x4;
	s2 =	smax.u32 s8, $0x1  }
.LBB2_1:
0x41: {  	[smem:$0x7E9] =	sst s2  }
0x42: {  	s12 =	rddreg [dreg:$0x4]  }
0x43: {  	[tilespmem:s3], [sflag:$0x5] =	stream.linear.gather [hbm4b:s12+s3], $0x20, $0x38;
	[tilespmem:$0x12100] =	vst v63  }
0x44: {  	_ =	swait.ge [sflag:s9], $0x20  }
0x45: {  	[sflag:s9] =	ssyncset.done $0x0  }
0x46: {  	s8 =	rddreg [dreg:$0x5];
	[sflag:s9] =	ssyncadd.s32 $0xFFFFFFE0  }
0x47: {  	[tilespmem:s22], [sflag:$0x5] =	stream.linear.gather [hbm4b:s8+s3], $0x8000, $0x38;
	[tilespmem:$0x12100] =	vst v63  }
0x48: {  	_ =	swait.ge [sflag:s9], $0x8000  }
0x49: {  	[sflag:s9] =	ssyncset.done $0x0  }
0x4a: {  	s10 =	rddreg [dreg:$0x6];
	[sflag:s9] =	ssyncadd.s32 $0xFFFF8000  }
0x4b: {  	[tilespmem:s11], [sflag:$0x5] =	stream.linear.gather [hbm4b:s10+s3], $0x1000, $0x38;
	[tilespmem:$0x12100] =	vst v63  }
0x4c: {  	_ =	swait.ge [sflag:s9], $0x1000  }
0x4d: {  	[sflag:s9] =	ssyncset.done $0x0  }
0x4e: {  	[sflag:s9] =	ssyncadd.s32 $0xFFFFF000  }
0x4f: {  	v3 =	vld [tilespmem:$0x0];
	_ =	sdelay $0x4  }
0x50: {  	v4 =	vshll.u32 v3, $0x3  }
0x51: {  	v3 =	vand.u32 $0x7, v3;
	v4 =	vand.u32 $0xFFFFFFC0, v4  }
0x52: {  	v3 =	vor.u32 v3, v4  }
0x53: {  	v4 =	vperm.xlane v3, v0;
	_ =	sdelay $0x1  }
0x54: {  	v4 =	vadd.s32 v1, v4;
	_ =	sdelay $0x4  }
0x55: {  	[hbm4b:s4+s3] =	stream.indirect_vreg.scatter [tilespmem:s22], [sflag:$0x1], $0x80, v4, vm0, $0xb8;
	[tilespmem:$0x12100] =	vst v63  }
0x56: {  	s12 =	simm.s32 $0x900;
	v3 =	vperm.xlane v3, v2  }
0x57: {  	[hbm4b:s5+s3] =	stream.indirect_vreg.scatter [tilespmem:s12], [sflag:$0x1], $0x80, v4, vm0, $0xb8;
	[tilespmem:$0x12100] =	vst v63  }
0x58: {  	s13 =	simm.s32 $0x1100;
	v3 =	vadd.s32 v1, v3  }
0x59: {  	[hbm4b:s6+s3] =	stream.indirect_vreg.scatter [tilespmem:s13], [sflag:$0x1], $0x80, v4, vm0, $0xb8;
	[tilespmem:$0x12100] =	vst v63  }
0x5a: {  	s14 =	simm.s32 $0x1900  }
0x5b: {  	[hbm4b:s7+s3] =	stream.indirect_vreg.scatter [tilespmem:s14], [sflag:$0x1], $0x80, v4, vm0, $0xb8;
	[tilespmem:$0x12100] =	vst v63  }
0x5c: {  	s15 =	simm.s32 $0x2100  }
0x5d: {  	[hbm4b:s4+s3] =	stream.indirect_vreg.scatter [tilespmem:s15], [sflag:$0x1], $0x80, v3, vm0, $0xb8;
	[tilespmem:$0x12100] =	vst v63  }
0x5e: {  	s16 =	simm.s32 $0x2900  }
0x5f: {  	[hbm4b:s5+s3] =	stream.indirect_vreg.scatter [tilespmem:s16], [sflag:$0x1], $0x80, v3, vm0, $0xb8;
	[tilespmem:$0x12100] =	vst v63  }
0x60: {  	s17 =	simm.s32 $0x3100  }
0x61: {  	[hbm4b:s6+s3] =	stream.indirect_vreg.scatter [tilespmem:s17], [sflag:$0x1], $0x80, v3, vm0, $0xb8;
	[tilespmem:$0x12100] =	vst v63  }
0x62: {  	s18 =	simm.s32 $0x3900  }
0x63: {  	[hbm4b:s7+s3] =	stream.indirect_vreg.scatter [tilespmem:s18], [sflag:$0x1], $0x80, v3, vm0, $0xb8;
	[tilespmem:$0x12100] =	vst v63  }
0x64: {  	v3 =	vld [tilespmem:$0x10];
	_ =	sdelay $0x4  }
0x65: {  	v33 =	vshll.u32 v3, $0x3  }
0x66: {  	v3 =	vand.u32 $0x7, v3;
	v4 =	vand.u32 $0xFFFFFFC0, v33  }
0x67: {  	v3 =	vor.u32 v3, v4  }
0x68: {  	v4 =	vperm.xlane v3, v0;
	_ =	sdelay $0x1  }
0x69: {  	v4 =	vadd.s32 v1, v4;
	_ =	sdelay $0x3  }
0x6a: {  	s19 =	simm.s32 $0x4100  }
0x6b: {  	[hbm4b:s4+s3] =	stream.indirect_vreg.scatter [tilespmem:s19], [sflag:$0x1], $0x80, v4, vm0, $0xb8;
	[tilespmem:$0x12100] =	vst v63  }
0x6c: {  	s20 =	simm.s32 $0x4900;
	v3 =	vperm.xlane v3, v2  }
0x6d: {  	[hbm4b:s5+s3] =	stream.indirect_vreg.scatter [tilespmem:s20], [sflag:$0x1], $0x80, v4, vm0, $0xb8;
	[tilespmem:$0x12100] =	vst v63  }
0x6e: {  	s21 =	simm.s32 $0x5100;
	v3 =	vadd.s32 v1, v3  }
0x6f: {  	[hbm4b:s6+s3] =	stream.indirect_vreg.scatter [tilespmem:s21], [sflag:$0x1], $0x80, v4, vm0, $0xb8;
	[tilespmem:$0x12100] =	vst v63  }
0x70: {  	s23 =	simm.s32 $0x5900  }
0x71: {  	[hbm4b:s7+s3] =	stream.indirect_vreg.scatter [tilespmem:s23], [sflag:$0x1], $0x80, v4, vm0, $0xb8;
	[tilespmem:$0x12100] =	vst v63  }
0x72: {  	s24 =	simm.s32 $0x6100  }
0x73: {  	[hbm4b:s4+s3] =	stream.indirect_vreg.scatter [tilespmem:s24], [sflag:$0x1], $0x80, v3, vm0, $0xb8;
	[tilespmem:$0x12100] =	vst v63  }
0x74: {  	s8 =	simm.s32 $0x6900  }
0x75: {  	[hbm4b:s5+s3] =	stream.indirect_vreg.scatter [tilespmem:s8], [sflag:$0x1], $0x80, v3, vm0, $0xb8;
	[tilespmem:$0x12100] =	vst v63  }
0x76: {  	s12 =	simm.s32 $0x7100  }
0x77: {  	[hbm4b:s6+s3] =	stream.indirect_vreg.scatter [tilespmem:s12], [sflag:$0x1], $0x80, v3, vm0, $0xb8;
	[tilespmem:$0x12100] =	vst v63  }
0x78: {  	s14 =	simm.s32 $0x7900  }
0x79: {  	[hbm4b:s7+s3] =	stream.indirect_vreg.scatter [tilespmem:s14], [sflag:$0x1], $0x80, v3, vm0, $0xb8;
	[tilespmem:$0x12100] =	vst v63  }
0x7a: {  	s8 =	rddreg [dreg:$0x2]  }
0x7b: {  	[hbm4b:s8+s28] =	stream.indirect.scatter [tilespmem:s11], [sflag:$0x3], $0x80, s3, s28, $0xb8;
	[tilespmem:$0x12100] =	vst v63  }
0x7c: {  	s15 =	rddreg [dreg:$0x7]  }
0x7d: {  	[tilespmem:s29], [sflag:$0x5] =	stream.linear.gather [hbm4b:s15+s3], $0x20, $0x38;
	[tilespmem:$0x12100] =	vst v63  }
0x7e: {  	_ =	swait.ge [sflag:s9], $0x20  }
0x7f: {  	[sflag:s9] =	ssyncset.done $0x0  }
0x80: {  	s16 =	rddreg [dreg:$0x8];
	[sflag:s9] =	ssyncadd.s32 $0xFFFFFFE0  }
0x81: {  	[tilespmem:s30], [sflag:$0x5] =	stream.linear.gather [hbm4b:s16+s3], $0x8000, $0x38;
	[tilespmem:$0x12100] =	vst v63  }
0x82: {  	_ =	swait.ge [sflag:s9], $0x8000  }
0x83: {  	[sflag:s9] =	ssyncset.done $0x0  }
0x84: {  	s17 =	rddreg [dreg:$0x9];
	[sflag:s9] =	ssyncadd.s32 $0xFFFF8000  }
0x85: {  	[tilespmem:s31], [sflag:$0x5] =	stream.linear.gather [hbm4b:s17+s3], $0x1000, $0x38;
	[tilespmem:$0x12100] =	vst v63  }
0x86: {  	_ =	swait.ge [sflag:s9], $0x1000  }
0x87: {  	[sflag:s9] =	ssyncset.done $0x0  }
0x88: {  	[sflag:s9] =	ssyncadd.s32 $0xFFFFF000  }
0x89: {  	v3 =	vld [tilespmem:$0x80];
	_ =	sdelay $0x4  }
0x8a: {  	v34 =	vshll.u32 v3, $0x3  }
0x8b: {  	v3 =	vand.u32 $0x7, v3;
	v4 =	vand.u32 $0xFFFFFFC0, v34  }
0x8c: {  	v3 =	vor.u32 v3, v4  }
0x8d: {  	v4 =	vperm.xlane v3, v0;
	_ =	sdelay $0x1  }
0x8e: {  	v4 =	vadd.s32 v1, v4;
	_ =	sdelay $0x4  }
0x8f: {  	[hbm4b:s4+s3] =	stream.indirect_vreg.scatter [tilespmem:s30], [sflag:$0x2], $0x80, v4, vm0, $0xb8;
	[tilespmem:$0x12100] =	vst v63  }
0x90: {  	s20 =	simm.s32 $0x8900;
	v3 =	vperm.xlane v3, v2  }
0x91: {  	[hbm4b:s5+s3] =	stream.indirect_vreg.scatter [tilespmem:s20], [sflag:$0x2], $0x80, v4, vm0, $0xb8;
	[tilespmem:$0x12100] =	vst v63  }
0x92: {  	s21 =	simm.s32 $0x9100;
	v3 =	vadd.s32 v1, v3  }
0x93: {  	[hbm4b:s6+s3] =	stream.indirect_vreg.scatter [tilespmem:s21], [sflag:$0x2], $0x80, v4, vm0, $0xb8;
	[tilespmem:$0x12100] =	vst v63  }
0x94: {  	s23 =	simm.s32 $0x9900  }
0x95: {  	[hbm4b:s7+s3] =	stream.indirect_vreg.scatter [tilespmem:s23], [sflag:$0x2], $0x80, v4, vm0, $0xb8;
	[tilespmem:$0x12100] =	vst v63  }
0x96: {  	s24 =	simm.s32 $0xA100  }
0x97: {  	[hbm4b:s4+s3] =	stream.indirect_vreg.scatter [tilespmem:s24], [sflag:$0x2], $0x80, v3, vm0, $0xb8;
	[tilespmem:$0x12100] =	vst v63  }
0x98: {  	s2 =	simm.s32 $0xA900  }
0x99: {  	[hbm4b:s5+s3] =	stream.indirect_vreg.scatter [tilespmem:s2], [sflag:$0x2], $0x80, v3, vm0, $0xb8;
	[tilespmem:$0x12100] =	vst v63  }
0x9a: {  	s14 =	simm.s32 $0xB100  }
0x9b: {  	[hbm4b:s6+s3] =	stream.indirect_vreg.scatter [tilespmem:s14], [sflag:$0x2], $0x80, v3, vm0, $0xb8;
	[tilespmem:$0x12100] =	vst v63  }
0x9c: {  	s15 =	simm.s32 $0xB900  }
0x9d: {  	[hbm4b:s7+s3] =	stream.indirect_vreg.scatter [tilespmem:s15], [sflag:$0x2], $0x80, v3, vm0, $0xb8;
	[tilespmem:$0x12100] =	vst v63  }
0x9e: {  	v3 =	vld [tilespmem:$0x90];
	_ =	sdelay $0x4  }
0x9f: {  	v35 =	vshll.u32 v3, $0x3  }
0xa0: {  	v3 =	vand.u32 $0x7, v3;
	v4 =	vand.u32 $0xFFFFFFC0, v35  }
0xa1: {  	v3 =	vor.u32 v3, v4  }
0xa2: {  	v4 =	vperm.xlane v3, v0;
	_ =	sdelay $0x1  }
0xa3: {  	v4 =	vadd.s32 v1, v4;
	_ =	sdelay $0x3  }
0xa4: {  	s16 =	simm.s32 $0xC100  }
0xa5: {  	[hbm4b:s4+s3] =	stream.indirect_vreg.scatter [tilespmem:s16], [sflag:$0x2], $0x80, v4, vm0, $0xb8;
	[tilespmem:$0x12100] =	vst v63  }
0xa6: {  	s17 =	simm.s32 $0xC900;
	v3 =	vperm.xlane v3, v2  }
0xa7: {  	[hbm4b:s5+s3] =	stream.indirect_vreg.scatter [tilespmem:s17], [sflag:$0x2], $0x80, v4, vm0, $0xb8;
	[tilespmem:$0x12100] =	vst v63  }
0xa8: {  	s20 =	simm.s32 $0xD100;
	v3 =	vadd.s32 v1, v3  }
0xa9: {  	[hbm4b:s6+s3] =	stream.indirect_vreg.scatter [tilespmem:s20], [sflag:$0x2], $0x80, v4, vm0, $0xb8;
	[tilespmem:$0x12100] =	vst v63  }
0xaa: {  	s21 =	simm.s32 $0xD900  }
0xab: {  	[hbm4b:s7+s3] =	stream.indirect_vreg.scatter [tilespmem:s21], [sflag:$0x2], $0x80, v4, vm0, $0xb8;
	[tilespmem:$0x12100] =	vst v63  }
0xac: {  	s2 =	simm.s32 $0xE100  }
0xad: {  	[hbm4b:s4+s3] =	stream.indirect_vreg.scatter [tilespmem:s2], [sflag:$0x2], $0x80, v3, vm0, $0xb8;
	[tilespmem:$0x12100] =	vst v63  }
0xae: {  	s14 =	simm.s32 $0xE900  }
0xaf: {  	[hbm4b:s5+s3] =	stream.indirect_vreg.scatter [tilespmem:s14], [sflag:$0x2], $0x80, v3, vm0, $0xb8;
	[tilespmem:$0x12100] =	vst v63  }
0xb0: {  	s15 =	simm.s32 $0xF100  }
0xb1: {  	[hbm4b:s6+s3] =	stream.indirect_vreg.scatter [tilespmem:s15], [sflag:$0x2], $0x80, v3, vm0, $0xb8;
	[tilespmem:$0x12100] =	vst v63  }
0xb2: {  	s16 =	simm.s32 $0xF900  }
0xb3: {  	[hbm4b:s7+s3] =	stream.indirect_vreg.scatter [tilespmem:s16], [sflag:$0x2], $0x80, v3, vm0, $0xb8;
	[tilespmem:$0x12100] =	vst v63  }
0xb4: {  	_ = 	snop  }
0xb5: {  	[hbm4b:s8+s28] =	stream.indirect.scatter [tilespmem:s31], [sflag:$0x4], $0x80, s29, s28, $0xb8;
	[tilespmem:$0x12100] =	vst v63  }
0xb6: {  	_ =	swait.ge [sflag:s25], $0x8000  }
0xb7: {  	[sflag:s25] =	ssyncset.done $0x0  }
0xb8: {  	[sflag:s25] =	ssyncadd.s32 $0xFFFF8000  }
0xb9: {  	_ =	swait.ge [sflag:s26], $0x1000  }
0xba: {  	[sflag:s26] =	ssyncset.done $0x0  }
0xbb: {  	s17 =	rddreg [dreg:$0xa];
	[sflag:s26] =	ssyncadd.s32 $0xFFFFF000  }
0xbc: {  	[tilespmem:s3], [sflag:$0x5] =	stream.linear.gather [hbm4b:s17+s3], $0x20, $0x38;
	[tilespmem:$0x12100] =	vst v63  }
0xbd: {  	_ =	swait.ge [sflag:s9], $0x20  }
0xbe: {  	[sflag:s9] =	ssyncset.done $0x0  }
0xbf: {  	s20 =	rddreg [dreg:$0xb];
	[sflag:s9] =	ssyncadd.s32 $0xFFFFFFE0  }
0xc0: {  	[tilespmem:s22], [sflag:$0x5] =	stream.linear.gather [hbm4b:s20+s3], $0x8000, $0x38;
	[tilespmem:$0x12100] =	vst v63  }
0xc1: {  	_ =	swait.ge [sflag:s9], $0x8000  }
0xc2: {  	[sflag:s9] =	ssyncset.done $0x0  }
0xc3: {  	s21 =	rddreg [dreg:$0xc];
	[sflag:s9] =	ssyncadd.s32 $0xFFFF8000  }
0xc4: {  	[tilespmem:s11], [sflag:$0x5] =	stream.linear.gather [hbm4b:s21+s3], $0x1000, $0x38;
	[tilespmem:$0x12100] =	vst v63  }
0xc5: {  	_ =	swait.ge [sflag:s9], $0x1000  }
0xc6: {  	[sflag:s9] =	ssyncset.done $0x0  }
0xc7: {  	[sflag:s9] =	ssyncadd.s32 $0xFFFFF000  }
0xc8: {  	v3 =	vld [tilespmem:$0x0];
	_ =	sdelay $0x4  }
0xc9: {  	v36 =	vshll.u32 v3, $0x3  }
0xca: {  	v3 =	vand.u32 $0x7, v3;
	v4 =	vand.u32 $0xFFFFFFC0, v36  }
0xcb: {  	v3 =	vor.u32 v3, v4  }
0xcc: {  	v4 =	vperm.xlane v3, v0;
	_ =	sdelay $0x1  }
0xcd: {  	v4 =	vadd.s32 v1, v4;
	_ =	sdelay $0x4  }
0xce: {  	[hbm4b:s4+s3] =	stream.indirect_vreg.scatter [tilespmem:s22], [sflag:$0x1], $0x80, v4, vm0, $0xb8;
	[tilespmem:$0x12100] =	vst v63  }
0xcf: {  	s10 =	simm.s32 $0x900;
	v3 =	vperm.xlane v3, v2  }
0xd0: {  	[hbm4b:s5+s3] =	stream.indirect_vreg.scatter [tilespmem:s10], [sflag:$0x1], $0x80, v4, vm0, $0xb8;
	[tilespmem:$0x12100] =	vst v63  }
0xd1: {  	s2 =	simm.s32 $0x1100;
	v3 =	vadd.s32 v1, v3  }
0xd2: {  	[hbm4b:s6+s3] =	stream.indirect_vreg.scatter [tilespmem:s2], [sflag:$0x1], $0x80, v4, vm0, $0xb8;
	[tilespmem:$0x12100] =	vst v63  }
0xd3: {  	s10 =	simm.s32 $0x1900  }
0xd4: {  	[hbm4b:s7+s3] =	stream.indirect_vreg.scatter [tilespmem:s10], [sflag:$0x1], $0x80, v4, vm0, $0xb8;
	[tilespmem:$0x12100] =	vst v63  }
0xd5: {  	s15 =	simm.s32 $0x2100  }
0xd6: {  	[hbm4b:s4+s3] =	stream.indirect_vreg.scatter [tilespmem:s15], [sflag:$0x1], $0x80, v3, vm0, $0xb8;
	[tilespmem:$0x12100] =	vst v63  }
0xd7: {  	s16 =	simm.s32 $0x2900  }
0xd8: {  	[hbm4b:s5+s3] =	stream.indirect_vreg.scatter [tilespmem:s16], [sflag:$0x1], $0x80, v3, vm0, $0xb8;
	[tilespmem:$0x12100] =	vst v63  }
0xd9: {  	s17 =	simm.s32 $0x3100  }
0xda: {  	[hbm4b:s6+s3] =	stream.indirect_vreg.scatter [tilespmem:s17], [sflag:$0x1], $0x80, v3, vm0, $0xb8;
	[tilespmem:$0x12100] =	vst v63  }
0xdb: {  	s13 =	simm.s32 $0x3900  }
0xdc: {  	[hbm4b:s7+s3] =	stream.indirect_vreg.scatter [tilespmem:s13], [sflag:$0x1], $0x80, v3, vm0, $0xb8;
	[tilespmem:$0x12100] =	vst v63  }
0xdd: {  	v3 =	vld [tilespmem:$0x10];
	_ =	sdelay $0x4  }
0xde: {  	v37 =	vshll.u32 v3, $0x3  }
0xdf: {  	v3 =	vand.u32 $0x7, v3;
	v4 =	vand.u32 $0xFFFFFFC0, v37  }
0xe0: {  	v3 =	vor.u32 v3, v4  }
0xe1: {  	v4 =	vperm.xlane v3, v0;
	_ =	sdelay $0x1  }
0xe2: {  	v4 =	vadd.s32 v1, v4;
	_ =	sdelay $0x3  }
0xe3: {  	s18 =	simm.s32 $0x4100  }
0xe4: {  	[hbm4b:s4+s3] =	stream.indirect_vreg.scatter [tilespmem:s18], [sflag:$0x1], $0x80, v4, vm0, $0xb8;
	[tilespmem:$0x12100] =	vst v63  }
0xe5: {  	s19 =	simm.s32 $0x4900;
	v3 =	vperm.xlane v3, v2  }
0xe6: {  	[hbm4b:s5+s3] =	stream.indirect_vreg.scatter [tilespmem:s19], [sflag:$0x1], $0x80, v4, vm0, $0xb8;
	[tilespmem:$0x12100] =	vst v63  }
0xe7: {  	v3 =	vadd.s32 v1, v3;
	s18 =	simm.s32 $0x5100  }
0xe8: {  	[hbm4b:s6+s3] =	stream.indirect_vreg.scatter [tilespmem:s18], [sflag:$0x1], $0x80, v4, vm0, $0xb8;
	[tilespmem:$0x12100] =	vst v63  }
0xe9: {  	s19 =	simm.s32 $0x5900  }
0xea: {  	[hbm4b:s7+s3] =	stream.indirect_vreg.scatter [tilespmem:s19], [sflag:$0x1], $0x80, v4, vm0, $0xb8;
	[tilespmem:$0x12100] =	vst v63  }
0xeb: {  	s20 =	simm.s32 $0x6100  }
0xec: {  	[hbm4b:s4+s3] =	stream.indirect_vreg.scatter [tilespmem:s20], [sflag:$0x1], $0x80, v3, vm0, $0xb8;
	[tilespmem:$0x12100] =	vst v63  }
0xed: {  	s21 =	simm.s32 $0x6900  }
0xee: {  	[hbm4b:s5+s3] =	stream.indirect_vreg.scatter [tilespmem:s21], [sflag:$0x1], $0x80, v3, vm0, $0xb8;
	[tilespmem:$0x12100] =	vst v63  }
0xef: {  	s13 =	simm.s32 $0x7100  }
0xf0: {  	[hbm4b:s6+s3] =	stream.indirect_vreg.scatter [tilespmem:s13], [sflag:$0x1], $0x80, v3, vm0, $0xb8;
	[tilespmem:$0x12100] =	vst v63  }
0xf1: {  	s14 =	simm.s32 $0x7900  }
0xf2: {  	[hbm4b:s7+s3] =	stream.indirect_vreg.scatter [tilespmem:s14], [sflag:$0x1], $0x80, v3, vm0, $0xb8;
	[tilespmem:$0x12100] =	vst v63  }
0xf3: {  	_ = 	snop  }
0xf4: {  	[hbm4b:s8+s28] =	stream.indirect.scatter [tilespmem:s11], [sflag:$0x3], $0x80, s3, s28, $0xb8;
	[tilespmem:$0x12100] =	vst v63  }
0xf5: {  	_ =	swait.ge [sflag:s1], $0x8000  }
0xf6: {  	[sflag:s1] =	ssyncset.done $0x0  }
0xf7: {  	[sflag:s1] =	ssyncadd.s32 $0xFFFF8000  }
0xf8: {  	_ =	swait.ge [sflag:s0], $0x1000  }
0xf9: {  	[sflag:s0] =	ssyncset.done $0x0  }
0xfa: {  	s12 =	rddreg [dreg:$0xd];
	[sflag:s0] =	ssyncadd.s32 $0xFFFFF000  }
0xfb: {  	[tilespmem:s29], [sflag:$0x5] =	stream.linear.gather [hbm4b:s12+s3], $0x20, $0x38;
	[tilespmem:$0x12100] =	vst v63  }
0xfc: {  	_ =	swait.ge [sflag:s9], $0x20  }
0xfd: {  	[sflag:s9] =	ssyncset.done $0x0  }
0xfe: {  	s12 =	rddreg [dreg:$0xe];
	[sflag:s9] =	ssyncadd.s32 $0xFFFFFFE0  }
0xff: {  	[tilespmem:s30], [sflag:$0x5] =	stream.linear.gather [hbm4b:s12+s3], $0x8000, $0x38;
	[tilespmem:$0x12100] =	vst v63  }
0x100: {  	_ =	swait.ge [sflag:s9], $0x8000  }
0x101: {  	[sflag:s9] =	ssyncset.done $0x0  }
0x102: {  	s12 =	rddreg [dreg:$0xf];
	[sflag:s9] =	ssyncadd.s32 $0xFFFF8000  }
0x103: {  	[tilespmem:s31], [sflag:$0x5] =	stream.linear.gather [hbm4b:s12+s3], $0x1000, $0x38;
	[tilespmem:$0x12100] =	vst v63  }
0x104: {  	_ =	swait.ge [sflag:s9], $0x1000  }
0x105: {  	[sflag:s9] =	ssyncset.done $0x0  }
0x106: {  	[sflag:s9] =	ssyncadd.s32 $0xFFFFF000  }
0x107: {  	v3 =	vld [tilespmem:$0x80];
	_ =	sdelay $0x4  }
0x108: {  	v38 =	vshll.u32 v3, $0x3  }
0x109: {  	v3 =	vand.u32 $0x7, v3;
	v4 =	vand.u32 $0xFFFFFFC0, v38  }
0x10a: {  	v3 =	vor.u32 v3, v4  }
0x10b: {  	v4 =	vperm.xlane v3, v0;
	_ =	sdelay $0x1  }
0x10c: {  	v4 =	vadd.s32 v1, v4;
	_ =	sdelay $0x4  }
0x10d: {  	[hbm4b:s4+s3] =	stream.indirect_vreg.scatter [tilespmem:s30], [sflag:$0x2], $0x80, v4, vm0, $0xb8;
	[tilespmem:$0x12100] =	vst v63  }
0x10e: {  	s12 =	simm.s32 $0x8900;
	v3 =	vperm.xlane v3, v2  }
0x10f: {  	[hbm4b:s5+s3] =	stream.indirect_vreg.scatter [tilespmem:s12], [sflag:$0x2], $0x80, v4, vm0, $0xb8;
	[tilespmem:$0x12100] =	vst v63  }
0x110: {  	v3 =	vadd.s32 v1, v3;
	s12 =	simm.s32 $0x9100  }
0x111: {  	[hbm4b:s6+s3] =	stream.indirect_vreg.scatter [tilespmem:s12], [sflag:$0x2], $0x80, v4, vm0, $0xb8;
	[tilespmem:$0x12100] =	vst v63  }
0x112: {  	s12 =	simm.s32 $0x9900  }
0x113: {  	[hbm4b:s7+s3] =	stream.indirect_vreg.scatter [tilespmem:s12], [sflag:$0x2], $0x80, v4, vm0, $0xb8;
	[tilespmem:$0x12100] =	vst v63  }
0x114: {  	s12 =	simm.s32 $0xA100  }
0x115: {  	[hbm4b:s4+s3] =	stream.indirect_vreg.scatter [tilespmem:s12], [sflag:$0x2], $0x80, v3, vm0, $0xb8;
	[tilespmem:$0x12100] =	vst v63  }
0x116: {  	s12 =	simm.s32 $0xA900  }
0x117: {  	[hbm4b:s5+s3] =	stream.indirect_vreg.scatter [tilespmem:s12], [sflag:$0x2], $0x80, v3, vm0, $0xb8;
	[tilespmem:$0x12100] =	vst v63  }
0x118: {  	s12 =	simm.s32 $0xB100  }
0x119: {  	[hbm4b:s6+s3] =	stream.indirect_vreg.scatter [tilespmem:s12], [sflag:$0x2], $0x80, v3, vm0, $0xb8;
	[tilespmem:$0x12100] =	vst v63  }
0x11a: {  	s23 =	simm.s32 $0xB900  }
0x11b: {  	[hbm4b:s7+s3] =	stream.indirect_vreg.scatter [tilespmem:s23], [sflag:$0x2], $0x80, v3, vm0, $0xb8;
	[tilespmem:$0x12100] =	vst v63  }
0x11c: {  	v3 =	vld [tilespmem:$0x90];
	_ =	sdelay $0x4  }
0x11d: {  	v39 =	vshll.u32 v3, $0x3  }
0x11e: {  	v3 =	vand.u32 $0x7, v3;
	v4 =	vand.u32 $0xFFFFFFC0, v39  }
0x11f: {  	v3 =	vor.u32 v3, v4  }
0x120: {  	v4 =	vperm.xlane v3, v0;
	_ =	sdelay $0x1  }
0x121: {  	v4 =	vadd.s32 v1, v4;
	_ =	sdelay $0x3  }
0x122: {  	s24 =	simm.s32 $0xC100  }
0x123: {  	[hbm4b:s4+s3] =	stream.indirect_vreg.scatter [tilespmem:s24], [sflag:$0x2], $0x80, v4, vm0, $0xb8;
	[tilespmem:$0x12100] =	vst v63  }
0x124: {  	v3 =	vperm.xlane v3, v2;
	s24 =	simm.s32 $0xC900  }
0x125: {  	[hbm4b:s5+s3] =	stream.indirect_vreg.scatter [tilespmem:s24], [sflag:$0x2], $0x80, v4, vm0, $0xb8;
	[tilespmem:$0x12100] =	vst v63  }
0x126: {  	s23 =	simm.s32 $0xD100;
	v3 =	vadd.s32 v1, v3  }
0x127: {  	[hbm4b:s6+s3] =	stream.indirect_vreg.scatter [tilespmem:s23], [sflag:$0x2], $0x80, v4, vm0, $0xb8;
	[tilespmem:$0x12100] =	vst v63  }
0x128: {  	s24 =	simm.s32 $0xD900  }
0x129: {  	[hbm4b:s7+s3] =	stream.indirect_vreg.scatter [tilespmem:s24], [sflag:$0x2], $0x80, v4, vm0, $0xb8;
	[tilespmem:$0x12100] =	vst v63  }
0x12a: {  	s12 =	simm.s32 $0xE100  }
0x12b: {  	[hbm4b:s4+s3] =	stream.indirect_vreg.scatter [tilespmem:s12], [sflag:$0x2], $0x80, v3, vm0, $0xb8;
	[tilespmem:$0x12100] =	vst v63  }
0x12c: {  	s12 =	simm.s32 $0xE900  }
0x12d: {  	[hbm4b:s5+s3] =	stream.indirect_vreg.scatter [tilespmem:s12], [sflag:$0x2], $0x80, v3, vm0, $0xb8;
	[tilespmem:$0x12100] =	vst v63  }
0x12e: {  	s12 =	simm.s32 $0xF100  }
0x12f: {  	[hbm4b:s6+s3] =	stream.indirect_vreg.scatter [tilespmem:s12], [sflag:$0x2], $0x80, v3, vm0, $0xb8;
	[tilespmem:$0x12100] =	vst v63  }
0x130: {  	s12 =	simm.s32 $0xF900  }
0x131: {  	[hbm4b:s7+s3] =	stream.indirect_vreg.scatter [tilespmem:s12], [sflag:$0x2], $0x80, v3, vm0, $0xb8;
	[tilespmem:$0x12100] =	vst v63  }
0x132: {  	_ = 	snop  }
0x133: {  	[hbm4b:s8+s28] =	stream.indirect.scatter [tilespmem:s31], [sflag:$0x4], $0x80, s29, s28, $0xb8;
	[tilespmem:$0x12100] =	vst v63  }
0x134: {  	_ =	swait.ge [sflag:s25], $0x8000  }
0x135: {  	[sflag:s25] =	ssyncset.done $0x0  }
0x136: {  	[sflag:s25] =	ssyncadd.s32 $0xFFFF8000  }
0x137: {  	_ =	swait.ge [sflag:s26], $0x1000  }
0x138: {  	[sflag:s26] =	ssyncset.done $0x0  }
0x139: {  	s12 =	rddreg [dreg:$0x10];
	[sflag:s26] =	ssyncadd.s32 $0xFFFFF000  }
0x13a: {  	[tilespmem:s3], [sflag:$0x5] =	stream.linear.gather [hbm4b:s12+s3], $0x20, $0x38;
	[tilespmem:$0x12100] =	vst v63  }
0x13b: {  	_ =	swait.ge [sflag:s9], $0x20  }
0x13c: {  	[sflag:s9] =	ssyncset.done $0x0  }
0x13d: {  	s12 =	rddreg [dreg:$0x11];
	[sflag:s9] =	ssyncadd.s32 $0xFFFFFFE0  }
0x13e: {  	[tilespmem:s22], [sflag:$0x5] =	stream.linear.gather [hbm4b:s12+s3], $0x8000, $0x38;
	[tilespmem:$0x12100] =	vst v63  }
0x13f: {  	_ =	swait.ge [sflag:s9], $0x8000  }
0x140: {  	[sflag:s9] =	ssyncset.done $0x0  }
0x141: {  	s12 =	rddreg [dreg:$0x12];
	[sflag:s9] =	ssyncadd.s32 $0xFFFF8000  }
0x142: {  	[tilespmem:s11], [sflag:$0x5] =	stream.linear.gather [hbm4b:s12+s3], $0x1000, $0x38;
	[tilespmem:$0x12100] =	vst v63  }
0x143: {  	_ =	swait.ge [sflag:s9], $0x1000  }
0x144: {  	[sflag:s9] =	ssyncset.done $0x0  }
0x145: {  	[sflag:s9] =	ssyncadd.s32 $0xFFFFF000  }
0x146: {  	v3 =	vld [tilespmem:$0x0];
	_ =	sdelay $0x4  }
0x147: {  	v40 =	vshll.u32 v3, $0x3  }
0x148: {  	v3 =	vand.u32 $0x7, v3;
	v4 =	vand.u32 $0xFFFFFFC0, v40  }
0x149: {  	v3 =	vor.u32 v3, v4  }
0x14a: {  	v4 =	vperm.xlane v3, v0;
	_ =	sdelay $0x1  }
0x14b: {  	v4 =	vadd.s32 v1, v4;
	_ =	sdelay $0x4  }
0x14c: {  	[hbm4b:s4+s3] =	stream.indirect_vreg.scatter [tilespmem:s22], [sflag:$0x1], $0x80, v4, vm0, $0xb8;
	[tilespmem:$0x12100] =	vst v63  }
0x14d: {  	s12 =	simm.s32 $0x900;
	v3 =	vperm.xlane v3, v2  }
0x14e: {  	[hbm4b:s5+s3] =	stream.indirect_vreg.scatter [tilespmem:s12], [sflag:$0x1], $0x80, v4, vm0, $0xb8;
	[tilespmem:$0x12100] =	vst v63  }
0x14f: {  	v3 =	vadd.s32 v1, v3  }
0x150: {  	[hbm4b:s6+s3] =	stream.indirect_vreg.scatter [tilespmem:s2], [sflag:$0x1], $0x80, v4, vm0, $0xb8;
	[tilespmem:$0x12100] =	vst v63  }
0x151: {  	_ = 	snop  }
0x152: {  	[hbm4b:s7+s3] =	stream.indirect_vreg.scatter [tilespmem:s10], [sflag:$0x1], $0x80, v4, vm0, $0xb8;
	[tilespmem:$0x12100] =	vst v63  }
0x153: {  	_ = 	snop  }
0x154: {  	[hbm4b:s4+s3] =	stream.indirect_vreg.scatter [tilespmem:s15], [sflag:$0x1], $0x80, v3, vm0, $0xb8;
	[tilespmem:$0x12100] =	vst v63  }
0x155: {  	_ = 	snop  }
0x156: {  	[hbm4b:s5+s3] =	stream.indirect_vreg.scatter [tilespmem:s16], [sflag:$0x1], $0x80, v3, vm0, $0xb8;
	[tilespmem:$0x12100] =	vst v63  }
0x157: {  	_ = 	snop  }
0x158: {  	[hbm4b:s6+s3] =	stream.indirect_vreg.scatter [tilespmem:s17], [sflag:$0x1], $0x80, v3, vm0, $0xb8;
	[tilespmem:$0x12100] =	vst v63  }
0x159: {  	s15 =	simm.s32 $0x3900  }
0x15a: {  	[hbm4b:s7+s3] =	stream.indirect_vreg.scatter [tilespmem:s15], [sflag:$0x1], $0x80, v3, vm0, $0xb8;
	[tilespmem:$0x12100] =	vst v63  }
0x15b: {  	v3 =	vld [tilespmem:$0x10];
	_ =	sdelay $0x4  }
0x15c: {  	v41 =	vshll.u32 v3, $0x3  }
0x15d: {  	v3 =	vand.u32 $0x7, v3;
	v4 =	vand.u32 $0xFFFFFFC0, v41  }
0x15e: {  	v3 =	vor.u32 v3, v4  }
0x15f: {  	v4 =	vperm.xlane v3, v0;
	_ =	sdelay $0x1  }
0x160: {  	v4 =	vadd.s32 v1, v4;
	_ =	sdelay $0x3  }
0x161: {  	s15 =	simm.s32 $0x4100  }
0x162: {  	[hbm4b:s4+s3] =	stream.indirect_vreg.scatter [tilespmem:s15], [sflag:$0x1], $0x80, v4, vm0, $0xb8;
	[tilespmem:$0x12100] =	vst v63  }
0x163: {  	v3 =	vperm.xlane v3, v2;
	s15 =	simm.s32 $0x4900  }
0x164: {  	[hbm4b:s5+s3] =	stream.indirect_vreg.scatter [tilespmem:s15], [sflag:$0x1], $0x80, v4, vm0, $0xb8;
	[tilespmem:$0x12100] =	vst v63  }
0x165: {  	v3 =	vadd.s32 v1, v3  }
0x166: {  	[hbm4b:s6+s3] =	stream.indirect_vreg.scatter [tilespmem:s18], [sflag:$0x1], $0x80, v4, vm0, $0xb8;
	[tilespmem:$0x12100] =	vst v63  }
0x167: {  	_ = 	snop  }
0x168: {  	[hbm4b:s7+s3] =	stream.indirect_vreg.scatter [tilespmem:s19], [sflag:$0x1], $0x80, v4, vm0, $0xb8;
	[tilespmem:$0x12100] =	vst v63  }
0x169: {  	_ = 	snop  }
0x16a: {  	[hbm4b:s4+s3] =	stream.indirect_vreg.scatter [tilespmem:s20], [sflag:$0x1], $0x80, v3, vm0, $0xb8;
	[tilespmem:$0x12100] =	vst v63  }
0x16b: {  	_ = 	snop  }
0x16c: {  	[hbm4b:s5+s3] =	stream.indirect_vreg.scatter [tilespmem:s21], [sflag:$0x1], $0x80, v3, vm0, $0xb8;
	[tilespmem:$0x12100] =	vst v63  }
0x16d: {  	_ = 	snop  }
0x16e: {  	[hbm4b:s6+s3] =	stream.indirect_vreg.scatter [tilespmem:s13], [sflag:$0x1], $0x80, v3, vm0, $0xb8;
	[tilespmem:$0x12100] =	vst v63  }
0x16f: {  	_ = 	snop  }
0x170: {  	[hbm4b:s7+s3] =	stream.indirect_vreg.scatter [tilespmem:s14], [sflag:$0x1], $0x80, v3, vm0, $0xb8;
	[tilespmem:$0x12100] =	vst v63  }
0x171: {  	_ = 	snop  }
0x172: {  	[hbm4b:s8+s28] =	stream.indirect.scatter [tilespmem:s11], [sflag:$0x3], $0x80, s3, s28, $0xb8;
	[tilespmem:$0x12100] =	vst v63  }
0x173: {  	_ =	swait.ge [sflag:s1], $0x8000  }
0x174: {  	[sflag:s1] =	ssyncset.done $0x0  }
0x175: {  	[sflag:s1] =	ssyncadd.s32 $0xFFFF8000  }
0x176: {  	_ =	swait.ge [sflag:s0], $0x1000  }
0x177: {  	[sflag:s0] =	ssyncset.done $0x0  }
0x178: {  	s14 =	rddreg [dreg:$0x13];
	[sflag:s0] =	ssyncadd.s32 $0xFFFFF000  }
0x179: {  	[tilespmem:s29], [sflag:$0x5] =	stream.linear.gather [hbm4b:s14+s3], $0x20, $0x38;
	[tilespmem:$0x12100] =	vst v63  }
0x17a: {  	_ =	swait.ge [sflag:s9], $0x20  }
0x17b: {  	[sflag:s9] =	ssyncset.done $0x0  }
0x17c: {  	s14 =	rddreg [dreg:$0x14];
	[sflag:s9] =	ssyncadd.s32 $0xFFFFFFE0  }
0x17d: {  	[tilespmem:s30], [sflag:$0x5] =	stream.linear.gather [hbm4b:s14+s3], $0x8000, $0x38;
	[tilespmem:$0x12100] =	vst v63  }
0x17e: {  	_ =	swait.ge [sflag:s9], $0x8000  }
0x17f: {  	[sflag:s9] =	ssyncset.done $0x0  }
0x180: {  	s14 =	rddreg [dreg:$0x15];
	[sflag:s9] =	ssyncadd.s32 $0xFFFF8000  }
0x181: {  	[tilespmem:s31], [sflag:$0x5] =	stream.linear.gather [hbm4b:s14+s3], $0x1000, $0x38;
	[tilespmem:$0x12100] =	vst v63  }
0x182: {  	_ =	swait.ge [sflag:s9], $0x1000  }
0x183: {  	[sflag:s9] =	ssyncset.done $0x0  }
0x184: {  	[sflag:s9] =	ssyncadd.s32 $0xFFFFF000  }
0x185: {  	v3 =	vld [tilespmem:$0x80];
	_ =	sdelay $0x4  }
0x186: {  	v42 =	vshll.u32 v3, $0x3  }
0x187: {  	v3 =	vand.u32 $0x7, v3;
	v4 =	vand.u32 $0xFFFFFFC0, v42  }
0x188: {  	v3 =	vor.u32 v3, v4  }
0x189: {  	v4 =	vperm.xlane v3, v0;
	_ =	sdelay $0x1  }
0x18a: {  	v4 =	vadd.s32 v1, v4;
	_ =	sdelay $0x4  }
0x18b: {  	[hbm4b:s4+s3] =	stream.indirect_vreg.scatter [tilespmem:s30], [sflag:$0x2], $0x80, v4, vm0, $0xb8;
	[tilespmem:$0x12100] =	vst v63  }
0x18c: {  	s14 =	simm.s32 $0x8900;
	v3 =	vperm.xlane v3, v2  }
0x18d: {  	[hbm4b:s5+s3] =	stream.indirect_vreg.scatter [tilespmem:s14], [sflag:$0x2], $0x80, v4, vm0, $0xb8;
	[tilespmem:$0x12100] =	vst v63  }
0x18e: {  	v3 =	vadd.s32 v1, v3;
	s14 =	simm.s32 $0x9100  }
0x18f: {  	[hbm4b:s6+s3] =	stream.indirect_vreg.scatter [tilespmem:s14], [sflag:$0x2], $0x80, v4, vm0, $0xb8;
	[tilespmem:$0x12100] =	vst v63  }
0x190: {  	s12 =	simm.s32 $0x9900  }
0x191: {  	[hbm4b:s7+s3] =	stream.indirect_vreg.scatter [tilespmem:s12], [sflag:$0x2], $0x80, v4, vm0, $0xb8;
	[tilespmem:$0x12100] =	vst v63  }
0x192: {  	s12 =	simm.s32 $0xA100  }
0x193: {  	[hbm4b:s4+s3] =	stream.indirect_vreg.scatter [tilespmem:s12], [sflag:$0x2], $0x80, v3, vm0, $0xb8;
	[tilespmem:$0x12100] =	vst v63  }
0x194: {  	s12 =	simm.s32 $0xA900  }
0x195: {  	[hbm4b:s5+s3] =	stream.indirect_vreg.scatter [tilespmem:s12], [sflag:$0x2], $0x80, v3, vm0, $0xb8;
	[tilespmem:$0x12100] =	vst v63  }
0x196: {  	s12 =	simm.s32 $0xB100  }
0x197: {  	[hbm4b:s6+s3] =	stream.indirect_vreg.scatter [tilespmem:s12], [sflag:$0x2], $0x80, v3, vm0, $0xb8;
	[tilespmem:$0x12100] =	vst v63  }
0x198: {  	s12 =	simm.s32 $0xB900  }
0x199: {  	[hbm4b:s7+s3] =	stream.indirect_vreg.scatter [tilespmem:s12], [sflag:$0x2], $0x80, v3, vm0, $0xb8;
	[tilespmem:$0x12100] =	vst v63  }
0x19a: {  	v3 =	vld [tilespmem:$0x90];
	_ =	sdelay $0x4  }
0x19b: {  	v43 =	vshll.u32 v3, $0x3  }
0x19c: {  	v3 =	vand.u32 $0x7, v3;
	v4 =	vand.u32 $0xFFFFFFC0, v43  }
0x19d: {  	v3 =	vor.u32 v3, v4  }
0x19e: {  	v4 =	vperm.xlane v3, v0;
	_ =	sdelay $0x1  }
0x19f: {  	v4 =	vadd.s32 v1, v4;
	_ =	sdelay $0x3  }
0x1a0: {  	s12 =	simm.s32 $0xC100  }
0x1a1: {  	[hbm4b:s4+s3] =	stream.indirect_vreg.scatter [tilespmem:s12], [sflag:$0x2], $0x80, v4, vm0, $0xb8;
	[tilespmem:$0x12100] =	vst v63  }
0x1a2: {  	v3 =	vperm.xlane v3, v2;
	s12 =	simm.s32 $0xC900  }
0x1a3: {  	[hbm4b:s5+s3] =	stream.indirect_vreg.scatter [tilespmem:s12], [sflag:$0x2], $0x80, v4, vm0, $0xb8;
	[tilespmem:$0x12100] =	vst v63  }
0x1a4: {  	s23 =	simm.s32 $0xD100;
	v3 =	vadd.s32 v1, v3  }
0x1a5: {  	[hbm4b:s6+s3] =	stream.indirect_vreg.scatter [tilespmem:s23], [sflag:$0x2], $0x80, v4, vm0, $0xb8;
	[tilespmem:$0x12100] =	vst v63  }
0x1a6: {  	s24 =	simm.s32 $0xD900  }
0x1a7: {  	[hbm4b:s7+s3] =	stream.indirect_vreg.scatter [tilespmem:s24], [sflag:$0x2], $0x80, v4, vm0, $0xb8;
	[tilespmem:$0x12100] =	vst v63  }
0x1a8: {  	s12 =	simm.s32 $0xE100  }
0x1a9: {  	[hbm4b:s4+s3] =	stream.indirect_vreg.scatter [tilespmem:s12], [sflag:$0x2], $0x80, v3, vm0, $0xb8;
	[tilespmem:$0x12100] =	vst v63  }
0x1aa: {  	s12 =	simm.s32 $0xE900  }
0x1ab: {  	[hbm4b:s5+s3] =	stream.indirect_vreg.scatter [tilespmem:s12], [sflag:$0x2], $0x80, v3, vm0, $0xb8;
	[tilespmem:$0x12100] =	vst v63  }
0x1ac: {  	s12 =	simm.s32 $0xF100  }
0x1ad: {  	[hbm4b:s6+s3] =	stream.indirect_vreg.scatter [tilespmem:s12], [sflag:$0x2], $0x80, v3, vm0, $0xb8;
	[tilespmem:$0x12100] =	vst v63  }
0x1ae: {  	s12 =	simm.s32 $0xF900  }
0x1af: {  	[hbm4b:s7+s3] =	stream.indirect_vreg.scatter [tilespmem:s12], [sflag:$0x2], $0x80, v3, vm0, $0xb8;
	[tilespmem:$0x12100] =	vst v63  }
0x1b0: {  	_ = 	snop  }
0x1b1: {  	[hbm4b:s8+s28] =	stream.indirect.scatter [tilespmem:s31], [sflag:$0x4], $0x80, s29, s28, $0xb8;
	[tilespmem:$0x12100] =	vst v63  }
0x1b2: {  	_ =	swait.ge [sflag:s25], $0x8000  }
0x1b3: {  	[sflag:s25] =	ssyncset.done $0x0  }
0x1b4: {  	[sflag:s25] =	ssyncadd.s32 $0xFFFF8000  }
0x1b5: {  	_ =	swait.ge [sflag:s26], $0x1000  }
0x1b6: {  	[sflag:s26] =	ssyncset.done $0x0  }
0x1b7: {  	s12 =	rddreg [dreg:$0x16];
	[sflag:s26] =	ssyncadd.s32 $0xFFFFF000  }
0x1b8: {  	[tilespmem:s3], [sflag:$0x5] =	stream.linear.gather [hbm4b:s12+s3], $0x20, $0x38;
	[tilespmem:$0x12100] =	vst v63  }
0x1b9: {  	_ =	swait.ge [sflag:s9], $0x20  }
0x1ba: {  	[sflag:s9] =	ssyncset.done $0x0  }
0x1bb: {  	s12 =	rddreg [dreg:$0x17];
	[sflag:s9] =	ssyncadd.s32 $0xFFFFFFE0  }
0x1bc: {  	[tilespmem:s22], [sflag:$0x5] =	stream.linear.gather [hbm4b:s12+s3], $0x8000, $0x38;
	[tilespmem:$0x12100] =	vst v63  }
0x1bd: {  	_ =	swait.ge [sflag:s9], $0x8000  }
0x1be: {  	[sflag:s9] =	ssyncset.done $0x0  }
0x1bf: {  	s12 =	rddreg [dreg:$0x18];
	[sflag:s9] =	ssyncadd.s32 $0xFFFF8000  }
0x1c0: {  	[tilespmem:s11], [sflag:$0x5] =	stream.linear.gather [hbm4b:s12+s3], $0x1000, $0x38;
	[tilespmem:$0x12100] =	vst v63  }
0x1c1: {  	_ =	swait.ge [sflag:s9], $0x1000  }
0x1c2: {  	[sflag:s9] =	ssyncset.done $0x0  }
0x1c3: {  	[sflag:s9] =	ssyncadd.s32 $0xFFFFF000  }
0x1c4: {  	v3 =	vld [tilespmem:$0x0];
	_ =	sdelay $0x4  }
0x1c5: {  	v44 =	vshll.u32 v3, $0x3  }
0x1c6: {  	v3 =	vand.u32 $0x7, v3;
	v4 =	vand.u32 $0xFFFFFFC0, v44  }
0x1c7: {  	v3 =	vor.u32 v3, v4  }
0x1c8: {  	v4 =	vperm.xlane v3, v0;
	_ =	sdelay $0x1  }
0x1c9: {  	v4 =	vadd.s32 v1, v4;
	_ =	sdelay $0x4  }
0x1ca: {  	[hbm4b:s4+s3] =	stream.indirect_vreg.scatter [tilespmem:s22], [sflag:$0x1], $0x80, v4, vm0, $0xb8;
	[tilespmem:$0x12100] =	vst v63  }
0x1cb: {  	s12 =	simm.s32 $0x900;
	v3 =	vperm.xlane v3, v2  }
0x1cc: {  	[hbm4b:s5+s3] =	stream.indirect_vreg.scatter [tilespmem:s12], [sflag:$0x1], $0x80, v4, vm0, $0xb8;
	[tilespmem:$0x12100] =	vst v63  }
0x1cd: {  	v3 =	vadd.s32 v1, v3;
	s12 =	simm.s32 $0x1100  }
0x1ce: {  	[hbm4b:s6+s3] =	stream.indirect_vreg.scatter [tilespmem:s12], [sflag:$0x1], $0x80, v4, vm0, $0xb8;
	[tilespmem:$0x12100] =	vst v63  }
0x1cf: {  	s2 =	simm.s32 $0x1900  }
0x1d0: {  	[hbm4b:s7+s3] =	stream.indirect_vreg.scatter [tilespmem:s2], [sflag:$0x1], $0x80, v4, vm0, $0xb8;
	[tilespmem:$0x12100] =	vst v63  }
0x1d1: {  	s10 =	simm.s32 $0x2100  }
0x1d2: {  	[hbm4b:s4+s3] =	stream.indirect_vreg.scatter [tilespmem:s10], [sflag:$0x1], $0x80, v3, vm0, $0xb8;
	[tilespmem:$0x12100] =	vst v63  }
0x1d3: {  	s16 =	simm.s32 $0x2900  }
0x1d4: {  	[hbm4b:s5+s3] =	stream.indirect_vreg.scatter [tilespmem:s16], [sflag:$0x1], $0x80, v3, vm0, $0xb8;
	[tilespmem:$0x12100] =	vst v63  }
0x1d5: {  	s17 =	simm.s32 $0x3100  }
0x1d6: {  	[hbm4b:s6+s3] =	stream.indirect_vreg.scatter [tilespmem:s17], [sflag:$0x1], $0x80, v3, vm0, $0xb8;
	[tilespmem:$0x12100] =	vst v63  }
0x1d7: {  	s16 =	simm.s32 $0x3900  }
0x1d8: {  	[hbm4b:s7+s3] =	stream.indirect_vreg.scatter [tilespmem:s16], [sflag:$0x1], $0x80, v3, vm0, $0xb8;
	[tilespmem:$0x12100] =	vst v63  }
0x1d9: {  	v3 =	vld [tilespmem:$0x10];
	_ =	sdelay $0x4  }
0x1da: {  	v45 =	vshll.u32 v3, $0x3  }
0x1db: {  	v3 =	vand.u32 $0x7, v3;
	v4 =	vand.u32 $0xFFFFFFC0, v45  }
0x1dc: {  	v3 =	vor.u32 v3, v4  }
0x1dd: {  	v4 =	vperm.xlane v3, v0;
	_ =	sdelay $0x1  }
0x1de: {  	v4 =	vadd.s32 v1, v4;
	_ =	sdelay $0x3  }
0x1df: {  	s16 =	simm.s32 $0x4100  }
0x1e0: {  	[hbm4b:s4+s3] =	stream.indirect_vreg.scatter [tilespmem:s16], [sflag:$0x1], $0x80, v4, vm0, $0xb8;
	[tilespmem:$0x12100] =	vst v63  }
0x1e1: {  	v3 =	vperm.xlane v3, v2;
	s16 =	simm.s32 $0x4900  }
0x1e2: {  	[hbm4b:s5+s3] =	stream.indirect_vreg.scatter [tilespmem:s16], [sflag:$0x1], $0x80, v4, vm0, $0xb8;
	[tilespmem:$0x12100] =	vst v63  }
0x1e3: {  	s18 =	simm.s32 $0x5100;
	v3 =	vadd.s32 v1, v3  }
0x1e4: {  	[hbm4b:s6+s3] =	stream.indirect_vreg.scatter [tilespmem:s18], [sflag:$0x1], $0x80, v4, vm0, $0xb8;
	[tilespmem:$0x12100] =	vst v63  }
0x1e5: {  	s19 =	simm.s32 $0x5900  }
0x1e6: {  	[hbm4b:s7+s3] =	stream.indirect_vreg.scatter [tilespmem:s19], [sflag:$0x1], $0x80, v4, vm0, $0xb8;
	[tilespmem:$0x12100] =	vst v63  }
0x1e7: {  	s20 =	simm.s32 $0x6100  }
0x1e8: {  	[hbm4b:s4+s3] =	stream.indirect_vreg.scatter [tilespmem:s20], [sflag:$0x1], $0x80, v3, vm0, $0xb8;
	[tilespmem:$0x12100] =	vst v63  }
0x1e9: {  	s21 =	simm.s32 $0x6900  }
0x1ea: {  	[hbm4b:s5+s3] =	stream.indirect_vreg.scatter [tilespmem:s21], [sflag:$0x1], $0x80, v3, vm0, $0xb8;
	[tilespmem:$0x12100] =	vst v63  }
0x1eb: {  	s15 =	simm.s32 $0x7100  }
0x1ec: {  	[hbm4b:s6+s3] =	stream.indirect_vreg.scatter [tilespmem:s15], [sflag:$0x1], $0x80, v3, vm0, $0xb8;
	[tilespmem:$0x12100] =	vst v63  }
0x1ed: {  	s13 =	simm.s32 $0x7900  }
0x1ee: {  	[hbm4b:s7+s3] =	stream.indirect_vreg.scatter [tilespmem:s13], [sflag:$0x1], $0x80, v3, vm0, $0xb8;
	[tilespmem:$0x12100] =	vst v63  }
0x1ef: {  	_ = 	snop  }
0x1f0: {  	[hbm4b:s8+s28] =	stream.indirect.scatter [tilespmem:s11], [sflag:$0x3], $0x80, s3, s28, $0xb8;
	[tilespmem:$0x12100] =	vst v63  }
0x1f1: {  	_ =	swait.ge [sflag:s1], $0x8000  }
0x1f2: {  	[sflag:s1] =	ssyncset.done $0x0  }
0x1f3: {  	[sflag:s1] =	ssyncadd.s32 $0xFFFF8000  }
0x1f4: {  	_ =	swait.ge [sflag:s0], $0x1000  }
0x1f5: {  	[sflag:s0] =	ssyncset.done $0x0  }
0x1f6: {  	s15 =	rddreg [dreg:$0x19];
	[sflag:s0] =	ssyncadd.s32 $0xFFFFF000  }
0x1f7: {  	[tilespmem:s29], [sflag:$0x5] =	stream.linear.gather [hbm4b:s15+s3], $0x20, $0x38;
	[tilespmem:$0x12100] =	vst v63  }
0x1f8: {  	_ =	swait.ge [sflag:s9], $0x20  }
0x1f9: {  	[sflag:s9] =	ssyncset.done $0x0  }
0x1fa: {  	s15 =	rddreg [dreg:$0x1a];
	[sflag:s9] =	ssyncadd.s32 $0xFFFFFFE0  }
0x1fb: {  	[tilespmem:s30], [sflag:$0x5] =	stream.linear.gather [hbm4b:s15+s3], $0x8000, $0x38;
	[tilespmem:$0x12100] =	vst v63  }
0x1fc: {  	_ =	swait.ge [sflag:s9], $0x8000  }
0x1fd: {  	[sflag:s9] =	ssyncset.done $0x0  }
0x1fe: {  	s15 =	rddreg [dreg:$0x1b];
	[sflag:s9] =	ssyncadd.s32 $0xFFFF8000  }
0x1ff: {  	[tilespmem:s31], [sflag:$0x5] =	stream.linear.gather [hbm4b:s15+s3], $0x1000, $0x38;
	[tilespmem:$0x12100] =	vst v63  }
0x200: {  	_ =	swait.ge [sflag:s9], $0x1000  }
0x201: {  	[sflag:s9] =	ssyncset.done $0x0  }
0x202: {  	[sflag:s9] =	ssyncadd.s32 $0xFFFFF000  }
0x203: {  	v3 =	vld [tilespmem:$0x80];
	_ =	sdelay $0x4  }
0x204: {  	v46 =	vshll.u32 v3, $0x3  }
0x205: {  	v3 =	vand.u32 $0x7, v3;
	v4 =	vand.u32 $0xFFFFFFC0, v46  }
0x206: {  	v3 =	vor.u32 v3, v4  }
0x207: {  	v4 =	vperm.xlane v3, v0;
	_ =	sdelay $0x1  }
0x208: {  	v4 =	vadd.s32 v1, v4;
	_ =	sdelay $0x4  }
0x209: {  	[hbm4b:s4+s3] =	stream.indirect_vreg.scatter [tilespmem:s30], [sflag:$0x2], $0x80, v4, vm0, $0xb8;
	[tilespmem:$0x12100] =	vst v63  }
0x20a: {  	s15 =	simm.s32 $0x8900;
	v3 =	vperm.xlane v3, v2  }
0x20b: {  	[hbm4b:s5+s3] =	stream.indirect_vreg.scatter [tilespmem:s15], [sflag:$0x2], $0x80, v4, vm0, $0xb8;
	[tilespmem:$0x12100] =	vst v63  }
0x20c: {  	s14 =	simm.s32 $0x9100;
	v3 =	vadd.s32 v1, v3  }
0x20d: {  	[hbm4b:s6+s3] =	stream.indirect_vreg.scatter [tilespmem:s14], [sflag:$0x2], $0x80, v4, vm0, $0xb8;
	[tilespmem:$0x12100] =	vst v63  }
0x20e: {  	s15 =	simm.s32 $0x9900  }
0x20f: {  	[hbm4b:s7+s3] =	stream.indirect_vreg.scatter [tilespmem:s15], [sflag:$0x2], $0x80, v4, vm0, $0xb8;
	[tilespmem:$0x12100] =	vst v63  }
0x210: {  	s12 =	simm.s32 $0xA100  }
0x211: {  	[hbm4b:s4+s3] =	stream.indirect_vreg.scatter [tilespmem:s12], [sflag:$0x2], $0x80, v3, vm0, $0xb8;
	[tilespmem:$0x12100] =	vst v63  }
0x212: {  	s12 =	simm.s32 $0xA900  }
0x213: {  	[hbm4b:s5+s3] =	stream.indirect_vreg.scatter [tilespmem:s12], [sflag:$0x2], $0x80, v3, vm0, $0xb8;
	[tilespmem:$0x12100] =	vst v63  }
0x214: {  	s12 =	simm.s32 $0xB100  }
0x215: {  	[hbm4b:s6+s3] =	stream.indirect_vreg.scatter [tilespmem:s12], [sflag:$0x2], $0x80, v3, vm0, $0xb8;
	[tilespmem:$0x12100] =	vst v63  }
0x216: {  	s12 =	simm.s32 $0xB900  }
0x217: {  	[hbm4b:s7+s3] =	stream.indirect_vreg.scatter [tilespmem:s12], [sflag:$0x2], $0x80, v3, vm0, $0xb8;
	[tilespmem:$0x12100] =	vst v63  }
0x218: {  	v3 =	vld [tilespmem:$0x90];
	_ =	sdelay $0x4  }
0x219: {  	v47 =	vshll.u32 v3, $0x3  }
0x21a: {  	v3 =	vand.u32 $0x7, v3;
	v4 =	vand.u32 $0xFFFFFFC0, v47  }
0x21b: {  	v3 =	vor.u32 v3, v4  }
0x21c: {  	v4 =	vperm.xlane v3, v0;
	_ =	sdelay $0x1  }
0x21d: {  	v4 =	vadd.s32 v1, v4;
	_ =	sdelay $0x3  }
0x21e: {  	s12 =	simm.s32 $0xC100  }
0x21f: {  	[hbm4b:s4+s3] =	stream.indirect_vreg.scatter [tilespmem:s12], [sflag:$0x2], $0x80, v4, vm0, $0xb8;
	[tilespmem:$0x12100] =	vst v63  }
0x220: {  	v3 =	vperm.xlane v3, v2;
	s12 =	simm.s32 $0xC900  }
0x221: {  	[hbm4b:s5+s3] =	stream.indirect_vreg.scatter [tilespmem:s12], [sflag:$0x2], $0x80, v4, vm0, $0xb8;
	[tilespmem:$0x12100] =	vst v63  }
0x222: {  	s23 =	simm.s32 $0xD100;
	v3 =	vadd.s32 v1, v3  }
0x223: {  	[hbm4b:s6+s3] =	stream.indirect_vreg.scatter [tilespmem:s23], [sflag:$0x2], $0x80, v4, vm0, $0xb8;
	[tilespmem:$0x12100] =	vst v63  }
0x224: {  	s24 =	simm.s32 $0xD900  }
0x225: {  	[hbm4b:s7+s3] =	stream.indirect_vreg.scatter [tilespmem:s24], [sflag:$0x2], $0x80, v4, vm0, $0xb8;
	[tilespmem:$0x12100] =	vst v63  }
0x226: {  	s12 =	simm.s32 $0xE100  }
0x227: {  	[hbm4b:s4+s3] =	stream.indirect_vreg.scatter [tilespmem:s12], [sflag:$0x2], $0x80, v3, vm0, $0xb8;
	[tilespmem:$0x12100] =	vst v63  }
0x228: {  	s12 =	simm.s32 $0xE900  }
0x229: {  	[hbm4b:s5+s3] =	stream.indirect_vreg.scatter [tilespmem:s12], [sflag:$0x2], $0x80, v3, vm0, $0xb8;
	[tilespmem:$0x12100] =	vst v63  }
0x22a: {  	s12 =	simm.s32 $0xF100  }
0x22b: {  	[hbm4b:s6+s3] =	stream.indirect_vreg.scatter [tilespmem:s12], [sflag:$0x2], $0x80, v3, vm0, $0xb8;
	[tilespmem:$0x12100] =	vst v63  }
0x22c: {  	s12 =	simm.s32 $0xF900  }
0x22d: {  	[hbm4b:s7+s3] =	stream.indirect_vreg.scatter [tilespmem:s12], [sflag:$0x2], $0x80, v3, vm0, $0xb8;
	[tilespmem:$0x12100] =	vst v63  }
0x22e: {  	_ = 	snop  }
0x22f: {  	[hbm4b:s8+s28] =	stream.indirect.scatter [tilespmem:s31], [sflag:$0x4], $0x80, s29, s28, $0xb8;
	[tilespmem:$0x12100] =	vst v63  }
0x230: {  	_ =	swait.ge [sflag:s25], $0x8000  }
0x231: {  	[sflag:s25] =	ssyncset.done $0x0  }
0x232: {  	[sflag:s25] =	ssyncadd.s32 $0xFFFF8000  }
0x233: {  	_ =	swait.ge [sflag:s26], $0x1000  }
0x234: {  	[sflag:s26] =	ssyncset.done $0x0  }
0x235: {  	s12 =	rddreg [dreg:$0x1c];
	[sflag:s26] =	ssyncadd.s32 $0xFFFFF000  }
0x236: {  	[tilespmem:s3], [sflag:$0x5] =	stream.linear.gather [hbm4b:s12+s3], $0x20, $0x38;
	[tilespmem:$0x12100] =	vst v63  }
0x237: {  	_ =	swait.ge [sflag:s9], $0x20  }
0x238: {  	[sflag:s9] =	ssyncset.done $0x0  }
0x239: {  	s12 =	rddreg [dreg:$0x1d];
	[sflag:s9] =	ssyncadd.s32 $0xFFFFFFE0  }
0x23a: {  	[tilespmem:s22], [sflag:$0x5] =	stream.linear.gather [hbm4b:s12+s3], $0x8000, $0x38;
	[tilespmem:$0x12100] =	vst v63  }
0x23b: {  	_ =	swait.ge [sflag:s9], $0x8000  }
0x23c: {  	[sflag:s9] =	ssyncset.done $0x0  }
0x23d: {  	s12 =	rddreg [dreg:$0x1e];
	[sflag:s9] =	ssyncadd.s32 $0xFFFF8000  }
0x23e: {  	[tilespmem:s11], [sflag:$0x5] =	stream.linear.gather [hbm4b:s12+s3], $0x1000, $0x38;
	[tilespmem:$0x12100] =	vst v63  }
0x23f: {  	_ =	swait.ge [sflag:s9], $0x1000  }
0x240: {  	[sflag:s9] =	ssyncset.done $0x0  }
0x241: {  	[sflag:s9] =	ssyncadd.s32 $0xFFFFF000  }
0x242: {  	v3 =	vld [tilespmem:$0x0];
	_ =	sdelay $0x4  }
0x243: {  	v48 =	vshll.u32 v3, $0x3  }
0x244: {  	v3 =	vand.u32 $0x7, v3;
	v4 =	vand.u32 $0xFFFFFFC0, v48  }
0x245: {  	v3 =	vor.u32 v3, v4  }
0x246: {  	v4 =	vperm.xlane v3, v0;
	_ =	sdelay $0x1  }
0x247: {  	v4 =	vadd.s32 v1, v4;
	_ =	sdelay $0x4  }
0x248: {  	[hbm4b:s4+s3] =	stream.indirect_vreg.scatter [tilespmem:s22], [sflag:$0x1], $0x80, v4, vm0, $0xb8;
	[tilespmem:$0x12100] =	vst v63  }
0x249: {  	s12 =	simm.s32 $0x900;
	v3 =	vperm.xlane v3, v2  }
0x24a: {  	[hbm4b:s5+s3] =	stream.indirect_vreg.scatter [tilespmem:s12], [sflag:$0x1], $0x80, v4, vm0, $0xb8;
	[tilespmem:$0x12100] =	vst v63  }
0x24b: {  	v3 =	vadd.s32 v1, v3;
	s12 =	simm.s32 $0x1100  }
0x24c: {  	[hbm4b:s6+s3] =	stream.indirect_vreg.scatter [tilespmem:s12], [sflag:$0x1], $0x80, v4, vm0, $0xb8;
	[tilespmem:$0x12100] =	vst v63  }
0x24d: {  	s2 =	simm.s32 $0x1900  }
0x24e: {  	[hbm4b:s7+s3] =	stream.indirect_vreg.scatter [tilespmem:s2], [sflag:$0x1], $0x80, v4, vm0, $0xb8;
	[tilespmem:$0x12100] =	vst v63  }
0x24f: {  	s10 =	simm.s32 $0x2100  }
0x250: {  	[hbm4b:s4+s3] =	stream.indirect_vreg.scatter [tilespmem:s10], [sflag:$0x1], $0x80, v3, vm0, $0xb8;
	[tilespmem:$0x12100] =	vst v63  }
0x251: {  	s12 =	simm.s32 $0x2900  }
0x252: {  	[hbm4b:s5+s3] =	stream.indirect_vreg.scatter [tilespmem:s12], [sflag:$0x1], $0x80, v3, vm0, $0xb8;
	[tilespmem:$0x12100] =	vst v63  }
0x253: {  	s17 =	simm.s32 $0x3100  }
0x254: {  	[hbm4b:s6+s3] =	stream.indirect_vreg.scatter [tilespmem:s17], [sflag:$0x1], $0x80, v3, vm0, $0xb8;
	[tilespmem:$0x12100] =	vst v63  }
0x255: {  	s17 =	simm.s32 $0x3900  }
0x256: {  	[hbm4b:s7+s3] =	stream.indirect_vreg.scatter [tilespmem:s17], [sflag:$0x1], $0x80, v3, vm0, $0xb8;
	[tilespmem:$0x12100] =	vst v63  }
0x257: {  	v3 =	vld [tilespmem:$0x10];
	_ =	sdelay $0x4  }
0x258: {  	v49 =	vshll.u32 v3, $0x3  }
0x259: {  	v3 =	vand.u32 $0x7, v3;
	v4 =	vand.u32 $0xFFFFFFC0, v49  }
0x25a: {  	v3 =	vor.u32 v3, v4  }
0x25b: {  	v4 =	vperm.xlane v3, v0;
	_ =	sdelay $0x1  }
0x25c: {  	v4 =	vadd.s32 v1, v4;
	_ =	sdelay $0x3  }
0x25d: {  	s17 =	simm.s32 $0x4100  }
0x25e: {  	[hbm4b:s4+s3] =	stream.indirect_vreg.scatter [tilespmem:s17], [sflag:$0x1], $0x80, v4, vm0, $0xb8;
	[tilespmem:$0x12100] =	vst v63  }
0x25f: {  	v3 =	vperm.xlane v3, v2;
	s17 =	simm.s32 $0x4900  }
0x260: {  	[hbm4b:s5+s3] =	stream.indirect_vreg.scatter [tilespmem:s17], [sflag:$0x1], $0x80, v4, vm0, $0xb8;
	[tilespmem:$0x12100] =	vst v63  }
0x261: {  	s18 =	simm.s32 $0x5100;
	v3 =	vadd.s32 v1, v3  }
0x262: {  	[hbm4b:s6+s3] =	stream.indirect_vreg.scatter [tilespmem:s18], [sflag:$0x1], $0x80, v4, vm0, $0xb8;
	[tilespmem:$0x12100] =	vst v63  }
0x263: {  	s19 =	simm.s32 $0x5900  }
0x264: {  	[hbm4b:s7+s3] =	stream.indirect_vreg.scatter [tilespmem:s19], [sflag:$0x1], $0x80, v4, vm0, $0xb8;
	[tilespmem:$0x12100] =	vst v63  }
0x265: {  	s20 =	simm.s32 $0x6100  }
0x266: {  	[hbm4b:s4+s3] =	stream.indirect_vreg.scatter [tilespmem:s20], [sflag:$0x1], $0x80, v3, vm0, $0xb8;
	[tilespmem:$0x12100] =	vst v63  }
0x267: {  	s21 =	simm.s32 $0x6900  }
0x268: {  	[hbm4b:s5+s3] =	stream.indirect_vreg.scatter [tilespmem:s21], [sflag:$0x1], $0x80, v3, vm0, $0xb8;
	[tilespmem:$0x12100] =	vst v63  }
0x269: {  	s16 =	simm.s32 $0x7100  }
0x26a: {  	[hbm4b:s6+s3] =	stream.indirect_vreg.scatter [tilespmem:s16], [sflag:$0x1], $0x80, v3, vm0, $0xb8;
	[tilespmem:$0x12100] =	vst v63  }
0x26b: {  	s13 =	simm.s32 $0x7900  }
0x26c: {  	[hbm4b:s7+s3] =	stream.indirect_vreg.scatter [tilespmem:s13], [sflag:$0x1], $0x80, v3, vm0, $0xb8;
	[tilespmem:$0x12100] =	vst v63  }
0x26d: {  	_ = 	snop  }
0x26e: {  	[hbm4b:s8+s28] =	stream.indirect.scatter [tilespmem:s11], [sflag:$0x3], $0x80, s3, s28, $0xb8;
	[tilespmem:$0x12100] =	vst v63  }
0x26f: {  	_ =	swait.ge [sflag:s1], $0x8000  }
0x270: {  	[sflag:s1] =	ssyncset.done $0x0  }
0x271: {  	[sflag:s1] =	ssyncadd.s32 $0xFFFF8000  }
0x272: {  	_ =	swait.ge [sflag:s0], $0x1000  }
0x273: {  	[sflag:s0] =	ssyncset.done $0x0  }
0x274: {  	s16 =	rddreg [dreg:$0x1f];
	[sflag:s0] =	ssyncadd.s32 $0xFFFFF000  }
0x275: {  	[tilespmem:s29], [sflag:$0x5] =	stream.linear.gather [hbm4b:s16+s3], $0x20, $0x38;
	[tilespmem:$0x12100] =	vst v63  }
0x276: {  	_ =	swait.ge [sflag:s9], $0x20  }
0x277: {  	s16 =	sld [smem:$0x7EA]  }
0x278: {  	[sflag:s9] =	ssyncset.done $0x0  }
0x279: {  	[sflag:s9] =	ssyncadd.s32 $0xFFFFFFE0  }
0x27a: {  	[tilespmem:s30], [sflag:$0x5] =	stream.linear.gather [hbm4b:s16+s3], $0x8000, $0x38;
	[tilespmem:$0x12100] =	vst v63  }
0x27b: {  	_ =	swait.ge [sflag:s9], $0x8000  }
0x27c: {  	s16 =	sld [smem:$0x7EB]  }
0x27d: {  	[sflag:s9] =	ssyncset.done $0x0  }
0x27e: {  	[sflag:s9] =	ssyncadd.s32 $0xFFFF8000  }
0x27f: {  	[tilespmem:s31], [sflag:$0x5] =	stream.linear.gather [hbm4b:s16+s3], $0x1000, $0x38;
	[tilespmem:$0x12100] =	vst v63  }
0x280: {  	_ =	swait.ge [sflag:s9], $0x1000  }
0x281: {  	[sflag:s9] =	ssyncset.done $0x0  }
0x282: {  	[sflag:s9] =	ssyncadd.s32 $0xFFFFF000  }
0x283: {  	v3 =	vld [tilespmem:$0x80];
	_ =	sdelay $0x4  }
0x284: {  	v50 =	vshll.u32 v3, $0x3  }
0x285: {  	v3 =	vand.u32 $0x7, v3;
	v4 =	vand.u32 $0xFFFFFFC0, v50  }
0x286: {  	v3 =	vor.u32 v3, v4  }
0x287: {  	v4 =	vperm.xlane v3, v0;
	_ =	sdelay $0x1  }
0x288: {  	v4 =	vadd.s32 v1, v4;
	_ =	sdelay $0x4  }
0x289: {  	[hbm4b:s4+s3] =	stream.indirect_vreg.scatter [tilespmem:s30], [sflag:$0x2], $0x80, v4, vm0, $0xb8;
	[tilespmem:$0x12100] =	vst v63  }
0x28a: {  	s16 =	simm.s32 $0x8900;
	v3 =	vperm.xlane v3, v2  }
0x28b: {  	[hbm4b:s5+s3] =	stream.indirect_vreg.scatter [tilespmem:s16], [sflag:$0x2], $0x80, v4, vm0, $0xb8;
	[tilespmem:$0x12100] =	vst v63  }
0x28c: {  	s14 =	simm.s32 $0x9100;
	v3 =	vadd.s32 v1, v3  }
0x28d: {  	[hbm4b:s6+s3] =	stream.indirect_vreg.scatter [tilespmem:s14], [sflag:$0x2], $0x80, v4, vm0, $0xb8;
	[tilespmem:$0x12100] =	vst v63  }
0x28e: {  	s15 =	simm.s32 $0x9900  }
0x28f: {  	[hbm4b:s7+s3] =	stream.indirect_vreg.scatter [tilespmem:s15], [sflag:$0x2], $0x80, v4, vm0, $0xb8;
	[tilespmem:$0x12100] =	vst v63  }
0x290: {  	s16 =	simm.s32 $0xA100  }
0x291: {  	[hbm4b:s4+s3] =	stream.indirect_vreg.scatter [tilespmem:s16], [sflag:$0x2], $0x80, v3, vm0, $0xb8;
	[tilespmem:$0x12100] =	vst v63  }
0x292: {  	s12 =	simm.s32 $0xA900  }
0x293: {  	[hbm4b:s5+s3] =	stream.indirect_vreg.scatter [tilespmem:s12], [sflag:$0x2], $0x80, v3, vm0, $0xb8;
	[tilespmem:$0x12100] =	vst v63  }
0x294: {  	s12 =	simm.s32 $0xB100  }
0x295: {  	[hbm4b:s6+s3] =	stream.indirect_vreg.scatter [tilespmem:s12], [sflag:$0x2], $0x80, v3, vm0, $0xb8;
	[tilespmem:$0x12100] =	vst v63  }
0x296: {  	s12 =	simm.s32 $0xB900  }
0x297: {  	[hbm4b:s7+s3] =	stream.indirect_vreg.scatter [tilespmem:s12], [sflag:$0x2], $0x80, v3, vm0, $0xb8;
	[tilespmem:$0x12100] =	vst v63  }
0x298: {  	v3 =	vld [tilespmem:$0x90];
	_ =	sdelay $0x4  }
0x299: {  	v51 =	vshll.u32 v3, $0x3  }
0x29a: {  	v3 =	vand.u32 $0x7, v3;
	v4 =	vand.u32 $0xFFFFFFC0, v51  }
0x29b: {  	v3 =	vor.u32 v3, v4  }
0x29c: {  	v4 =	vperm.xlane v3, v0;
	_ =	sdelay $0x1  }
0x29d: {  	v4 =	vadd.s32 v1, v4;
	_ =	sdelay $0x3  }
0x29e: {  	s12 =	simm.s32 $0xC100  }
0x29f: {  	[hbm4b:s4+s3] =	stream.indirect_vreg.scatter [tilespmem:s12], [sflag:$0x2], $0x80, v4, vm0, $0xb8;
	[tilespmem:$0x12100] =	vst v63  }
0x2a0: {  	v3 =	vperm.xlane v3, v2;
	s12 =	simm.s32 $0xC900  }
0x2a1: {  	[hbm4b:s5+s3] =	stream.indirect_vreg.scatter [tilespmem:s12], [sflag:$0x2], $0x80, v4, vm0, $0xb8;
	[tilespmem:$0x12100] =	vst v63  }
0x2a2: {  	s23 =	simm.s32 $0xD100;
	v3 =	vadd.s32 v1, v3  }
0x2a3: {  	[hbm4b:s6+s3] =	stream.indirect_vreg.scatter [tilespmem:s23], [sflag:$0x2], $0x80, v4, vm0, $0xb8;
	[tilespmem:$0x12100] =	vst v63  }
0x2a4: {  	s24 =	simm.s32 $0xD900  }
0x2a5: {  	[hbm4b:s7+s3] =	stream.indirect_vreg.scatter [tilespmem:s24], [sflag:$0x2], $0x80, v4, vm0, $0xb8;
	[tilespmem:$0x12100] =	vst v63  }
0x2a6: {  	s12 =	simm.s32 $0xE100  }
0x2a7: {  	[hbm4b:s4+s3] =	stream.indirect_vreg.scatter [tilespmem:s12], [sflag:$0x2], $0x80, v3, vm0, $0xb8;
	[tilespmem:$0x12100] =	vst v63  }
0x2a8: {  	s12 =	simm.s32 $0xE900  }
0x2a9: {  	[hbm4b:s5+s3] =	stream.indirect_vreg.scatter [tilespmem:s12], [sflag:$0x2], $0x80, v3, vm0, $0xb8;
	[tilespmem:$0x12100] =	vst v63  }
0x2aa: {  	s12 =	simm.s32 $0xF100  }
0x2ab: {  	[hbm4b:s6+s3] =	stream.indirect_vreg.scatter [tilespmem:s12], [sflag:$0x2], $0x80, v3, vm0, $0xb8;
	[tilespmem:$0x12100] =	vst v63  }
0x2ac: {  	s12 =	simm.s32 $0xF900  }
0x2ad: {  	[hbm4b:s7+s3] =	stream.indirect_vreg.scatter [tilespmem:s12], [sflag:$0x2], $0x80, v3, vm0, $0xb8;
	[tilespmem:$0x12100] =	vst v63  }
0x2ae: {  	_ = 	snop  }
0x2af: {  	[hbm4b:s8+s28] =	stream.indirect.scatter [tilespmem:s31], [sflag:$0x4], $0x80, s29, s28, $0xb8;
	[tilespmem:$0x12100] =	vst v63  }
0x2b0: {  	_ =	swait.ge [sflag:s25], $0x8000  }
0x2b1: {  	[sflag:s25] =	ssyncset.done $0x0  }
0x2b2: {  	[sflag:s25] =	ssyncadd.s32 $0xFFFF8000  }
0x2b3: {  	_ =	swait.ge [sflag:s26], $0x1000  }
0x2b4: {  	s12 =	sld [smem:$0x7EC]  }
0x2b5: {  	[sflag:s26] =	ssyncset.done $0x0  }
0x2b6: {  	[sflag:s26] =	ssyncadd.s32 $0xFFFFF000  }
0x2b7: {  	[tilespmem:s3], [sflag:$0x5] =	stream.linear.gather [hbm4b:s12+s3], $0x20, $0x38;
	[tilespmem:$0x12100] =	vst v63  }
0x2b8: {  	_ =	swait.ge [sflag:s9], $0x20  }
0x2b9: {  	s12 =	sld [smem:$0x7ED]  }
0x2ba: {  	[sflag:s9] =	ssyncset.done $0x0  }
0x2bb: {  	[sflag:s9] =	ssyncadd.s32 $0xFFFFFFE0  }
0x2bc: {  	[tilespmem:s22], [sflag:$0x5] =	stream.linear.gather [hbm4b:s12+s3], $0x8000, $0x38;
	[tilespmem:$0x12100] =	vst v63  }
0x2bd: {  	_ =	swait.ge [sflag:s9], $0x8000  }
0x2be: {  	s12 =	sld [smem:$0x7EE]  }
0x2bf: {  	[sflag:s9] =	ssyncset.done $0x0  }
0x2c0: {  	[sflag:s9] =	ssyncadd.s32 $0xFFFF8000  }
0x2c1: {  	[tilespmem:s11], [sflag:$0x5] =	stream.linear.gather [hbm4b:s12+s3], $0x1000, $0x38;
	[tilespmem:$0x12100] =	vst v63  }
0x2c2: {  	_ =	swait.ge [sflag:s9], $0x1000  }
0x2c3: {  	[sflag:s9] =	ssyncset.done $0x0  }
0x2c4: {  	[sflag:s9] =	ssyncadd.s32 $0xFFFFF000  }
0x2c5: {  	v3 =	vld [tilespmem:$0x0];
	_ =	sdelay $0x4  }
0x2c6: {  	v52 =	vshll.u32 v3, $0x3  }
0x2c7: {  	v3 =	vand.u32 $0x7, v3;
	v4 =	vand.u32 $0xFFFFFFC0, v52  }
0x2c8: {  	v3 =	vor.u32 v3, v4  }
0x2c9: {  	v4 =	vperm.xlane v3, v0;
	_ =	sdelay $0x1  }
0x2ca: {  	v4 =	vadd.s32 v1, v4;
	_ =	sdelay $0x4  }
0x2cb: {  	[hbm4b:s4+s3] =	stream.indirect_vreg.scatter [tilespmem:s22], [sflag:$0x1], $0x80, v4, vm0, $0xb8;
	[tilespmem:$0x12100] =	vst v63  }
0x2cc: {  	s12 =	simm.s32 $0x900;
	v3 =	vperm.xlane v3, v2  }
0x2cd: {  	[hbm4b:s5+s3] =	stream.indirect_vreg.scatter [tilespmem:s12], [sflag:$0x1], $0x80, v4, vm0, $0xb8;
	[tilespmem:$0x12100] =	vst v63  }
0x2ce: {  	v3 =	vadd.s32 v1, v3;
	s12 =	simm.s32 $0x1100  }
0x2cf: {  	[hbm4b:s6+s3] =	stream.indirect_vreg.scatter [tilespmem:s12], [sflag:$0x1], $0x80, v4, vm0, $0xb8;
	[tilespmem:$0x12100] =	vst v63  }
0x2d0: {  	s2 =	simm.s32 $0x1900  }
0x2d1: {  	[hbm4b:s7+s3] =	stream.indirect_vreg.scatter [tilespmem:s2], [sflag:$0x1], $0x80, v4, vm0, $0xb8;
	[tilespmem:$0x12100] =	vst v63  }
0x2d2: {  	s10 =	simm.s32 $0x2100  }
0x2d3: {  	[hbm4b:s4+s3] =	stream.indirect_vreg.scatter [tilespmem:s10], [sflag:$0x1], $0x80, v3, vm0, $0xb8;
	[tilespmem:$0x12100] =	vst v63  }
0x2d4: {  	s12 =	simm.s32 $0x2900  }
0x2d5: {  	[hbm4b:s5+s3] =	stream.indirect_vreg.scatter [tilespmem:s12], [sflag:$0x1], $0x80, v3, vm0, $0xb8;
	[tilespmem:$0x12100] =	vst v63  }
0x2d6: {  	s10 =	simm.s32 $0x3100  }
0x2d7: {  	[hbm4b:s6+s3] =	stream.indirect_vreg.scatter [tilespmem:s10], [sflag:$0x1], $0x80, v3, vm0, $0xb8;
	[tilespmem:$0x12100] =	vst v63  }
0x2d8: {  	s12 =	simm.s32 $0x3900  }
0x2d9: {  	[hbm4b:s7+s3] =	stream.indirect_vreg.scatter [tilespmem:s12], [sflag:$0x1], $0x80, v3, vm0, $0xb8;
	[tilespmem:$0x12100] =	vst v63  }
0x2da: {  	v3 =	vld [tilespmem:$0x10];
	_ =	sdelay $0x4  }
0x2db: {  	v53 =	vshll.u32 v3, $0x3  }
0x2dc: {  	v3 =	vand.u32 $0x7, v3;
	v4 =	vand.u32 $0xFFFFFFC0, v53  }
0x2dd: {  	v3 =	vor.u32 v3, v4  }
0x2de: {  	v4 =	vperm.xlane v3, v0;
	_ =	sdelay $0x1  }
0x2df: {  	v4 =	vadd.s32 v1, v4;
	_ =	sdelay $0x3  }
0x2e0: {  	s10 =	simm.s32 $0x4100  }
0x2e1: {  	[hbm4b:s4+s3] =	stream.indirect_vreg.scatter [tilespmem:s10], [sflag:$0x1], $0x80, v4, vm0, $0xb8;
	[tilespmem:$0x12100] =	vst v63  }
0x2e2: {  	s12 =	simm.s32 $0x4900;
	v3 =	vperm.xlane v3, v2  }
0x2e3: {  	[hbm4b:s5+s3] =	stream.indirect_vreg.scatter [tilespmem:s12], [sflag:$0x1], $0x80, v4, vm0, $0xb8;
	[tilespmem:$0x12100] =	vst v63  }
0x2e4: {  	s18 =	simm.s32 $0x5100;
	v3 =	vadd.s32 v1, v3  }
0x2e5: {  	[hbm4b:s6+s3] =	stream.indirect_vreg.scatter [tilespmem:s18], [sflag:$0x1], $0x80, v4, vm0, $0xb8;
	[tilespmem:$0x12100] =	vst v63  }
0x2e6: {  	s19 =	simm.s32 $0x5900  }
0x2e7: {  	[hbm4b:s7+s3] =	stream.indirect_vreg.scatter [tilespmem:s19], [sflag:$0x1], $0x80, v4, vm0, $0xb8;
	[tilespmem:$0x12100] =	vst v63  }
0x2e8: {  	s20 =	simm.s32 $0x6100  }
0x2e9: {  	[hbm4b:s4+s3] =	stream.indirect_vreg.scatter [tilespmem:s20], [sflag:$0x1], $0x80, v3, vm0, $0xb8;
	[tilespmem:$0x12100] =	vst v63  }
0x2ea: {  	s21 =	simm.s32 $0x6900  }
0x2eb: {  	[hbm4b:s5+s3] =	stream.indirect_vreg.scatter [tilespmem:s21], [sflag:$0x1], $0x80, v3, vm0, $0xb8;
	[tilespmem:$0x12100] =	vst v63  }
0x2ec: {  	s17 =	simm.s32 $0x7100  }
0x2ed: {  	[hbm4b:s6+s3] =	stream.indirect_vreg.scatter [tilespmem:s17], [sflag:$0x1], $0x80, v3, vm0, $0xb8;
	[tilespmem:$0x12100] =	vst v63  }
0x2ee: {  	s13 =	simm.s32 $0x7900  }
0x2ef: {  	[hbm4b:s7+s3] =	stream.indirect_vreg.scatter [tilespmem:s13], [sflag:$0x1], $0x80, v3, vm0, $0xb8;
	[tilespmem:$0x12100] =	vst v63  }
0x2f0: {  	_ = 	snop  }
0x2f1: {  	[hbm4b:s8+s28] =	stream.indirect.scatter [tilespmem:s11], [sflag:$0x3], $0x80, s3, s28, $0xb8;
	[tilespmem:$0x12100] =	vst v63  }
0x2f2: {  	_ =	swait.ge [sflag:s1], $0x8000  }
0x2f3: {  	[sflag:s1] =	ssyncset.done $0x0  }
0x2f4: {  	[sflag:s1] =	ssyncadd.s32 $0xFFFF8000  }
0x2f5: {  	_ =	swait.ge [sflag:s0], $0x1000  }
0x2f6: {  	s21 =	sld [smem:$0x7EF]  }
0x2f7: {  	[sflag:s0] =	ssyncset.done $0x0  }
0x2f8: {  	[sflag:s0] =	ssyncadd.s32 $0xFFFFF000  }
0x2f9: {  	[tilespmem:s29], [sflag:$0x5] =	stream.linear.gather [hbm4b:s21+s3], $0x20, $0x38;
	[tilespmem:$0x12100] =	vst v63  }
0x2fa: {  	_ =	swait.ge [sflag:s9], $0x20  }
0x2fb: {  	s2 =	sld [smem:$0x7F0]  }
0x2fc: {  	[sflag:s9] =	ssyncset.done $0x0  }
0x2fd: {  	[sflag:s9] =	ssyncadd.s32 $0xFFFFFFE0  }
0x2fe: {  	[tilespmem:s30], [sflag:$0x5] =	stream.linear.gather [hbm4b:s2+s3], $0x8000, $0x38;
	[tilespmem:$0x12100] =	vst v63  }
0x2ff: {  	_ =	swait.ge [sflag:s9], $0x8000  }
0x300: {  	s10 =	sld [smem:$0x7F1]  }
0x301: {  	[sflag:s9] =	ssyncset.done $0x0  }
0x302: {  	[sflag:s9] =	ssyncadd.s32 $0xFFFF8000  }
0x303: {  	[tilespmem:s31], [sflag:$0x5] =	stream.linear.gather [hbm4b:s10+s3], $0x1000, $0x38;
	[tilespmem:$0x12100] =	vst v63  }
0x304: {  	_ =	swait.ge [sflag:s9], $0x1000  }
0x305: {  	[sflag:s9] =	ssyncset.done $0x0  }
0x306: {  	[sflag:s9] =	ssyncadd.s32 $0xFFFFF000  }
0x307: {  	v3 =	vld [tilespmem:$0x80];
	_ =	sdelay $0x4  }
0x308: {  	v54 =	vshll.u32 v3, $0x3  }
0x309: {  	v3 =	vand.u32 $0x7, v3;
	v4 =	vand.u32 $0xFFFFFFC0, v54  }
0x30a: {  	v3 =	vor.u32 v3, v4  }
0x30b: {  	v4 =	vperm.xlane v3, v0;
	_ =	sdelay $0x1  }
0x30c: {  	v4 =	vadd.s32 v1, v4;
	_ =	sdelay $0x4  }
0x30d: {  	[hbm4b:s4+s3] =	stream.indirect_vreg.scatter [tilespmem:s30], [sflag:$0x2], $0x80, v4, vm0, $0xb8;
	[tilespmem:$0x12100] =	vst v63  }
0x30e: {  	s13 =	simm.s32 $0x8900;
	v3 =	vperm.xlane v3, v2  }
0x30f: {  	[hbm4b:s5+s3] =	stream.indirect_vreg.scatter [tilespmem:s13], [sflag:$0x2], $0x80, v4, vm0, $0xb8;
	[tilespmem:$0x12100] =	vst v63  }
0x310: {  	s14 =	simm.s32 $0x9100;
	v3 =	vadd.s32 v1, v3  }
0x311: {  	[hbm4b:s6+s3] =	stream.indirect_vreg.scatter [tilespmem:s14], [sflag:$0x2], $0x80, v4, vm0, $0xb8;
	[tilespmem:$0x12100] =	vst v63  }
0x312: {  	s15 =	simm.s32 $0x9900  }
0x313: {  	[hbm4b:s7+s3] =	stream.indirect_vreg.scatter [tilespmem:s15], [sflag:$0x2], $0x80, v4, vm0, $0xb8;
	[tilespmem:$0x12100] =	vst v63  }
0x314: {  	s16 =	simm.s32 $0xA100  }
0x315: {  	[hbm4b:s4+s3] =	stream.indirect_vreg.scatter [tilespmem:s16], [sflag:$0x2], $0x80, v3, vm0, $0xb8;
	[tilespmem:$0x12100] =	vst v63  }
0x316: {  	s15 =	simm.s32 $0xA900  }
0x317: {  	[hbm4b:s5+s3] =	stream.indirect_vreg.scatter [tilespmem:s15], [sflag:$0x2], $0x80, v3, vm0, $0xb8;
	[tilespmem:$0x12100] =	vst v63  }
0x318: {  	s16 =	simm.s32 $0xB100  }
0x319: {  	[hbm4b:s6+s3] =	stream.indirect_vreg.scatter [tilespmem:s16], [sflag:$0x2], $0x80, v3, vm0, $0xb8;
	[tilespmem:$0x12100] =	vst v63  }
0x31a: {  	s19 =	simm.s32 $0xB900  }
0x31b: {  	[hbm4b:s7+s3] =	stream.indirect_vreg.scatter [tilespmem:s19], [sflag:$0x2], $0x80, v3, vm0, $0xb8;
	[tilespmem:$0x12100] =	vst v63  }
0x31c: {  	v3 =	vld [tilespmem:$0x90];
	_ =	sdelay $0x4  }
0x31d: {  	v55 =	vshll.u32 v3, $0x3  }
0x31e: {  	v3 =	vand.u32 $0x7, v3;
	v4 =	vand.u32 $0xFFFFFFC0, v55  }
0x31f: {  	v3 =	vor.u32 v3, v4  }
0x320: {  	v4 =	vperm.xlane v3, v0;
	_ =	sdelay $0x1  }
0x321: {  	v4 =	vadd.s32 v1, v4;
	_ =	sdelay $0x3  }
0x322: {  	s20 =	simm.s32 $0xC100  }
0x323: {  	[hbm4b:s4+s3] =	stream.indirect_vreg.scatter [tilespmem:s20], [sflag:$0x2], $0x80, v4, vm0, $0xb8;
	[tilespmem:$0x12100] =	vst v63  }
0x324: {  	s21 =	simm.s32 $0xC900;
	v3 =	vperm.xlane v3, v2  }
0x325: {  	[hbm4b:s5+s3] =	stream.indirect_vreg.scatter [tilespmem:s21], [sflag:$0x2], $0x80, v4, vm0, $0xb8;
	[tilespmem:$0x12100] =	vst v63  }
0x326: {  	s23 =	simm.s32 $0xD100;
	v3 =	vadd.s32 v1, v3  }
0x327: {  	[hbm4b:s6+s3] =	stream.indirect_vreg.scatter [tilespmem:s23], [sflag:$0x2], $0x80, v4, vm0, $0xb8;
	[tilespmem:$0x12100] =	vst v63  }
0x328: {  	s24 =	simm.s32 $0xD900  }
0x329: {  	[hbm4b:s7+s3] =	stream.indirect_vreg.scatter [tilespmem:s24], [sflag:$0x2], $0x80, v4, vm0, $0xb8;
	[tilespmem:$0x12100] =	vst v63  }
0x32a: {  	s24 =	simm.s32 $0xE100  }
0x32b: {  	[hbm4b:s4+s3] =	stream.indirect_vreg.scatter [tilespmem:s24], [sflag:$0x2], $0x80, v3, vm0, $0xb8;
	[tilespmem:$0x12100] =	vst v63  }
0x32c: {  	s10 =	simm.s32 $0xE900  }
0x32d: {  	[hbm4b:s5+s3] =	stream.indirect_vreg.scatter [tilespmem:s10], [sflag:$0x2], $0x80, v3, vm0, $0xb8;
	[tilespmem:$0x12100] =	vst v63  }
0x32e: {  	s12 =	simm.s32 $0xF100  }
0x32f: {  	[hbm4b:s6+s3] =	stream.indirect_vreg.scatter [tilespmem:s12], [sflag:$0x2], $0x80, v3, vm0, $0xb8;
	[tilespmem:$0x12100] =	vst v63  }
0x330: {  	s13 =	simm.s32 $0xF900  }
0x331: {  	[hbm4b:s7+s3] =	stream.indirect_vreg.scatter [tilespmem:s13], [sflag:$0x2], $0x80, v3, vm0, $0xb8;
	[tilespmem:$0x12100] =	vst v63  }
0x332: {  	_ = 	snop  }
0x333: {  	[hbm4b:s8+s28] =	stream.indirect.scatter [tilespmem:s31], [sflag:$0x4], $0x80, s29, s28, $0xb8;
	[tilespmem:$0x12100] =	vst v63  }
0x334: {  	_ =	swait.ge [sflag:s25], $0x8000  }
0x335: {  	[sflag:s25] =	ssyncset.done $0x0  }
0x336: {  	[sflag:s25] =	ssyncadd.s32 $0xFFFF8000  }
0x337: {  	_ =	swait.ge [sflag:s26], $0x1000  }
0x338: {  	s14 =	sld [smem:$0x7F2]  }
0x339: {  	[sflag:s26] =	ssyncset.done $0x0  }
0x33a: {  	[sflag:s26] =	ssyncadd.s32 $0xFFFFF000  }
0x33b: {  	[tilespmem:s3], [sflag:$0x5] =	stream.linear.gather [hbm4b:s14+s3], $0x20, $0x38;
	[tilespmem:$0x12100] =	vst v63  }
0x33c: {  	_ =	swait.ge [sflag:s9], $0x20  }
0x33d: {  	s15 =	sld [smem:$0x7F3]  }
0x33e: {  	[sflag:s9] =	ssyncset.done $0x0  }
0x33f: {  	[sflag:s9] =	ssyncadd.s32 $0xFFFFFFE0  }
0x340: {  	[tilespmem:s22], [sflag:$0x5] =	stream.linear.gather [hbm4b:s15+s3], $0x8000, $0x38;
	[tilespmem:$0x12100] =	vst v63  }
0x341: {  	_ =	swait.ge [sflag:s9], $0x8000  }
0x342: {  	s16 =	sld [smem:$0x7F4]  }
0x343: {  	[sflag:s9] =	ssyncset.done $0x0  }
0x344: {  	[sflag:s9] =	ssyncadd.s32 $0xFFFF8000  }
0x345: {  	[tilespmem:s11], [sflag:$0x5] =	stream.linear.gather [hbm4b:s16+s3], $0x1000, $0x38;
	[tilespmem:$0x12100] =	vst v63  }
0x346: {  	_ =	swait.ge [sflag:s9], $0x1000  }
0x347: {  	[sflag:s9] =	ssyncset.done $0x0  }
0x348: {  	[sflag:s9] =	ssyncadd.s32 $0xFFFFF000  }
0x349: {  	v3 =	vld [tilespmem:$0x0];
	_ =	sdelay $0x4  }
0x34a: {  	v56 =	vshll.u32 v3, $0x3  }
0x34b: {  	v3 =	vand.u32 $0x7, v3;
	v4 =	vand.u32 $0xFFFFFFC0, v56  }
0x34c: {  	v3 =	vor.u32 v3, v4  }
0x34d: {  	v4 =	vperm.xlane v3, v0;
	_ =	sdelay $0x1  }
0x34e: {  	v4 =	vadd.s32 v1, v4;
	_ =	sdelay $0x4  }
0x34f: {  	[hbm4b:s4+s3] =	stream.indirect_vreg.scatter [tilespmem:s22], [sflag:$0x1], $0x80, v4, vm0, $0xb8;
	[tilespmem:$0x12100] =	vst v63  }
0x350: {  	s19 =	simm.s32 $0x900;
	v3 =	vperm.xlane v3, v2  }
0x351: {  	[hbm4b:s5+s3] =	stream.indirect_vreg.scatter [tilespmem:s19], [sflag:$0x1], $0x80, v4, vm0, $0xb8;
	[tilespmem:$0x12100] =	vst v63  }
0x352: {  	s20 =	simm.s32 $0x1100;
	v3 =	vadd.s32 v1, v3  }
0x353: {  	[hbm4b:s6+s3] =	stream.indirect_vreg.scatter [tilespmem:s20], [sflag:$0x1], $0x80, v4, vm0, $0xb8;
	[tilespmem:$0x12100] =	vst v63  }
0x354: {  	s21 =	simm.s32 $0x1900  }
0x355: {  	[hbm4b:s7+s3] =	stream.indirect_vreg.scatter [tilespmem:s21], [sflag:$0x1], $0x80, v4, vm0, $0xb8;
	[tilespmem:$0x12100] =	vst v63  }
0x356: {  	s23 =	simm.s32 $0x2100  }
0x357: {  	[hbm4b:s4+s3] =	stream.indirect_vreg.scatter [tilespmem:s23], [sflag:$0x1], $0x80, v3, vm0, $0xb8;
	[tilespmem:$0x12100] =	vst v63  }
0x358: {  	s24 =	simm.s32 $0x2900  }
0x359: {  	[hbm4b:s5+s3] =	stream.indirect_vreg.scatter [tilespmem:s24], [sflag:$0x1], $0x80, v3, vm0, $0xb8;
	[tilespmem:$0x12100] =	vst v63  }
0x35a: {  	s14 =	simm.s32 $0x3100  }
0x35b: {  	[hbm4b:s6+s3] =	stream.indirect_vreg.scatter [tilespmem:s14], [sflag:$0x1], $0x80, v3, vm0, $0xb8;
	[tilespmem:$0x12100] =	vst v63  }
0x35c: {  	s16 =	simm.s32 $0x3900  }
0x35d: {  	[hbm4b:s7+s3] =	stream.indirect_vreg.scatter [tilespmem:s16], [sflag:$0x1], $0x80, v3, vm0, $0xb8;
	[tilespmem:$0x12100] =	vst v63  }
0x35e: {  	v3 =	vld [tilespmem:$0x10];
	_ =	sdelay $0x4  }
0x35f: {  	v57 =	vshll.u32 v3, $0x3  }
0x360: {  	v3 =	vand.u32 $0x7, v3;
	v4 =	vand.u32 $0xFFFFFFC0, v57  }
0x361: {  	v3 =	vor.u32 v3, v4  }
0x362: {  	v4 =	vperm.xlane v3, v0;
	_ =	sdelay $0x1  }
0x363: {  	v4 =	vadd.s32 v1, v4;
	_ =	sdelay $0x3  }
0x364: {  	s20 =	simm.s32 $0x4100  }
0x365: {  	[hbm4b:s4+s3] =	stream.indirect_vreg.scatter [tilespmem:s20], [sflag:$0x1], $0x80, v4, vm0, $0xb8;
	[tilespmem:$0x12100] =	vst v63  }
0x366: {  	s21 =	simm.s32 $0x4900;
	v3 =	vperm.xlane v3, v2  }
0x367: {  	[hbm4b:s5+s3] =	stream.indirect_vreg.scatter [tilespmem:s21], [sflag:$0x1], $0x80, v4, vm0, $0xb8;
	[tilespmem:$0x12100] =	vst v63  }
0x368: {  	s23 =	simm.s32 $0x5100;
	v3 =	vadd.s32 v1, v3  }
0x369: {  	[hbm4b:s6+s3] =	stream.indirect_vreg.scatter [tilespmem:s23], [sflag:$0x1], $0x80, v4, vm0, $0xb8;
	[tilespmem:$0x12100] =	vst v63  }
0x36a: {  	s24 =	simm.s32 $0x5900  }
0x36b: {  	[hbm4b:s7+s3] =	stream.indirect_vreg.scatter [tilespmem:s24], [sflag:$0x1], $0x80, v4, vm0, $0xb8;
	[tilespmem:$0x12100] =	vst v63  }
0x36c: {  	s14 =	simm.s32 $0x6100  }
0x36d: {  	[hbm4b:s4+s3] =	stream.indirect_vreg.scatter [tilespmem:s14], [sflag:$0x1], $0x80, v3, vm0, $0xb8;
	[tilespmem:$0x12100] =	vst v63  }
0x36e: {  	s16 =	simm.s32 $0x6900  }
0x36f: {  	[hbm4b:s5+s3] =	stream.indirect_vreg.scatter [tilespmem:s16], [sflag:$0x1], $0x80, v3, vm0, $0xb8;
	[tilespmem:$0x12100] =	vst v63  }
0x370: {  	s18 =	simm.s32 $0x7100  }
0x371: {  	[hbm4b:s6+s3] =	stream.indirect_vreg.scatter [tilespmem:s18], [sflag:$0x1], $0x80, v3, vm0, $0xb8;
	[tilespmem:$0x12100] =	vst v63  }
0x372: {  	s17 =	simm.s32 $0x7900  }
0x373: {  	[hbm4b:s7+s3] =	stream.indirect_vreg.scatter [tilespmem:s17], [sflag:$0x1], $0x80, v3, vm0, $0xb8;
	[tilespmem:$0x12100] =	vst v63  }
0x374: {  	_ = 	snop  }
0x375: {  	[hbm4b:s8+s28] =	stream.indirect.scatter [tilespmem:s11], [sflag:$0x3], $0x80, s3, s28, $0xb8;
	[tilespmem:$0x12100] =	vst v63  }
0x376: {  	_ =	swait.ge [sflag:s1], $0x8000  }
0x377: {  	[sflag:s1] =	ssyncset.done $0x0  }
0x378: {  	[sflag:s1] =	ssyncadd.s32 $0xFFFF8000  }
0x379: {  	_ =	swait.ge [sflag:s0], $0x1000  }
0x37a: {  	s17 =	sld [smem:$0x7F5]  }
0x37b: {  	[sflag:s0] =	ssyncset.done $0x0  }
0x37c: {  	[sflag:s0] =	ssyncadd.s32 $0xFFFFF000  }
0x37d: {  	[tilespmem:s29], [sflag:$0x5] =	stream.linear.gather [hbm4b:s17+s3], $0x20, $0x38;
	[tilespmem:$0x12100] =	vst v63  }
0x37e: {  	_ =	swait.ge [sflag:s9], $0x20  }
0x37f: {  	s18 =	sld [smem:$0x7F6]  }
0x380: {  	[sflag:s9] =	ssyncset.done $0x0  }
0x381: {  	[sflag:s9] =	ssyncadd.s32 $0xFFFFFFE0  }
0x382: {  	[tilespmem:s30], [sflag:$0x5] =	stream.linear.gather [hbm4b:s18+s3], $0x8000, $0x38;
	[tilespmem:$0x12100] =	vst v63  }
0x383: {  	_ =	swait.ge [sflag:s9], $0x8000  }
0x384: {  	s17 =	sld [smem:$0x7F7]  }
0x385: {  	[sflag:s9] =	ssyncset.done $0x0  }
0x386: {  	[sflag:s9] =	ssyncadd.s32 $0xFFFF8000  }
0x387: {  	[tilespmem:s31], [sflag:$0x5] =	stream.linear.gather [hbm4b:s17+s3], $0x1000, $0x38;
	[tilespmem:$0x12100] =	vst v63  }
0x388: {  	_ =	swait.ge [sflag:s9], $0x1000  }
0x389: {  	[sflag:s9] =	ssyncset.done $0x0  }
0x38a: {  	[sflag:s9] =	ssyncadd.s32 $0xFFFFF000  }
0x38b: {  	v3 =	vld [tilespmem:$0x80];
	_ =	sdelay $0x4  }
0x38c: {  	v58 =	vshll.u32 v3, $0x3  }
0x38d: {  	v3 =	vand.u32 $0x7, v3;
	v4 =	vand.u32 $0xFFFFFFC0, v58  }
0x38e: {  	v3 =	vor.u32 v3, v4  }
0x38f: {  	v4 =	vperm.xlane v3, v0;
	_ =	sdelay $0x1  }
0x390: {  	v4 =	vadd.s32 v1, v4;
	_ =	sdelay $0x4  }
0x391: {  	[hbm4b:s4+s3] =	stream.indirect_vreg.scatter [tilespmem:s30], [sflag:$0x2], $0x80, v4, vm0, $0xb8;
	[tilespmem:$0x12100] =	vst v63  }
0x392: {  	s18 =	simm.s32 $0x8900;
	v3 =	vperm.xlane v3, v2  }
0x393: {  	[hbm4b:s5+s3] =	stream.indirect_vreg.scatter [tilespmem:s18], [sflag:$0x2], $0x80, v4, vm0, $0xb8;
	[tilespmem:$0x12100] =	vst v63  }
0x394: {  	s17 =	simm.s32 $0x9100;
	v3 =	vadd.s32 v1, v3  }
0x395: {  	[hbm4b:s6+s3] =	stream.indirect_vreg.scatter [tilespmem:s17], [sflag:$0x2], $0x80, v4, vm0, $0xb8;
	[tilespmem:$0x12100] =	vst v63  }
0x396: {  	s18 =	simm.s32 $0x9900  }
0x397: {  	[hbm4b:s7+s3] =	stream.indirect_vreg.scatter [tilespmem:s18], [sflag:$0x2], $0x80, v4, vm0, $0xb8;
	[tilespmem:$0x12100] =	vst v63  }
0x398: {  	s12 =	simm.s32 $0xA100  }
0x399: {  	[hbm4b:s4+s3] =	stream.indirect_vreg.scatter [tilespmem:s12], [sflag:$0x2], $0x80, v3, vm0, $0xb8;
	[tilespmem:$0x12100] =	vst v63  }
0x39a: {  	s12 =	simm.s32 $0xA900  }
0x39b: {  	[hbm4b:s5+s3] =	stream.indirect_vreg.scatter [tilespmem:s12], [sflag:$0x2], $0x80, v3, vm0, $0xb8;
	[tilespmem:$0x12100] =	vst v63  }
0x39c: {  	s12 =	simm.s32 $0xB100  }
0x39d: {  	[hbm4b:s6+s3] =	stream.indirect_vreg.scatter [tilespmem:s12], [sflag:$0x2], $0x80, v3, vm0, $0xb8;
	[tilespmem:$0x12100] =	vst v63  }
0x39e: {  	s12 =	simm.s32 $0xB900  }
0x39f: {  	[hbm4b:s7+s3] =	stream.indirect_vreg.scatter [tilespmem:s12], [sflag:$0x2], $0x80, v3, vm0, $0xb8;
	[tilespmem:$0x12100] =	vst v63  }
0x3a0: {  	v3 =	vld [tilespmem:$0x90];
	_ =	sdelay $0x4  }
0x3a1: {  	v59 =	vshll.u32 v3, $0x3  }
0x3a2: {  	v3 =	vand.u32 $0x7, v3;
	v4 =	vand.u32 $0xFFFFFFC0, v59  }
0x3a3: {  	v3 =	vor.u32 v3, v4  }
0x3a4: {  	v4 =	vperm.xlane v3, v0;
	_ =	sdelay $0x1  }
0x3a5: {  	v4 =	vadd.s32 v1, v4;
	_ =	sdelay $0x3  }
0x3a6: {  	s12 =	simm.s32 $0xC100  }
0x3a7: {  	[hbm4b:s4+s3] =	stream.indirect_vreg.scatter [tilespmem:s12], [sflag:$0x2], $0x80, v4, vm0, $0xb8;
	[tilespmem:$0x12100] =	vst v63  }
0x3a8: {  	v3 =	vperm.xlane v3, v2;
	s12 =	simm.s32 $0xC900  }
0x3a9: {  	[hbm4b:s5+s3] =	stream.indirect_vreg.scatter [tilespmem:s12], [sflag:$0x2], $0x80, v4, vm0, $0xb8;
	[tilespmem:$0x12100] =	vst v63  }
0x3aa: {  	v3 =	vadd.s32 v1, v3;
	s12 =	simm.s32 $0xD100  }
0x3ab: {  	[hbm4b:s6+s3] =	stream.indirect_vreg.scatter [tilespmem:s12], [sflag:$0x2], $0x80, v4, vm0, $0xb8;
	[tilespmem:$0x12100] =	vst v63  }
0x3ac: {  	s12 =	simm.s32 $0xD900  }
0x3ad: {  	[hbm4b:s7+s3] =	stream.indirect_vreg.scatter [tilespmem:s12], [sflag:$0x2], $0x80, v4, vm0, $0xb8;
	[tilespmem:$0x12100] =	vst v63  }
0x3ae: {  	s12 =	simm.s32 $0xE100  }
0x3af: {  	[hbm4b:s4+s3] =	stream.indirect_vreg.scatter [tilespmem:s12], [sflag:$0x2], $0x80, v3, vm0, $0xb8;
	[tilespmem:$0x12100] =	vst v63  }
0x3b0: {  	s12 =	simm.s32 $0xE900  }
0x3b1: {  	[hbm4b:s5+s3] =	stream.indirect_vreg.scatter [tilespmem:s12], [sflag:$0x2], $0x80, v3, vm0, $0xb8;
	[tilespmem:$0x12100] =	vst v63  }
0x3b2: {  	s12 =	simm.s32 $0xF100  }
0x3b3: {  	[hbm4b:s6+s3] =	stream.indirect_vreg.scatter [tilespmem:s12], [sflag:$0x2], $0x80, v3, vm0, $0xb8;
	[tilespmem:$0x12100] =	vst v63  }
0x3b4: {  	s12 =	simm.s32 $0xF900  }
0x3b5: {  	[hbm4b:s7+s3] =	stream.indirect_vreg.scatter [tilespmem:s12], [sflag:$0x2], $0x80, v3, vm0, $0xb8;
	[tilespmem:$0x12100] =	vst v63  }
0x3b6: {  	_ = 	snop  }
0x3b7: {  	[hbm4b:s8+s28] =	stream.indirect.scatter [tilespmem:s31], [sflag:$0x4], $0x80, s29, s28, $0xb8;
	[tilespmem:$0x12100] =	vst v63  }
0x3b8: {  	_ =	swait.ge [sflag:s25], $0x8000  }
0x3b9: {  	[sflag:s25] =	ssyncset.done $0x0  }
0x3ba: {  	[sflag:s25] =	ssyncadd.s32 $0xFFFF8000  }
0x3bb: {  	_ =	swait.ge [sflag:s26], $0x1000  }
0x3bc: {  	s12 =	sld [smem:$0x7F8]  }
0x3bd: {  	[sflag:s26] =	ssyncset.done $0x0  }
0x3be: {  	[sflag:s26] =	ssyncadd.s32 $0xFFFFF000  }
0x3bf: {  	[tilespmem:s3], [sflag:$0x5] =	stream.linear.gather [hbm4b:s12+s3], $0x20, $0x38;
	[tilespmem:$0x12100] =	vst v63  }
0x3c0: {  	_ =	swait.ge [sflag:s9], $0x20  }
0x3c1: {  	s12 =	sld [smem:$0x7F9]  }
0x3c2: {  	[sflag:s9] =	ssyncset.done $0x0  }
0x3c3: {  	[sflag:s9] =	ssyncadd.s32 $0xFFFFFFE0  }
0x3c4: {  	[tilespmem:s22], [sflag:$0x5] =	stream.linear.gather [hbm4b:s12+s3], $0x8000, $0x38;
	[tilespmem:$0x12100] =	vst v63  }
0x3c5: {  	_ =	swait.ge [sflag:s9], $0x8000  }
0x3c6: {  	s12 =	sld [smem:$0x7FA]  }
0x3c7: {  	[sflag:s9] =	ssyncset.done $0x0  }
0x3c8: {  	[sflag:s9] =	ssyncadd.s32 $0xFFFF8000  }
0x3c9: {  	[tilespmem:s11], [sflag:$0x5] =	stream.linear.gather [hbm4b:s12+s3], $0x1000, $0x38;
	[tilespmem:$0x12100] =	vst v63  }
0x3ca: {  	_ =	swait.ge [sflag:s9], $0x1000  }
0x3cb: {  	[sflag:s9] =	ssyncset.done $0x0  }
0x3cc: {  	[sflag:s9] =	ssyncadd.s32 $0xFFFFF000  }
0x3cd: {  	v3 =	vld [tilespmem:$0x0];
	_ =	sdelay $0x4  }
0x3ce: {  	v60 =	vshll.u32 v3, $0x3  }
0x3cf: {  	v3 =	vand.u32 $0x7, v3;
	v4 =	vand.u32 $0xFFFFFFC0, v60  }
0x3d0: {  	v3 =	vor.u32 v3, v4  }
0x3d1: {  	v4 =	vperm.xlane v3, v0;
	_ =	sdelay $0x1  }
0x3d2: {  	v4 =	vadd.s32 v1, v4;
	_ =	sdelay $0x4  }
0x3d3: {  	[hbm4b:s4+s3] =	stream.indirect_vreg.scatter [tilespmem:s22], [sflag:$0x1], $0x80, v4, vm0, $0xb8;
	[tilespmem:$0x12100] =	vst v63  }
0x3d4: {  	s12 =	simm.s32 $0x900;
	v3 =	vperm.xlane v3, v2  }
0x3d5: {  	[hbm4b:s5+s3] =	stream.indirect_vreg.scatter [tilespmem:s12], [sflag:$0x1], $0x80, v4, vm0, $0xb8;
	[tilespmem:$0x12100] =	vst v63  }
0x3d6: {  	s2 =	simm.s32 $0x1100;
	v3 =	vadd.s32 v1, v3  }
0x3d7: {  	[hbm4b:s6+s3] =	stream.indirect_vreg.scatter [tilespmem:s2], [sflag:$0x1], $0x80, v4, vm0, $0xb8;
	[tilespmem:$0x12100] =	vst v63  }
0x3d8: {  	s10 =	simm.s32 $0x1900  }
0x3d9: {  	[hbm4b:s7+s3] =	stream.indirect_vreg.scatter [tilespmem:s10], [sflag:$0x1], $0x80, v4, vm0, $0xb8;
	[tilespmem:$0x12100] =	vst v63  }
0x3da: {  	s13 =	simm.s32 $0x2100  }
0x3db: {  	[hbm4b:s4+s3] =	stream.indirect_vreg.scatter [tilespmem:s13], [sflag:$0x1], $0x80, v3, vm0, $0xb8;
	[tilespmem:$0x12100] =	vst v63  }
0x3dc: {  	s15 =	simm.s32 $0x2900  }
0x3dd: {  	[hbm4b:s5+s3] =	stream.indirect_vreg.scatter [tilespmem:s15], [sflag:$0x1], $0x80, v3, vm0, $0xb8;
	[tilespmem:$0x12100] =	vst v63  }
0x3de: {  	s19 =	simm.s32 $0x3100  }
0x3df: {  	[hbm4b:s6+s3] =	stream.indirect_vreg.scatter [tilespmem:s19], [sflag:$0x1], $0x80, v3, vm0, $0xb8;
	[tilespmem:$0x12100] =	vst v63  }
0x3e0: {  	s13 =	simm.s32 $0x3900  }
0x3e1: {  	[hbm4b:s7+s3] =	stream.indirect_vreg.scatter [tilespmem:s13], [sflag:$0x1], $0x80, v3, vm0, $0xb8;
	[tilespmem:$0x12100] =	vst v63  }
0x3e2: {  	v3 =	vld [tilespmem:$0x10];
	_ =	sdelay $0x4  }
0x3e3: {  	v61 =	vshll.u32 v3, $0x3  }
0x3e4: {  	v3 =	vand.u32 $0x7, v3;
	v4 =	vand.u32 $0xFFFFFFC0, v61  }
0x3e5: {  	v3 =	vor.u32 v3, v4  }
0x3e6: {  	v4 =	vperm.xlane v3, v0;
	_ =	sdelay $0x1  }
0x3e7: {  	v4 =	vadd.s32 v1, v4;
	_ =	sdelay $0x3  }
0x3e8: {  	s15 =	simm.s32 $0x4100  }
0x3e9: {  	[hbm4b:s4+s3] =	stream.indirect_vreg.scatter [tilespmem:s15], [sflag:$0x1], $0x80, v4, vm0, $0xb8;
	[tilespmem:$0x12100] =	vst v63  }
0x3ea: {  	s19 =	simm.s32 $0x4900;
	v3 =	vperm.xlane v3, v2  }
0x3eb: {  	[hbm4b:s5+s3] =	stream.indirect_vreg.scatter [tilespmem:s19], [sflag:$0x1], $0x80, v4, vm0, $0xb8;
	[tilespmem:$0x12100] =	vst v63  }
0x3ec: {  	s20 =	simm.s32 $0x5100;
	v3 =	vadd.s32 v1, v3  }
0x3ed: {  	[hbm4b:s6+s3] =	stream.indirect_vreg.scatter [tilespmem:s20], [sflag:$0x1], $0x80, v4, vm0, $0xb8;
	[tilespmem:$0x12100] =	vst v63  }
0x3ee: {  	s21 =	simm.s32 $0x5900  }
0x3ef: {  	[hbm4b:s7+s3] =	stream.indirect_vreg.scatter [tilespmem:s21], [sflag:$0x1], $0x80, v4, vm0, $0xb8;
	[tilespmem:$0x12100] =	vst v63  }
0x3f0: {  	s23 =	simm.s32 $0x6100  }
0x3f1: {  	[hbm4b:s4+s3] =	stream.indirect_vreg.scatter [tilespmem:s23], [sflag:$0x1], $0x80, v3, vm0, $0xb8;
	[tilespmem:$0x12100] =	vst v63  }
0x3f2: {  	s24 =	simm.s32 $0x6900  }
0x3f3: {  	[hbm4b:s5+s3] =	stream.indirect_vreg.scatter [tilespmem:s24], [sflag:$0x1], $0x80, v3, vm0, $0xb8;
	[tilespmem:$0x12100] =	vst v63  }
0x3f4: {  	s16 =	simm.s32 $0x7100  }
0x3f5: {  	[hbm4b:s6+s3] =	stream.indirect_vreg.scatter [tilespmem:s16], [sflag:$0x1], $0x80, v3, vm0, $0xb8;
	[tilespmem:$0x12100] =	vst v63  }
0x3f6: {  	s14 =	simm.s32 $0x7900  }
0x3f7: {  	[hbm4b:s7+s3] =	stream.indirect_vreg.scatter [tilespmem:s14], [sflag:$0x1], $0x80, v3, vm0, $0xb8;
	[tilespmem:$0x12100] =	vst v63  }
0x3f8: {  	_ = 	snop  }
0x3f9: {  	[hbm4b:s8+s28] =	stream.indirect.scatter [tilespmem:s11], [sflag:$0x3], $0x80, s3, s28, $0xb8;
	[tilespmem:$0x12100] =	vst v63  }
0x3fa: {  	_ =	swait.ge [sflag:s1], $0x8000  }
0x3fb: {  	[sflag:s1] =	ssyncset.done $0x0  }
0x3fc: {  	[sflag:s1] =	ssyncadd.s32 $0xFFFF8000  }
0x3fd: {  	_ =	swait.ge [sflag:s0], $0x1000  }
0x3fe: {  	s23 =	sld [smem:$0x7FB]  }
0x3ff: {  	[sflag:s0] =	ssyncset.done $0x0  }
0x400: {  	[sflag:s0] =	ssyncadd.s32 $0xFFFFF000  }
0x401: {  	[tilespmem:s29], [sflag:$0x5] =	stream.linear.gather [hbm4b:s23+s3], $0x20, $0x38;
	[tilespmem:$0x12100] =	vst v63  }
0x402: {  	_ =	swait.ge [sflag:s9], $0x20  }
0x403: {  	s24 =	sld [smem:$0x7FC]  }
0x404: {  	[sflag:s9] =	ssyncset.done $0x0  }
0x405: {  	[sflag:s9] =	ssyncadd.s32 $0xFFFFFFE0  }
0x406: {  	[tilespmem:s30], [sflag:$0x5] =	stream.linear.gather [hbm4b:s24+s3], $0x8000, $0x38;
	[tilespmem:$0x12100] =	vst v63  }
0x407: {  	_ =	swait.ge [sflag:s9], $0x8000  }
0x408: {  	s2 =	sld [smem:$0x7FD]  }
0x409: {  	[sflag:s9] =	ssyncset.done $0x0  }
0x40a: {  	[sflag:s9] =	ssyncadd.s32 $0xFFFF8000  }
0x40b: {  	[tilespmem:s31], [sflag:$0x5] =	stream.linear.gather [hbm4b:s2+s3], $0x1000, $0x38;
	[tilespmem:$0x12100] =	vst v63  }
0x40c: {  	_ =	swait.ge [sflag:s9], $0x1000  }
0x40d: {  	[sflag:s9] =	ssyncset.done $0x0  }
0x40e: {  	[sflag:s9] =	ssyncadd.s32 $0xFFFFF000  }
0x40f: {  	v3 =	vld [tilespmem:$0x80];
	_ =	sdelay $0x4  }
0x410: {  	v62 =	vshll.u32 v3, $0x3  }
0x411: {  	v3 =	vand.u32 $0x7, v3;
	v4 =	vand.u32 $0xFFFFFFC0, v62  }
0x412: {  	v3 =	vor.u32 v3, v4  }
0x413: {  	v4 =	vperm.xlane v3, v0;
	_ =	sdelay $0x1  }
0x414: {  	v4 =	vadd.s32 v1, v4;
	_ =	sdelay $0x4  }
0x415: {  	[hbm4b:s4+s3] =	stream.indirect_vreg.scatter [tilespmem:s30], [sflag:$0x2], $0x80, v4, vm0, $0xb8;
	[tilespmem:$0x12100] =	vst v63  }
0x416: {  	s10 =	simm.s32 $0x8900;
	v3 =	vperm.xlane v3, v2  }
0x417: {  	[hbm4b:s5+s3] =	stream.indirect_vreg.scatter [tilespmem:s10], [sflag:$0x2], $0x80, v4, vm0, $0xb8;
	[tilespmem:$0x12100] =	vst v63  }
0x418: {  	s17 =	simm.s32 $0x9100;
	v3 =	vadd.s32 v1, v3  }
0x419: {  	[hbm4b:s6+s3] =	stream.indirect_vreg.scatter [tilespmem:s17], [sflag:$0x2], $0x80, v4, vm0, $0xb8;
	[tilespmem:$0x12100] =	vst v63  }
0x41a: {  	s18 =	simm.s32 $0x9900  }
0x41b: {  	[hbm4b:s7+s3] =	stream.indirect_vreg.scatter [tilespmem:s18], [sflag:$0x2], $0x80, v4, vm0, $0xb8;
	[tilespmem:$0x12100] =	vst v63  }
0x41c: {  	s12 =	simm.s32 $0xA100  }
0x41d: {  	[hbm4b:s4+s3] =	stream.indirect_vreg.scatter [tilespmem:s12], [sflag:$0x2], $0x80, v3, vm0, $0xb8;
	[tilespmem:$0x12100] =	vst v63  }
0x41e: {  	s13 =	simm.s32 $0xA900  }
0x41f: {  	[hbm4b:s5+s3] =	stream.indirect_vreg.scatter [tilespmem:s13], [sflag:$0x2], $0x80, v3, vm0, $0xb8;
	[tilespmem:$0x12100] =	vst v63  }
0x420: {  	s14 =	simm.s32 $0xB100  }
0x421: {  	[hbm4b:s6+s3] =	stream.indirect_vreg.scatter [tilespmem:s14], [sflag:$0x2], $0x80, v3, vm0, $0xb8;
	[tilespmem:$0x12100] =	vst v63  }
0x422: {  	s15 =	simm.s32 $0xB900  }
0x423: {  	[hbm4b:s7+s3] =	stream.indirect_vreg.scatter [tilespmem:s15], [sflag:$0x2], $0x80, v3, vm0, $0xb8;
	[tilespmem:$0x12100] =	vst v63  }
0x424: {  	v3 =	vld [tilespmem:$0x90];
	_ =	sdelay $0x4  }
0x425: {  	v63 =	vshll.u32 v3, $0x3  }
0x426: {  	v3 =	vand.u32 $0x7, v3;
	v4 =	vand.u32 $0xFFFFFFC0, v63  }
0x427: {  	v3 =	vor.u32 v3, v4  }
0x428: {  	v4 =	vperm.xlane v3, v0;
	_ =	sdelay $0x1  }
0x429: {  	v4 =	vadd.s32 v1, v4;
	_ =	sdelay $0x3  }
0x42a: {  	s16 =	simm.s32 $0xC100  }
0x42b: {  	[hbm4b:s4+s3] =	stream.indirect_vreg.scatter [tilespmem:s16], [sflag:$0x2], $0x80, v4, vm0, $0xb8;
	[tilespmem:$0x12100] =	vst v63  }
0x42c: {  	s17 =	simm.s32 $0xC900;
	v3 =	vperm.xlane v3, v2  }
0x42d: {  	[hbm4b:s5+s3] =	stream.indirect_vreg.scatter [tilespmem:s17], [sflag:$0x2], $0x80, v4, vm0, $0xb8;
	[tilespmem:$0x12100] =	vst v63  }
0x42e: {  	s18 =	simm.s32 $0xD100;
	v3 =	vadd.s32 v1, v3  }
0x42f: {  	[hbm4b:s6+s3] =	stream.indirect_vreg.scatter [tilespmem:s18], [sflag:$0x2], $0x80, v4, vm0, $0xb8;
	[tilespmem:$0x12100] =	vst v63  }
0x430: {  	s19 =	simm.s32 $0xD900  }
0x431: {  	[hbm4b:s7+s3] =	stream.indirect_vreg.scatter [tilespmem:s19], [sflag:$0x2], $0x80, v4, vm0, $0xb8;
	[tilespmem:$0x12100] =	vst v63  }
0x432: {  	s20 =	simm.s32 $0xE100  }
0x433: {  	[hbm4b:s4+s3] =	stream.indirect_vreg.scatter [tilespmem:s20], [sflag:$0x2], $0x80, v3, vm0, $0xb8;
	[tilespmem:$0x12100] =	vst v63  }
0x434: {  	s21 =	simm.s32 $0xE900  }
0x435: {  	[hbm4b:s5+s3] =	stream.indirect_vreg.scatter [tilespmem:s21], [sflag:$0x2], $0x80, v3, vm0, $0xb8;
	[tilespmem:$0x12100] =	vst v63  }
0x436: {  	s23 =	simm.s32 $0xF100  }
0x437: {  	[hbm4b:s6+s3] =	stream.indirect_vreg.scatter [tilespmem:s23], [sflag:$0x2], $0x80, v3, vm0, $0xb8;
	[tilespmem:$0x12100] =	vst v63  }
0x438: {  	s24 =	simm.s32 $0xF900  }
0x439: {  	[hbm4b:s7+s3] =	stream.indirect_vreg.scatter [tilespmem:s24], [sflag:$0x2], $0x80, v3, vm0, $0xb8;
	[tilespmem:$0x12100] =	vst v63  }
0x43a: {  	_ = 	snop  }
0x43b: {  	[hbm4b:s8+s28] =	stream.indirect.scatter [tilespmem:s31], [sflag:$0x4], $0x80, s29, s28, $0xb8;
	[tilespmem:$0x12100] =	vst v63  }
0x43c: {  	s2 =	sld [smem:$0x7E9];
	_ =	swait.ge [sflag:s25], $0x8000  }
0x43d: {  	[sflag:s25] =	ssyncset.done $0x0  }
0x43e: {  	[sflag:s25] =	ssyncadd.s32 $0xFFFF8000  }
0x43f: {  	_ =	swait.ge [sflag:s26], $0x1000  }
0x440: {  	[sflag:s26] =	ssyncset.done $0x0  }
0x441: {  	[sflag:s26] =	ssyncadd.s32 $0xFFFFF000  }
0x442: {  	p0 =	sne.s32 s2, $0x1;
	_ =	swait.ge [sflag:s1], $0x8000  }
.Ltmp0:
0x443: {  	[sflag:s1] =	ssyncset.done $0x0;
	(pc) =	sbr.rel @p0 .LBB2_1-.Ltmp0, $4  }
0x444: {  	[sflag:s1] =	ssyncadd.s32 $0xFFFF8000  }
0x445: {  	_ =	swait.ge [sflag:s0], $0x1000  }
0x446: {  	[sflag:s0] =	ssyncset.done $0x0  }
0x447: {  	s2 =	sadd.s32 $0xFFFFFFFF, s2;
	[sflag:s0] =	ssyncadd.s32 $0xFFFFF000  }
0x448: {  	_ =	sfence.sel $0x180000  }
0x449: {  	[bflag:$0x0] =	sbarrier.arrive $0xFFFF  }
0x44a: {  	_ =	strace $0x90000047  }
0x44b: {  	s0 =	stileid.u32;
	[bflag:$0x2] =	sbarrier.arrive $0xFFFF  }
0x44c: {  	p0 =	sne.s32 s0, $0x0;
	s0 =	rddreg [dreg:$0x3]  }
0x44d: {  	s0 =	sadd.s32 @!p0 $0x100000, s0  }
0x44e: {  	[sflag:s0] =	ssyncadd.tile.s32 @!p0 $0x1;
	_ =	shalt  }
.Lfunc_end2:
_tile_overlayer_lowered:
.L_overlay_start_2:
0x44f: {  	(tag) =	ssettag $0x2  }
0x450: {  	s0 =	rddreg [dreg:$0x0];
	s2 =	stileid.u32  }
0x451: {  	s1 =	rddreg [dreg:$0x1];
	p0 =	sne.s32 s2, $0x0  }
0x452: {  	s3 =	rddreg [dreg:$0x2];
	[bflag:$0x3] =	sbarrier.arrive $0xFFFF;
	s2 =	simm.s32 @!p0 $0x1C05  }
0x453: {  	[timem:s3], [sflag:s2] =	dma.local @!p0 [hbm:s0], s1  }
0x454: {  	s0 =	simm.s32 @!p0 $0x5  }
0x455: {  	_ =	swait.ge @!p0 [sflag:s0], s1  }
0x456: {  	s1 =	ssub.s32 @!p0 $0x0, s1;
	[sflag:s0] =	ssyncset.done @!p0 $0x0  }
0x457: {  	[sflag:s0] =	ssyncadd.s32 @!p0 s1  }
0x458: {  	[bflag:$0x3] =	sbarrier.arrive $0xFFFF  }
0x459: {  	_ =	shalt  }

</sc_bundles>
